<compile_context>
chip_gen: v7x
topology: tpu7x:2x2x1
jax: 0.10.2.dev20260603
libtpu: 0.0.44.dev20260713+nightly
codegen_flags: <defaults>
</compile_context>

<pallas_src>
import functools

import jax
import jax.numpy as jnp
from jax import lax
from jax.experimental import pallas as pl
from jax.experimental.pallas import tpu as pltpu
from jax.experimental.pallas import tpu_sc as plsc

NUM_TABLES = 4
BUCKETS_C = 1000000
EMBED = 16
B_, T_ = 4096, 50
NPOS = B_ * T_
SALT = 3266489917

_info = plsc.get_sparse_core_info()
NC, NS, L = _info.num_cores, _info.num_subcores, _info.num_lanes
NW = NC * NS

PER_W = NPOS // NW
CHUNK = 640
NCHUNK = PER_W // CHUNK
NLOOK = NUM_TABLES * CHUNK
IDX_ROWS = NLOOK // 128

CB = 512
WPT = NW // NUM_TABLES
FULL_PER_J = 124928
NCH_FULL = FULL_PER_J // CB
TAIL0 = 999424
TAIL1 = 999936
CBT = 64

M15625 = 15625
C2_16 = 2**16 % M15625
C2_32 = 2**32 % M15625
INV15625_64 = 57
SALT_HI = SALT >> 16
SALT_LO = SALT & 0xFFFF


def _u(x):
    return x.astype(jnp.uint32)


def _combo_vecs(s0, s1, s2, s3):
    m = jnp.int32(BUCKETS_C)
    c0 = lax.rem(s0 ^ s1 ^ s2 ^ s3, m)
    c1 = lax.rem(s0 ^ s2, m)
    c2 = lax.rem(s1 ^ s3, m)
    p0 = _u(s0 ^ s1)
    p1 = _u(s2 ^ s3)
    lo = p1 * jnp.uint32(SALT)
    a = p1 >> jnp.uint32(16)
    b = p1 & jnp.uint32(0xFFFF)
    t0 = b * jnp.uint32(SALT_LO)
    t1 = a * jnp.uint32(SALT_LO) + (t0 >> jnp.uint32(16))
    t2 = b * jnp.uint32(SALT_HI) + (t1 & jnp.uint32(0xFFFF))
    hi = a * jnp.uint32(SALT_HI) + (t1 >> jnp.uint32(16)) + (t2 >> jnp.uint32(16))
    c_lo = lo ^ p0
    ch = c_lo >> jnp.uint32(16)
    cl = c_lo & jnp.uint32(0xFFFF)
    r_clo = lax.rem(ch * jnp.uint32(C2_16) + cl, jnp.uint32(M15625))
    r_hi = lax.rem(lax.rem(hi, jnp.uint32(M15625)) * jnp.uint32(C2_32),
                   jnp.uint32(M15625))
    r15625 = lax.rem(r_hi + r_clo, jnp.uint32(M15625))
    r64 = c_lo & jnp.uint32(63)
    k = (((r64 - r15625) & jnp.uint32(63)) * jnp.uint32(INV15625_64)) & jnp.uint32(63)
    c3 = (r15625 + jnp.uint32(M15625) * k).astype(jnp.int32)
    return c0, c1, c2, c3


SLABW = 640


def _transpose_slab(sl, ob, width):
    iota = lax.iota(jnp.int32, L)
    one = jnp.int32(1)
    sixteen = jnp.int32(EMBED)
    svecs = [iota * jnp.int32(17) + jnp.int32(16 * u) for u in range(8)]

    def step(bcol, sidx, mask):
        bc = jnp.maximum(bcol, jnp.int32(0))
        vec = plsc.load_gather(sl, [iota, bc])
        plsc.store_scatter(ob, [sidx], vec, mask=mask)
        return bcol + one, sidx + sixteen

    def pro(_, carry):
        bcol, sidx = carry
        return step(bcol, sidx, bcol >= jnp.int32(0))

    bcol = iota - jnp.int32(15)
    sidx = iota * jnp.int32(17) - jnp.int32(240)
    bcol, sidx = lax.fori_loop(jnp.int32(0), jnp.int32(15), pro, (bcol, sidx))

    def win(J, bcol):
        obw = ob.at[pl.ds(J * jnp.int32(128), 384)]
        for u in range(8):
            vec = plsc.load_gather(sl, [iota, bcol])
            plsc.store_scatter(obw, [svecs[u]], vec)
            bcol = bcol + one
        return bcol

    nwin = (width - EMBED) // 8
    bcol = lax.fori_loop(jnp.int32(0), jnp.int32(nwin), win, bcol)

    def epi(_, carry):
        bcol, sidx = carry
        return step(bcol, sidx, bcol < jnp.int32(width))

    sidx = iota * jnp.int32(17) + jnp.int32(16 * (width - EMBED))
    lax.fori_loop(jnp.int32(0), jnp.int32(EMBED), epi, (bcol, sidx))


@functools.partial(
    pl.kernel,
    out_type=jax.ShapeDtypeStruct((NUM_TABLES * BUCKETS_C * EMBED,), jnp.float32),
    mesh=plsc.VectorSubcoreMesh(core_axis_name="c", subcore_axis_name="s"),
    scratch_types=[
        pltpu.VMEM((EMBED, SLABW), jnp.float32),
        pltpu.VMEM((EMBED, SLABW), jnp.float32),
        pltpu.VMEM((CB * EMBED,), jnp.float32),
        pltpu.VMEM((CB * EMBED,), jnp.float32),
        pltpu.VMEM((CBT * EMBED,), jnp.float32),
        pltpu.SemaphoreType.DMA,
        pltpu.SemaphoreType.DMA,
        pltpu.SemaphoreType.DMA,
        pltpu.SemaphoreType.DMA,
    ],
    compiler_params=pltpu.CompilerParams(
        needs_layout_passes=False, use_tc_tiling_on_sc=True
    ),
)
def _sc_relayout(tt_hbm, tail_hbm, r_hbm, slab0, slab1, oblk0, oblk1, oblk_t,
                 si0, si1, so0, so1):
    wid = lax.axis_index("s") * jnp.int32(NC) + lax.axis_index("c")
    t_id = wid // jnp.int32(WPT)
    j = wid - t_id * jnp.int32(WPT)
    row0 = t_id * jnp.int32(EMBED)
    bucket0 = j * jnp.int32(FULL_PER_J)
    rbase = t_id * jnp.int32(BUCKETS_C)

    def in_src(ci):
        return tt_hbm.at[pl.ds(row0, EMBED), pl.ds(bucket0 + ci * jnp.int32(CB), CB)]

    def out_dst(ci):
        d0 = (rbase + bucket0 + ci * jnp.int32(CB)) * jnp.int32(EMBED)
        return r_hbm.at[pl.ds(d0, CB * EMBED)]

    slabs = (slab0, slab1)
    oblks = (oblk0, oblk1)
    sis = (si0, si1)
    sos = (so0, so1)

    def sl_dst(b):
        return slabs[b].at[:, pl.ds(0, CB)]

    pltpu.async_copy(in_src(jnp.int32(0)), sl_dst(0), sis[0])

    def pair(p, _):
        for b in range(2):
            ci = p * jnp.int32(2) + jnp.int32(b)
            pltpu.make_async_copy(in_src(ci), sl_dst(b), sis[b]).wait()

            @pl.when(ci + jnp.int32(1) < jnp.int32(NCH_FULL))
            def _prefetch():
                pltpu.async_copy(in_src(ci + jnp.int32(1)), sl_dst(1 - b), sis[1 - b])

            @pl.when(p > jnp.int32(0))
            def _drain_out():
                pltpu.make_async_copy(oblks[b], out_dst(ci), sos[b]).wait()

            _transpose_slab(slabs[b], oblks[b], CB)
            pltpu.async_copy(oblks[b], out_dst(ci), sos[b])
        return jnp.int32(0)

    lax.fori_loop(jnp.int32(0), jnp.int32(NCH_FULL // 2), pair, jnp.int32(0))
    last = jnp.int32(NCH_FULL - 2)
    pltpu.make_async_copy(oblk0, out_dst(last), so0).wait()
    pltpu.make_async_copy(oblk1, out_dst(last + jnp.int32(1)), so1).wait()

    @pl.when(j == jnp.int32(WPT - 1))
    def _tail():
        pltpu.sync_copy(
            tt_hbm.at[pl.ds(row0, EMBED), pl.ds(jnp.int32(TAIL0), CB)], sl_dst(0)
        )
        _transpose_slab(slab0, oblk0, CB)
        d0 = (rbase + jnp.int32(TAIL0)) * jnp.int32(EMBED)
        pltpu.sync_copy(oblk0, r_hbm.at[pl.ds(d0, CB * EMBED)])

        pltpu.sync_copy(tail_hbm.at[t_id], oblk_t)
        d1 = (rbase + jnp.int32(TAIL1)) * jnp.int32(EMBED)
        pltpu.sync_copy(oblk_t, r_hbm.at[pl.ds(d1, CBT * EMBED)])


@functools.partial(
    pl.kernel,
    out_type=jax.ShapeDtypeStruct((NPOS * NUM_TABLES, EMBED), jnp.float32),
    mesh=plsc.VectorSubcoreMesh(core_axis_name="c", subcore_axis_name="s"),
    scratch_types=[
        pltpu.VMEM((NUM_TABLES, CHUNK), jnp.int32),
        pltpu.VMEM((NUM_TABLES, CHUNK), jnp.int32),
        pltpu.VMEM((NLOOK,), jnp.int32),
        pltpu.VMEM((NLOOK,), jnp.int32),
        pltpu.VMEM((NLOOK, EMBED), jnp.float32),
        pltpu.VMEM((NLOOK, EMBED), jnp.float32),
        pltpu.SemaphoreType.DMA,
        pltpu.SemaphoreType.DMA,
        pltpu.SemaphoreType.DMA,
        pltpu.SemaphoreType.DMA,
        pltpu.SemaphoreType.DMA,
        pltpu.SemaphoreType.DMA,
    ],
    compiler_params=pltpu.CompilerParams(
        needs_layout_passes=False, use_tc_tiling_on_sc=False
    ),
)
def _sc_lookup(sk_hbm, table_hbm, out_hbm, skv0, skv1, idxv0, idxv1,
               rows0, rows1, ss0, ss1, gs0, gs1, os0, os1):
    wid = lax.axis_index("s") * jnp.int32(NC) + lax.axis_index("c")
    base_w = wid * jnp.int32(PER_W)
    iota = lax.iota(jnp.int32, L)
    skvs, idxvs, rowss = (skv0, skv1), (idxv0, idxv1), (rows0, rows1)
    sss, gss, oss = (ss0, ss1), (gs0, gs1), (os0, os1)

    def sk_src(ci):
        return sk_hbm.at[:, pl.ds(base_w + ci * jnp.int32(CHUNK), CHUNK)]

    def out_dst(ci):
        d0 = (base_w + ci * jnp.int32(CHUNK)) * jnp.int32(NUM_TABLES)
        return out_hbm.at[pl.ds(d0, NLOOK)]

    def compute(skv, idxv):
        def vec_body(i, _):
            off = i * jnp.int32(L)
            s0 = skv[0, pl.ds(off, L)]
            s1 = skv[1, pl.ds(off, L)]
            s2 = skv[2, pl.ds(off, L)]
            s3 = skv[3, pl.ds(off, L)]
            c0, c1, c2, c3 = _combo_vecs(s0, s1, s2, s3)
            fbase = i * jnp.int32(4 * L) + iota * jnp.int32(4)
            for t, c in enumerate((c0, c1, c2, c3)):
                f = fbase + jnp.int32(t)
                gid = c + jnp.int32(t * BUCKETS_C)
                plsc.store_scatter(idxv, [f], gid)
            return jnp.int32(0)

        lax.fori_loop(jnp.int32(0), jnp.int32(CHUNK // L), vec_body, jnp.int32(0))

    def fire_gathers(b):
        for j in range(IDX_ROWS):
            pltpu.async_copy(
                table_hbm.at[idxvs[b].at[pl.ds(j * 128, 128)]],
                rowss[b].at[pl.ds(j * 128, 128)],
                gss[b],
            )

    def drain_gathers(b):
        pltpu.make_async_copy(table_hbm.at[idxvs[b]], rowss[b], gss[b]).wait()

    pltpu.async_copy(sk_src(jnp.int32(0)), skv0, ss0)

    def pair(p, _):
        for b in range(2):
            ci = p * jnp.int32(2) + jnp.int32(b)
            pltpu.make_async_copy(sk_src(ci), skvs[b], sss[b]).wait()

            @pl.when(ci + jnp.int32(1) < jnp.int32(NCHUNK))
            def _next_sk():
                pltpu.async_copy(sk_src(ci + jnp.int32(1)), skvs[1 - b], sss[1 - b])

            compute(skvs[b], idxvs[b])

            def _after_prev():
                drain_gathers(1 - b)
                pltpu.async_copy(rowss[1 - b], out_dst(ci - jnp.int32(1)), oss[1 - b])

            def _free_rows():
                pltpu.make_async_copy(rowss[b], out_dst(ci), oss[b]).wait()

            if b == 0:
                pl.when(p > jnp.int32(0))(_after_prev)
                pl.when(p > jnp.int32(0))(_free_rows)
            else:
                _after_prev()
                pl.when(p > jnp.int32(0))(_free_rows)
            fire_gathers(b)
        return jnp.int32(0)

    lax.fori_loop(jnp.int32(0), jnp.int32(NCHUNK // 2), pair, jnp.int32(0))
    last = jnp.int32(NCHUNK - 1)
    drain_gathers(1)
    pltpu.async_copy(rows1, out_dst(last), os1)
    pltpu.make_async_copy(rows0, out_dst(last - jnp.int32(1)), os0).wait()
    pltpu.make_async_copy(rows1, out_dst(last), os1).wait()


def kernel(scale_keys, tables):
    sk32 = scale_keys.astype(jnp.int32).reshape(NUM_TABLES, NPOS)
    tt = jnp.transpose(tables, (0, 2, 1)).reshape(NUM_TABLES * EMBED, BUCKETS_C)
    tail = tables[:, TAIL1:, :].reshape(NUM_TABLES, CBT * EMBED)
    r_flat = _sc_relayout(tt, tail)
    tbl = r_flat.reshape(NUM_TABLES * BUCKETS_C, EMBED)
    out = _sc_lookup(sk32, tbl)
    return out.reshape(B_, T_, NUM_TABLES * EMBED)

# --- scband reference (transcript-rebuilt; emitter-appended) ---
"""Pipeline reference for scband-combo-table-87016037416976 (READ-ONLY COPY).

The authoritative reference and input builder live on the scoring server;
editing this copy changes nothing except your own understanding.
"""

import jax, jax.numpy as jnp
import numpy as np

jax.config.update("jax_enable_x64", True)

NUM_TABLES = 4
BUCKETS = 1000000
EMBED_DIM = 16
NUM_SCALES = 4
B, T = 4096, 50
PRIMES = [1, 2654435761, 2246822519, 3266489917]


def setup_inputs(seed: int = 0) -> dict:
    key = jax.random.key(seed)
    k1, k2 = jax.random.split(key)
    scale_keys = jax.random.randint(k1, (NUM_SCALES, B, T), 0, 1000000000, dtype=jnp.int64)
    tables = jax.random.normal(k2, (NUM_TABLES, BUCKETS, EMBED_DIM), dtype=jnp.float32) * 0.02
    return {"scale_keys": scale_keys, "tables": tables}


def _combos(scale_keys):
    n = scale_keys.shape[0]
    combos = []
    for t_idx in range(NUM_TABLES):
        if t_idx == 0:
            c = scale_keys[0]
            for i in range(1, n):
                c = c ^ scale_keys[i]
        elif t_idx == 1 and n >= 4:
            c = scale_keys[0]
            for i in range(2, n, 2):
                c = c ^ scale_keys[i]
        elif t_idx == 2 and n >= 4:
            c = scale_keys[1]
            for i in range(3, n, 2):
                c = c ^ scale_keys[i]
        elif t_idx == 3 and n >= 4:
            pairs = [scale_keys[i] ^ scale_keys[i + 1] for i in range(0, n - 1, 2)]
            c = pairs[0]
            salt = PRIMES[t_idx % len(PRIMES)]
            for p in pairs[1:]:
                c = c ^ (p * salt)
        else:
            salt = PRIMES[t_idx % len(PRIMES)]
            c = scale_keys[0] * salt
            for i in range(1, n):
                c = c ^ (scale_keys[i] * salt)
        combos.append(c % BUCKETS)
    return combos


def reference(scale_keys, tables):
    combos = _combos(scale_keys)
    outs = [jnp.take(tables[t], combos[t], axis=0) for t in range(NUM_TABLES)]
    return jnp.concatenate(outs, axis=-1)

if __name__ == "__main__":
    import jax
    _d = setup_inputs()
    print(jax.jit(kernel)(*tuple(_d.values())))

</pallas_src>

<mosaic_0001>
#map = affine_map<(d0, d1) -> (0, 0)>
#map1 = affine_map<(d0, d1) -> (0)>
module attributes {stable_mosaic.version = 14 : i64} {
  func.func @_sc_relayout(%arg0: i32, %arg1: i32, %arg2: memref<64x1000000xf32, #tpu.memory_space<hbm>>, %arg3: memref<4x1024xf32, #tpu.memory_space<hbm>>, %arg4: memref<64000000xf32, #tpu.memory_space<hbm>>, %arg5: memref<16x640xf32, #tpu.memory_space<vmem>>, %arg6: memref<16x640xf32, #tpu.memory_space<vmem>>, %arg7: memref<8192xf32, #tpu.memory_space<vmem>>, %arg8: memref<8192xf32, #tpu.memory_space<vmem>>, %arg9: memref<1024xf32, #tpu.memory_space<vmem>>, %arg10: memref<!tpu.dma_semaphore, #tpu.memory_space<semaphore_mem>>, %arg11: memref<!tpu.dma_semaphore, #tpu.memory_space<semaphore_mem>>, %arg12: memref<!tpu.dma_semaphore, #tpu.memory_space<semaphore_mem>>, %arg13: memref<!tpu.dma_semaphore, #tpu.memory_space<semaphore_mem>>) attributes {dimension_semantics = [#tpu.dimension_semantics<core_parallel>, #tpu.dimension_semantics<subcore_parallel>], iteration_bounds = array<i64: 2, 16>, scalar_prefetch = 0 : i64, scratch_operands = 9 : i64, tpu.core_type = #tpu.core_type<sc_vector_subcore>, window_params = [{transform_indices = #map}, {transform_indices = #map}, {transform_indices = #map1}]} {
    %mul3A = arith.constant 2 : i32
    %mul3A_0 = arith.muli %arg1, %mul3A : i32
    %add3A = arith.addi %mul3A_0, %arg0 : i32
    %jit3A = arith.constant 8 : i32
    %div3A = arith.divsi %add3A, %jit3A : i32
    %sign3A = arith.constant 0 : i32
    %sign3A_1 = arith.cmpi sgt, %add3A, %sign3A : i32
    %sign3A_2 = arith.extui %sign3A_1 : i1 to i32
    %sign3A_3 = arith.constant 0 : i32
    %sign3A_4 = arith.cmpi slt, %add3A, %sign3A_3 : i32
    %sign3A_5 = arith.extui %sign3A_4 : i1 to i32
    %sign3A_6 = arith.subi %sign3A_2, %sign3A_5 : i32
    %sign3A_7 = arith.constant 0 : i32
    %sign3A_8 = arith.cmpi sgt, %jit3A, %sign3A_7 : i32
    %sign3A_9 = arith.extui %sign3A_8 : i1 to i32
    %sign3A_10 = arith.constant 0 : i32
    %sign3A_11 = arith.cmpi slt, %jit3A, %sign3A_10 : i32
    %sign3A_12 = arith.extui %sign3A_11 : i1 to i32
    %sign3A_13 = arith.subi %sign3A_9, %sign3A_12 : i32
    %ne3A = arith.cmpi ne, %sign3A_6, %sign3A_13 : i32
    %rem3A = arith.remsi %add3A, %jit3A : i32
    %ne3A_14 = arith.constant 0 : i32
    %ne3A_15 = arith.cmpi ne, %rem3A, %ne3A_14 : i32
    %and3A = arith.andi %ne3A, %ne3A_15 : i1
    %sub3A = arith.constant 1 : i32
    %sub3A_16 = arith.subi %div3A, %sub3A : i32
    %select_n3A = arith.select %and3A, %sub3A_16, %div3A : i32
    %mul3A_17 = arith.constant 8 : i32
    %mul3A_18 = arith.muli %select_n3A, %mul3A_17 : i32
    %sub3A_19 = arith.subi %add3A, %mul3A_18 : i32
    %mul3A_20 = arith.constant 16 : i32
    %mul3A_21 = arith.muli %select_n3A, %mul3A_20 : i32
    %mul3A_22 = arith.constant 124928 : i32
    %mul3A_23 = arith.muli %sub3A_19, %mul3A_22 : i32
    %mul3A_24 = arith.constant 1000000 : i32
    %mul3A_25 = arith.muli %select_n3A, %mul3A_24 : i32
    %mul3A_26 = arith.constant 0 : i32
    %mul3A_27 = arith.constant 512 : i32
    %mul3A_28 = arith.muli %mul3A_26, %mul3A_27 : i32
    %add3A_29 = arith.addi %mul3A_23, %mul3A_28 : i32
    %dma_start3A = arith.constant 0 : i32
    %dma_start3A_30 = arith.constant 0 : i32
    %dma_start3A_31 = tpu.memref_slice %arg5[%dma_start3A, %dma_start3A_30] : memref<16x640xf32, #tpu.memory_space<vmem>> -> memref<16x512xf32, #tpu.memory_space<vmem>>
    %dma_start3A_32 = tpu.memref_slice %arg2[%mul3A_21, %add3A_29] : memref<64x1000000xf32, #tpu.memory_space<hbm>> -> memref<16x512xf32, #tpu.memory_space<hbm>>
    %dma_start3A_33 = arith.constant 0 : i32
    %dma_start3A_34 = arith.constant 0 : i32
    %dma_start3A_35 = tpu.memref_slice %arg5[%dma_start3A_33, %dma_start3A_34] : memref<16x640xf32, #tpu.memory_space<vmem>> -> memref<16x512xf32, #tpu.memory_space<vmem>>
    %dma_start3A_36 = tpu.memref_slice %arg2[%mul3A_21, %add3A_29] : memref<64x1000000xf32, #tpu.memory_space<hbm>> -> memref<16x512xf32, #tpu.memory_space<hbm>>
    tpu.enqueue_dma source(%dma_start3A_36 : memref<16x512xf32, #tpu.memory_space<hbm>>) target(%dma_start3A_35 : memref<16x512xf32, #tpu.memory_space<vmem>>) target_semaphore(%arg10 : memref<!tpu.dma_semaphore, #tpu.memory_space<semaphore_mem>>)
    %while3A = arith.constant 0 : i32
    %while3A_37 = arith.constant 122 : i32
    %while3A_38 = arith.constant 0 : i32
    %while3A_39 = arith.subi %while3A_37, %while3A : i32
    %while3A_40 = arith.addi %while3A, %while3A_39 : i32
    %while3A_41 = arith.constant 1 : i32
    %while3A_42 = arith.divsi %while3A_39, %while3A_41 : i32
    %while3A_43 = arith.muli %while3A_42, %while3A_41 : i32
    %while3A_44 = arith.addi %while3A, %while3A_43 : i32
    %while3A_45 = arith.constant 1 : i32
    %while3A_46 = scf.for %while3A_70 = %while3A to %while3A_44 step %while3A_45 iter_args(%while3A_71 = %while3A_38) -> (i32)  : i32 {
      %mul3A_72 = arith.constant 2 : i32
      %mul3A_73 = arith.muli %while3A_70, %mul3A_72 : i32
      %add3A_74 = arith.constant 0 : i32
      %add3A_75 = arith.addi %mul3A_73, %add3A_74 : i32
      %mul3A_76 = arith.constant 512 : i32
      %mul3A_77 = arith.muli %add3A_75, %mul3A_76 : i32
      %add3A_78 = arith.addi %mul3A_23, %mul3A_77 : i32
      %dma_wait3A_79 = arith.constant 0 : i32
      %dma_wait3A_80 = arith.constant 0 : i32
      %dma_wait3A_81 = tpu.memref_slice %arg5[%dma_wait3A_79, %dma_wait3A_80] : memref<16x640xf32, #tpu.memory_space<vmem>> -> memref<16x512xf32, #tpu.memory_space<vmem>>
      %dma_wait3A_82 = tpu.memref_slice %arg2[%mul3A_21, %add3A_78] : memref<64x1000000xf32, #tpu.memory_space<hbm>> -> memref<16x512xf32, #tpu.memory_space<hbm>>
      %dma_wait3A_83 = arith.constant 0 : i32
      %dma_wait3A_84 = arith.constant 0 : i32
      %dma_wait3A_85 = tpu.memref_slice %arg5[%dma_wait3A_83, %dma_wait3A_84] : memref<16x640xf32, #tpu.memory_space<vmem>> -> memref<16x512xf32, #tpu.memory_space<vmem>>
      %dma_wait3A_86 = tpu.memref_slice %arg2[%mul3A_21, %add3A_78] : memref<64x1000000xf32, #tpu.memory_space<hbm>> -> memref<16x512xf32, #tpu.memory_space<hbm>>
      tpu.wait_dma2 semaphore(%arg10 : memref<!tpu.dma_semaphore, #tpu.memory_space<semaphore_mem>>) src(%dma_wait3A_86 : memref<16x512xf32, #tpu.memory_space<hbm>>) dst(%dma_wait3A_85 : memref<16x512xf32, #tpu.memory_space<vmem>>)
      %add3A_87 = arith.constant 1 : i32
      %add3A_88 = arith.addi %add3A_75, %add3A_87 : i32
      %lt3A = arith.constant 244 : i32
      %lt3A_89 = arith.cmpi slt, %add3A_88, %lt3A : i32
      %convert_element_type3A_90 = arith.extui %lt3A_89 : i1 to i32
      %cond3A_91 = arith.constant 0 : i32
      %cond3A_92 = arith.cmpi ne, %convert_element_type3A_90, %cond3A_91 : i32
      scf.if %cond3A_92 {
        %add3A_350 = arith.constant 1 : i32
        %add3A_351 = arith.addi %add3A_75, %add3A_350 : i32
        %mul3A_352 = arith.constant 512 : i32
        %mul3A_353 = arith.muli %add3A_351, %mul3A_352 : i32
        %add3A_354 = arith.addi %mul3A_23, %mul3A_353 : i32
        %dma_start3A_355 = arith.constant 0 : i32
        %dma_start3A_356 = arith.constant 0 : i32
        %dma_start3A_357 = tpu.memref_slice %arg6[%dma_start3A_355, %dma_start3A_356] : memref<16x640xf32, #tpu.memory_space<vmem>> -> memref<16x512xf32, #tpu.memory_space<vmem>>
        %dma_start3A_358 = tpu.memref_slice %arg2[%mul3A_21, %add3A_354] : memref<64x1000000xf32, #tpu.memory_space<hbm>> -> memref<16x512xf32, #tpu.memory_space<hbm>>
        %dma_start3A_359 = arith.constant 0 : i32
        %dma_start3A_360 = arith.constant 0 : i32
        %dma_start3A_361 = tpu.memref_slice %arg6[%dma_start3A_359, %dma_start3A_360] : memref<16x640xf32, #tpu.memory_space<vmem>> -> memref<16x512xf32, #tpu.memory_space<vmem>>
        %dma_start3A_362 = tpu.memref_slice %arg2[%mul3A_21, %add3A_354] : memref<64x1000000xf32, #tpu.memory_space<hbm>> -> memref<16x512xf32, #tpu.memory_space<hbm>>
        tpu.enqueue_dma source(%dma_start3A_362 : memref<16x512xf32, #tpu.memory_space<hbm>>) target(%dma_start3A_361 : memref<16x512xf32, #tpu.memory_space<vmem>>) target_semaphore(%arg11 : memref<!tpu.dma_semaphore, #tpu.memory_space<semaphore_mem>>)
      } else {
      }
      %gt3A = arith.constant 0 : i32
      %gt3A_93 = arith.cmpi sgt, %while3A_70, %gt3A : i32
      %convert_element_type3A_94 = arith.extui %gt3A_93 : i1 to i32
      %cond3A_95 = arith.constant 0 : i32
      %cond3A_96 = arith.cmpi ne, %convert_element_type3A_94, %cond3A_95 : i32
      scf.if %cond3A_96 {
        %add3A_350 = arith.addi %mul3A_25, %mul3A_23 : i32
        %mul3A_351 = arith.constant 512 : i32
        %mul3A_352 = arith.muli %add3A_75, %mul3A_351 : i32
        %add3A_353 = arith.addi %add3A_350, %mul3A_352 : i32
        %mul3A_354 = arith.constant 16 : i32
        %mul3A_355 = arith.muli %add3A_353, %mul3A_354 : i32
        %dma_wait3A_356 = tpu.memref_slice %arg4[%mul3A_355] : memref<64000000xf32, #tpu.memory_space<hbm>> -> memref<8192xf32, #tpu.memory_space<hbm>>
        %dma_wait3A_357 = tpu.memref_slice %arg4[%mul3A_355] : memref<64000000xf32, #tpu.memory_space<hbm>> -> memref<8192xf32, #tpu.memory_space<hbm>>
        tpu.wait_dma2 semaphore(%arg12 : memref<!tpu.dma_semaphore, #tpu.memory_space<semaphore_mem>>) src(%arg7 : memref<8192xf32, #tpu.memory_space<vmem>>) dst(%dma_wait3A_357 : memref<8192xf32, #tpu.memory_space<hbm>>)
      } else {
      }
      %iota3A = tpu.iota {dimensions = array<i32: 0>} : vector<16xi32>
      %mul3A_97 = arith.constant 17 : i32
      %mul3A_98 = vector.broadcast %mul3A_97 : i32 to vector<16xi32>
      %mul3A_99 = arith.muli %iota3A, %mul3A_98 : vector<16xi32>
      %add3A_100 = arith.constant 0 : i32
      %add3A_101 = vector.broadcast %add3A_100 : i32 to vector<16xi32>
      %add3A_102 = arith.addi %mul3A_99, %add3A_101 : vector<16xi32>
      %mul3A_103 = arith.constant 17 : i32
      %mul3A_104 = vector.broadcast %mul3A_103 : i32 to vector<16xi32>
      %mul3A_105 = arith.muli %iota3A, %mul3A_104 : vector<16xi32>
      %add3A_106 = arith.constant 16 : i32
      %add3A_107 = vector.broadcast %add3A_106 : i32 to vector<16xi32>
      %add3A_108 = arith.addi %mul3A_105, %add3A_107 : vector<16xi32>
      %mul3A_109 = arith.constant 17 : i32
      %mul3A_110 = vector.broadcast %mul3A_109 : i32 to vector<16xi32>
      %mul3A_111 = arith.muli %iota3A, %mul3A_110 : vector<16xi32>
      %add3A_112 = arith.constant 32 : i32
      %add3A_113 = vector.broadcast %add3A_112 : i32 to vector<16xi32>
      %add3A_114 = arith.addi %mul3A_111, %add3A_113 : vector<16xi32>
      %mul3A_115 = arith.constant 17 : i32
      %mul3A_116 = vector.broadcast %mul3A_115 : i32 to vector<16xi32>
      %mul3A_117 = arith.muli %iota3A, %mul3A_116 : vector<16xi32>
      %add3A_118 = arith.constant 48 : i32
      %add3A_119 = vector.broadcast %add3A_118 : i32 to vector<16xi32>
      %add3A_120 = arith.addi %mul3A_117, %add3A_119 : vector<16xi32>
      %mul3A_121 = arith.constant 17 : i32
      %mul3A_122 = vector.broadcast %mul3A_121 : i32 to vector<16xi32>
      %mul3A_123 = arith.muli %iota3A, %mul3A_122 : vector<16xi32>
      %add3A_124 = arith.constant 64 : i32
      %add3A_125 = vector.broadcast %add3A_124 : i32 to vector<16xi32>
      %add3A_126 = arith.addi %mul3A_123, %add3A_125 : vector<16xi32>
      %mul3A_127 = arith.constant 17 : i32
      %mul3A_128 = vector.broadcast %mul3A_127 : i32 to vector<16xi32>
      %mul3A_129 = arith.muli %iota3A, %mul3A_128 : vector<16xi32>
      %add3A_130 = arith.constant 80 : i32
      %add3A_131 = vector.broadcast %add3A_130 : i32 to vector<16xi32>
      %add3A_132 = arith.addi %mul3A_129, %add3A_131 : vector<16xi32>
      %mul3A_133 = arith.constant 17 : i32
      %mul3A_134 = vector.broadcast %mul3A_133 : i32 to vector<16xi32>
      %mul3A_135 = arith.muli %iota3A, %mul3A_134 : vector<16xi32>
      %add3A_136 = arith.constant 96 : i32
      %add3A_137 = vector.broadcast %add3A_136 : i32 to vector<16xi32>
      %add3A_138 = arith.addi %mul3A_135, %add3A_137 : vector<16xi32>
      %mul3A_139 = arith.constant 17 : i32
      %mul3A_140 = vector.broadcast %mul3A_139 : i32 to vector<16xi32>
      %mul3A_141 = arith.muli %iota3A, %mul3A_140 : vector<16xi32>
      %add3A_142 = arith.constant 112 : i32
      %add3A_143 = vector.broadcast %add3A_142 : i32 to vector<16xi32>
      %add3A_144 = arith.addi %mul3A_141, %add3A_143 : vector<16xi32>
      %sub3A_145 = arith.constant 15 : i32
      %sub3A_146 = vector.broadcast %sub3A_145 : i32 to vector<16xi32>
      %sub3A_147 = arith.subi %iota3A, %sub3A_146 : vector<16xi32>
      %mul3A_148 = arith.constant 17 : i32
      %mul3A_149 = vector.broadcast %mul3A_148 : i32 to vector<16xi32>
      %mul3A_150 = arith.muli %iota3A, %mul3A_149 : vector<16xi32>
      %sub3A_151 = arith.constant 240 : i32
      %sub3A_152 = vector.broadcast %sub3A_151 : i32 to vector<16xi32>
      %sub3A_153 = arith.subi %mul3A_150, %sub3A_152 : vector<16xi32>
      %while3A_154 = arith.constant 1 : i32
      %while3A_155 = arith.constant 16 : i32
      %while3A_156 = arith.constant 0 : i32
      %while3A_157 = arith.constant 15 : i32
      %while3A_158 = arith.subi %while3A_157, %while3A_156 : i32
      %while3A_159 = arith.addi %while3A_156, %while3A_158 : i32
      %while3A_160 = arith.constant 1 : i32
      %while3A_161 = arith.divsi %while3A_158, %while3A_160 : i32
      %while3A_162 = arith.muli %while3A_161, %while3A_160 : i32
      %while3A_163 = arith.addi %while3A_156, %while3A_162 : i32
      %while3A_164 = arith.constant 1 : i32
      %while3A_165:2 = scf.for %while3A_350 = %while3A_156 to %while3A_163 step %while3A_164 iter_args(%while3A_351 = %sub3A_147, %while3A_352 = %sub3A_153) -> (vector<16xi32>, vector<16xi32>)  : i32 {
        %ge3A = arith.constant 0 : i32
        %ge3A_353 = vector.broadcast %ge3A : i32 to vector<16xi32>
        %ge3A_354 = arith.cmpi sge, %while3A_351, %ge3A_353 : vector<16xi32>
        %max3A = arith.constant 0 : i32
        %max3A_355 = vector.broadcast %max3A : i32 to vector<16xi32>
        %max3A_356 = arith.maxsi %while3A_351, %max3A_355 : vector<16xi32>
        %gather3A = tpu.vector_load_idx %arg5[%iota3A, %max3A_356] : memref<16x640xf32, #tpu.memory_space<vmem>>[vector<16xi32>, vector<16xi32>], vector<16xf32>,
        tpu.vector_store_idx %arg7[%while3A_352], %gather3A masked %ge3A_354 : memref<8192xf32, #tpu.memory_space<vmem>>[vector<16xi32>], vector<16xf32>, vector<16xi1>
        %add3A_357 = vector.broadcast %while3A_154 : i32 to vector<16xi32>
        %add3A_358 = arith.addi %while3A_351, %add3A_357 : vector<16xi32>
        %add3A_359 = vector.broadcast %while3A_155 : i32 to vector<16xi32>
        %add3A_360 = arith.addi %while3A_352, %add3A_359 : vector<16xi32>
        scf.yield %add3A_358, %add3A_360 : vector<16xi32>, vector<16xi32>
      }
      %while3A_166 = arith.constant 1 : i32
      %while3A_167:2 = scf.for %while3A_350 = %while3A_163 to %while3A_159 step %while3A_166 iter_args(%while3A_351 = %while3A_165#0, %while3A_352 = %while3A_165#1) -> (vector<16xi32>, vector<16xi32>)  : i32 {
        %ge3A = arith.constant 0 : i32
        %ge3A_353 = vector.broadcast %ge3A : i32 to vector<16xi32>
        %ge3A_354 = arith.cmpi sge, %while3A_351, %ge3A_353 : vector<16xi32>
        %max3A = arith.constant 0 : i32
        %max3A_355 = vector.broadcast %max3A : i32 to vector<16xi32>
        %max3A_356 = arith.maxsi %while3A_351, %max3A_355 : vector<16xi32>
        %gather3A = tpu.vector_load_idx %arg5[%iota3A, %max3A_356] : memref<16x640xf32, #tpu.memory_space<vmem>>[vector<16xi32>, vector<16xi32>], vector<16xf32>,
        tpu.vector_store_idx %arg7[%while3A_352], %gather3A masked %ge3A_354 : memref<8192xf32, #tpu.memory_space<vmem>>[vector<16xi32>], vector<16xf32>, vector<16xi1>
        %add3A_357 = vector.broadcast %while3A_154 : i32 to vector<16xi32>
        %add3A_358 = arith.addi %while3A_351, %add3A_357 : vector<16xi32>
        %add3A_359 = vector.broadcast %while3A_155 : i32 to vector<16xi32>
        %add3A_360 = arith.addi %while3A_352, %add3A_359 : vector<16xi32>
        scf.yield %add3A_358, %add3A_360 : vector<16xi32>, vector<16xi32>
      }
      %while3A_168 = arith.constant 1 : i32
      %while3A_169 = arith.constant 0 : i32
      %while3A_170 = arith.constant 62 : i32
      %while3A_171 = arith.subi %while3A_170, %while3A_169 : i32
      %while3A_172 = arith.addi %while3A_169, %while3A_171 : i32
      %while3A_173 = arith.constant 1 : i32
      %while3A_174 = arith.divsi %while3A_171, %while3A_173 : i32
      %while3A_175 = arith.muli %while3A_174, %while3A_173 : i32
      %while3A_176 = arith.addi %while3A_169, %while3A_175 : i32
      %while3A_177 = arith.constant 1 : i32
      %while3A_178 = scf.for %while3A_350 = %while3A_169 to %while3A_176 step %while3A_177 iter_args(%while3A_351 = %while3A_167#0) -> (vector<16xi32>)  : i32 {
        %mul3A_352 = arith.constant 128 : i32
        %mul3A_353 = arith.muli %while3A_350, %mul3A_352 : i32
        %gather3A = tpu.vector_load_idx %arg5[%iota3A, %while3A_351] : memref<16x640xf32, #tpu.memory_space<vmem>>[vector<16xi32>, vector<16xi32>], vector<16xf32>,
        %scatter3A = tpu.memref_slice %arg7[%mul3A_353] : memref<8192xf32, #tpu.memory_space<vmem>> -> memref<384xf32, #tpu.memory_space<vmem>>
        tpu.vector_store_idx %scatter3A[%add3A_102], %gather3A : memref<384xf32, #tpu.memory_space<vmem>>[vector<16xi32>], vector<16xf32>,
        %add3A_354 = vector.broadcast %while3A_168 : i32 to vector<16xi32>
        %add3A_355 = arith.addi %while3A_351, %add3A_354 : vector<16xi32>
        %gather3A_356 = tpu.vector_load_idx %arg5[%iota3A, %add3A_355] : memref<16x640xf32, #tpu.memory_space<vmem>>[vector<16xi32>, vector<16xi32>], vector<16xf32>,
        %scatter3A_357 = tpu.memref_slice %arg7[%mul3A_353] : memref<8192xf32, #tpu.memory_space<vmem>> -> memref<384xf32, #tpu.memory_space<vmem>>
        tpu.vector_store_idx %scatter3A_357[%add3A_108], %gather3A_356 : memref<384xf32, #tpu.memory_space<vmem>>[vector<16xi32>], vector<16xf32>,
        %add3A_358 = vector.broadcast %while3A_168 : i32 to vector<16xi32>
        %add3A_359 = arith.addi %add3A_355, %add3A_358 : vector<16xi32>
        %gather3A_360 = tpu.vector_load_idx %arg5[%iota3A, %add3A_359] : memref<16x640xf32, #tpu.memory_space<vmem>>[vector<16xi32>, vector<16xi32>], vector<16xf32>,
        %scatter3A_361 = tpu.memref_slice %arg7[%mul3A_353] : memref<8192xf32, #tpu.memory_space<vmem>> -> memref<384xf32, #tpu.memory_space<vmem>>
        tpu.vector_store_idx %scatter3A_361[%add3A_114], %gather3A_360 : memref<384xf32, #tpu.memory_space<vmem>>[vector<16xi32>], vector<16xf32>,
        %add3A_362 = vector.broadcast %while3A_168 : i32 to vector<16xi32>
        %add3A_363 = arith.addi %add3A_359, %add3A_362 : vector<16xi32>
        %gather3A_364 = tpu.vector_load_idx %arg5[%iota3A, %add3A_363] : memref<16x640xf32, #tpu.memory_space<vmem>>[vector<16xi32>, vector<16xi32>], vector<16xf32>,
        %scatter3A_365 = tpu.memref_slice %arg7[%mul3A_353] : memref<8192xf32, #tpu.memory_space<vmem>> -> memref<384xf32, #tpu.memory_space<vmem>>
        tpu.vector_store_idx %scatter3A_365[%add3A_120], %gather3A_364 : memref<384xf32, #tpu.memory_space<vmem>>[vector<16xi32>], vector<16xf32>,
        %add3A_366 = vector.broadcast %while3A_168 : i32 to vector<16xi32>
        %add3A_367 = arith.addi %add3A_363, %add3A_366 : vector<16xi32>
        %gather3A_368 = tpu.vector_load_idx %arg5[%iota3A, %add3A_367] : memref<16x640xf32, #tpu.memory_space<vmem>>[vector<16xi32>, vector<16xi32>], vector<16xf32>,
        %scatter3A_369 = tpu.memref_slice %arg7[%mul3A_353] : memref<8192xf32, #tpu.memory_space<vmem>> -> memref<384xf32, #tpu.memory_space<vmem>>
        tpu.vector_store_idx %scatter3A_369[%add3A_126], %gather3A_368 : memref<384xf32, #tpu.memory_space<vmem>>[vector<16xi32>], vector<16xf32>,
        %add3A_370 = vector.broadcast %while3A_168 : i32 to vector<16xi32>
        %add3A_371 = arith.addi %add3A_367, %add3A_370 : vector<16xi32>
        %gather3A_372 = tpu.vector_load_idx %arg5[%iota3A, %add3A_371] : memref<16x640xf32, #tpu.memory_space<vmem>>[vector<16xi32>, vector<16xi32>], vector<16xf32>,
        %scatter3A_373 = tpu.memref_slice %arg7[%mul3A_353] : memref<8192xf32, #tpu.memory_space<vmem>> -> memref<384xf32, #tpu.memory_space<vmem>>
        tpu.vector_store_idx %scatter3A_373[%add3A_132], %gather3A_372 : memref<384xf32, #tpu.memory_space<vmem>>[vector<16xi32>], vector<16xf32>,
        %add3A_374 = vector.broadcast %while3A_168 : i32 to vector<16xi32>
        %add3A_375 = arith.addi %add3A_371, %add3A_374 : vector<16xi32>
        %gather3A_376 = tpu.vector_load_idx %arg5[%iota3A, %add3A_375] : memref<16x640xf32, #tpu.memory_space<vmem>>[vector<16xi32>, vector<16xi32>], vector<16xf32>,
        %scatter3A_377 = tpu.memref_slice %arg7[%mul3A_353] : memref<8192xf32, #tpu.memory_space<vmem>> -> memref<384xf32, #tpu.memory_space<vmem>>
        tpu.vector_store_idx %scatter3A_377[%add3A_138], %gather3A_376 : memref<384xf32, #tpu.memory_space<vmem>>[vector<16xi32>], vector<16xf32>,
        %add3A_378 = vector.broadcast %while3A_168 : i32 to vector<16xi32>
        %add3A_379 = arith.addi %add3A_375, %add3A_378 : vector<16xi32>
        %gather3A_380 = tpu.vector_load_idx %arg5[%iota3A, %add3A_379] : memref<16x640xf32, #tpu.memory_space<vmem>>[vector<16xi32>, vector<16xi32>], vector<16xf32>,
        %scatter3A_381 = tpu.memref_slice %arg7[%mul3A_353] : memref<8192xf32, #tpu.memory_space<vmem>> -> memref<384xf32, #tpu.memory_space<vmem>>
        tpu.vector_store_idx %scatter3A_381[%add3A_144], %gather3A_380 : memref<384xf32, #tpu.memory_space<vmem>>[vector<16xi32>], vector<16xf32>,
        %add3A_382 = vector.broadcast %while3A_168 : i32 to vector<16xi32>
        %add3A_383 = arith.addi %add3A_379, %add3A_382 : vector<16xi32>
        scf.yield %add3A_383 : vector<16xi32>
      }
      %while3A_179 = arith.constant 1 : i32
      %while3A_180 = scf.for %while3A_350 = %while3A_176 to %while3A_172 step %while3A_179 iter_args(%while3A_351 = %while3A_178) -> (vector<16xi32>)  : i32 {
        %mul3A_352 = arith.constant 128 : i32
        %mul3A_353 = arith.muli %while3A_350, %mul3A_352 : i32
        %gather3A = tpu.vector_load_idx %arg5[%iota3A, %while3A_351] : memref<16x640xf32, #tpu.memory_space<vmem>>[vector<16xi32>, vector<16xi32>], vector<16xf32>,
        %scatter3A = tpu.memref_slice %arg7[%mul3A_353] : memref<8192xf32, #tpu.memory_space<vmem>> -> memref<384xf32, #tpu.memory_space<vmem>>
        tpu.vector_store_idx %scatter3A[%add3A_102], %gather3A : memref<384xf32, #tpu.memory_space<vmem>>[vector<16xi32>], vector<16xf32>,
        %add3A_354 = vector.broadcast %while3A_168 : i32 to vector<16xi32>
        %add3A_355 = arith.addi %while3A_351, %add3A_354 : vector<16xi32>
        %gather3A_356 = tpu.vector_load_idx %arg5[%iota3A, %add3A_355] : memref<16x640xf32, #tpu.memory_space<vmem>>[vector<16xi32>, vector<16xi32>], vector<16xf32>,
        %scatter3A_357 = tpu.memref_slice %arg7[%mul3A_353] : memref<8192xf32, #tpu.memory_space<vmem>> -> memref<384xf32, #tpu.memory_space<vmem>>
        tpu.vector_store_idx %scatter3A_357[%add3A_108], %gather3A_356 : memref<384xf32, #tpu.memory_space<vmem>>[vector<16xi32>], vector<16xf32>,
        %add3A_358 = vector.broadcast %while3A_168 : i32 to vector<16xi32>
        %add3A_359 = arith.addi %add3A_355, %add3A_358 : vector<16xi32>
        %gather3A_360 = tpu.vector_load_idx %arg5[%iota3A, %add3A_359] : memref<16x640xf32, #tpu.memory_space<vmem>>[vector<16xi32>, vector<16xi32>], vector<16xf32>,
        %scatter3A_361 = tpu.memref_slice %arg7[%mul3A_353] : memref<8192xf32, #tpu.memory_space<vmem>> -> memref<384xf32, #tpu.memory_space<vmem>>
        tpu.vector_store_idx %scatter3A_361[%add3A_114], %gather3A_360 : memref<384xf32, #tpu.memory_space<vmem>>[vector<16xi32>], vector<16xf32>,
        %add3A_362 = vector.broadcast %while3A_168 : i32 to vector<16xi32>
        %add3A_363 = arith.addi %add3A_359, %add3A_362 : vector<16xi32>
        %gather3A_364 = tpu.vector_load_idx %arg5[%iota3A, %add3A_363] : memref<16x640xf32, #tpu.memory_space<vmem>>[vector<16xi32>, vector<16xi32>], vector<16xf32>,
        %scatter3A_365 = tpu.memref_slice %arg7[%mul3A_353] : memref<8192xf32, #tpu.memory_space<vmem>> -> memref<384xf32, #tpu.memory_space<vmem>>
        tpu.vector_store_idx %scatter3A_365[%add3A_120], %gather3A_364 : memref<384xf32, #tpu.memory_space<vmem>>[vector<16xi32>], vector<16xf32>,
        %add3A_366 = vector.broadcast %while3A_168 : i32 to vector<16xi32>
        %add3A_367 = arith.addi %add3A_363, %add3A_366 : vector<16xi32>
        %gather3A_368 = tpu.vector_load_idx %arg5[%iota3A, %add3A_367] : memref<16x640xf32, #tpu.memory_space<vmem>>[vector<16xi32>, vector<16xi32>], vector<16xf32>,
        %scatter3A_369 = tpu.memref_slice %arg7[%mul3A_353] : memref<8192xf32, #tpu.memory_space<vmem>> -> memref<384xf32, #tpu.memory_space<vmem>>
        tpu.vector_store_idx %scatter3A_369[%add3A_126], %gather3A_368 : memref<384xf32, #tpu.memory_space<vmem>>[vector<16xi32>], vector<16xf32>,
        %add3A_370 = vector.broadcast %while3A_168 : i32 to vector<16xi32>
        %add3A_371 = arith.addi %add3A_367, %add3A_370 : vector<16xi32>
        %gather3A_372 = tpu.vector_load_idx %arg5[%iota3A, %add3A_371] : memref<16x640xf32, #tpu.memory_space<vmem>>[vector<16xi32>, vector<16xi32>], vector<16xf32>,
        %scatter3A_373 = tpu.memref_slice %arg7[%mul3A_353] : memref<8192xf32, #tpu.memory_space<vmem>> -> memref<384xf32, #tpu.memory_space<vmem>>
        tpu.vector_store_idx %scatter3A_373[%add3A_132], %gather3A_372 : memref<384xf32, #tpu.memory_space<vmem>>[vector<16xi32>], vector<16xf32>,
        %add3A_374 = vector.broadcast %while3A_168 : i32 to vector<16xi32>
        %add3A_375 = arith.addi %add3A_371, %add3A_374 : vector<16xi32>
        %gather3A_376 = tpu.vector_load_idx %arg5[%iota3A, %add3A_375] : memref<16x640xf32, #tpu.memory_space<vmem>>[vector<16xi32>, vector<16xi32>], vector<16xf32>,
        %scatter3A_377 = tpu.memref_slice %arg7[%mul3A_353] : memref<8192xf32, #tpu.memory_space<vmem>> -> memref<384xf32, #tpu.memory_space<vmem>>
        tpu.vector_store_idx %scatter3A_377[%add3A_138], %gather3A_376 : memref<384xf32, #tpu.memory_space<vmem>>[vector<16xi32>], vector<16xf32>,
        %add3A_378 = vector.broadcast %while3A_168 : i32 to vector<16xi32>
        %add3A_379 = arith.addi %add3A_375, %add3A_378 : vector<16xi32>
        %gather3A_380 = tpu.vector_load_idx %arg5[%iota3A, %add3A_379] : memref<16x640xf32, #tpu.memory_space<vmem>>[vector<16xi32>, vector<16xi32>], vector<16xf32>,
        %scatter3A_381 = tpu.memref_slice %arg7[%mul3A_353] : memref<8192xf32, #tpu.memory_space<vmem>> -> memref<384xf32, #tpu.memory_space<vmem>>
        tpu.vector_store_idx %scatter3A_381[%add3A_144], %gather3A_380 : memref<384xf32, #tpu.memory_space<vmem>>[vector<16xi32>], vector<16xf32>,
        %add3A_382 = vector.broadcast %while3A_168 : i32 to vector<16xi32>
        %add3A_383 = arith.addi %add3A_379, %add3A_382 : vector<16xi32>
        scf.yield %add3A_383 : vector<16xi32>
      }
      %mul3A_181 = arith.constant 17 : i32
      %mul3A_182 = vector.broadcast %mul3A_181 : i32 to vector<16xi32>
      %mul3A_183 = arith.muli %iota3A, %mul3A_182 : vector<16xi32>
      %add3A_184 = arith.constant 7936 : i32
      %add3A_185 = vector.broadcast %add3A_184 : i32 to vector<16xi32>
      %add3A_186 = arith.addi %mul3A_183, %add3A_185 : vector<16xi32>
      %while3A_187 = arith.constant 1 : i32
      %while3A_188 = arith.constant 16 : i32
      %while3A_189 = arith.constant 0 : i32
      %while3A_190 = arith.constant 16 : i32
      %while3A_191 = arith.subi %while3A_190, %while3A_189 : i32
      %while3A_192 = arith.addi %while3A_189, %while3A_191 : i32
      %while3A_193 = arith.constant 1 : i32
      %while3A_194 = arith.divsi %while3A_191, %while3A_193 : i32
      %while3A_195 = arith.muli %while3A_194, %while3A_193 : i32
      %while3A_196 = arith.addi %while3A_189, %while3A_195 : i32
      %while3A_197 = arith.constant 1 : i32
      %while3A_198:2 = scf.for %while3A_350 = %while3A_189 to %while3A_196 step %while3A_197 iter_args(%while3A_351 = %while3A_180, %while3A_352 = %add3A_186) -> (vector<16xi32>, vector<16xi32>)  : i32 {
        %lt3A_353 = arith.constant 512 : i32
        %lt3A_354 = vector.broadcast %lt3A_353 : i32 to vector<16xi32>
        %lt3A_355 = arith.cmpi slt, %while3A_351, %lt3A_354 : vector<16xi32>
        %max3A = arith.constant 0 : i32
        %max3A_356 = vector.broadcast %max3A : i32 to vector<16xi32>
        %max3A_357 = arith.maxsi %while3A_351, %max3A_356 : vector<16xi32>
        %gather3A = tpu.vector_load_idx %arg5[%iota3A, %max3A_357] : memref<16x640xf32, #tpu.memory_space<vmem>>[vector<16xi32>, vector<16xi32>], vector<16xf32>,
        tpu.vector_store_idx %arg7[%while3A_352], %gather3A masked %lt3A_355 : memref<8192xf32, #tpu.memory_space<vmem>>[vector<16xi32>], vector<16xf32>, vector<16xi1>
        %add3A_358 = vector.broadcast %while3A_187 : i32 to vector<16xi32>
        %add3A_359 = arith.addi %while3A_351, %add3A_358 : vector<16xi32>
        %add3A_360 = vector.broadcast %while3A_188 : i32 to vector<16xi32>
        %add3A_361 = arith.addi %while3A_352, %add3A_360 : vector<16xi32>
        scf.yield %add3A_359, %add3A_361 : vector<16xi32>, vector<16xi32>
      }
      %while3A_199 = arith.constant 1 : i32
      %while3A_200:2 = scf.for %while3A_350 = %while3A_196 to %while3A_192 step %while3A_199 iter_args(%while3A_351 = %while3A_198#0, %while3A_352 = %while3A_198#1) -> (vector<16xi32>, vector<16xi32>)  : i32 {
        %lt3A_353 = arith.constant 512 : i32
        %lt3A_354 = vector.broadcast %lt3A_353 : i32 to vector<16xi32>
        %lt3A_355 = arith.cmpi slt, %while3A_351, %lt3A_354 : vector<16xi32>
        %max3A = arith.constant 0 : i32
        %max3A_356 = vector.broadcast %max3A : i32 to vector<16xi32>
        %max3A_357 = arith.maxsi %while3A_351, %max3A_356 : vector<16xi32>
        %gather3A = tpu.vector_load_idx %arg5[%iota3A, %max3A_357] : memref<16x640xf32, #tpu.memory_space<vmem>>[vector<16xi32>, vector<16xi32>], vector<16xf32>,
        tpu.vector_store_idx %arg7[%while3A_352], %gather3A masked %lt3A_355 : memref<8192xf32, #tpu.memory_space<vmem>>[vector<16xi32>], vector<16xf32>, vector<16xi1>
        %add3A_358 = vector.broadcast %while3A_187 : i32 to vector<16xi32>
        %add3A_359 = arith.addi %while3A_351, %add3A_358 : vector<16xi32>
        %add3A_360 = vector.broadcast %while3A_188 : i32 to vector<16xi32>
        %add3A_361 = arith.addi %while3A_352, %add3A_360 : vector<16xi32>
        scf.yield %add3A_359, %add3A_361 : vector<16xi32>, vector<16xi32>
      }
      %add3A_201 = arith.addi %mul3A_25, %mul3A_23 : i32
      %mul3A_202 = arith.constant 512 : i32
      %mul3A_203 = arith.muli %add3A_75, %mul3A_202 : i32
      %add3A_204 = arith.addi %add3A_201, %mul3A_203 : i32
      %mul3A_205 = arith.constant 16 : i32
      %mul3A_206 = arith.muli %add3A_204, %mul3A_205 : i32
      %dma_start3A_207 = tpu.memref_slice %arg4[%mul3A_206] : memref<64000000xf32, #tpu.memory_space<hbm>> -> memref<8192xf32, #tpu.memory_space<hbm>>
      %dma_start3A_208 = tpu.memref_slice %arg4[%mul3A_206] : memref<64000000xf32, #tpu.memory_space<hbm>> -> memref<8192xf32, #tpu.memory_space<hbm>>
      tpu.enqueue_dma source(%arg7 : memref<8192xf32, #tpu.memory_space<vmem>>) target(%dma_start3A_208 : memref<8192xf32, #tpu.memory_space<hbm>>) target_semaphore(%arg12 : memref<!tpu.dma_semaphore, #tpu.memory_space<semaphore_mem>>)
      %mul3A_209 = arith.constant 2 : i32
      %mul3A_210 = arith.muli %while3A_70, %mul3A_209 : i32
      %add3A_211 = arith.constant 1 : i32
      %add3A_212 = arith.addi %mul3A_210, %add3A_211 : i32
      %mul3A_213 = arith.constant 512 : i32
      %mul3A_214 = arith.muli %add3A_212, %mul3A_213 : i32
      %add3A_215 = arith.addi %mul3A_23, %mul3A_214 : i32
      %dma_wait3A_216 = arith.constant 0 : i32
      %dma_wait3A_217 = arith.constant 0 : i32
      %dma_wait3A_218 = tpu.memref_slice %arg6[%dma_wait3A_216, %dma_wait3A_217] : memref<16x640xf32, #tpu.memory_space<vmem>> -> memref<16x512xf32, #tpu.memory_space<vmem>>
      %dma_wait3A_219 = tpu.memref_slice %arg2[%mul3A_21, %add3A_215] : memref<64x1000000xf32, #tpu.memory_space<hbm>> -> memref<16x512xf32, #tpu.memory_space<hbm>>
      %dma_wait3A_220 = arith.constant 0 : i32
      %dma_wait3A_221 = arith.constant 0 : i32
      %dma_wait3A_222 = tpu.memref_slice %arg6[%dma_wait3A_220, %dma_wait3A_221] : memref<16x640xf32, #tpu.memory_space<vmem>> -> memref<16x512xf32, #tpu.memory_space<vmem>>
      %dma_wait3A_223 = tpu.memref_slice %arg2[%mul3A_21, %add3A_215] : memref<64x1000000xf32, #tpu.memory_space<hbm>> -> memref<16x512xf32, #tpu.memory_space<hbm>>
      tpu.wait_dma2 semaphore(%arg11 : memref<!tpu.dma_semaphore, #tpu.memory_space<semaphore_mem>>) src(%dma_wait3A_223 : memref<16x512xf32, #tpu.memory_space<hbm>>) dst(%dma_wait3A_222 : memref<16x512xf32, #tpu.memory_space<vmem>>)
      %add3A_224 = arith.constant 1 : i32
      %add3A_225 = arith.addi %add3A_212, %add3A_224 : i32
      %lt3A_226 = arith.constant 244 : i32
      %lt3A_227 = arith.cmpi slt, %add3A_225, %lt3A_226 : i32
      %convert_element_type3A_228 = arith.extui %lt3A_227 : i1 to i32
      %cond3A_229 = arith.constant 0 : i32
      %cond3A_230 = arith.cmpi ne, %convert_element_type3A_228, %cond3A_229 : i32
      scf.if %cond3A_230 {
        %add3A_350 = arith.constant 1 : i32
        %add3A_351 = arith.addi %add3A_212, %add3A_350 : i32
        %mul3A_352 = arith.constant 512 : i32
        %mul3A_353 = arith.muli %add3A_351, %mul3A_352 : i32
        %add3A_354 = arith.addi %mul3A_23, %mul3A_353 : i32
        %dma_start3A_355 = arith.constant 0 : i32
        %dma_start3A_356 = arith.constant 0 : i32
        %dma_start3A_357 = tpu.memref_slice %arg5[%dma_start3A_355, %dma_start3A_356] : memref<16x640xf32, #tpu.memory_space<vmem>> -> memref<16x512xf32, #tpu.memory_space<vmem>>
        %dma_start3A_358 = tpu.memref_slice %arg2[%mul3A_21, %add3A_354] : memref<64x1000000xf32, #tpu.memory_space<hbm>> -> memref<16x512xf32, #tpu.memory_space<hbm>>
        %dma_start3A_359 = arith.constant 0 : i32
        %dma_start3A_360 = arith.constant 0 : i32
        %dma_start3A_361 = tpu.memref_slice %arg5[%dma_start3A_359, %dma_start3A_360] : memref<16x640xf32, #tpu.memory_space<vmem>> -> memref<16x512xf32, #tpu.memory_space<vmem>>
        %dma_start3A_362 = tpu.memref_slice %arg2[%mul3A_21, %add3A_354] : memref<64x1000000xf32, #tpu.memory_space<hbm>> -> memref<16x512xf32, #tpu.memory_space<hbm>>
        tpu.enqueue_dma source(%dma_start3A_362 : memref<16x512xf32, #tpu.memory_space<hbm>>) target(%dma_start3A_361 : memref<16x512xf32, #tpu.memory_space<vmem>>) target_semaphore(%arg10 : memref<!tpu.dma_semaphore, #tpu.memory_space<semaphore_mem>>)
      } else {
      }
      %gt3A_231 = arith.constant 0 : i32
      %gt3A_232 = arith.cmpi sgt, %while3A_70, %gt3A_231 : i32
      %convert_element_type3A_233 = arith.extui %gt3A_232 : i1 to i32
      %cond3A_234 = arith.constant 0 : i32
      %cond3A_235 = arith.cmpi ne, %convert_element_type3A_233, %cond3A_234 : i32
      scf.if %cond3A_235 {
        %add3A_350 = arith.addi %mul3A_25, %mul3A_23 : i32
        %mul3A_351 = arith.constant 512 : i32
        %mul3A_352 = arith.muli %add3A_212, %mul3A_351 : i32
        %add3A_353 = arith.addi %add3A_350, %mul3A_352 : i32
        %mul3A_354 = arith.constant 16 : i32
        %mul3A_355 = arith.muli %add3A_353, %mul3A_354 : i32
        %dma_wait3A_356 = tpu.memref_slice %arg4[%mul3A_355] : memref<64000000xf32, #tpu.memory_space<hbm>> -> memref<8192xf32, #tpu.memory_space<hbm>>
        %dma_wait3A_357 = tpu.memref_slice %arg4[%mul3A_355] : memref<64000000xf32, #tpu.memory_space<hbm>> -> memref<8192xf32, #tpu.memory_space<hbm>>
        tpu.wait_dma2 semaphore(%arg13 : memref<!tpu.dma_semaphore, #tpu.memory_space<semaphore_mem>>) src(%arg8 : memref<8192xf32, #tpu.memory_space<vmem>>) dst(%dma_wait3A_357 : memref<8192xf32, #tpu.memory_space<hbm>>)
      } else {
      }
      %iota3A_236 = tpu.iota {dimensions = array<i32: 0>} : vector<16xi32>
      %mul3A_237 = arith.constant 17 : i32
      %mul3A_238 = vector.broadcast %mul3A_237 : i32 to vector<16xi32>
      %mul3A_239 = arith.muli %iota3A_236, %mul3A_238 : vector<16xi32>
      %add3A_240 = arith.constant 0 : i32
      %add3A_241 = vector.broadcast %add3A_240 : i32 to vector<16xi32>
      %add3A_242 = arith.addi %mul3A_239, %add3A_241 : vector<16xi32>
      %mul3A_243 = arith.constant 17 : i32
      %mul3A_244 = vector.broadcast %mul3A_243 : i32 to vector<16xi32>
      %mul3A_245 = arith.muli %iota3A_236, %mul3A_244 : vector<16xi32>
      %add3A_246 = arith.constant 16 : i32
      %add3A_247 = vector.broadcast %add3A_246 : i32 to vector<16xi32>
      %add3A_248 = arith.addi %mul3A_245, %add3A_247 : vector<16xi32>
      %mul3A_249 = arith.constant 17 : i32
      %mul3A_250 = vector.broadcast %mul3A_249 : i32 to vector<16xi32>
      %mul3A_251 = arith.muli %iota3A_236, %mul3A_250 : vector<16xi32>
      %add3A_252 = arith.constant 32 : i32
      %add3A_253 = vector.broadcast %add3A_252 : i32 to vector<16xi32>
      %add3A_254 = arith.addi %mul3A_251, %add3A_253 : vector<16xi32>
      %mul3A_255 = arith.constant 17 : i32
      %mul3A_256 = vector.broadcast %mul3A_255 : i32 to vector<16xi32>
      %mul3A_257 = arith.muli %iota3A_236, %mul3A_256 : vector<16xi32>
      %add3A_258 = arith.constant 48 : i32
      %add3A_259 = vector.broadcast %add3A_258 : i32 to vector<16xi32>
      %add3A_260 = arith.addi %mul3A_257, %add3A_259 : vector<16xi32>
      %mul3A_261 = arith.constant 17 : i32
      %mul3A_262 = vector.broadcast %mul3A_261 : i32 to vector<16xi32>
      %mul3A_263 = arith.muli %iota3A_236, %mul3A_262 : vector<16xi32>
      %add3A_264 = arith.constant 64 : i32
      %add3A_265 = vector.broadcast %add3A_264 : i32 to vector<16xi32>
      %add3A_266 = arith.addi %mul3A_263, %add3A_265 : vector<16xi32>
      %mul3A_267 = arith.constant 17 : i32
      %mul3A_268 = vector.broadcast %mul3A_267 : i32 to vector<16xi32>
      %mul3A_269 = arith.muli %iota3A_236, %mul3A_268 : vector<16xi32>
      %add3A_270 = arith.constant 80 : i32
      %add3A_271 = vector.broadcast %add3A_270 : i32 to vector<16xi32>
      %add3A_272 = arith.addi %mul3A_269, %add3A_271 : vector<16xi32>
      %mul3A_273 = arith.constant 17 : i32
      %mul3A_274 = vector.broadcast %mul3A_273 : i32 to vector<16xi32>
      %mul3A_275 = arith.muli %iota3A_236, %mul3A_274 : vector<16xi32>
      %add3A_276 = arith.constant 96 : i32
      %add3A_277 = vector.broadcast %add3A_276 : i32 to vector<16xi32>
      %add3A_278 = arith.addi %mul3A_275, %add3A_277 : vector<16xi32>
      %mul3A_279 = arith.constant 17 : i32
      %mul3A_280 = vector.broadcast %mul3A_279 : i32 to vector<16xi32>
      %mul3A_281 = arith.muli %iota3A_236, %mul3A_280 : vector<16xi32>
      %add3A_282 = arith.constant 112 : i32
      %add3A_283 = vector.broadcast %add3A_282 : i32 to vector<16xi32>
      %add3A_284 = arith.addi %mul3A_281, %add3A_283 : vector<16xi32>
      %sub3A_285 = arith.constant 15 : i32
      %sub3A_286 = vector.broadcast %sub3A_285 : i32 to vector<16xi32>
      %sub3A_287 = arith.subi %iota3A_236, %sub3A_286 : vector<16xi32>
      %mul3A_288 = arith.constant 17 : i32
      %mul3A_289 = vector.broadcast %mul3A_288 : i32 to vector<16xi32>
      %mul3A_290 = arith.muli %iota3A_236, %mul3A_289 : vector<16xi32>
      %sub3A_291 = arith.constant 240 : i32
      %sub3A_292 = vector.broadcast %sub3A_291 : i32 to vector<16xi32>
      %sub3A_293 = arith.subi %mul3A_290, %sub3A_292 : vector<16xi32>
      %while3A_294 = arith.constant 1 : i32
      %while3A_295 = arith.constant 16 : i32
      %while3A_296 = arith.constant 0 : i32
      %while3A_297 = arith.constant 15 : i32
      %while3A_298 = arith.subi %while3A_297, %while3A_296 : i32
      %while3A_299 = arith.addi %while3A_296, %while3A_298 : i32
      %while3A_300 = arith.constant 1 : i32
      %while3A_301 = arith.divsi %while3A_298, %while3A_300 : i32
      %while3A_302 = arith.muli %while3A_301, %while3A_300 : i32
      %while3A_303 = arith.addi %while3A_296, %while3A_302 : i32
      %while3A_304 = arith.constant 1 : i32
      %while3A_305:2 = scf.for %while3A_350 = %while3A_296 to %while3A_303 step %while3A_304 iter_args(%while3A_351 = %sub3A_287, %while3A_352 = %sub3A_293) -> (vector<16xi32>, vector<16xi32>)  : i32 {
        %ge3A = arith.constant 0 : i32
        %ge3A_353 = vector.broadcast %ge3A : i32 to vector<16xi32>
        %ge3A_354 = arith.cmpi sge, %while3A_351, %ge3A_353 : vector<16xi32>
        %max3A = arith.constant 0 : i32
        %max3A_355 = vector.broadcast %max3A : i32 to vector<16xi32>
        %max3A_356 = arith.maxsi %while3A_351, %max3A_355 : vector<16xi32>
        %gather3A = tpu.vector_load_idx %arg6[%iota3A_236, %max3A_356] : memref<16x640xf32, #tpu.memory_space<vmem>>[vector<16xi32>, vector<16xi32>], vector<16xf32>,
        tpu.vector_store_idx %arg8[%while3A_352], %gather3A masked %ge3A_354 : memref<8192xf32, #tpu.memory_space<vmem>>[vector<16xi32>], vector<16xf32>, vector<16xi1>
        %add3A_357 = vector.broadcast %while3A_294 : i32 to vector<16xi32>
        %add3A_358 = arith.addi %while3A_351, %add3A_357 : vector<16xi32>
        %add3A_359 = vector.broadcast %while3A_295 : i32 to vector<16xi32>
        %add3A_360 = arith.addi %while3A_352, %add3A_359 : vector<16xi32>
        scf.yield %add3A_358, %add3A_360 : vector<16xi32>, vector<16xi32>
      }
      %while3A_306 = arith.constant 1 : i32
      %while3A_307:2 = scf.for %while3A_350 = %while3A_303 to %while3A_299 step %while3A_306 iter_args(%while3A_351 = %while3A_305#0, %while3A_352 = %while3A_305#1) -> (vector<16xi32>, vector<16xi32>)  : i32 {
        %ge3A = arith.constant 0 : i32
        %ge3A_353 = vector.broadcast %ge3A : i32 to vector<16xi32>
        %ge3A_354 = arith.cmpi sge, %while3A_351, %ge3A_353 : vector<16xi32>
        %max3A = arith.constant 0 : i32
        %max3A_355 = vector.broadcast %max3A : i32 to vector<16xi32>
        %max3A_356 = arith.maxsi %while3A_351, %max3A_355 : vector<16xi32>
        %gather3A = tpu.vector_load_idx %arg6[%iota3A_236, %max3A_356] : memref<16x640xf32, #tpu.memory_space<vmem>>[vector<16xi32>, vector<16xi32>], vector<16xf32>,
        tpu.vector_store_idx %arg8[%while3A_352], %gather3A masked %ge3A_354 : memref<8192xf32, #tpu.memory_space<vmem>>[vector<16xi32>], vector<16xf32>, vector<16xi1>
        %add3A_357 = vector.broadcast %while3A_294 : i32 to vector<16xi32>
        %add3A_358 = arith.addi %while3A_351, %add3A_357 : vector<16xi32>
        %add3A_359 = vector.broadcast %while3A_295 : i32 to vector<16xi32>
        %add3A_360 = arith.addi %while3A_352, %add3A_359 : vector<16xi32>
        scf.yield %add3A_358, %add3A_360 : vector<16xi32>, vector<16xi32>
      }
      %while3A_308 = arith.constant 1 : i32
      %while3A_309 = arith.constant 0 : i32
      %while3A_310 = arith.constant 62 : i32
      %while3A_311 = arith.subi %while3A_310, %while3A_309 : i32
      %while3A_312 = arith.addi %while3A_309, %while3A_311 : i32
      %while3A_313 = arith.constant 1 : i32
      %while3A_314 = arith.divsi %while3A_311, %while3A_313 : i32
      %while3A_315 = arith.muli %while3A_314, %while3A_313 : i32
      %while3A_316 = arith.addi %while3A_309, %while3A_315 : i32
      %while3A_317 = arith.constant 1 : i32
      %while3A_318 = scf.for %while3A_350 = %while3A_309 to %while3A_316 step %while3A_317 iter_args(%while3A_351 = %while3A_307#0) -> (vector<16xi32>)  : i32 {
        %mul3A_352 = arith.constant 128 : i32
        %mul3A_353 = arith.muli %while3A_350, %mul3A_352 : i32
        %gather3A = tpu.vector_load_idx %arg6[%iota3A_236, %while3A_351] : memref<16x640xf32, #tpu.memory_space<vmem>>[vector<16xi32>, vector<16xi32>], vector<16xf32>,
        %scatter3A = tpu.memref_slice %arg8[%mul3A_353] : memref<8192xf32, #tpu.memory_space<vmem>> -> memref<384xf32, #tpu.memory_space<vmem>>
        tpu.vector_store_idx %scatter3A[%add3A_242], %gather3A : memref<384xf32, #tpu.memory_space<vmem>>[vector<16xi32>], vector<16xf32>,
        %add3A_354 = vector.broadcast %while3A_308 : i32 to vector<16xi32>
        %add3A_355 = arith.addi %while3A_351, %add3A_354 : vector<16xi32>
        %gather3A_356 = tpu.vector_load_idx %arg6[%iota3A_236, %add3A_355] : memref<16x640xf32, #tpu.memory_space<vmem>>[vector<16xi32>, vector<16xi32>], vector<16xf32>,
        %scatter3A_357 = tpu.memref_slice %arg8[%mul3A_353] : memref<8192xf32, #tpu.memory_space<vmem>> -> memref<384xf32, #tpu.memory_space<vmem>>
        tpu.vector_store_idx %scatter3A_357[%add3A_248], %gather3A_356 : memref<384xf32, #tpu.memory_space<vmem>>[vector<16xi32>], vector<16xf32>,
        %add3A_358 = vector.broadcast %while3A_308 : i32 to vector<16xi32>
        %add3A_359 = arith.addi %add3A_355, %add3A_358 : vector<16xi32>
        %gather3A_360 = tpu.vector_load_idx %arg6[%iota3A_236, %add3A_359] : memref<16x640xf32, #tpu.memory_space<vmem>>[vector<16xi32>, vector<16xi32>], vector<16xf32>,
        %scatter3A_361 = tpu.memref_slice %arg8[%mul3A_353] : memref<8192xf32, #tpu.memory_space<vmem>> -> memref<384xf32, #tpu.memory_space<vmem>>
        tpu.vector_store_idx %scatter3A_361[%add3A_254], %gather3A_360 : memref<384xf32, #tpu.memory_space<vmem>>[vector<16xi32>], vector<16xf32>,
        %add3A_362 = vector.broadcast %while3A_308 : i32 to vector<16xi32>
        %add3A_363 = arith.addi %add3A_359, %add3A_362 : vector<16xi32>
        %gather3A_364 = tpu.vector_load_idx %arg6[%iota3A_236, %add3A_363] : memref<16x640xf32, #tpu.memory_space<vmem>>[vector<16xi32>, vector<16xi32>], vector<16xf32>,
        %scatter3A_365 = tpu.memref_slice %arg8[%mul3A_353] : memref<8192xf32, #tpu.memory_space<vmem>> -> memref<384xf32, #tpu.memory_space<vmem>>
        tpu.vector_store_idx %scatter3A_365[%add3A_260], %gather3A_364 : memref<384xf32, #tpu.memory_space<vmem>>[vector<16xi32>], vector<16xf32>,
        %add3A_366 = vector.broadcast %while3A_308 : i32 to vector<16xi32>
        %add3A_367 = arith.addi %add3A_363, %add3A_366 : vector<16xi32>
        %gather3A_368 = tpu.vector_load_idx %arg6[%iota3A_236, %add3A_367] : memref<16x640xf32, #tpu.memory_space<vmem>>[vector<16xi32>, vector<16xi32>], vector<16xf32>,
        %scatter3A_369 = tpu.memref_slice %arg8[%mul3A_353] : memref<8192xf32, #tpu.memory_space<vmem>> -> memref<384xf32, #tpu.memory_space<vmem>>
        tpu.vector_store_idx %scatter3A_369[%add3A_266], %gather3A_368 : memref<384xf32, #tpu.memory_space<vmem>>[vector<16xi32>], vector<16xf32>,
        %add3A_370 = vector.broadcast %while3A_308 : i32 to vector<16xi32>
        %add3A_371 = arith.addi %add3A_367, %add3A_370 : vector<16xi32>
        %gather3A_372 = tpu.vector_load_idx %arg6[%iota3A_236, %add3A_371] : memref<16x640xf32, #tpu.memory_space<vmem>>[vector<16xi32>, vector<16xi32>], vector<16xf32>,
        %scatter3A_373 = tpu.memref_slice %arg8[%mul3A_353] : memref<8192xf32, #tpu.memory_space<vmem>> -> memref<384xf32, #tpu.memory_space<vmem>>
        tpu.vector_store_idx %scatter3A_373[%add3A_272], %gather3A_372 : memref<384xf32, #tpu.memory_space<vmem>>[vector<16xi32>], vector<16xf32>,
        %add3A_374 = vector.broadcast %while3A_308 : i32 to vector<16xi32>
        %add3A_375 = arith.addi %add3A_371, %add3A_374 : vector<16xi32>
        %gather3A_376 = tpu.vector_load_idx %arg6[%iota3A_236, %add3A_375] : memref<16x640xf32, #tpu.memory_space<vmem>>[vector<16xi32>, vector<16xi32>], vector<16xf32>,
        %scatter3A_377 = tpu.memref_slice %arg8[%mul3A_353] : memref<8192xf32, #tpu.memory_space<vmem>> -> memref<384xf32, #tpu.memory_space<vmem>>
        tpu.vector_store_idx %scatter3A_377[%add3A_278], %gather3A_376 : memref<384xf32, #tpu.memory_space<vmem>>[vector<16xi32>], vector<16xf32>,
        %add3A_378 = vector.broadcast %while3A_308 : i32 to vector<16xi32>
        %add3A_379 = arith.addi %add3A_375, %add3A_378 : vector<16xi32>
        %gather3A_380 = tpu.vector_load_idx %arg6[%iota3A_236, %add3A_379] : memref<16x640xf32, #tpu.memory_space<vmem>>[vector<16xi32>, vector<16xi32>], vector<16xf32>,
        %scatter3A_381 = tpu.memref_slice %arg8[%mul3A_353] : memref<8192xf32, #tpu.memory_space<vmem>> -> memref<384xf32, #tpu.memory_space<vmem>>
        tpu.vector_store_idx %scatter3A_381[%add3A_284], %gather3A_380 : memref<384xf32, #tpu.memory_space<vmem>>[vector<16xi32>], vector<16xf32>,
        %add3A_382 = vector.broadcast %while3A_308 : i32 to vector<16xi32>
        %add3A_383 = arith.addi %add3A_379, %add3A_382 : vector<16xi32>
        scf.yield %add3A_383 : vector<16xi32>
      }
      %while3A_319 = arith.constant 1 : i32
      %while3A_320 = scf.for %while3A_350 = %while3A_316 to %while3A_312 step %while3A_319 iter_args(%while3A_351 = %while3A_318) -> (vector<16xi32>)  : i32 {
        %mul3A_352 = arith.constant 128 : i32
        %mul3A_353 = arith.muli %while3A_350, %mul3A_352 : i32
        %gather3A = tpu.vector_load_idx %arg6[%iota3A_236, %while3A_351] : memref<16x640xf32, #tpu.memory_space<vmem>>[vector<16xi32>, vector<16xi32>], vector<16xf32>,
        %scatter3A = tpu.memref_slice %arg8[%mul3A_353] : memref<8192xf32, #tpu.memory_space<vmem>> -> memref<384xf32, #tpu.memory_space<vmem>>
        tpu.vector_store_idx %scatter3A[%add3A_242], %gather3A : memref<384xf32, #tpu.memory_space<vmem>>[vector<16xi32>], vector<16xf32>,
        %add3A_354 = vector.broadcast %while3A_308 : i32 to vector<16xi32>
        %add3A_355 = arith.addi %while3A_351, %add3A_354 : vector<16xi32>
        %gather3A_356 = tpu.vector_load_idx %arg6[%iota3A_236, %add3A_355] : memref<16x640xf32, #tpu.memory_space<vmem>>[vector<16xi32>, vector<16xi32>], vector<16xf32>,
        %scatter3A_357 = tpu.memref_slice %arg8[%mul3A_353] : memref<8192xf32, #tpu.memory_space<vmem>> -> memref<384xf32, #tpu.memory_space<vmem>>
        tpu.vector_store_idx %scatter3A_357[%add3A_248], %gather3A_356 : memref<384xf32, #tpu.memory_space<vmem>>[vector<16xi32>], vector<16xf32>,
        %add3A_358 = vector.broadcast %while3A_308 : i32 to vector<16xi32>
        %add3A_359 = arith.addi %add3A_355, %add3A_358 : vector<16xi32>
        %gather3A_360 = tpu.vector_load_idx %arg6[%iota3A_236, %add3A_359] : memref<16x640xf32, #tpu.memory_space<vmem>>[vector<16xi32>, vector<16xi32>], vector<16xf32>,
        %scatter3A_361 = tpu.memref_slice %arg8[%mul3A_353] : memref<8192xf32, #tpu.memory_space<vmem>> -> memref<384xf32, #tpu.memory_space<vmem>>
        tpu.vector_store_idx %scatter3A_361[%add3A_254], %gather3A_360 : memref<384xf32, #tpu.memory_space<vmem>>[vector<16xi32>], vector<16xf32>,
        %add3A_362 = vector.broadcast %while3A_308 : i32 to vector<16xi32>
        %add3A_363 = arith.addi %add3A_359, %add3A_362 : vector<16xi32>
        %gather3A_364 = tpu.vector_load_idx %arg6[%iota3A_236, %add3A_363] : memref<16x640xf32, #tpu.memory_space<vmem>>[vector<16xi32>, vector<16xi32>], vector<16xf32>,
        %scatter3A_365 = tpu.memref_slice %arg8[%mul3A_353] : memref<8192xf32, #tpu.memory_space<vmem>> -> memref<384xf32, #tpu.memory_space<vmem>>
        tpu.vector_store_idx %scatter3A_365[%add3A_260], %gather3A_364 : memref<384xf32, #tpu.memory_space<vmem>>[vector<16xi32>], vector<16xf32>,
        %add3A_366 = vector.broadcast %while3A_308 : i32 to vector<16xi32>
        %add3A_367 = arith.addi %add3A_363, %add3A_366 : vector<16xi32>
        %gather3A_368 = tpu.vector_load_idx %arg6[%iota3A_236, %add3A_367] : memref<16x640xf32, #tpu.memory_space<vmem>>[vector<16xi32>, vector<16xi32>], vector<16xf32>,
        %scatter3A_369 = tpu.memref_slice %arg8[%mul3A_353] : memref<8192xf32, #tpu.memory_space<vmem>> -> memref<384xf32, #tpu.memory_space<vmem>>
        tpu.vector_store_idx %scatter3A_369[%add3A_266], %gather3A_368 : memref<384xf32, #tpu.memory_space<vmem>>[vector<16xi32>], vector<16xf32>,
        %add3A_370 = vector.broadcast %while3A_308 : i32 to vector<16xi32>
        %add3A_371 = arith.addi %add3A_367, %add3A_370 : vector<16xi32>
        %gather3A_372 = tpu.vector_load_idx %arg6[%iota3A_236, %add3A_371] : memref<16x640xf32, #tpu.memory_space<vmem>>[vector<16xi32>, vector<16xi32>], vector<16xf32>,
        %scatter3A_373 = tpu.memref_slice %arg8[%mul3A_353] : memref<8192xf32, #tpu.memory_space<vmem>> -> memref<384xf32, #tpu.memory_space<vmem>>
        tpu.vector_store_idx %scatter3A_373[%add3A_272], %gather3A_372 : memref<384xf32, #tpu.memory_space<vmem>>[vector<16xi32>], vector<16xf32>,
        %add3A_374 = vector.broadcast %while3A_308 : i32 to vector<16xi32>
        %add3A_375 = arith.addi %add3A_371, %add3A_374 : vector<16xi32>
        %gather3A_376 = tpu.vector_load_idx %arg6[%iota3A_236, %add3A_375] : memref<16x640xf32, #tpu.memory_space<vmem>>[vector<16xi32>, vector<16xi32>], vector<16xf32>,
        %scatter3A_377 = tpu.memref_slice %arg8[%mul3A_353] : memref<8192xf32, #tpu.memory_space<vmem>> -> memref<384xf32, #tpu.memory_space<vmem>>
        tpu.vector_store_idx %scatter3A_377[%add3A_278], %gather3A_376 : memref<384xf32, #tpu.memory_space<vmem>>[vector<16xi32>], vector<16xf32>,
        %add3A_378 = vector.broadcast %while3A_308 : i32 to vector<16xi32>
        %add3A_379 = arith.addi %add3A_375, %add3A_378 : vector<16xi32>
        %gather3A_380 = tpu.vector_load_idx %arg6[%iota3A_236, %add3A_379] : memref<16x640xf32, #tpu.memory_space<vmem>>[vector<16xi32>, vector<16xi32>], vector<16xf32>,
        %scatter3A_381 = tpu.memref_slice %arg8[%mul3A_353] : memref<8192xf32, #tpu.memory_space<vmem>> -> memref<384xf32, #tpu.memory_space<vmem>>
        tpu.vector_store_idx %scatter3A_381[%add3A_284], %gather3A_380 : memref<384xf32, #tpu.memory_space<vmem>>[vector<16xi32>], vector<16xf32>,
        %add3A_382 = vector.broadcast %while3A_308 : i32 to vector<16xi32>
        %add3A_383 = arith.addi %add3A_379, %add3A_382 : vector<16xi32>
        scf.yield %add3A_383 : vector<16xi32>
      }
      %mul3A_321 = arith.constant 17 : i32
      %mul3A_322 = vector.broadcast %mul3A_321 : i32 to vector<16xi32>
      %mul3A_323 = arith.muli %iota3A_236, %mul3A_322 : vector<16xi32>
      %add3A_324 = arith.constant 7936 : i32
      %add3A_325 = vector.broadcast %add3A_324 : i32 to vector<16xi32>
      %add3A_326 = arith.addi %mul3A_323, %add3A_325 : vector<16xi32>
      %while3A_327 = arith.constant 1 : i32
      %while3A_328 = arith.constant 16 : i32
      %while3A_329 = arith.constant 0 : i32
      %while3A_330 = arith.constant 16 : i32
      %while3A_331 = arith.subi %while3A_330, %while3A_329 : i32
      %while3A_332 = arith.addi %while3A_329, %while3A_331 : i32
      %while3A_333 = arith.constant 1 : i32
      %while3A_334 = arith.divsi %while3A_331, %while3A_333 : i32
      %while3A_335 = arith.muli %while3A_334, %while3A_333 : i32
      %while3A_336 = arith.addi %while3A_329, %while3A_335 : i32
      %while3A_337 = arith.constant 1 : i32
      %while3A_338:2 = scf.for %while3A_350 = %while3A_329 to %while3A_336 step %while3A_337 iter_args(%while3A_351 = %while3A_320, %while3A_352 = %add3A_326) -> (vector<16xi32>, vector<16xi32>)  : i32 {
        %lt3A_353 = arith.constant 512 : i32
        %lt3A_354 = vector.broadcast %lt3A_353 : i32 to vector<16xi32>
        %lt3A_355 = arith.cmpi slt, %while3A_351, %lt3A_354 : vector<16xi32>
        %max3A = arith.constant 0 : i32
        %max3A_356 = vector.broadcast %max3A : i32 to vector<16xi32>
        %max3A_357 = arith.maxsi %while3A_351, %max3A_356 : vector<16xi32>
        %gather3A = tpu.vector_load_idx %arg6[%iota3A_236, %max3A_357] : memref<16x640xf32, #tpu.memory_space<vmem>>[vector<16xi32>, vector<16xi32>], vector<16xf32>,
        tpu.vector_store_idx %arg8[%while3A_352], %gather3A masked %lt3A_355 : memref<8192xf32, #tpu.memory_space<vmem>>[vector<16xi32>], vector<16xf32>, vector<16xi1>
        %add3A_358 = vector.broadcast %while3A_327 : i32 to vector<16xi32>
        %add3A_359 = arith.addi %while3A_351, %add3A_358 : vector<16xi32>
        %add3A_360 = vector.broadcast %while3A_328 : i32 to vector<16xi32>
        %add3A_361 = arith.addi %while3A_352, %add3A_360 : vector<16xi32>
        scf.yield %add3A_359, %add3A_361 : vector<16xi32>, vector<16xi32>
      }
      %while3A_339 = arith.constant 1 : i32
      %while3A_340:2 = scf.for %while3A_350 = %while3A_336 to %while3A_332 step %while3A_339 iter_args(%while3A_351 = %while3A_338#0, %while3A_352 = %while3A_338#1) -> (vector<16xi32>, vector<16xi32>)  : i32 {
        %lt3A_353 = arith.constant 512 : i32
        %lt3A_354 = vector.broadcast %lt3A_353 : i32 to vector<16xi32>
        %lt3A_355 = arith.cmpi slt, %while3A_351, %lt3A_354 : vector<16xi32>
        %max3A = arith.constant 0 : i32
        %max3A_356 = vector.broadcast %max3A : i32 to vector<16xi32>
        %max3A_357 = arith.maxsi %while3A_351, %max3A_356 : vector<16xi32>
        %gather3A = tpu.vector_load_idx %arg6[%iota3A_236, %max3A_357] : memref<16x640xf32, #tpu.memory_space<vmem>>[vector<16xi32>, vector<16xi32>], vector<16xf32>,
        tpu.vector_store_idx %arg8[%while3A_352], %gather3A masked %lt3A_355 : memref<8192xf32, #tpu.memory_space<vmem>>[vector<16xi32>], vector<16xf32>, vector<16xi1>
        %add3A_358 = vector.broadcast %while3A_327 : i32 to vector<16xi32>
        %add3A_359 = arith.addi %while3A_351, %add3A_358 : vector<16xi32>
        %add3A_360 = vector.broadcast %while3A_328 : i32 to vector<16xi32>
        %add3A_361 = arith.addi %while3A_352, %add3A_360 : vector<16xi32>
        scf.yield %add3A_359, %add3A_361 : vector<16xi32>, vector<16xi32>
      }
      %add3A_341 = arith.addi %mul3A_25, %mul3A_23 : i32
      %mul3A_342 = arith.constant 512 : i32
      %mul3A_343 = arith.muli %add3A_212, %mul3A_342 : i32
      %add3A_344 = arith.addi %add3A_341, %mul3A_343 : i32
      %mul3A_345 = arith.constant 16 : i32
      %mul3A_346 = arith.muli %add3A_344, %mul3A_345 : i32
      %dma_start3A_347 = tpu.memref_slice %arg4[%mul3A_346] : memref<64000000xf32, #tpu.memory_space<hbm>> -> memref<8192xf32, #tpu.memory_space<hbm>>
      %dma_start3A_348 = tpu.memref_slice %arg4[%mul3A_346] : memref<64000000xf32, #tpu.memory_space<hbm>> -> memref<8192xf32, #tpu.memory_space<hbm>>
      tpu.enqueue_dma source(%arg8 : memref<8192xf32, #tpu.memory_space<vmem>>) target(%dma_start3A_348 : memref<8192xf32, #tpu.memory_space<hbm>>) target_semaphore(%arg13 : memref<!tpu.dma_semaphore, #tpu.memory_space<semaphore_mem>>)
      %while3A_349 = arith.constant 0 : i32
      scf.yield %while3A_349 : i32
    }
    %while3A_47 = arith.constant 1 : i32
    %while3A_48 = scf.for %while3A_70 = %while3A_44 to %while3A_40 step %while3A_47 iter_args(%while3A_71 = %while3A_46) -> (i32)  : i32 {
      %mul3A_72 = arith.constant 2 : i32
      %mul3A_73 = arith.muli %while3A_70, %mul3A_72 : i32
      %add3A_74 = arith.constant 0 : i32
      %add3A_75 = arith.addi %mul3A_73, %add3A_74 : i32
      %mul3A_76 = arith.constant 512 : i32
      %mul3A_77 = arith.muli %add3A_75, %mul3A_76 : i32
      %add3A_78 = arith.addi %mul3A_23, %mul3A_77 : i32
      %dma_wait3A_79 = arith.constant 0 : i32
      %dma_wait3A_80 = arith.constant 0 : i32
      %dma_wait3A_81 = tpu.memref_slice %arg5[%dma_wait3A_79, %dma_wait3A_80] : memref<16x640xf32, #tpu.memory_space<vmem>> -> memref<16x512xf32, #tpu.memory_space<vmem>>
      %dma_wait3A_82 = tpu.memref_slice %arg2[%mul3A_21, %add3A_78] : memref<64x1000000xf32, #tpu.memory_space<hbm>> -> memref<16x512xf32, #tpu.memory_space<hbm>>
      %dma_wait3A_83 = arith.constant 0 : i32
      %dma_wait3A_84 = arith.constant 0 : i32
      %dma_wait3A_85 = tpu.memref_slice %arg5[%dma_wait3A_83, %dma_wait3A_84] : memref<16x640xf32, #tpu.memory_space<vmem>> -> memref<16x512xf32, #tpu.memory_space<vmem>>
      %dma_wait3A_86 = tpu.memref_slice %arg2[%mul3A_21, %add3A_78] : memref<64x1000000xf32, #tpu.memory_space<hbm>> -> memref<16x512xf32, #tpu.memory_space<hbm>>
      tpu.wait_dma2 semaphore(%arg10 : memref<!tpu.dma_semaphore, #tpu.memory_space<semaphore_mem>>) src(%dma_wait3A_86 : memref<16x512xf32, #tpu.memory_space<hbm>>) dst(%dma_wait3A_85 : memref<16x512xf32, #tpu.memory_space<vmem>>)
      %add3A_87 = arith.constant 1 : i32
      %add3A_88 = arith.addi %add3A_75, %add3A_87 : i32
      %lt3A = arith.constant 244 : i32
      %lt3A_89 = arith.cmpi slt, %add3A_88, %lt3A : i32
      %convert_element_type3A_90 = arith.extui %lt3A_89 : i1 to i32
      %cond3A_91 = arith.constant 0 : i32
      %cond3A_92 = arith.cmpi ne, %convert_element_type3A_90, %cond3A_91 : i32
      scf.if %cond3A_92 {
        %add3A_350 = arith.constant 1 : i32
        %add3A_351 = arith.addi %add3A_75, %add3A_350 : i32
        %mul3A_352 = arith.constant 512 : i32
        %mul3A_353 = arith.muli %add3A_351, %mul3A_352 : i32
        %add3A_354 = arith.addi %mul3A_23, %mul3A_353 : i32
        %dma_start3A_355 = arith.constant 0 : i32
        %dma_start3A_356 = arith.constant 0 : i32
        %dma_start3A_357 = tpu.memref_slice %arg6[%dma_start3A_355, %dma_start3A_356] : memref<16x640xf32, #tpu.memory_space<vmem>> -> memref<16x512xf32, #tpu.memory_space<vmem>>
        %dma_start3A_358 = tpu.memref_slice %arg2[%mul3A_21, %add3A_354] : memref<64x1000000xf32, #tpu.memory_space<hbm>> -> memref<16x512xf32, #tpu.memory_space<hbm>>
        %dma_start3A_359 = arith.constant 0 : i32
        %dma_start3A_360 = arith.constant 0 : i32
        %dma_start3A_361 = tpu.memref_slice %arg6[%dma_start3A_359, %dma_start3A_360] : memref<16x640xf32, #tpu.memory_space<vmem>> -> memref<16x512xf32, #tpu.memory_space<vmem>>
        %dma_start3A_362 = tpu.memref_slice %arg2[%mul3A_21, %add3A_354] : memref<64x1000000xf32, #tpu.memory_space<hbm>> -> memref<16x512xf32, #tpu.memory_space<hbm>>
        tpu.enqueue_dma source(%dma_start3A_362 : memref<16x512xf32, #tpu.memory_space<hbm>>) target(%dma_start3A_361 : memref<16x512xf32, #tpu.memory_space<vmem>>) target_semaphore(%arg11 : memref<!tpu.dma_semaphore, #tpu.memory_space<semaphore_mem>>)
      } else {
      }
      %gt3A = arith.constant 0 : i32
      %gt3A_93 = arith.cmpi sgt, %while3A_70, %gt3A : i32
      %convert_element_type3A_94 = arith.extui %gt3A_93 : i1 to i32
      %cond3A_95 = arith.constant 0 : i32
      %cond3A_96 = arith.cmpi ne, %convert_element_type3A_94, %cond3A_95 : i32
      scf.if %cond3A_96 {
        %add3A_350 = arith.addi %mul3A_25, %mul3A_23 : i32
        %mul3A_351 = arith.constant 512 : i32
        %mul3A_352 = arith.muli %add3A_75, %mul3A_351 : i32
        %add3A_353 = arith.addi %add3A_350, %mul3A_352 : i32
        %mul3A_354 = arith.constant 16 : i32
        %mul3A_355 = arith.muli %add3A_353, %mul3A_354 : i32
        %dma_wait3A_356 = tpu.memref_slice %arg4[%mul3A_355] : memref<64000000xf32, #tpu.memory_space<hbm>> -> memref<8192xf32, #tpu.memory_space<hbm>>
        %dma_wait3A_357 = tpu.memref_slice %arg4[%mul3A_355] : memref<64000000xf32, #tpu.memory_space<hbm>> -> memref<8192xf32, #tpu.memory_space<hbm>>
        tpu.wait_dma2 semaphore(%arg12 : memref<!tpu.dma_semaphore, #tpu.memory_space<semaphore_mem>>) src(%arg7 : memref<8192xf32, #tpu.memory_space<vmem>>) dst(%dma_wait3A_357 : memref<8192xf32, #tpu.memory_space<hbm>>)
      } else {
      }
      %iota3A = tpu.iota {dimensions = array<i32: 0>} : vector<16xi32>
      %mul3A_97 = arith.constant 17 : i32
      %mul3A_98 = vector.broadcast %mul3A_97 : i32 to vector<16xi32>
      %mul3A_99 = arith.muli %iota3A, %mul3A_98 : vector<16xi32>
      %add3A_100 = arith.constant 0 : i32
      %add3A_101 = vector.broadcast %add3A_100 : i32 to vector<16xi32>
      %add3A_102 = arith.addi %mul3A_99, %add3A_101 : vector<16xi32>
      %mul3A_103 = arith.constant 17 : i32
      %mul3A_104 = vector.broadcast %mul3A_103 : i32 to vector<16xi32>
      %mul3A_105 = arith.muli %iota3A, %mul3A_104 : vector<16xi32>
      %add3A_106 = arith.constant 16 : i32
      %add3A_107 = vector.broadcast %add3A_106 : i32 to vector<16xi32>
      %add3A_108 = arith.addi %mul3A_105, %add3A_107 : vector<16xi32>
      %mul3A_109 = arith.constant 17 : i32
      %mul3A_110 = vector.broadcast %mul3A_109 : i32 to vector<16xi32>
      %mul3A_111 = arith.muli %iota3A, %mul3A_110 : vector<16xi32>
      %add3A_112 = arith.constant 32 : i32
      %add3A_113 = vector.broadcast %add3A_112 : i32 to vector<16xi32>
      %add3A_114 = arith.addi %mul3A_111, %add3A_113 : vector<16xi32>
      %mul3A_115 = arith.constant 17 : i32
      %mul3A_116 = vector.broadcast %mul3A_115 : i32 to vector<16xi32>
      %mul3A_117 = arith.muli %iota3A, %mul3A_116 : vector<16xi32>
      %add3A_118 = arith.constant 48 : i32
      %add3A_119 = vector.broadcast %add3A_118 : i32 to vector<16xi32>
      %add3A_120 = arith.addi %mul3A_117, %add3A_119 : vector<16xi32>
      %mul3A_121 = arith.constant 17 : i32
      %mul3A_122 = vector.broadcast %mul3A_121 : i32 to vector<16xi32>
      %mul3A_123 = arith.muli %iota3A, %mul3A_122 : vector<16xi32>
      %add3A_124 = arith.constant 64 : i32
      %add3A_125 = vector.broadcast %add3A_124 : i32 to vector<16xi32>
      %add3A_126 = arith.addi %mul3A_123, %add3A_125 : vector<16xi32>
      %mul3A_127 = arith.constant 17 : i32
      %mul3A_128 = vector.broadcast %mul3A_127 : i32 to vector<16xi32>
      %mul3A_129 = arith.muli %iota3A, %mul3A_128 : vector<16xi32>
      %add3A_130 = arith.constant 80 : i32
      %add3A_131 = vector.broadcast %add3A_130 : i32 to vector<16xi32>
      %add3A_132 = arith.addi %mul3A_129, %add3A_131 : vector<16xi32>
      %mul3A_133 = arith.constant 17 : i32
      %mul3A_134 = vector.broadcast %mul3A_133 : i32 to vector<16xi32>
      %mul3A_135 = arith.muli %iota3A, %mul3A_134 : vector<16xi32>
      %add3A_136 = arith.constant 96 : i32
      %add3A_137 = vector.broadcast %add3A_136 : i32 to vector<16xi32>
      %add3A_138 = arith.addi %mul3A_135, %add3A_137 : vector<16xi32>
      %mul3A_139 = arith.constant 17 : i32
      %mul3A_140 = vector.broadcast %mul3A_139 : i32 to vector<16xi32>
      %mul3A_141 = arith.muli %iota3A, %mul3A_140 : vector<16xi32>
      %add3A_142 = arith.constant 112 : i32
      %add3A_143 = vector.broadcast %add3A_142 : i32 to vector<16xi32>
      %add3A_144 = arith.addi %mul3A_141, %add3A_143 : vector<16xi32>
      %sub3A_145 = arith.constant 15 : i32
      %sub3A_146 = vector.broadcast %sub3A_145 : i32 to vector<16xi32>
      %sub3A_147 = arith.subi %iota3A, %sub3A_146 : vector<16xi32>
      %mul3A_148 = arith.constant 17 : i32
      %mul3A_149 = vector.broadcast %mul3A_148 : i32 to vector<16xi32>
      %mul3A_150 = arith.muli %iota3A, %mul3A_149 : vector<16xi32>
      %sub3A_151 = arith.constant 240 : i32
      %sub3A_152 = vector.broadcast %sub3A_151 : i32 to vector<16xi32>
      %sub3A_153 = arith.subi %mul3A_150, %sub3A_152 : vector<16xi32>
      %while3A_154 = arith.constant 1 : i32
      %while3A_155 = arith.constant 16 : i32
      %while3A_156 = arith.constant 0 : i32
      %while3A_157 = arith.constant 15 : i32
      %while3A_158 = arith.subi %while3A_157, %while3A_156 : i32
      %while3A_159 = arith.addi %while3A_156, %while3A_158 : i32
      %while3A_160 = arith.constant 1 : i32
      %while3A_161 = arith.divsi %while3A_158, %while3A_160 : i32
      %while3A_162 = arith.muli %while3A_161, %while3A_160 : i32
      %while3A_163 = arith.addi %while3A_156, %while3A_162 : i32
      %while3A_164 = arith.constant 1 : i32
      %while3A_165:2 = scf.for %while3A_350 = %while3A_156 to %while3A_163 step %while3A_164 iter_args(%while3A_351 = %sub3A_147, %while3A_352 = %sub3A_153) -> (vector<16xi32>, vector<16xi32>)  : i32 {
        %ge3A = arith.constant 0 : i32
        %ge3A_353 = vector.broadcast %ge3A : i32 to vector<16xi32>
        %ge3A_354 = arith.cmpi sge, %while3A_351, %ge3A_353 : vector<16xi32>
        %max3A = arith.constant 0 : i32
        %max3A_355 = vector.broadcast %max3A : i32 to vector<16xi32>
        %max3A_356 = arith.maxsi %while3A_351, %max3A_355 : vector<16xi32>
        %gather3A = tpu.vector_load_idx %arg5[%iota3A, %max3A_356] : memref<16x640xf32, #tpu.memory_space<vmem>>[vector<16xi32>, vector<16xi32>], vector<16xf32>,
        tpu.vector_store_idx %arg7[%while3A_352], %gather3A masked %ge3A_354 : memref<8192xf32, #tpu.memory_space<vmem>>[vector<16xi32>], vector<16xf32>, vector<16xi1>
        %add3A_357 = vector.broadcast %while3A_154 : i32 to vector<16xi32>
        %add3A_358 = arith.addi %while3A_351, %add3A_357 : vector<16xi32>
        %add3A_359 = vector.broadcast %while3A_155 : i32 to vector<16xi32>
        %add3A_360 = arith.addi %while3A_352, %add3A_359 : vector<16xi32>
        scf.yield %add3A_358, %add3A_360 : vector<16xi32>, vector<16xi32>
      }
      %while3A_166 = arith.constant 1 : i32
      %while3A_167:2 = scf.for %while3A_350 = %while3A_163 to %while3A_159 step %while3A_166 iter_args(%while3A_351 = %while3A_165#0, %while3A_352 = %while3A_165#1) -> (vector<16xi32>, vector<16xi32>)  : i32 {
        %ge3A = arith.constant 0 : i32
        %ge3A_353 = vector.broadcast %ge3A : i32 to vector<16xi32>
        %ge3A_354 = arith.cmpi sge, %while3A_351, %ge3A_353 : vector<16xi32>
        %max3A = arith.constant 0 : i32
        %max3A_355 = vector.broadcast %max3A : i32 to vector<16xi32>
        %max3A_356 = arith.maxsi %while3A_351, %max3A_355 : vector<16xi32>
        %gather3A = tpu.vector_load_idx %arg5[%iota3A, %max3A_356] : memref<16x640xf32, #tpu.memory_space<vmem>>[vector<16xi32>, vector<16xi32>], vector<16xf32>,
        tpu.vector_store_idx %arg7[%while3A_352], %gather3A masked %ge3A_354 : memref<8192xf32, #tpu.memory_space<vmem>>[vector<16xi32>], vector<16xf32>, vector<16xi1>
        %add3A_357 = vector.broadcast %while3A_154 : i32 to vector<16xi32>
        %add3A_358 = arith.addi %while3A_351, %add3A_357 : vector<16xi32>
        %add3A_359 = vector.broadcast %while3A_155 : i32 to vector<16xi32>
        %add3A_360 = arith.addi %while3A_352, %add3A_359 : vector<16xi32>
        scf.yield %add3A_358, %add3A_360 : vector<16xi32>, vector<16xi32>
      }
      %while3A_168 = arith.constant 1 : i32
      %while3A_169 = arith.constant 0 : i32
      %while3A_170 = arith.constant 62 : i32
      %while3A_171 = arith.subi %while3A_170, %while3A_169 : i32
      %while3A_172 = arith.addi %while3A_169, %while3A_171 : i32
      %while3A_173 = arith.constant 1 : i32
      %while3A_174 = arith.divsi %while3A_171, %while3A_173 : i32
      %while3A_175 = arith.muli %while3A_174, %while3A_173 : i32
      %while3A_176 = arith.addi %while3A_169, %while3A_175 : i32
      %while3A_177 = arith.constant 1 : i32
      %while3A_178 = scf.for %while3A_350 = %while3A_169 to %while3A_176 step %while3A_177 iter_args(%while3A_351 = %while3A_167#0) -> (vector<16xi32>)  : i32 {
        %mul3A_352 = arith.constant 128 : i32
        %mul3A_353 = arith.muli %while3A_350, %mul3A_352 : i32
        %gather3A = tpu.vector_load_idx %arg5[%iota3A, %while3A_351] : memref<16x640xf32, #tpu.memory_space<vmem>>[vector<16xi32>, vector<16xi32>], vector<16xf32>,
        %scatter3A = tpu.memref_slice %arg7[%mul3A_353] : memref<8192xf32, #tpu.memory_space<vmem>> -> memref<384xf32, #tpu.memory_space<vmem>>
        tpu.vector_store_idx %scatter3A[%add3A_102], %gather3A : memref<384xf32, #tpu.memory_space<vmem>>[vector<16xi32>], vector<16xf32>,
        %add3A_354 = vector.broadcast %while3A_168 : i32 to vector<16xi32>
        %add3A_355 = arith.addi %while3A_351, %add3A_354 : vector<16xi32>
        %gather3A_356 = tpu.vector_load_idx %arg5[%iota3A, %add3A_355] : memref<16x640xf32, #tpu.memory_space<vmem>>[vector<16xi32>, vector<16xi32>], vector<16xf32>,
        %scatter3A_357 = tpu.memref_slice %arg7[%mul3A_353] : memref<8192xf32, #tpu.memory_space<vmem>> -> memref<384xf32, #tpu.memory_space<vmem>>
        tpu.vector_store_idx %scatter3A_357[%add3A_108], %gather3A_356 : memref<384xf32, #tpu.memory_space<vmem>>[vector<16xi32>], vector<16xf32>,
        %add3A_358 = vector.broadcast %while3A_168 : i32 to vector<16xi32>
        %add3A_359 = arith.addi %add3A_355, %add3A_358 : vector<16xi32>
        %gather3A_360 = tpu.vector_load_idx %arg5[%iota3A, %add3A_359] : memref<16x640xf32, #tpu.memory_space<vmem>>[vector<16xi32>, vector<16xi32>], vector<16xf32>,
        %scatter3A_361 = tpu.memref_slice %arg7[%mul3A_353] : memref<8192xf32, #tpu.memory_space<vmem>> -> memref<384xf32, #tpu.memory_space<vmem>>
        tpu.vector_store_idx %scatter3A_361[%add3A_114], %gather3A_360 : memref<384xf32, #tpu.memory_space<vmem>>[vector<16xi32>], vector<16xf32>,
        %add3A_362 = vector.broadcast %while3A_168 : i32 to vector<16xi32>
        %add3A_363 = arith.addi %add3A_359, %add3A_362 : vector<16xi32>
        %gather3A_364 = tpu.vector_load_idx %arg5[%iota3A, %add3A_363] : memref<16x640xf32, #tpu.memory_space<vmem>>[vector<16xi32>, vector<16xi32>], vector<16xf32>,
        %scatter3A_365 = tpu.memref_slice %arg7[%mul3A_353] : memref<8192xf32, #tpu.memory_space<vmem>> -> memref<384xf32, #tpu.memory_space<vmem>>
        tpu.vector_store_idx %scatter3A_365[%add3A_120], %gather3A_364 : memref<384xf32, #tpu.memory_space<vmem>>[vector<16xi32>], vector<16xf32>,
        %add3A_366 = vector.broadcast %while3A_168 : i32 to vector<16xi32>
        %add3A_367 = arith.addi %add3A_363, %add3A_366 : vector<16xi32>
        %gather3A_368 = tpu.vector_load_idx %arg5[%iota3A, %add3A_367] : memref<16x640xf32, #tpu.memory_space<vmem>>[vector<16xi32>, vector<16xi32>], vector<16xf32>,
        %scatter3A_369 = tpu.memref_slice %arg7[%mul3A_353] : memref<8192xf32, #tpu.memory_space<vmem>> -> memref<384xf32, #tpu.memory_space<vmem>>
        tpu.vector_store_idx %scatter3A_369[%add3A_126], %gather3A_368 : memref<384xf32, #tpu.memory_space<vmem>>[vector<16xi32>], vector<16xf32>,
        %add3A_370 = vector.broadcast %while3A_168 : i32 to vector<16xi32>
        %add3A_371 = arith.addi %add3A_367, %add3A_370 : vector<16xi32>
        %gather3A_372 = tpu.vector_load_idx %arg5[%iota3A, %add3A_371] : memref<16x640xf32, #tpu.memory_space<vmem>>[vector<16xi32>, vector<16xi32>], vector<16xf32>,
        %scatter3A_373 = tpu.memref_slice %arg7[%mul3A_353] : memref<8192xf32, #tpu.memory_space<vmem>> -> memref<384xf32, #tpu.memory_space<vmem>>
        tpu.vector_store_idx %scatter3A_373[%add3A_132], %gather3A_372 : memref<384xf32, #tpu.memory_space<vmem>>[vector<16xi32>], vector<16xf32>,
        %add3A_374 = vector.broadcast %while3A_168 : i32 to vector<16xi32>
        %add3A_375 = arith.addi %add3A_371, %add3A_374 : vector<16xi32>
        %gather3A_376 = tpu.vector_load_idx %arg5[%iota3A, %add3A_375] : memref<16x640xf32, #tpu.memory_space<vmem>>[vector<16xi32>, vector<16xi32>], vector<16xf32>,
        %scatter3A_377 = tpu.memref_slice %arg7[%mul3A_353] : memref<8192xf32, #tpu.memory_space<vmem>> -> memref<384xf32, #tpu.memory_space<vmem>>
        tpu.vector_store_idx %scatter3A_377[%add3A_138], %gather3A_376 : memref<384xf32, #tpu.memory_space<vmem>>[vector<16xi32>], vector<16xf32>,
        %add3A_378 = vector.broadcast %while3A_168 : i32 to vector<16xi32>
        %add3A_379 = arith.addi %add3A_375, %add3A_378 : vector<16xi32>
        %gather3A_380 = tpu.vector_load_idx %arg5[%iota3A, %add3A_379] : memref<16x640xf32, #tpu.memory_space<vmem>>[vector<16xi32>, vector<16xi32>], vector<16xf32>,
        %scatter3A_381 = tpu.memref_slice %arg7[%mul3A_353] : memref<8192xf32, #tpu.memory_space<vmem>> -> memref<384xf32, #tpu.memory_space<vmem>>
        tpu.vector_store_idx %scatter3A_381[%add3A_144], %gather3A_380 : memref<384xf32, #tpu.memory_space<vmem>>[vector<16xi32>], vector<16xf32>,
        %add3A_382 = vector.broadcast %while3A_168 : i32 to vector<16xi32>
        %add3A_383 = arith.addi %add3A_379, %add3A_382 : vector<16xi32>
        scf.yield %add3A_383 : vector<16xi32>
      }
      %while3A_179 = arith.constant 1 : i32
      %while3A_180 = scf.for %while3A_350 = %while3A_176 to %while3A_172 step %while3A_179 iter_args(%while3A_351 = %while3A_178) -> (vector<16xi32>)  : i32 {
        %mul3A_352 = arith.constant 128 : i32
        %mul3A_353 = arith.muli %while3A_350, %mul3A_352 : i32
        %gather3A = tpu.vector_load_idx %arg5[%iota3A, %while3A_351] : memref<16x640xf32, #tpu.memory_space<vmem>>[vector<16xi32>, vector<16xi32>], vector<16xf32>,
        %scatter3A = tpu.memref_slice %arg7[%mul3A_353] : memref<8192xf32, #tpu.memory_space<vmem>> -> memref<384xf32, #tpu.memory_space<vmem>>
        tpu.vector_store_idx %scatter3A[%add3A_102], %gather3A : memref<384xf32, #tpu.memory_space<vmem>>[vector<16xi32>], vector<16xf32>,
        %add3A_354 = vector.broadcast %while3A_168 : i32 to vector<16xi32>
        %add3A_355 = arith.addi %while3A_351, %add3A_354 : vector<16xi32>
        %gather3A_356 = tpu.vector_load_idx %arg5[%iota3A, %add3A_355] : memref<16x640xf32, #tpu.memory_space<vmem>>[vector<16xi32>, vector<16xi32>], vector<16xf32>,
        %scatter3A_357 = tpu.memref_slice %arg7[%mul3A_353] : memref<8192xf32, #tpu.memory_space<vmem>> -> memref<384xf32, #tpu.memory_space<vmem>>
        tpu.vector_store_idx %scatter3A_357[%add3A_108], %gather3A_356 : memref<384xf32, #tpu.memory_space<vmem>>[vector<16xi32>], vector<16xf32>,
        %add3A_358 = vector.broadcast %while3A_168 : i32 to vector<16xi32>
        %add3A_359 = arith.addi %add3A_355, %add3A_358 : vector<16xi32>
        %gather3A_360 = tpu.vector_load_idx %arg5[%iota3A, %add3A_359] : memref<16x640xf32, #tpu.memory_space<vmem>>[vector<16xi32>, vector<16xi32>], vector<16xf32>,
        %scatter3A_361 = tpu.memref_slice %arg7[%mul3A_353] : memref<8192xf32, #tpu.memory_space<vmem>> -> memref<384xf32, #tpu.memory_space<vmem>>
        tpu.vector_store_idx %scatter3A_361[%add3A_114], %gather3A_360 : memref<384xf32, #tpu.memory_space<vmem>>[vector<16xi32>], vector<16xf32>,
        %add3A_362 = vector.broadcast %while3A_168 : i32 to vector<16xi32>
        %add3A_363 = arith.addi %add3A_359, %add3A_362 : vector<16xi32>
        %gather3A_364 = tpu.vector_load_idx %arg5[%iota3A, %add3A_363] : memref<16x640xf32, #tpu.memory_space<vmem>>[vector<16xi32>, vector<16xi32>], vector<16xf32>,
        %scatter3A_365 = tpu.memref_slice %arg7[%mul3A_353] : memref<8192xf32, #tpu.memory_space<vmem>> -> memref<384xf32, #tpu.memory_space<vmem>>
        tpu.vector_store_idx %scatter3A_365[%add3A_120], %gather3A_364 : memref<384xf32, #tpu.memory_space<vmem>>[vector<16xi32>], vector<16xf32>,
        %add3A_366 = vector.broadcast %while3A_168 : i32 to vector<16xi32>
        %add3A_367 = arith.addi %add3A_363, %add3A_366 : vector<16xi32>
        %gather3A_368 = tpu.vector_load_idx %arg5[%iota3A, %add3A_367] : memref<16x640xf32, #tpu.memory_space<vmem>>[vector<16xi32>, vector<16xi32>], vector<16xf32>,
        %scatter3A_369 = tpu.memref_slice %arg7[%mul3A_353] : memref<8192xf32, #tpu.memory_space<vmem>> -> memref<384xf32, #tpu.memory_space<vmem>>
        tpu.vector_store_idx %scatter3A_369[%add3A_126], %gather3A_368 : memref<384xf32, #tpu.memory_space<vmem>>[vector<16xi32>], vector<16xf32>,
        %add3A_370 = vector.broadcast %while3A_168 : i32 to vector<16xi32>
        %add3A_371 = arith.addi %add3A_367, %add3A_370 : vector<16xi32>
        %gather3A_372 = tpu.vector_load_idx %arg5[%iota3A, %add3A_371] : memref<16x640xf32, #tpu.memory_space<vmem>>[vector<16xi32>, vector<16xi32>], vector<16xf32>,
        %scatter3A_373 = tpu.memref_slice %arg7[%mul3A_353] : memref<8192xf32, #tpu.memory_space<vmem>> -> memref<384xf32, #tpu.memory_space<vmem>>
        tpu.vector_store_idx %scatter3A_373[%add3A_132], %gather3A_372 : memref<384xf32, #tpu.memory_space<vmem>>[vector<16xi32>], vector<16xf32>,
        %add3A_374 = vector.broadcast %while3A_168 : i32 to vector<16xi32>
        %add3A_375 = arith.addi %add3A_371, %add3A_374 : vector<16xi32>
        %gather3A_376 = tpu.vector_load_idx %arg5[%iota3A, %add3A_375] : memref<16x640xf32, #tpu.memory_space<vmem>>[vector<16xi32>, vector<16xi32>], vector<16xf32>,
        %scatter3A_377 = tpu.memref_slice %arg7[%mul3A_353] : memref<8192xf32, #tpu.memory_space<vmem>> -> memref<384xf32, #tpu.memory_space<vmem>>
        tpu.vector_store_idx %scatter3A_377[%add3A_138], %gather3A_376 : memref<384xf32, #tpu.memory_space<vmem>>[vector<16xi32>], vector<16xf32>,
        %add3A_378 = vector.broadcast %while3A_168 : i32 to vector<16xi32>
        %add3A_379 = arith.addi %add3A_375, %add3A_378 : vector<16xi32>
        %gather3A_380 = tpu.vector_load_idx %arg5[%iota3A, %add3A_379] : memref<16x640xf32, #tpu.memory_space<vmem>>[vector<16xi32>, vector<16xi32>], vector<16xf32>,
        %scatter3A_381 = tpu.memref_slice %arg7[%mul3A_353] : memref<8192xf32, #tpu.memory_space<vmem>> -> memref<384xf32, #tpu.memory_space<vmem>>
        tpu.vector_store_idx %scatter3A_381[%add3A_144], %gather3A_380 : memref<384xf32, #tpu.memory_space<vmem>>[vector<16xi32>], vector<16xf32>,
        %add3A_382 = vector.broadcast %while3A_168 : i32 to vector<16xi32>
        %add3A_383 = arith.addi %add3A_379, %add3A_382 : vector<16xi32>
        scf.yield %add3A_383 : vector<16xi32>
      }
      %mul3A_181 = arith.constant 17 : i32
      %mul3A_182 = vector.broadcast %mul3A_181 : i32 to vector<16xi32>
      %mul3A_183 = arith.muli %iota3A, %mul3A_182 : vector<16xi32>
      %add3A_184 = arith.constant 7936 : i32
      %add3A_185 = vector.broadcast %add3A_184 : i32 to vector<16xi32>
      %add3A_186 = arith.addi %mul3A_183, %add3A_185 : vector<16xi32>
      %while3A_187 = arith.constant 1 : i32
      %while3A_188 = arith.constant 16 : i32
      %while3A_189 = arith.constant 0 : i32
      %while3A_190 = arith.constant 16 : i32
      %while3A_191 = arith.subi %while3A_190, %while3A_189 : i32
      %while3A_192 = arith.addi %while3A_189, %while3A_191 : i32
      %while3A_193 = arith.constant 1 : i32
      %while3A_194 = arith.divsi %while3A_191, %while3A_193 : i32
      %while3A_195 = arith.muli %while3A_194, %while3A_193 : i32
      %while3A_196 = arith.addi %while3A_189, %while3A_195 : i32
      %while3A_197 = arith.constant 1 : i32
      %while3A_198:2 = scf.for %while3A_350 = %while3A_189 to %while3A_196 step %while3A_197 iter_args(%while3A_351 = %while3A_180, %while3A_352 = %add3A_186) -> (vector<16xi32>, vector<16xi32>)  : i32 {
        %lt3A_353 = arith.constant 512 : i32
        %lt3A_354 = vector.broadcast %lt3A_353 : i32 to vector<16xi32>
        %lt3A_355 = arith.cmpi slt, %while3A_351, %lt3A_354 : vector<16xi32>
        %max3A = arith.constant 0 : i32
        %max3A_356 = vector.broadcast %max3A : i32 to vector<16xi32>
        %max3A_357 = arith.maxsi %while3A_351, %max3A_356 : vector<16xi32>
        %gather3A = tpu.vector_load_idx %arg5[%iota3A, %max3A_357] : memref<16x640xf32, #tpu.memory_space<vmem>>[vector<16xi32>, vector<16xi32>], vector<16xf32>,
        tpu.vector_store_idx %arg7[%while3A_352], %gather3A masked %lt3A_355 : memref<8192xf32, #tpu.memory_space<vmem>>[vector<16xi32>], vector<16xf32>, vector<16xi1>
        %add3A_358 = vector.broadcast %while3A_187 : i32 to vector<16xi32>
        %add3A_359 = arith.addi %while3A_351, %add3A_358 : vector<16xi32>
        %add3A_360 = vector.broadcast %while3A_188 : i32 to vector<16xi32>
        %add3A_361 = arith.addi %while3A_352, %add3A_360 : vector<16xi32>
        scf.yield %add3A_359, %add3A_361 : vector<16xi32>, vector<16xi32>
      }
      %while3A_199 = arith.constant 1 : i32
      %while3A_200:2 = scf.for %while3A_350 = %while3A_196 to %while3A_192 step %while3A_199 iter_args(%while3A_351 = %while3A_198#0, %while3A_352 = %while3A_198#1) -> (vector<16xi32>, vector<16xi32>)  : i32 {
        %lt3A_353 = arith.constant 512 : i32
        %lt3A_354 = vector.broadcast %lt3A_353 : i32 to vector<16xi32>
        %lt3A_355 = arith.cmpi slt, %while3A_351, %lt3A_354 : vector<16xi32>
        %max3A = arith.constant 0 : i32
        %max3A_356 = vector.broadcast %max3A : i32 to vector<16xi32>
        %max3A_357 = arith.maxsi %while3A_351, %max3A_356 : vector<16xi32>
        %gather3A = tpu.vector_load_idx %arg5[%iota3A, %max3A_357] : memref<16x640xf32, #tpu.memory_space<vmem>>[vector<16xi32>, vector<16xi32>], vector<16xf32>,
        tpu.vector_store_idx %arg7[%while3A_352], %gather3A masked %lt3A_355 : memref<8192xf32, #tpu.memory_space<vmem>>[vector<16xi32>], vector<16xf32>, vector<16xi1>
        %add3A_358 = vector.broadcast %while3A_187 : i32 to vector<16xi32>
        %add3A_359 = arith.addi %while3A_351, %add3A_358 : vector<16xi32>
        %add3A_360 = vector.broadcast %while3A_188 : i32 to vector<16xi32>
        %add3A_361 = arith.addi %while3A_352, %add3A_360 : vector<16xi32>
        scf.yield %add3A_359, %add3A_361 : vector<16xi32>, vector<16xi32>
      }
      %add3A_201 = arith.addi %mul3A_25, %mul3A_23 : i32
      %mul3A_202 = arith.constant 512 : i32
      %mul3A_203 = arith.muli %add3A_75, %mul3A_202 : i32
      %add3A_204 = arith.addi %add3A_201, %mul3A_203 : i32
      %mul3A_205 = arith.constant 16 : i32
      %mul3A_206 = arith.muli %add3A_204, %mul3A_205 : i32
      %dma_start3A_207 = tpu.memref_slice %arg4[%mul3A_206] : memref<64000000xf32, #tpu.memory_space<hbm>> -> memref<8192xf32, #tpu.memory_space<hbm>>
      %dma_start3A_208 = tpu.memref_slice %arg4[%mul3A_206] : memref<64000000xf32, #tpu.memory_space<hbm>> -> memref<8192xf32, #tpu.memory_space<hbm>>
      tpu.enqueue_dma source(%arg7 : memref<8192xf32, #tpu.memory_space<vmem>>) target(%dma_start3A_208 : memref<8192xf32, #tpu.memory_space<hbm>>) target_semaphore(%arg12 : memref<!tpu.dma_semaphore, #tpu.memory_space<semaphore_mem>>)
      %mul3A_209 = arith.constant 2 : i32
      %mul3A_210 = arith.muli %while3A_70, %mul3A_209 : i32
      %add3A_211 = arith.constant 1 : i32
      %add3A_212 = arith.addi %mul3A_210, %add3A_211 : i32
      %mul3A_213 = arith.constant 512 : i32
      %mul3A_214 = arith.muli %add3A_212, %mul3A_213 : i32
      %add3A_215 = arith.addi %mul3A_23, %mul3A_214 : i32
      %dma_wait3A_216 = arith.constant 0 : i32
      %dma_wait3A_217 = arith.constant 0 : i32
      %dma_wait3A_218 = tpu.memref_slice %arg6[%dma_wait3A_216, %dma_wait3A_217] : memref<16x640xf32, #tpu.memory_space<vmem>> -> memref<16x512xf32, #tpu.memory_space<vmem>>
      %dma_wait3A_219 = tpu.memref_slice %arg2[%mul3A_21, %add3A_215] : memref<64x1000000xf32, #tpu.memory_space<hbm>> -> memref<16x512xf32, #tpu.memory_space<hbm>>
      %dma_wait3A_220 = arith.constant 0 : i32
      %dma_wait3A_221 = arith.constant 0 : i32
      %dma_wait3A_222 = tpu.memref_slice %arg6[%dma_wait3A_220, %dma_wait3A_221] : memref<16x640xf32, #tpu.memory_space<vmem>> -> memref<16x512xf32, #tpu.memory_space<vmem>>
      %dma_wait3A_223 = tpu.memref_slice %arg2[%mul3A_21, %add3A_215] : memref<64x1000000xf32, #tpu.memory_space<hbm>> -> memref<16x512xf32, #tpu.memory_space<hbm>>
      tpu.wait_dma2 semaphore(%arg11 : memref<!tpu.dma_semaphore, #tpu.memory_space<semaphore_mem>>) src(%dma_wait3A_223 : memref<16x512xf32, #tpu.memory_space<hbm>>) dst(%dma_wait3A_222 : memref<16x512xf32, #tpu.memory_space<vmem>>)
      %add3A_224 = arith.constant 1 : i32
      %add3A_225 = arith.addi %add3A_212, %add3A_224 : i32
      %lt3A_226 = arith.constant 244 : i32
      %lt3A_227 = arith.cmpi slt, %add3A_225, %lt3A_226 : i32
      %convert_element_type3A_228 = arith.extui %lt3A_227 : i1 to i32
      %cond3A_229 = arith.constant 0 : i32
      %cond3A_230 = arith.cmpi ne, %convert_element_type3A_228, %cond3A_229 : i32
      scf.if %cond3A_230 {
        %add3A_350 = arith.constant 1 : i32
        %add3A_351 = arith.addi %add3A_212, %add3A_350 : i32
        %mul3A_352 = arith.constant 512 : i32
        %mul3A_353 = arith.muli %add3A_351, %mul3A_352 : i32
        %add3A_354 = arith.addi %mul3A_23, %mul3A_353 : i32
        %dma_start3A_355 = arith.constant 0 : i32
        %dma_start3A_356 = arith.constant 0 : i32
        %dma_start3A_357 = tpu.memref_slice %arg5[%dma_start3A_355, %dma_start3A_356] : memref<16x640xf32, #tpu.memory_space<vmem>> -> memref<16x512xf32, #tpu.memory_space<vmem>>
        %dma_start3A_358 = tpu.memref_slice %arg2[%mul3A_21, %add3A_354] : memref<64x1000000xf32, #tpu.memory_space<hbm>> -> memref<16x512xf32, #tpu.memory_space<hbm>>
        %dma_start3A_359 = arith.constant 0 : i32
        %dma_start3A_360 = arith.constant 0 : i32
        %dma_start3A_361 = tpu.memref_slice %arg5[%dma_start3A_359, %dma_start3A_360] : memref<16x640xf32, #tpu.memory_space<vmem>> -> memref<16x512xf32, #tpu.memory_space<vmem>>
        %dma_start3A_362 = tpu.memref_slice %arg2[%mul3A_21, %add3A_354] : memref<64x1000000xf32, #tpu.memory_space<hbm>> -> memref<16x512xf32, #tpu.memory_space<hbm>>
        tpu.enqueue_dma source(%dma_start3A_362 : memref<16x512xf32, #tpu.memory_space<hbm>>) target(%dma_start3A_361 : memref<16x512xf32, #tpu.memory_space<vmem>>) target_semaphore(%arg10 : memref<!tpu.dma_semaphore, #tpu.memory_space<semaphore_mem>>)
      } else {
      }
      %gt3A_231 = arith.constant 0 : i32
      %gt3A_232 = arith.cmpi sgt, %while3A_70, %gt3A_231 : i32
      %convert_element_type3A_233 = arith.extui %gt3A_232 : i1 to i32
      %cond3A_234 = arith.constant 0 : i32
      %cond3A_235 = arith.cmpi ne, %convert_element_type3A_233, %cond3A_234 : i32
      scf.if %cond3A_235 {
        %add3A_350 = arith.addi %mul3A_25, %mul3A_23 : i32
        %mul3A_351 = arith.constant 512 : i32
        %mul3A_352 = arith.muli %add3A_212, %mul3A_351 : i32
        %add3A_353 = arith.addi %add3A_350, %mul3A_352 : i32
        %mul3A_354 = arith.constant 16 : i32
        %mul3A_355 = arith.muli %add3A_353, %mul3A_354 : i32
        %dma_wait3A_356 = tpu.memref_slice %arg4[%mul3A_355] : memref<64000000xf32, #tpu.memory_space<hbm>> -> memref<8192xf32, #tpu.memory_space<hbm>>
        %dma_wait3A_357 = tpu.memref_slice %arg4[%mul3A_355] : memref<64000000xf32, #tpu.memory_space<hbm>> -> memref<8192xf32, #tpu.memory_space<hbm>>
        tpu.wait_dma2 semaphore(%arg13 : memref<!tpu.dma_semaphore, #tpu.memory_space<semaphore_mem>>) src(%arg8 : memref<8192xf32, #tpu.memory_space<vmem>>) dst(%dma_wait3A_357 : memref<8192xf32, #tpu.memory_space<hbm>>)
      } else {
      }
      %iota3A_236 = tpu.iota {dimensions = array<i32: 0>} : vector<16xi32>
      %mul3A_237 = arith.constant 17 : i32
      %mul3A_238 = vector.broadcast %mul3A_237 : i32 to vector<16xi32>
      %mul3A_239 = arith.muli %iota3A_236, %mul3A_238 : vector<16xi32>
      %add3A_240 = arith.constant 0 : i32
      %add3A_241 = vector.broadcast %add3A_240 : i32 to vector<16xi32>
      %add3A_242 = arith.addi %mul3A_239, %add3A_241 : vector<16xi32>
      %mul3A_243 = arith.constant 17 : i32
      %mul3A_244 = vector.broadcast %mul3A_243 : i32 to vector<16xi32>
      %mul3A_245 = arith.muli %iota3A_236, %mul3A_244 : vector<16xi32>
      %add3A_246 = arith.constant 16 : i32
      %add3A_247 = vector.broadcast %add3A_246 : i32 to vector<16xi32>
      %add3A_248 = arith.addi %mul3A_245, %add3A_247 : vector<16xi32>
      %mul3A_249 = arith.constant 17 : i32
      %mul3A_250 = vector.broadcast %mul3A_249 : i32 to vector<16xi32>
      %mul3A_251 = arith.muli %iota3A_236, %mul3A_250 : vector<16xi32>
      %add3A_252 = arith.constant 32 : i32
      %add3A_253 = vector.broadcast %add3A_252 : i32 to vector<16xi32>
      %add3A_254 = arith.addi %mul3A_251, %add3A_253 : vector<16xi32>
      %mul3A_255 = arith.constant 17 : i32
      %mul3A_256 = vector.broadcast %mul3A_255 : i32 to vector<16xi32>
      %mul3A_257 = arith.muli %iota3A_236, %mul3A_256 : vector<16xi32>
      %add3A_258 = arith.constant 48 : i32
      %add3A_259 = vector.broadcast %add3A_258 : i32 to vector<16xi32>
      %add3A_260 = arith.addi %mul3A_257, %add3A_259 : vector<16xi32>
      %mul3A_261 = arith.constant 17 : i32
      %mul3A_262 = vector.broadcast %mul3A_261 : i32 to vector<16xi32>
      %mul3A_263 = arith.muli %iota3A_236, %mul3A_262 : vector<16xi32>
      %add3A_264 = arith.constant 64 : i32
      %add3A_265 = vector.broadcast %add3A_264 : i32 to vector<16xi32>
      %add3A_266 = arith.addi %mul3A_263, %add3A_265 : vector<16xi32>
      %mul3A_267 = arith.constant 17 : i32
      %mul3A_268 = vector.broadcast %mul3A_267 : i32 to vector<16xi32>
      %mul3A_269 = arith.muli %iota3A_236, %mul3A_268 : vector<16xi32>
      %add3A_270 = arith.constant 80 : i32
      %add3A_271 = vector.broadcast %add3A_270 : i32 to vector<16xi32>
      %add3A_272 = arith.addi %mul3A_269, %add3A_271 : vector<16xi32>
      %mul3A_273 = arith.constant 17 : i32
      %mul3A_274 = vector.broadcast %mul3A_273 : i32 to vector<16xi32>
      %mul3A_275 = arith.muli %iota3A_236, %mul3A_274 : vector<16xi32>
      %add3A_276 = arith.constant 96 : i32
      %add3A_277 = vector.broadcast %add3A_276 : i32 to vector<16xi32>
      %add3A_278 = arith.addi %mul3A_275, %add3A_277 : vector<16xi32>
      %mul3A_279 = arith.constant 17 : i32
      %mul3A_280 = vector.broadcast %mul3A_279 : i32 to vector<16xi32>
      %mul3A_281 = arith.muli %iota3A_236, %mul3A_280 : vector<16xi32>
      %add3A_282 = arith.constant 112 : i32
      %add3A_283 = vector.broadcast %add3A_282 : i32 to vector<16xi32>
      %add3A_284 = arith.addi %mul3A_281, %add3A_283 : vector<16xi32>
      %sub3A_285 = arith.constant 15 : i32
      %sub3A_286 = vector.broadcast %sub3A_285 : i32 to vector<16xi32>
      %sub3A_287 = arith.subi %iota3A_236, %sub3A_286 : vector<16xi32>
      %mul3A_288 = arith.constant 17 : i32
      %mul3A_289 = vector.broadcast %mul3A_288 : i32 to vector<16xi32>
      %mul3A_290 = arith.muli %iota3A_236, %mul3A_289 : vector<16xi32>
      %sub3A_291 = arith.constant 240 : i32
      %sub3A_292 = vector.broadcast %sub3A_291 : i32 to vector<16xi32>
      %sub3A_293 = arith.subi %mul3A_290, %sub3A_292 : vector<16xi32>
      %while3A_294 = arith.constant 1 : i32
      %while3A_295 = arith.constant 16 : i32
      %while3A_296 = arith.constant 0 : i32
      %while3A_297 = arith.constant 15 : i32
      %while3A_298 = arith.subi %while3A_297, %while3A_296 : i32
      %while3A_299 = arith.addi %while3A_296, %while3A_298 : i32
      %while3A_300 = arith.constant 1 : i32
      %while3A_301 = arith.divsi %while3A_298, %while3A_300 : i32
      %while3A_302 = arith.muli %while3A_301, %while3A_300 : i32
      %while3A_303 = arith.addi %while3A_296, %while3A_302 : i32
      %while3A_304 = arith.constant 1 : i32
      %while3A_305:2 = scf.for %while3A_350 = %while3A_296 to %while3A_303 step %while3A_304 iter_args(%while3A_351 = %sub3A_287, %while3A_352 = %sub3A_293) -> (vector<16xi32>, vector<16xi32>)  : i32 {
        %ge3A = arith.constant 0 : i32
        %ge3A_353 = vector.broadcast %ge3A : i32 to vector<16xi32>
        %ge3A_354 = arith.cmpi sge, %while3A_351, %ge3A_353 : vector<16xi32>
        %max3A = arith.constant 0 : i32
        %max3A_355 = vector.broadcast %max3A : i32 to vector<16xi32>
        %max3A_356 = arith.maxsi %while3A_351, %max3A_355 : vector<16xi32>
        %gather3A = tpu.vector_load_idx %arg6[%iota3A_236, %max3A_356] : memref<16x640xf32, #tpu.memory_space<vmem>>[vector<16xi32>, vector<16xi32>], vector<16xf32>,
        tpu.vector_store_idx %arg8[%while3A_352], %gather3A masked %ge3A_354 : memref<8192xf32, #tpu.memory_space<vmem>>[vector<16xi32>], vector<16xf32>, vector<16xi1>
        %add3A_357 = vector.broadcast %while3A_294 : i32 to vector<16xi32>
        %add3A_358 = arith.addi %while3A_351, %add3A_357 : vector<16xi32>
        %add3A_359 = vector.broadcast %while3A_295 : i32 to vector<16xi32>
        %add3A_360 = arith.addi %while3A_352, %add3A_359 : vector<16xi32>
        scf.yield %add3A_358, %add3A_360 : vector<16xi32>, vector<16xi32>
      }
      %while3A_306 = arith.constant 1 : i32
      %while3A_307:2 = scf.for %while3A_350 = %while3A_303 to %while3A_299 step %while3A_306 iter_args(%while3A_351 = %while3A_305#0, %while3A_352 = %while3A_305#1) -> (vector<16xi32>, vector<16xi32>)  : i32 {
        %ge3A = arith.constant 0 : i32
        %ge3A_353 = vector.broadcast %ge3A : i32 to vector<16xi32>
        %ge3A_354 = arith.cmpi sge, %while3A_351, %ge3A_353 : vector<16xi32>
        %max3A = arith.constant 0 : i32
        %max3A_355 = vector.broadcast %max3A : i32 to vector<16xi32>
        %max3A_356 = arith.maxsi %while3A_351, %max3A_355 : vector<16xi32>
        %gather3A = tpu.vector_load_idx %arg6[%iota3A_236, %max3A_356] : memref<16x640xf32, #tpu.memory_space<vmem>>[vector<16xi32>, vector<16xi32>], vector<16xf32>,
        tpu.vector_store_idx %arg8[%while3A_352], %gather3A masked %ge3A_354 : memref<8192xf32, #tpu.memory_space<vmem>>[vector<16xi32>], vector<16xf32>, vector<16xi1>
        %add3A_357 = vector.broadcast %while3A_294 : i32 to vector<16xi32>
        %add3A_358 = arith.addi %while3A_351, %add3A_357 : vector<16xi32>
        %add3A_359 = vector.broadcast %while3A_295 : i32 to vector<16xi32>
        %add3A_360 = arith.addi %while3A_352, %add3A_359 : vector<16xi32>
        scf.yield %add3A_358, %add3A_360 : vector<16xi32>, vector<16xi32>
      }
      %while3A_308 = arith.constant 1 : i32
      %while3A_309 = arith.constant 0 : i32
      %while3A_310 = arith.constant 62 : i32
      %while3A_311 = arith.subi %while3A_310, %while3A_309 : i32
      %while3A_312 = arith.addi %while3A_309, %while3A_311 : i32
      %while3A_313 = arith.constant 1 : i32
      %while3A_314 = arith.divsi %while3A_311, %while3A_313 : i32
      %while3A_315 = arith.muli %while3A_314, %while3A_313 : i32
      %while3A_316 = arith.addi %while3A_309, %while3A_315 : i32
      %while3A_317 = arith.constant 1 : i32
      %while3A_318 = scf.for %while3A_350 = %while3A_309 to %while3A_316 step %while3A_317 iter_args(%while3A_351 = %while3A_307#0) -> (vector<16xi32>)  : i32 {
        %mul3A_352 = arith.constant 128 : i32
        %mul3A_353 = arith.muli %while3A_350, %mul3A_352 : i32
        %gather3A = tpu.vector_load_idx %arg6[%iota3A_236, %while3A_351] : memref<16x640xf32, #tpu.memory_space<vmem>>[vector<16xi32>, vector<16xi32>], vector<16xf32>,
        %scatter3A = tpu.memref_slice %arg8[%mul3A_353] : memref<8192xf32, #tpu.memory_space<vmem>> -> memref<384xf32, #tpu.memory_space<vmem>>
        tpu.vector_store_idx %scatter3A[%add3A_242], %gather3A : memref<384xf32, #tpu.memory_space<vmem>>[vector<16xi32>], vector<16xf32>,
        %add3A_354 = vector.broadcast %while3A_308 : i32 to vector<16xi32>
        %add3A_355 = arith.addi %while3A_351, %add3A_354 : vector<16xi32>
        %gather3A_356 = tpu.vector_load_idx %arg6[%iota3A_236, %add3A_355] : memref<16x640xf32, #tpu.memory_space<vmem>>[vector<16xi32>, vector<16xi32>], vector<16xf32>,
        %scatter3A_357 = tpu.memref_slice %arg8[%mul3A_353] : memref<8192xf32, #tpu.memory_space<vmem>> -> memref<384xf32, #tpu.memory_space<vmem>>
        tpu.vector_store_idx %scatter3A_357[%add3A_248], %gather3A_356 : memref<384xf32, #tpu.memory_space<vmem>>[vector<16xi32>], vector<16xf32>,
        %add3A_358 = vector.broadcast %while3A_308 : i32 to vector<16xi32>
        %add3A_359 = arith.addi %add3A_355, %add3A_358 : vector<16xi32>
        %gather3A_360 = tpu.vector_load_idx %arg6[%iota3A_236, %add3A_359] : memref<16x640xf32, #tpu.memory_space<vmem>>[vector<16xi32>, vector<16xi32>], vector<16xf32>,
        %scatter3A_361 = tpu.memref_slice %arg8[%mul3A_353] : memref<8192xf32, #tpu.memory_space<vmem>> -> memref<384xf32, #tpu.memory_space<vmem>>
        tpu.vector_store_idx %scatter3A_361[%add3A_254], %gather3A_360 : memref<384xf32, #tpu.memory_space<vmem>>[vector<16xi32>], vector<16xf32>,
        %add3A_362 = vector.broadcast %while3A_308 : i32 to vector<16xi32>
        %add3A_363 = arith.addi %add3A_359, %add3A_362 : vector<16xi32>
        %gather3A_364 = tpu.vector_load_idx %arg6[%iota3A_236, %add3A_363] : memref<16x640xf32, #tpu.memory_space<vmem>>[vector<16xi32>, vector<16xi32>], vector<16xf32>,
        %scatter3A_365 = tpu.memref_slice %arg8[%mul3A_353] : memref<8192xf32, #tpu.memory_space<vmem>> -> memref<384xf32, #tpu.memory_space<vmem>>
        tpu.vector_store_idx %scatter3A_365[%add3A_260], %gather3A_364 : memref<384xf32, #tpu.memory_space<vmem>>[vector<16xi32>], vector<16xf32>,
        %add3A_366 = vector.broadcast %while3A_308 : i32 to vector<16xi32>
        %add3A_367 = arith.addi %add3A_363, %add3A_366 : vector<16xi32>
        %gather3A_368 = tpu.vector_load_idx %arg6[%iota3A_236, %add3A_367] : memref<16x640xf32, #tpu.memory_space<vmem>>[vector<16xi32>, vector<16xi32>], vector<16xf32>,
        %scatter3A_369 = tpu.memref_slice %arg8[%mul3A_353] : memref<8192xf32, #tpu.memory_space<vmem>> -> memref<384xf32, #tpu.memory_space<vmem>>
        tpu.vector_store_idx %scatter3A_369[%add3A_266], %gather3A_368 : memref<384xf32, #tpu.memory_space<vmem>>[vector<16xi32>], vector<16xf32>,
        %add3A_370 = vector.broadcast %while3A_308 : i32 to vector<16xi32>
        %add3A_371 = arith.addi %add3A_367, %add3A_370 : vector<16xi32>
        %gather3A_372 = tpu.vector_load_idx %arg6[%iota3A_236, %add3A_371] : memref<16x640xf32, #tpu.memory_space<vmem>>[vector<16xi32>, vector<16xi32>], vector<16xf32>,
        %scatter3A_373 = tpu.memref_slice %arg8[%mul3A_353] : memref<8192xf32, #tpu.memory_space<vmem>> -> memref<384xf32, #tpu.memory_space<vmem>>
        tpu.vector_store_idx %scatter3A_373[%add3A_272], %gather3A_372 : memref<384xf32, #tpu.memory_space<vmem>>[vector<16xi32>], vector<16xf32>,
        %add3A_374 = vector.broadcast %while3A_308 : i32 to vector<16xi32>
        %add3A_375 = arith.addi %add3A_371, %add3A_374 : vector<16xi32>
        %gather3A_376 = tpu.vector_load_idx %arg6[%iota3A_236, %add3A_375] : memref<16x640xf32, #tpu.memory_space<vmem>>[vector<16xi32>, vector<16xi32>], vector<16xf32>,
        %scatter3A_377 = tpu.memref_slice %arg8[%mul3A_353] : memref<8192xf32, #tpu.memory_space<vmem>> -> memref<384xf32, #tpu.memory_space<vmem>>
        tpu.vector_store_idx %scatter3A_377[%add3A_278], %gather3A_376 : memref<384xf32, #tpu.memory_space<vmem>>[vector<16xi32>], vector<16xf32>,
        %add3A_378 = vector.broadcast %while3A_308 : i32 to vector<16xi32>
        %add3A_379 = arith.addi %add3A_375, %add3A_378 : vector<16xi32>
        %gather3A_380 = tpu.vector_load_idx %arg6[%iota3A_236, %add3A_379] : memref<16x640xf32, #tpu.memory_space<vmem>>[vector<16xi32>, vector<16xi32>], vector<16xf32>,
        %scatter3A_381 = tpu.memref_slice %arg8[%mul3A_353] : memref<8192xf32, #tpu.memory_space<vmem>> -> memref<384xf32, #tpu.memory_space<vmem>>
        tpu.vector_store_idx %scatter3A_381[%add3A_284], %gather3A_380 : memref<384xf32, #tpu.memory_space<vmem>>[vector<16xi32>], vector<16xf32>,
        %add3A_382 = vector.broadcast %while3A_308 : i32 to vector<16xi32>
        %add3A_383 = arith.addi %add3A_379, %add3A_382 : vector<16xi32>
        scf.yield %add3A_383 : vector<16xi32>
      }
      %while3A_319 = arith.constant 1 : i32
      %while3A_320 = scf.for %while3A_350 = %while3A_316 to %while3A_312 step %while3A_319 iter_args(%while3A_351 = %while3A_318) -> (vector<16xi32>)  : i32 {
        %mul3A_352 = arith.constant 128 : i32
        %mul3A_353 = arith.muli %while3A_350, %mul3A_352 : i32
        %gather3A = tpu.vector_load_idx %arg6[%iota3A_236, %while3A_351] : memref<16x640xf32, #tpu.memory_space<vmem>>[vector<16xi32>, vector<16xi32>], vector<16xf32>,
        %scatter3A = tpu.memref_slice %arg8[%mul3A_353] : memref<8192xf32, #tpu.memory_space<vmem>> -> memref<384xf32, #tpu.memory_space<vmem>>
        tpu.vector_store_idx %scatter3A[%add3A_242], %gather3A : memref<384xf32, #tpu.memory_space<vmem>>[vector<16xi32>], vector<16xf32>,
        %add3A_354 = vector.broadcast %while3A_308 : i32 to vector<16xi32>
        %add3A_355 = arith.addi %while3A_351, %add3A_354 : vector<16xi32>
        %gather3A_356 = tpu.vector_load_idx %arg6[%iota3A_236, %add3A_355] : memref<16x640xf32, #tpu.memory_space<vmem>>[vector<16xi32>, vector<16xi32>], vector<16xf32>,
        %scatter3A_357 = tpu.memref_slice %arg8[%mul3A_353] : memref<8192xf32, #tpu.memory_space<vmem>> -> memref<384xf32, #tpu.memory_space<vmem>>
        tpu.vector_store_idx %scatter3A_357[%add3A_248], %gather3A_356 : memref<384xf32, #tpu.memory_space<vmem>>[vector<16xi32>], vector<16xf32>,
        %add3A_358 = vector.broadcast %while3A_308 : i32 to vector<16xi32>
        %add3A_359 = arith.addi %add3A_355, %add3A_358 : vector<16xi32>
        %gather3A_360 = tpu.vector_load_idx %arg6[%iota3A_236, %add3A_359] : memref<16x640xf32, #tpu.memory_space<vmem>>[vector<16xi32>, vector<16xi32>], vector<16xf32>,
        %scatter3A_361 = tpu.memref_slice %arg8[%mul3A_353] : memref<8192xf32, #tpu.memory_space<vmem>> -> memref<384xf32, #tpu.memory_space<vmem>>
        tpu.vector_store_idx %scatter3A_361[%add3A_254], %gather3A_360 : memref<384xf32, #tpu.memory_space<vmem>>[vector<16xi32>], vector<16xf32>,
        %add3A_362 = vector.broadcast %while3A_308 : i32 to vector<16xi32>
        %add3A_363 = arith.addi %add3A_359, %add3A_362 : vector<16xi32>
        %gather3A_364 = tpu.vector_load_idx %arg6[%iota3A_236, %add3A_363] : memref<16x640xf32, #tpu.memory_space<vmem>>[vector<16xi32>, vector<16xi32>], vector<16xf32>,
        %scatter3A_365 = tpu.memref_slice %arg8[%mul3A_353] : memref<8192xf32, #tpu.memory_space<vmem>> -> memref<384xf32, #tpu.memory_space<vmem>>
        tpu.vector_store_idx %scatter3A_365[%add3A_260], %gather3A_364 : memref<384xf32, #tpu.memory_space<vmem>>[vector<16xi32>], vector<16xf32>,
        %add3A_366 = vector.broadcast %while3A_308 : i32 to vector<16xi32>
        %add3A_367 = arith.addi %add3A_363, %add3A_366 : vector<16xi32>
        %gather3A_368 = tpu.vector_load_idx %arg6[%iota3A_236, %add3A_367] : memref<16x640xf32, #tpu.memory_space<vmem>>[vector<16xi32>, vector<16xi32>], vector<16xf32>,
        %scatter3A_369 = tpu.memref_slice %arg8[%mul3A_353] : memref<8192xf32, #tpu.memory_space<vmem>> -> memref<384xf32, #tpu.memory_space<vmem>>
        tpu.vector_store_idx %scatter3A_369[%add3A_266], %gather3A_368 : memref<384xf32, #tpu.memory_space<vmem>>[vector<16xi32>], vector<16xf32>,
        %add3A_370 = vector.broadcast %while3A_308 : i32 to vector<16xi32>
        %add3A_371 = arith.addi %add3A_367, %add3A_370 : vector<16xi32>
        %gather3A_372 = tpu.vector_load_idx %arg6[%iota3A_236, %add3A_371] : memref<16x640xf32, #tpu.memory_space<vmem>>[vector<16xi32>, vector<16xi32>], vector<16xf32>,
        %scatter3A_373 = tpu.memref_slice %arg8[%mul3A_353] : memref<8192xf32, #tpu.memory_space<vmem>> -> memref<384xf32, #tpu.memory_space<vmem>>
        tpu.vector_store_idx %scatter3A_373[%add3A_272], %gather3A_372 : memref<384xf32, #tpu.memory_space<vmem>>[vector<16xi32>], vector<16xf32>,
        %add3A_374 = vector.broadcast %while3A_308 : i32 to vector<16xi32>
        %add3A_375 = arith.addi %add3A_371, %add3A_374 : vector<16xi32>
        %gather3A_376 = tpu.vector_load_idx %arg6[%iota3A_236, %add3A_375] : memref<16x640xf32, #tpu.memory_space<vmem>>[vector<16xi32>, vector<16xi32>], vector<16xf32>,
        %scatter3A_377 = tpu.memref_slice %arg8[%mul3A_353] : memref<8192xf32, #tpu.memory_space<vmem>> -> memref<384xf32, #tpu.memory_space<vmem>>
        tpu.vector_store_idx %scatter3A_377[%add3A_278], %gather3A_376 : memref<384xf32, #tpu.memory_space<vmem>>[vector<16xi32>], vector<16xf32>,
        %add3A_378 = vector.broadcast %while3A_308 : i32 to vector<16xi32>
        %add3A_379 = arith.addi %add3A_375, %add3A_378 : vector<16xi32>
        %gather3A_380 = tpu.vector_load_idx %arg6[%iota3A_236, %add3A_379] : memref<16x640xf32, #tpu.memory_space<vmem>>[vector<16xi32>, vector<16xi32>], vector<16xf32>,
        %scatter3A_381 = tpu.memref_slice %arg8[%mul3A_353] : memref<8192xf32, #tpu.memory_space<vmem>> -> memref<384xf32, #tpu.memory_space<vmem>>
        tpu.vector_store_idx %scatter3A_381[%add3A_284], %gather3A_380 : memref<384xf32, #tpu.memory_space<vmem>>[vector<16xi32>], vector<16xf32>,
        %add3A_382 = vector.broadcast %while3A_308 : i32 to vector<16xi32>
        %add3A_383 = arith.addi %add3A_379, %add3A_382 : vector<16xi32>
        scf.yield %add3A_383 : vector<16xi32>
      }
      %mul3A_321 = arith.constant 17 : i32
      %mul3A_322 = vector.broadcast %mul3A_321 : i32 to vector<16xi32>
      %mul3A_323 = arith.muli %iota3A_236, %mul3A_322 : vector<16xi32>
      %add3A_324 = arith.constant 7936 : i32
      %add3A_325 = vector.broadcast %add3A_324 : i32 to vector<16xi32>
      %add3A_326 = arith.addi %mul3A_323, %add3A_325 : vector<16xi32>
      %while3A_327 = arith.constant 1 : i32
      %while3A_328 = arith.constant 16 : i32
      %while3A_329 = arith.constant 0 : i32
      %while3A_330 = arith.constant 16 : i32
      %while3A_331 = arith.subi %while3A_330, %while3A_329 : i32
      %while3A_332 = arith.addi %while3A_329, %while3A_331 : i32
      %while3A_333 = arith.constant 1 : i32
      %while3A_334 = arith.divsi %while3A_331, %while3A_333 : i32
      %while3A_335 = arith.muli %while3A_334, %while3A_333 : i32
      %while3A_336 = arith.addi %while3A_329, %while3A_335 : i32
      %while3A_337 = arith.constant 1 : i32
      %while3A_338:2 = scf.for %while3A_350 = %while3A_329 to %while3A_336 step %while3A_337 iter_args(%while3A_351 = %while3A_320, %while3A_352 = %add3A_326) -> (vector<16xi32>, vector<16xi32>)  : i32 {
        %lt3A_353 = arith.constant 512 : i32
        %lt3A_354 = vector.broadcast %lt3A_353 : i32 to vector<16xi32>
        %lt3A_355 = arith.cmpi slt, %while3A_351, %lt3A_354 : vector<16xi32>
        %max3A = arith.constant 0 : i32
        %max3A_356 = vector.broadcast %max3A : i32 to vector<16xi32>
        %max3A_357 = arith.maxsi %while3A_351, %max3A_356 : vector<16xi32>
        %gather3A = tpu.vector_load_idx %arg6[%iota3A_236, %max3A_357] : memref<16x640xf32, #tpu.memory_space<vmem>>[vector<16xi32>, vector<16xi32>], vector<16xf32>,
        tpu.vector_store_idx %arg8[%while3A_352], %gather3A masked %lt3A_355 : memref<8192xf32, #tpu.memory_space<vmem>>[vector<16xi32>], vector<16xf32>, vector<16xi1>
        %add3A_358 = vector.broadcast %while3A_327 : i32 to vector<16xi32>
        %add3A_359 = arith.addi %while3A_351, %add3A_358 : vector<16xi32>
        %add3A_360 = vector.broadcast %while3A_328 : i32 to vector<16xi32>
        %add3A_361 = arith.addi %while3A_352, %add3A_360 : vector<16xi32>
        scf.yield %add3A_359, %add3A_361 : vector<16xi32>, vector<16xi32>
      }
      %while3A_339 = arith.constant 1 : i32
      %while3A_340:2 = scf.for %while3A_350 = %while3A_336 to %while3A_332 step %while3A_339 iter_args(%while3A_351 = %while3A_338#0, %while3A_352 = %while3A_338#1) -> (vector<16xi32>, vector<16xi32>)  : i32 {
        %lt3A_353 = arith.constant 512 : i32
        %lt3A_354 = vector.broadcast %lt3A_353 : i32 to vector<16xi32>
        %lt3A_355 = arith.cmpi slt, %while3A_351, %lt3A_354 : vector<16xi32>
        %max3A = arith.constant 0 : i32
        %max3A_356 = vector.broadcast %max3A : i32 to vector<16xi32>
        %max3A_357 = arith.maxsi %while3A_351, %max3A_356 : vector<16xi32>
        %gather3A = tpu.vector_load_idx %arg6[%iota3A_236, %max3A_357] : memref<16x640xf32, #tpu.memory_space<vmem>>[vector<16xi32>, vector<16xi32>], vector<16xf32>,
        tpu.vector_store_idx %arg8[%while3A_352], %gather3A masked %lt3A_355 : memref<8192xf32, #tpu.memory_space<vmem>>[vector<16xi32>], vector<16xf32>, vector<16xi1>
        %add3A_358 = vector.broadcast %while3A_327 : i32 to vector<16xi32>
        %add3A_359 = arith.addi %while3A_351, %add3A_358 : vector<16xi32>
        %add3A_360 = vector.broadcast %while3A_328 : i32 to vector<16xi32>
        %add3A_361 = arith.addi %while3A_352, %add3A_360 : vector<16xi32>
        scf.yield %add3A_359, %add3A_361 : vector<16xi32>, vector<16xi32>
      }
      %add3A_341 = arith.addi %mul3A_25, %mul3A_23 : i32
      %mul3A_342 = arith.constant 512 : i32
      %mul3A_343 = arith.muli %add3A_212, %mul3A_342 : i32
      %add3A_344 = arith.addi %add3A_341, %mul3A_343 : i32
      %mul3A_345 = arith.constant 16 : i32
      %mul3A_346 = arith.muli %add3A_344, %mul3A_345 : i32
      %dma_start3A_347 = tpu.memref_slice %arg4[%mul3A_346] : memref<64000000xf32, #tpu.memory_space<hbm>> -> memref<8192xf32, #tpu.memory_space<hbm>>
      %dma_start3A_348 = tpu.memref_slice %arg4[%mul3A_346] : memref<64000000xf32, #tpu.memory_space<hbm>> -> memref<8192xf32, #tpu.memory_space<hbm>>
      tpu.enqueue_dma source(%arg8 : memref<8192xf32, #tpu.memory_space<vmem>>) target(%dma_start3A_348 : memref<8192xf32, #tpu.memory_space<hbm>>) target_semaphore(%arg13 : memref<!tpu.dma_semaphore, #tpu.memory_space<semaphore_mem>>)
      %while3A_349 = arith.constant 0 : i32
      scf.yield %while3A_349 : i32
    }
    %add3A_49 = arith.addi %mul3A_25, %mul3A_23 : i32
    %mul3A_50 = arith.constant 242 : i32
    %mul3A_51 = arith.constant 512 : i32
    %mul3A_52 = arith.muli %mul3A_50, %mul3A_51 : i32
    %add3A_53 = arith.addi %add3A_49, %mul3A_52 : i32
    %mul3A_54 = arith.constant 16 : i32
    %mul3A_55 = arith.muli %add3A_53, %mul3A_54 : i32
    %dma_wait3A = tpu.memref_slice %arg4[%mul3A_55] : memref<64000000xf32, #tpu.memory_space<hbm>> -> memref<8192xf32, #tpu.memory_space<hbm>>
    %dma_wait3A_56 = tpu.memref_slice %arg4[%mul3A_55] : memref<64000000xf32, #tpu.memory_space<hbm>> -> memref<8192xf32, #tpu.memory_space<hbm>>
    tpu.wait_dma2 semaphore(%arg12 : memref<!tpu.dma_semaphore, #tpu.memory_space<semaphore_mem>>) src(%arg7 : memref<8192xf32, #tpu.memory_space<vmem>>) dst(%dma_wait3A_56 : memref<8192xf32, #tpu.memory_space<hbm>>)
    %add3A_57 = arith.constant 242 : i32
    %add3A_58 = arith.constant 1 : i32
    %add3A_59 = arith.addi %add3A_57, %add3A_58 : i32
    %add3A_60 = arith.addi %mul3A_25, %mul3A_23 : i32
    %mul3A_61 = arith.constant 512 : i32
    %mul3A_62 = arith.muli %add3A_59, %mul3A_61 : i32
    %add3A_63 = arith.addi %add3A_60, %mul3A_62 : i32
    %mul3A_64 = arith.constant 16 : i32
    %mul3A_65 = arith.muli %add3A_63, %mul3A_64 : i32
    %dma_wait3A_66 = tpu.memref_slice %arg4[%mul3A_65] : memref<64000000xf32, #tpu.memory_space<hbm>> -> memref<8192xf32, #tpu.memory_space<hbm>>
    %dma_wait3A_67 = tpu.memref_slice %arg4[%mul3A_65] : memref<64000000xf32, #tpu.memory_space<hbm>> -> memref<8192xf32, #tpu.memory_space<hbm>>
    tpu.wait_dma2 semaphore(%arg13 : memref<!tpu.dma_semaphore, #tpu.memory_space<semaphore_mem>>) src(%arg8 : memref<8192xf32, #tpu.memory_space<vmem>>) dst(%dma_wait3A_67 : memref<8192xf32, #tpu.memory_space<hbm>>)
    %eq3A = arith.constant 7 : i32
    %eq3A_68 = arith.cmpi eq, %sub3A_19, %eq3A : i32
    %convert_element_type3A = arith.extui %eq3A_68 : i1 to i32
    %cond3A = arith.constant 0 : i32
    %cond3A_69 = arith.cmpi ne, %convert_element_type3A, %cond3A : i32
    scf.if %cond3A_69 {
      %run_scoped3A = arith.constant 999424 : i32
      "tpu.region"() ({
        %run_scoped3A_182 = tpu.sem_alloc : memref<!tpu.dma_semaphore, #tpu.memory_space<semaphore_mem>>
        %dma_start3A_183 = arith.constant 0 : i32
        %dma_start3A_184 = arith.constant 0 : i32
        %dma_start3A_185 = tpu.memref_slice %arg5[%dma_start3A_183, %dma_start3A_184] : memref<16x640xf32, #tpu.memory_space<vmem>> -> memref<16x512xf32, #tpu.memory_space<vmem>>
        %dma_start3A_186 = tpu.memref_slice %arg2[%mul3A_21, %run_scoped3A] : memref<64x1000000xf32, #tpu.memory_space<hbm>> -> memref<16x512xf32, #tpu.memory_space<hbm>>
        %dma_start3A_187 = arith.constant 0 : i32
        %dma_start3A_188 = arith.constant 0 : i32
        %dma_start3A_189 = tpu.memref_slice %arg5[%dma_start3A_187, %dma_start3A_188] : memref<16x640xf32, #tpu.memory_space<vmem>> -> memref<16x512xf32, #tpu.memory_space<vmem>>
        %dma_start3A_190 = tpu.memref_slice %arg2[%mul3A_21, %run_scoped3A] : memref<64x1000000xf32, #tpu.memory_space<hbm>> -> memref<16x512xf32, #tpu.memory_space<hbm>>
        tpu.enqueue_dma source(%dma_start3A_190 : memref<16x512xf32, #tpu.memory_space<hbm>>) target(%dma_start3A_189 : memref<16x512xf32, #tpu.memory_space<vmem>>) target_semaphore(%run_scoped3A_182 : memref<!tpu.dma_semaphore, #tpu.memory_space<semaphore_mem>>)
        %dma_wait3A_191 = arith.constant 0 : i32
        %dma_wait3A_192 = arith.constant 0 : i32
        %dma_wait3A_193 = tpu.memref_slice %arg5[%dma_wait3A_191, %dma_wait3A_192] : memref<16x640xf32, #tpu.memory_space<vmem>> -> memref<16x512xf32, #tpu.memory_space<vmem>>
        %dma_wait3A_194 = tpu.memref_slice %arg2[%mul3A_21, %run_scoped3A] : memref<64x1000000xf32, #tpu.memory_space<hbm>> -> memref<16x512xf32, #tpu.memory_space<hbm>>
        %dma_wait3A_195 = arith.constant 0 : i32
        %dma_wait3A_196 = arith.constant 0 : i32
        %dma_wait3A_197 = tpu.memref_slice %arg5[%dma_wait3A_195, %dma_wait3A_196] : memref<16x640xf32, #tpu.memory_space<vmem>> -> memref<16x512xf32, #tpu.memory_space<vmem>>
        %dma_wait3A_198 = tpu.memref_slice %arg2[%mul3A_21, %run_scoped3A] : memref<64x1000000xf32, #tpu.memory_space<hbm>> -> memref<16x512xf32, #tpu.memory_space<hbm>>
        tpu.wait_dma2 semaphore(%run_scoped3A_182 : memref<!tpu.dma_semaphore, #tpu.memory_space<semaphore_mem>>) src(%dma_wait3A_198 : memref<16x512xf32, #tpu.memory_space<hbm>>) dst(%dma_wait3A_197 : memref<16x512xf32, #tpu.memory_space<vmem>>)
        tpu.yield
      }) : () -> ()
      %iota3A = tpu.iota {dimensions = array<i32: 0>} : vector<16xi32>
      %mul3A_70 = arith.constant 17 : i32
      %mul3A_71 = vector.broadcast %mul3A_70 : i32 to vector<16xi32>
      %mul3A_72 = arith.muli %iota3A, %mul3A_71 : vector<16xi32>
      %add3A_73 = arith.constant 0 : i32
      %add3A_74 = vector.broadcast %add3A_73 : i32 to vector<16xi32>
      %add3A_75 = arith.addi %mul3A_72, %add3A_74 : vector<16xi32>
      %mul3A_76 = arith.constant 17 : i32
      %mul3A_77 = vector.broadcast %mul3A_76 : i32 to vector<16xi32>
      %mul3A_78 = arith.muli %iota3A, %mul3A_77 : vector<16xi32>
      %add3A_79 = arith.constant 16 : i32
      %add3A_80 = vector.broadcast %add3A_79 : i32 to vector<16xi32>
      %add3A_81 = arith.addi %mul3A_78, %add3A_80 : vector<16xi32>
      %mul3A_82 = arith.constant 17 : i32
      %mul3A_83 = vector.broadcast %mul3A_82 : i32 to vector<16xi32>
      %mul3A_84 = arith.muli %iota3A, %mul3A_83 : vector<16xi32>
      %add3A_85 = arith.constant 32 : i32
      %add3A_86 = vector.broadcast %add3A_85 : i32 to vector<16xi32>
      %add3A_87 = arith.addi %mul3A_84, %add3A_86 : vector<16xi32>
      %mul3A_88 = arith.constant 17 : i32
      %mul3A_89 = vector.broadcast %mul3A_88 : i32 to vector<16xi32>
      %mul3A_90 = arith.muli %iota3A, %mul3A_89 : vector<16xi32>
      %add3A_91 = arith.constant 48 : i32
      %add3A_92 = vector.broadcast %add3A_91 : i32 to vector<16xi32>
      %add3A_93 = arith.addi %mul3A_90, %add3A_92 : vector<16xi32>
      %mul3A_94 = arith.constant 17 : i32
      %mul3A_95 = vector.broadcast %mul3A_94 : i32 to vector<16xi32>
      %mul3A_96 = arith.muli %iota3A, %mul3A_95 : vector<16xi32>
      %add3A_97 = arith.constant 64 : i32
      %add3A_98 = vector.broadcast %add3A_97 : i32 to vector<16xi32>
      %add3A_99 = arith.addi %mul3A_96, %add3A_98 : vector<16xi32>
      %mul3A_100 = arith.constant 17 : i32
      %mul3A_101 = vector.broadcast %mul3A_100 : i32 to vector<16xi32>
      %mul3A_102 = arith.muli %iota3A, %mul3A_101 : vector<16xi32>
      %add3A_103 = arith.constant 80 : i32
      %add3A_104 = vector.broadcast %add3A_103 : i32 to vector<16xi32>
      %add3A_105 = arith.addi %mul3A_102, %add3A_104 : vector<16xi32>
      %mul3A_106 = arith.constant 17 : i32
      %mul3A_107 = vector.broadcast %mul3A_106 : i32 to vector<16xi32>
      %mul3A_108 = arith.muli %iota3A, %mul3A_107 : vector<16xi32>
      %add3A_109 = arith.constant 96 : i32
      %add3A_110 = vector.broadcast %add3A_109 : i32 to vector<16xi32>
      %add3A_111 = arith.addi %mul3A_108, %add3A_110 : vector<16xi32>
      %mul3A_112 = arith.constant 17 : i32
      %mul3A_113 = vector.broadcast %mul3A_112 : i32 to vector<16xi32>
      %mul3A_114 = arith.muli %iota3A, %mul3A_113 : vector<16xi32>
      %add3A_115 = arith.constant 112 : i32
      %add3A_116 = vector.broadcast %add3A_115 : i32 to vector<16xi32>
      %add3A_117 = arith.addi %mul3A_114, %add3A_116 : vector<16xi32>
      %sub3A_118 = arith.constant 15 : i32
      %sub3A_119 = vector.broadcast %sub3A_118 : i32 to vector<16xi32>
      %sub3A_120 = arith.subi %iota3A, %sub3A_119 : vector<16xi32>
      %mul3A_121 = arith.constant 17 : i32
      %mul3A_122 = vector.broadcast %mul3A_121 : i32 to vector<16xi32>
      %mul3A_123 = arith.muli %iota3A, %mul3A_122 : vector<16xi32>
      %sub3A_124 = arith.constant 240 : i32
      %sub3A_125 = vector.broadcast %sub3A_124 : i32 to vector<16xi32>
      %sub3A_126 = arith.subi %mul3A_123, %sub3A_125 : vector<16xi32>
      %while3A_127 = arith.constant 1 : i32
      %while3A_128 = arith.constant 16 : i32
      %while3A_129 = arith.constant 0 : i32
      %while3A_130 = arith.constant 15 : i32
      %while3A_131 = arith.subi %while3A_130, %while3A_129 : i32
      %while3A_132 = arith.addi %while3A_129, %while3A_131 : i32
      %while3A_133 = arith.constant 1 : i32
      %while3A_134 = arith.divsi %while3A_131, %while3A_133 : i32
      %while3A_135 = arith.muli %while3A_134, %while3A_133 : i32
      %while3A_136 = arith.addi %while3A_129, %while3A_135 : i32
      %while3A_137 = arith.constant 1 : i32
      %while3A_138:2 = scf.for %while3A_182 = %while3A_129 to %while3A_136 step %while3A_137 iter_args(%while3A_183 = %sub3A_120, %while3A_184 = %sub3A_126) -> (vector<16xi32>, vector<16xi32>)  : i32 {
        %ge3A = arith.constant 0 : i32
        %ge3A_185 = vector.broadcast %ge3A : i32 to vector<16xi32>
        %ge3A_186 = arith.cmpi sge, %while3A_183, %ge3A_185 : vector<16xi32>
        %max3A = arith.constant 0 : i32
        %max3A_187 = vector.broadcast %max3A : i32 to vector<16xi32>
        %max3A_188 = arith.maxsi %while3A_183, %max3A_187 : vector<16xi32>
        %gather3A = tpu.vector_load_idx %arg5[%iota3A, %max3A_188] : memref<16x640xf32, #tpu.memory_space<vmem>>[vector<16xi32>, vector<16xi32>], vector<16xf32>,
        tpu.vector_store_idx %arg7[%while3A_184], %gather3A masked %ge3A_186 : memref<8192xf32, #tpu.memory_space<vmem>>[vector<16xi32>], vector<16xf32>, vector<16xi1>
        %add3A_189 = vector.broadcast %while3A_127 : i32 to vector<16xi32>
        %add3A_190 = arith.addi %while3A_183, %add3A_189 : vector<16xi32>
        %add3A_191 = vector.broadcast %while3A_128 : i32 to vector<16xi32>
        %add3A_192 = arith.addi %while3A_184, %add3A_191 : vector<16xi32>
        scf.yield %add3A_190, %add3A_192 : vector<16xi32>, vector<16xi32>
      }
      %while3A_139 = arith.constant 1 : i32
      %while3A_140:2 = scf.for %while3A_182 = %while3A_136 to %while3A_132 step %while3A_139 iter_args(%while3A_183 = %while3A_138#0, %while3A_184 = %while3A_138#1) -> (vector<16xi32>, vector<16xi32>)  : i32 {
        %ge3A = arith.constant 0 : i32
        %ge3A_185 = vector.broadcast %ge3A : i32 to vector<16xi32>
        %ge3A_186 = arith.cmpi sge, %while3A_183, %ge3A_185 : vector<16xi32>
        %max3A = arith.constant 0 : i32
        %max3A_187 = vector.broadcast %max3A : i32 to vector<16xi32>
        %max3A_188 = arith.maxsi %while3A_183, %max3A_187 : vector<16xi32>
        %gather3A = tpu.vector_load_idx %arg5[%iota3A, %max3A_188] : memref<16x640xf32, #tpu.memory_space<vmem>>[vector<16xi32>, vector<16xi32>], vector<16xf32>,
        tpu.vector_store_idx %arg7[%while3A_184], %gather3A masked %ge3A_186 : memref<8192xf32, #tpu.memory_space<vmem>>[vector<16xi32>], vector<16xf32>, vector<16xi1>
        %add3A_189 = vector.broadcast %while3A_127 : i32 to vector<16xi32>
        %add3A_190 = arith.addi %while3A_183, %add3A_189 : vector<16xi32>
        %add3A_191 = vector.broadcast %while3A_128 : i32 to vector<16xi32>
        %add3A_192 = arith.addi %while3A_184, %add3A_191 : vector<16xi32>
        scf.yield %add3A_190, %add3A_192 : vector<16xi32>, vector<16xi32>
      }
      %while3A_141 = arith.constant 1 : i32
      %while3A_142 = arith.constant 0 : i32
      %while3A_143 = arith.constant 62 : i32
      %while3A_144 = arith.subi %while3A_143, %while3A_142 : i32
      %while3A_145 = arith.addi %while3A_142, %while3A_144 : i32
      %while3A_146 = arith.constant 1 : i32
      %while3A_147 = arith.divsi %while3A_144, %while3A_146 : i32
      %while3A_148 = arith.muli %while3A_147, %while3A_146 : i32
      %while3A_149 = arith.addi %while3A_142, %while3A_148 : i32
      %while3A_150 = arith.constant 1 : i32
      %while3A_151 = scf.for %while3A_182 = %while3A_142 to %while3A_149 step %while3A_150 iter_args(%while3A_183 = %while3A_140#0) -> (vector<16xi32>)  : i32 {
        %mul3A_184 = arith.constant 128 : i32
        %mul3A_185 = arith.muli %while3A_182, %mul3A_184 : i32
        %gather3A = tpu.vector_load_idx %arg5[%iota3A, %while3A_183] : memref<16x640xf32, #tpu.memory_space<vmem>>[vector<16xi32>, vector<16xi32>], vector<16xf32>,
        %scatter3A = tpu.memref_slice %arg7[%mul3A_185] : memref<8192xf32, #tpu.memory_space<vmem>> -> memref<384xf32, #tpu.memory_space<vmem>>
        tpu.vector_store_idx %scatter3A[%add3A_75], %gather3A : memref<384xf32, #tpu.memory_space<vmem>>[vector<16xi32>], vector<16xf32>,
        %add3A_186 = vector.broadcast %while3A_141 : i32 to vector<16xi32>
        %add3A_187 = arith.addi %while3A_183, %add3A_186 : vector<16xi32>
        %gather3A_188 = tpu.vector_load_idx %arg5[%iota3A, %add3A_187] : memref<16x640xf32, #tpu.memory_space<vmem>>[vector<16xi32>, vector<16xi32>], vector<16xf32>,
        %scatter3A_189 = tpu.memref_slice %arg7[%mul3A_185] : memref<8192xf32, #tpu.memory_space<vmem>> -> memref<384xf32, #tpu.memory_space<vmem>>
        tpu.vector_store_idx %scatter3A_189[%add3A_81], %gather3A_188 : memref<384xf32, #tpu.memory_space<vmem>>[vector<16xi32>], vector<16xf32>,
        %add3A_190 = vector.broadcast %while3A_141 : i32 to vector<16xi32>
        %add3A_191 = arith.addi %add3A_187, %add3A_190 : vector<16xi32>
        %gather3A_192 = tpu.vector_load_idx %arg5[%iota3A, %add3A_191] : memref<16x640xf32, #tpu.memory_space<vmem>>[vector<16xi32>, vector<16xi32>], vector<16xf32>,
        %scatter3A_193 = tpu.memref_slice %arg7[%mul3A_185] : memref<8192xf32, #tpu.memory_space<vmem>> -> memref<384xf32, #tpu.memory_space<vmem>>
        tpu.vector_store_idx %scatter3A_193[%add3A_87], %gather3A_192 : memref<384xf32, #tpu.memory_space<vmem>>[vector<16xi32>], vector<16xf32>,
        %add3A_194 = vector.broadcast %while3A_141 : i32 to vector<16xi32>
        %add3A_195 = arith.addi %add3A_191, %add3A_194 : vector<16xi32>
        %gather3A_196 = tpu.vector_load_idx %arg5[%iota3A, %add3A_195] : memref<16x640xf32, #tpu.memory_space<vmem>>[vector<16xi32>, vector<16xi32>], vector<16xf32>,
        %scatter3A_197 = tpu.memref_slice %arg7[%mul3A_185] : memref<8192xf32, #tpu.memory_space<vmem>> -> memref<384xf32, #tpu.memory_space<vmem>>
        tpu.vector_store_idx %scatter3A_197[%add3A_93], %gather3A_196 : memref<384xf32, #tpu.memory_space<vmem>>[vector<16xi32>], vector<16xf32>,
        %add3A_198 = vector.broadcast %while3A_141 : i32 to vector<16xi32>
        %add3A_199 = arith.addi %add3A_195, %add3A_198 : vector<16xi32>
        %gather3A_200 = tpu.vector_load_idx %arg5[%iota3A, %add3A_199] : memref<16x640xf32, #tpu.memory_space<vmem>>[vector<16xi32>, vector<16xi32>], vector<16xf32>,
        %scatter3A_201 = tpu.memref_slice %arg7[%mul3A_185] : memref<8192xf32, #tpu.memory_space<vmem>> -> memref<384xf32, #tpu.memory_space<vmem>>
        tpu.vector_store_idx %scatter3A_201[%add3A_99], %gather3A_200 : memref<384xf32, #tpu.memory_space<vmem>>[vector<16xi32>], vector<16xf32>,
        %add3A_202 = vector.broadcast %while3A_141 : i32 to vector<16xi32>
        %add3A_203 = arith.addi %add3A_199, %add3A_202 : vector<16xi32>
        %gather3A_204 = tpu.vector_load_idx %arg5[%iota3A, %add3A_203] : memref<16x640xf32, #tpu.memory_space<vmem>>[vector<16xi32>, vector<16xi32>], vector<16xf32>,
        %scatter3A_205 = tpu.memref_slice %arg7[%mul3A_185] : memref<8192xf32, #tpu.memory_space<vmem>> -> memref<384xf32, #tpu.memory_space<vmem>>
        tpu.vector_store_idx %scatter3A_205[%add3A_105], %gather3A_204 : memref<384xf32, #tpu.memory_space<vmem>>[vector<16xi32>], vector<16xf32>,
        %add3A_206 = vector.broadcast %while3A_141 : i32 to vector<16xi32>
        %add3A_207 = arith.addi %add3A_203, %add3A_206 : vector<16xi32>
        %gather3A_208 = tpu.vector_load_idx %arg5[%iota3A, %add3A_207] : memref<16x640xf32, #tpu.memory_space<vmem>>[vector<16xi32>, vector<16xi32>], vector<16xf32>,
        %scatter3A_209 = tpu.memref_slice %arg7[%mul3A_185] : memref<8192xf32, #tpu.memory_space<vmem>> -> memref<384xf32, #tpu.memory_space<vmem>>
        tpu.vector_store_idx %scatter3A_209[%add3A_111], %gather3A_208 : memref<384xf32, #tpu.memory_space<vmem>>[vector<16xi32>], vector<16xf32>,
        %add3A_210 = vector.broadcast %while3A_141 : i32 to vector<16xi32>
        %add3A_211 = arith.addi %add3A_207, %add3A_210 : vector<16xi32>
        %gather3A_212 = tpu.vector_load_idx %arg5[%iota3A, %add3A_211] : memref<16x640xf32, #tpu.memory_space<vmem>>[vector<16xi32>, vector<16xi32>], vector<16xf32>,
        %scatter3A_213 = tpu.memref_slice %arg7[%mul3A_185] : memref<8192xf32, #tpu.memory_space<vmem>> -> memref<384xf32, #tpu.memory_space<vmem>>
        tpu.vector_store_idx %scatter3A_213[%add3A_117], %gather3A_212 : memref<384xf32, #tpu.memory_space<vmem>>[vector<16xi32>], vector<16xf32>,
        %add3A_214 = vector.broadcast %while3A_141 : i32 to vector<16xi32>
        %add3A_215 = arith.addi %add3A_211, %add3A_214 : vector<16xi32>
        scf.yield %add3A_215 : vector<16xi32>
      }
      %while3A_152 = arith.constant 1 : i32
      %while3A_153 = scf.for %while3A_182 = %while3A_149 to %while3A_145 step %while3A_152 iter_args(%while3A_183 = %while3A_151) -> (vector<16xi32>)  : i32 {
        %mul3A_184 = arith.constant 128 : i32
        %mul3A_185 = arith.muli %while3A_182, %mul3A_184 : i32
        %gather3A = tpu.vector_load_idx %arg5[%iota3A, %while3A_183] : memref<16x640xf32, #tpu.memory_space<vmem>>[vector<16xi32>, vector<16xi32>], vector<16xf32>,
        %scatter3A = tpu.memref_slice %arg7[%mul3A_185] : memref<8192xf32, #tpu.memory_space<vmem>> -> memref<384xf32, #tpu.memory_space<vmem>>
        tpu.vector_store_idx %scatter3A[%add3A_75], %gather3A : memref<384xf32, #tpu.memory_space<vmem>>[vector<16xi32>], vector<16xf32>,
        %add3A_186 = vector.broadcast %while3A_141 : i32 to vector<16xi32>
        %add3A_187 = arith.addi %while3A_183, %add3A_186 : vector<16xi32>
        %gather3A_188 = tpu.vector_load_idx %arg5[%iota3A, %add3A_187] : memref<16x640xf32, #tpu.memory_space<vmem>>[vector<16xi32>, vector<16xi32>], vector<16xf32>,
        %scatter3A_189 = tpu.memref_slice %arg7[%mul3A_185] : memref<8192xf32, #tpu.memory_space<vmem>> -> memref<384xf32, #tpu.memory_space<vmem>>
        tpu.vector_store_idx %scatter3A_189[%add3A_81], %gather3A_188 : memref<384xf32, #tpu.memory_space<vmem>>[vector<16xi32>], vector<16xf32>,
        %add3A_190 = vector.broadcast %while3A_141 : i32 to vector<16xi32>
        %add3A_191 = arith.addi %add3A_187, %add3A_190 : vector<16xi32>
        %gather3A_192 = tpu.vector_load_idx %arg5[%iota3A, %add3A_191] : memref<16x640xf32, #tpu.memory_space<vmem>>[vector<16xi32>, vector<16xi32>], vector<16xf32>,
        %scatter3A_193 = tpu.memref_slice %arg7[%mul3A_185] : memref<8192xf32, #tpu.memory_space<vmem>> -> memref<384xf32, #tpu.memory_space<vmem>>
        tpu.vector_store_idx %scatter3A_193[%add3A_87], %gather3A_192 : memref<384xf32, #tpu.memory_space<vmem>>[vector<16xi32>], vector<16xf32>,
        %add3A_194 = vector.broadcast %while3A_141 : i32 to vector<16xi32>
        %add3A_195 = arith.addi %add3A_191, %add3A_194 : vector<16xi32>
        %gather3A_196 = tpu.vector_load_idx %arg5[%iota3A, %add3A_195] : memref<16x640xf32, #tpu.memory_space<vmem>>[vector<16xi32>, vector<16xi32>], vector<16xf32>,
        %scatter3A_197 = tpu.memref_slice %arg7[%mul3A_185] : memref<8192xf32, #tpu.memory_space<vmem>> -> memref<384xf32, #tpu.memory_space<vmem>>
        tpu.vector_store_idx %scatter3A_197[%add3A_93], %gather3A_196 : memref<384xf32, #tpu.memory_space<vmem>>[vector<16xi32>], vector<16xf32>,
        %add3A_198 = vector.broadcast %while3A_141 : i32 to vector<16xi32>
        %add3A_199 = arith.addi %add3A_195, %add3A_198 : vector<16xi32>
        %gather3A_200 = tpu.vector_load_idx %arg5[%iota3A, %add3A_199] : memref<16x640xf32, #tpu.memory_space<vmem>>[vector<16xi32>, vector<16xi32>], vector<16xf32>,
        %scatter3A_201 = tpu.memref_slice %arg7[%mul3A_185] : memref<8192xf32, #tpu.memory_space<vmem>> -> memref<384xf32, #tpu.memory_space<vmem>>
        tpu.vector_store_idx %scatter3A_201[%add3A_99], %gather3A_200 : memref<384xf32, #tpu.memory_space<vmem>>[vector<16xi32>], vector<16xf32>,
        %add3A_202 = vector.broadcast %while3A_141 : i32 to vector<16xi32>
        %add3A_203 = arith.addi %add3A_199, %add3A_202 : vector<16xi32>
        %gather3A_204 = tpu.vector_load_idx %arg5[%iota3A, %add3A_203] : memref<16x640xf32, #tpu.memory_space<vmem>>[vector<16xi32>, vector<16xi32>], vector<16xf32>,
        %scatter3A_205 = tpu.memref_slice %arg7[%mul3A_185] : memref<8192xf32, #tpu.memory_space<vmem>> -> memref<384xf32, #tpu.memory_space<vmem>>
        tpu.vector_store_idx %scatter3A_205[%add3A_105], %gather3A_204 : memref<384xf32, #tpu.memory_space<vmem>>[vector<16xi32>], vector<16xf32>,
        %add3A_206 = vector.broadcast %while3A_141 : i32 to vector<16xi32>
        %add3A_207 = arith.addi %add3A_203, %add3A_206 : vector<16xi32>
        %gather3A_208 = tpu.vector_load_idx %arg5[%iota3A, %add3A_207] : memref<16x640xf32, #tpu.memory_space<vmem>>[vector<16xi32>, vector<16xi32>], vector<16xf32>,
        %scatter3A_209 = tpu.memref_slice %arg7[%mul3A_185] : memref<8192xf32, #tpu.memory_space<vmem>> -> memref<384xf32, #tpu.memory_space<vmem>>
        tpu.vector_store_idx %scatter3A_209[%add3A_111], %gather3A_208 : memref<384xf32, #tpu.memory_space<vmem>>[vector<16xi32>], vector<16xf32>,
        %add3A_210 = vector.broadcast %while3A_141 : i32 to vector<16xi32>
        %add3A_211 = arith.addi %add3A_207, %add3A_210 : vector<16xi32>
        %gather3A_212 = tpu.vector_load_idx %arg5[%iota3A, %add3A_211] : memref<16x640xf32, #tpu.memory_space<vmem>>[vector<16xi32>, vector<16xi32>], vector<16xf32>,
        %scatter3A_213 = tpu.memref_slice %arg7[%mul3A_185] : memref<8192xf32, #tpu.memory_space<vmem>> -> memref<384xf32, #tpu.memory_space<vmem>>
        tpu.vector_store_idx %scatter3A_213[%add3A_117], %gather3A_212 : memref<384xf32, #tpu.memory_space<vmem>>[vector<16xi32>], vector<16xf32>,
        %add3A_214 = vector.broadcast %while3A_141 : i32 to vector<16xi32>
        %add3A_215 = arith.addi %add3A_211, %add3A_214 : vector<16xi32>
        scf.yield %add3A_215 : vector<16xi32>
      }
      %mul3A_154 = arith.constant 17 : i32
      %mul3A_155 = vector.broadcast %mul3A_154 : i32 to vector<16xi32>
      %mul3A_156 = arith.muli %iota3A, %mul3A_155 : vector<16xi32>
      %add3A_157 = arith.constant 7936 : i32
      %add3A_158 = vector.broadcast %add3A_157 : i32 to vector<16xi32>
      %add3A_159 = arith.addi %mul3A_156, %add3A_158 : vector<16xi32>
      %while3A_160 = arith.constant 1 : i32
      %while3A_161 = arith.constant 16 : i32
      %while3A_162 = arith.constant 0 : i32
      %while3A_163 = arith.constant 16 : i32
      %while3A_164 = arith.subi %while3A_163, %while3A_162 : i32
      %while3A_165 = arith.addi %while3A_162, %while3A_164 : i32
      %while3A_166 = arith.constant 1 : i32
      %while3A_167 = arith.divsi %while3A_164, %while3A_166 : i32
      %while3A_168 = arith.muli %while3A_167, %while3A_166 : i32
      %while3A_169 = arith.addi %while3A_162, %while3A_168 : i32
      %while3A_170 = arith.constant 1 : i32
      %while3A_171:2 = scf.for %while3A_182 = %while3A_162 to %while3A_169 step %while3A_170 iter_args(%while3A_183 = %while3A_153, %while3A_184 = %add3A_159) -> (vector<16xi32>, vector<16xi32>)  : i32 {
        %lt3A = arith.constant 512 : i32
        %lt3A_185 = vector.broadcast %lt3A : i32 to vector<16xi32>
        %lt3A_186 = arith.cmpi slt, %while3A_183, %lt3A_185 : vector<16xi32>
        %max3A = arith.constant 0 : i32
        %max3A_187 = vector.broadcast %max3A : i32 to vector<16xi32>
        %max3A_188 = arith.maxsi %while3A_183, %max3A_187 : vector<16xi32>
        %gather3A = tpu.vector_load_idx %arg5[%iota3A, %max3A_188] : memref<16x640xf32, #tpu.memory_space<vmem>>[vector<16xi32>, vector<16xi32>], vector<16xf32>,
        tpu.vector_store_idx %arg7[%while3A_184], %gather3A masked %lt3A_186 : memref<8192xf32, #tpu.memory_space<vmem>>[vector<16xi32>], vector<16xf32>, vector<16xi1>
        %add3A_189 = vector.broadcast %while3A_160 : i32 to vector<16xi32>
        %add3A_190 = arith.addi %while3A_183, %add3A_189 : vector<16xi32>
        %add3A_191 = vector.broadcast %while3A_161 : i32 to vector<16xi32>
        %add3A_192 = arith.addi %while3A_184, %add3A_191 : vector<16xi32>
        scf.yield %add3A_190, %add3A_192 : vector<16xi32>, vector<16xi32>
      }
      %while3A_172 = arith.constant 1 : i32
      %while3A_173:2 = scf.for %while3A_182 = %while3A_169 to %while3A_165 step %while3A_172 iter_args(%while3A_183 = %while3A_171#0, %while3A_184 = %while3A_171#1) -> (vector<16xi32>, vector<16xi32>)  : i32 {
        %lt3A = arith.constant 512 : i32
        %lt3A_185 = vector.broadcast %lt3A : i32 to vector<16xi32>
        %lt3A_186 = arith.cmpi slt, %while3A_183, %lt3A_185 : vector<16xi32>
        %max3A = arith.constant 0 : i32
        %max3A_187 = vector.broadcast %max3A : i32 to vector<16xi32>
        %max3A_188 = arith.maxsi %while3A_183, %max3A_187 : vector<16xi32>
        %gather3A = tpu.vector_load_idx %arg5[%iota3A, %max3A_188] : memref<16x640xf32, #tpu.memory_space<vmem>>[vector<16xi32>, vector<16xi32>], vector<16xf32>,
        tpu.vector_store_idx %arg7[%while3A_184], %gather3A masked %lt3A_186 : memref<8192xf32, #tpu.memory_space<vmem>>[vector<16xi32>], vector<16xf32>, vector<16xi1>
        %add3A_189 = vector.broadcast %while3A_160 : i32 to vector<16xi32>
        %add3A_190 = arith.addi %while3A_183, %add3A_189 : vector<16xi32>
        %add3A_191 = vector.broadcast %while3A_161 : i32 to vector<16xi32>
        %add3A_192 = arith.addi %while3A_184, %add3A_191 : vector<16xi32>
        scf.yield %add3A_190, %add3A_192 : vector<16xi32>, vector<16xi32>
      }
      %add3A_174 = arith.constant 999424 : i32
      %add3A_175 = arith.addi %mul3A_25, %add3A_174 : i32
      %mul3A_176 = arith.constant 16 : i32
      %mul3A_177 = arith.muli %add3A_175, %mul3A_176 : i32
      "tpu.region"() ({
        %run_scoped3A_182 = tpu.sem_alloc : memref<!tpu.dma_semaphore, #tpu.memory_space<semaphore_mem>>
        %dma_start3A_183 = tpu.memref_slice %arg4[%mul3A_177] : memref<64000000xf32, #tpu.memory_space<hbm>> -> memref<8192xf32, #tpu.memory_space<hbm>>
        %dma_start3A_184 = tpu.memref_slice %arg4[%mul3A_177] : memref<64000000xf32, #tpu.memory_space<hbm>> -> memref<8192xf32, #tpu.memory_space<hbm>>
        tpu.enqueue_dma source(%arg7 : memref<8192xf32, #tpu.memory_space<vmem>>) target(%dma_start3A_184 : memref<8192xf32, #tpu.memory_space<hbm>>) target_semaphore(%run_scoped3A_182 : memref<!tpu.dma_semaphore, #tpu.memory_space<semaphore_mem>>)
        %dma_wait3A_185 = tpu.memref_slice %arg4[%mul3A_177] : memref<64000000xf32, #tpu.memory_space<hbm>> -> memref<8192xf32, #tpu.memory_space<hbm>>
        %dma_wait3A_186 = tpu.memref_slice %arg4[%mul3A_177] : memref<64000000xf32, #tpu.memory_space<hbm>> -> memref<8192xf32, #tpu.memory_space<hbm>>
        tpu.wait_dma2 semaphore(%run_scoped3A_182 : memref<!tpu.dma_semaphore, #tpu.memory_space<semaphore_mem>>) src(%arg7 : memref<8192xf32, #tpu.memory_space<vmem>>) dst(%dma_wait3A_186 : memref<8192xf32, #tpu.memory_space<hbm>>)
        tpu.yield
      }) : () -> ()
      "tpu.region"() ({
        %run_scoped3A_182 = tpu.sem_alloc : memref<!tpu.dma_semaphore, #tpu.memory_space<semaphore_mem>>
        %dma_start3A_183 = arith.constant 0 : i32
        %dma_start3A_184 = tpu.memref_slice %arg3[%select_n3A, %dma_start3A_183] : memref<4x1024xf32, #tpu.memory_space<hbm>> -> memref<1x1024xf32, #tpu.memory_space<hbm>>
        %dma_start3A_185 = tpu.memref_squeeze %dma_start3A_184 : memref<1x1024xf32, #tpu.memory_space<hbm>> -> memref<1024xf32, #tpu.memory_space<hbm>>
        %dma_start3A_186 = arith.constant 0 : i32
        %dma_start3A_187 = tpu.memref_slice %arg3[%select_n3A, %dma_start3A_186] : memref<4x1024xf32, #tpu.memory_space<hbm>> -> memref<1x1024xf32, #tpu.memory_space<hbm>>
        %dma_start3A_188 = tpu.memref_squeeze %dma_start3A_187 : memref<1x1024xf32, #tpu.memory_space<hbm>> -> memref<1024xf32, #tpu.memory_space<hbm>>
        tpu.enqueue_dma source(%dma_start3A_188 : memref<1024xf32, #tpu.memory_space<hbm>>) target(%arg9 : memref<1024xf32, #tpu.memory_space<vmem>>) target_semaphore(%run_scoped3A_182 : memref<!tpu.dma_semaphore, #tpu.memory_space<semaphore_mem>>)
        %dma_wait3A_189 = arith.constant 0 : i32
        %dma_wait3A_190 = tpu.memref_slice %arg3[%select_n3A, %dma_wait3A_189] : memref<4x1024xf32, #tpu.memory_space<hbm>> -> memref<1x1024xf32, #tpu.memory_space<hbm>>
        %dma_wait3A_191 = tpu.memref_squeeze %dma_wait3A_190 : memref<1x1024xf32, #tpu.memory_space<hbm>> -> memref<1024xf32, #tpu.memory_space<hbm>>
        %dma_wait3A_192 = arith.constant 0 : i32
        %dma_wait3A_193 = tpu.memref_slice %arg3[%select_n3A, %dma_wait3A_192] : memref<4x1024xf32, #tpu.memory_space<hbm>> -> memref<1x1024xf32, #tpu.memory_space<hbm>>
        %dma_wait3A_194 = tpu.memref_squeeze %dma_wait3A_193 : memref<1x1024xf32, #tpu.memory_space<hbm>> -> memref<1024xf32, #tpu.memory_space<hbm>>
        tpu.wait_dma2 semaphore(%run_scoped3A_182 : memref<!tpu.dma_semaphore, #tpu.memory_space<semaphore_mem>>) src(%dma_wait3A_194 : memref<1024xf32, #tpu.memory_space<hbm>>) dst(%arg9 : memref<1024xf32, #tpu.memory_space<vmem>>)
        tpu.yield
      }) : () -> ()
      %add3A_178 = arith.constant 999936 : i32
      %add3A_179 = arith.addi %mul3A_25, %add3A_178 : i32
      %mul3A_180 = arith.constant 16 : i32
      %mul3A_181 = arith.muli %add3A_179, %mul3A_180 : i32
      "tpu.region"() ({
        %run_scoped3A_182 = tpu.sem_alloc : memref<!tpu.dma_semaphore, #tpu.memory_space<semaphore_mem>>
        %dma_start3A_183 = tpu.memref_slice %arg4[%mul3A_181] : memref<64000000xf32, #tpu.memory_space<hbm>> -> memref<1024xf32, #tpu.memory_space<hbm>>
        %dma_start3A_184 = tpu.memref_slice %arg4[%mul3A_181] : memref<64000000xf32, #tpu.memory_space<hbm>> -> memref<1024xf32, #tpu.memory_space<hbm>>
        tpu.enqueue_dma source(%arg9 : memref<1024xf32, #tpu.memory_space<vmem>>) target(%dma_start3A_184 : memref<1024xf32, #tpu.memory_space<hbm>>) target_semaphore(%run_scoped3A_182 : memref<!tpu.dma_semaphore, #tpu.memory_space<semaphore_mem>>)
        %dma_wait3A_185 = tpu.memref_slice %arg4[%mul3A_181] : memref<64000000xf32, #tpu.memory_space<hbm>> -> memref<1024xf32, #tpu.memory_space<hbm>>
        %dma_wait3A_186 = tpu.memref_slice %arg4[%mul3A_181] : memref<64000000xf32, #tpu.memory_space<hbm>> -> memref<1024xf32, #tpu.memory_space<hbm>>
        tpu.wait_dma2 semaphore(%run_scoped3A_182 : memref<!tpu.dma_semaphore, #tpu.memory_space<semaphore_mem>>) src(%arg9 : memref<1024xf32, #tpu.memory_space<vmem>>) dst(%dma_wait3A_186 : memref<1024xf32, #tpu.memory_space<hbm>>)
        tpu.yield
      }) : () -> ()
    } else {
    }
    return
  }
}

#map = affine_map<(d0, d1) -> (0, 0)>
module attributes {stable_mosaic.version = 14 : i64} {
  func.func @_sc_lookup(%arg0: i32, %arg1: i32, %arg2: memref<4x204800xi32, #tpu.memory_space<hbm>>, %arg3: memref<4000000x16xf32, #tpu.memory_space<hbm>>, %arg4: memref<819200x16xf32, #tpu.memory_space<hbm>>, %arg5: memref<4x640xi32, #tpu.memory_space<vmem>>, %arg6: memref<4x640xi32, #tpu.memory_space<vmem>>, %arg7: memref<2560xi32, #tpu.memory_space<vmem>>, %arg8: memref<2560xi32, #tpu.memory_space<vmem>>, %arg9: memref<2560x16xf32, #tpu.memory_space<vmem>>, %arg10: memref<2560x16xf32, #tpu.memory_space<vmem>>, %arg11: memref<!tpu.dma_semaphore, #tpu.memory_space<semaphore_mem>>, %arg12: memref<!tpu.dma_semaphore, #tpu.memory_space<semaphore_mem>>, %arg13: memref<!tpu.dma_semaphore, #tpu.memory_space<semaphore_mem>>, %arg14: memref<!tpu.dma_semaphore, #tpu.memory_space<semaphore_mem>>, %arg15: memref<!tpu.dma_semaphore, #tpu.memory_space<semaphore_mem>>, %arg16: memref<!tpu.dma_semaphore, #tpu.memory_space<semaphore_mem>>) attributes {dimension_semantics = [#tpu.dimension_semantics<core_parallel>, #tpu.dimension_semantics<subcore_parallel>], iteration_bounds = array<i64: 2, 16>, scalar_prefetch = 0 : i64, scratch_operands = 12 : i64, tpu.core_type = #tpu.core_type<sc_vector_subcore>, window_params = [{transform_indices = #map}, {transform_indices = #map}, {transform_indices = #map}]} {
    %mul3A = arith.constant 2 : i32
    %mul3A_0 = arith.muli %arg1, %mul3A : i32
    %add3A = arith.addi %mul3A_0, %arg0 : i32
    %mul3A_1 = arith.constant 6400 : i32
    %mul3A_2 = arith.muli %add3A, %mul3A_1 : i32
    %iota3A = tpu.iota {dimensions = array<i32: 0>} : vector<16xi32>
    %mul3A_3 = arith.constant 0 : i32
    %mul3A_4 = arith.constant 640 : i32
    %mul3A_5 = arith.muli %mul3A_3, %mul3A_4 : i32
    %add3A_6 = arith.addi %mul3A_2, %mul3A_5 : i32
    %dma_start3A = arith.constant 0 : i32
    %dma_start3A_7 = tpu.memref_slice %arg2[%dma_start3A, %add3A_6] : memref<4x204800xi32, #tpu.memory_space<hbm>> -> memref<4x640xi32, #tpu.memory_space<hbm>>
    %dma_start3A_8 = arith.constant 0 : i32
    %dma_start3A_9 = tpu.memref_slice %arg2[%dma_start3A_8, %add3A_6] : memref<4x204800xi32, #tpu.memory_space<hbm>> -> memref<4x640xi32, #tpu.memory_space<hbm>>
    tpu.enqueue_dma source(%dma_start3A_9 : memref<4x640xi32, #tpu.memory_space<hbm>>) target(%arg5 : memref<4x640xi32, #tpu.memory_space<vmem>>) target_semaphore(%arg11 : memref<!tpu.dma_semaphore, #tpu.memory_space<semaphore_mem>>)
    %while3A = arith.constant 0 : i32
    %while3A_10 = arith.constant 5 : i32
    %while3A_11 = arith.constant 0 : i32
    %while3A_12 = arith.subi %while3A_10, %while3A : i32
    %while3A_13 = arith.addi %while3A, %while3A_12 : i32
    %while3A_14 = arith.constant 1 : i32
    %while3A_15 = arith.divsi %while3A_12, %while3A_14 : i32
    %while3A_16 = arith.muli %while3A_15, %while3A_14 : i32
    %while3A_17 = arith.addi %while3A, %while3A_16 : i32
    %while3A_18 = arith.constant 1 : i32
    %while3A_19 = scf.for %while3A_55 = %while3A to %while3A_17 step %while3A_18 iter_args(%while3A_56 = %while3A_11) -> (i32)  : i32 {
      %mul3A_57 = arith.constant 2 : i32
      %mul3A_58 = arith.muli %while3A_55, %mul3A_57 : i32
      %add3A_59 = arith.constant 0 : i32
      %add3A_60 = arith.addi %mul3A_58, %add3A_59 : i32
      %mul3A_61 = arith.constant 640 : i32
      %mul3A_62 = arith.muli %add3A_60, %mul3A_61 : i32
      %add3A_63 = arith.addi %mul3A_2, %mul3A_62 : i32
      %dma_wait3A_64 = arith.constant 0 : i32
      %dma_wait3A_65 = tpu.memref_slice %arg2[%dma_wait3A_64, %add3A_63] : memref<4x204800xi32, #tpu.memory_space<hbm>> -> memref<4x640xi32, #tpu.memory_space<hbm>>
      %dma_wait3A_66 = arith.constant 0 : i32
      %dma_wait3A_67 = tpu.memref_slice %arg2[%dma_wait3A_66, %add3A_63] : memref<4x204800xi32, #tpu.memory_space<hbm>> -> memref<4x640xi32, #tpu.memory_space<hbm>>
      tpu.wait_dma2 semaphore(%arg11 : memref<!tpu.dma_semaphore, #tpu.memory_space<semaphore_mem>>) src(%dma_wait3A_67 : memref<4x640xi32, #tpu.memory_space<hbm>>) dst(%arg5 : memref<4x640xi32, #tpu.memory_space<vmem>>)
      %add3A_68 = arith.constant 1 : i32
      %add3A_69 = arith.addi %add3A_60, %add3A_68 : i32
      %lt3A = arith.constant 10 : i32
      %lt3A_70 = arith.cmpi slt, %add3A_69, %lt3A : i32
      %convert_element_type3A = arith.extui %lt3A_70 : i1 to i32
      %cond3A = arith.constant 0 : i32
      %cond3A_71 = arith.cmpi ne, %convert_element_type3A, %cond3A : i32
      scf.if %cond3A_71 {
        %add3A_465 = arith.constant 1 : i32
        %add3A_466 = arith.addi %add3A_60, %add3A_465 : i32
        %mul3A_467 = arith.constant 640 : i32
        %mul3A_468 = arith.muli %add3A_466, %mul3A_467 : i32
        %add3A_469 = arith.addi %mul3A_2, %mul3A_468 : i32
        %dma_start3A_470 = arith.constant 0 : i32
        %dma_start3A_471 = tpu.memref_slice %arg2[%dma_start3A_470, %add3A_469] : memref<4x204800xi32, #tpu.memory_space<hbm>> -> memref<4x640xi32, #tpu.memory_space<hbm>>
        %dma_start3A_472 = arith.constant 0 : i32
        %dma_start3A_473 = tpu.memref_slice %arg2[%dma_start3A_472, %add3A_469] : memref<4x204800xi32, #tpu.memory_space<hbm>> -> memref<4x640xi32, #tpu.memory_space<hbm>>
        tpu.enqueue_dma source(%dma_start3A_473 : memref<4x640xi32, #tpu.memory_space<hbm>>) target(%arg6 : memref<4x640xi32, #tpu.memory_space<vmem>>) target_semaphore(%arg12 : memref<!tpu.dma_semaphore, #tpu.memory_space<semaphore_mem>>)
      } else {
      }
      %while3A_72 = arith.constant 0 : i32
      %while3A_73 = arith.constant 40 : i32
      %while3A_74 = arith.constant 0 : i32
      %while3A_75 = arith.subi %while3A_73, %while3A_72 : i32
      %while3A_76 = arith.addi %while3A_72, %while3A_75 : i32
      %while3A_77 = arith.constant 1 : i32
      %while3A_78 = arith.divsi %while3A_75, %while3A_77 : i32
      %while3A_79 = arith.muli %while3A_78, %while3A_77 : i32
      %while3A_80 = arith.addi %while3A_72, %while3A_79 : i32
      %while3A_81 = arith.constant 1 : i32
      %while3A_82 = scf.for %while3A_465 = %while3A_72 to %while3A_80 step %while3A_81 iter_args(%while3A_466 = %while3A_74) -> (i32)  : i32 {
        %mul3A_467 = arith.constant 16 : i32
        %mul3A_468 = arith.muli %while3A_465, %mul3A_467 : i32
        %get3A = arith.constant 0 : i64
        %get3A_469 = arith.index_cast %get3A : i64 to index
        %get3A_470 = arith.index_cast %mul3A_468 : i32 to index
        %get3A_471 = tpu.vector_load %arg5[%get3A_469, %get3A_470] {strides = array<i32>} : memref<4x640xi32, #tpu.memory_space<vmem>>, vector<16xi32>,
        %get3A_472 = arith.constant 1 : i64
        %get3A_473 = arith.index_cast %get3A_472 : i64 to index
        %get3A_474 = arith.index_cast %mul3A_468 : i32 to index
        %get3A_475 = tpu.vector_load %arg5[%get3A_473, %get3A_474] {strides = array<i32>} : memref<4x640xi32, #tpu.memory_space<vmem>>, vector<16xi32>,
        %get3A_476 = arith.constant 2 : i64
        %get3A_477 = arith.index_cast %get3A_476 : i64 to index
        %get3A_478 = arith.index_cast %mul3A_468 : i32 to index
        %get3A_479 = tpu.vector_load %arg5[%get3A_477, %get3A_478] {strides = array<i32>} : memref<4x640xi32, #tpu.memory_space<vmem>>, vector<16xi32>,
        %get3A_480 = arith.constant 3 : i64
        %get3A_481 = arith.index_cast %get3A_480 : i64 to index
        %get3A_482 = arith.index_cast %mul3A_468 : i32 to index
        %get3A_483 = tpu.vector_load %arg5[%get3A_481, %get3A_482] {strides = array<i32>} : memref<4x640xi32, #tpu.memory_space<vmem>>, vector<16xi32>,
        %xor3A = arith.xori %get3A_471, %get3A_475 : vector<16xi32>
        %xor3A_484 = arith.xori %xor3A, %get3A_479 : vector<16xi32>
        %xor3A_485 = arith.xori %xor3A_484, %get3A_483 : vector<16xi32>
        %rem3A = arith.constant 1000000 : i32
        %rem3A_486 = vector.broadcast %rem3A : i32 to vector<16xi32>
        %rem3A_487 = arith.remsi %xor3A_485, %rem3A_486 : vector<16xi32>
        %xor3A_488 = arith.xori %get3A_471, %get3A_479 : vector<16xi32>
        %rem3A_489 = arith.constant 1000000 : i32
        %rem3A_490 = vector.broadcast %rem3A_489 : i32 to vector<16xi32>
        %rem3A_491 = arith.remsi %xor3A_488, %rem3A_490 : vector<16xi32>
        %xor3A_492 = arith.xori %get3A_475, %get3A_483 : vector<16xi32>
        %rem3A_493 = arith.constant 1000000 : i32
        %rem3A_494 = vector.broadcast %rem3A_493 : i32 to vector<16xi32>
        %rem3A_495 = arith.remsi %xor3A_492, %rem3A_494 : vector<16xi32>
        %xor3A_496 = arith.xori %get3A_471, %get3A_475 : vector<16xi32>
        %xor3A_497 = arith.xori %get3A_479, %get3A_483 : vector<16xi32>
        %mul3A_498 = arith.constant -1028477379 : i32
        %mul3A_499 = vector.broadcast %mul3A_498 : i32 to vector<16xi32>
        %mul3A_500 = arith.muli %xor3A_497, %mul3A_499 : vector<16xi32>
        %shift_right_logical3A = arith.constant 16 : i32
        %shift_right_logical3A_501 = vector.broadcast %shift_right_logical3A : i32 to vector<16xi32>
        %shift_right_logical3A_502 = arith.shrui %xor3A_497, %shift_right_logical3A_501 : vector<16xi32>
        %and3A = arith.constant 65535 : i32
        %and3A_503 = vector.broadcast %and3A : i32 to vector<16xi32>
        %and3A_504 = arith.andi %xor3A_497, %and3A_503 : vector<16xi32>
        %mul3A_505 = arith.constant 44605 : i32
        %mul3A_506 = vector.broadcast %mul3A_505 : i32 to vector<16xi32>
        %mul3A_507 = arith.muli %and3A_504, %mul3A_506 : vector<16xi32>
        %mul3A_508 = arith.constant 44605 : i32
        %mul3A_509 = vector.broadcast %mul3A_508 : i32 to vector<16xi32>
        %mul3A_510 = arith.muli %shift_right_logical3A_502, %mul3A_509 : vector<16xi32>
        %shift_right_logical3A_511 = arith.constant 16 : i32
        %shift_right_logical3A_512 = vector.broadcast %shift_right_logical3A_511 : i32 to vector<16xi32>
        %shift_right_logical3A_513 = arith.shrui %mul3A_507, %shift_right_logical3A_512 : vector<16xi32>
        %add3A_514 = arith.addi %mul3A_510, %shift_right_logical3A_513 : vector<16xi32>
        %mul3A_515 = arith.constant 49842 : i32
        %mul3A_516 = vector.broadcast %mul3A_515 : i32 to vector<16xi32>
        %mul3A_517 = arith.muli %and3A_504, %mul3A_516 : vector<16xi32>
        %and3A_518 = arith.constant 65535 : i32
        %and3A_519 = vector.broadcast %and3A_518 : i32 to vector<16xi32>
        %and3A_520 = arith.andi %add3A_514, %and3A_519 : vector<16xi32>
        %add3A_521 = arith.addi %mul3A_517, %and3A_520 : vector<16xi32>
        %mul3A_522 = arith.constant 49842 : i32
        %mul3A_523 = vector.broadcast %mul3A_522 : i32 to vector<16xi32>
        %mul3A_524 = arith.muli %shift_right_logical3A_502, %mul3A_523 : vector<16xi32>
        %shift_right_logical3A_525 = arith.constant 16 : i32
        %shift_right_logical3A_526 = vector.broadcast %shift_right_logical3A_525 : i32 to vector<16xi32>
        %shift_right_logical3A_527 = arith.shrui %add3A_514, %shift_right_logical3A_526 : vector<16xi32>
        %add3A_528 = arith.addi %mul3A_524, %shift_right_logical3A_527 : vector<16xi32>
        %shift_right_logical3A_529 = arith.constant 16 : i32
        %shift_right_logical3A_530 = vector.broadcast %shift_right_logical3A_529 : i32 to vector<16xi32>
        %shift_right_logical3A_531 = arith.shrui %add3A_521, %shift_right_logical3A_530 : vector<16xi32>
        %add3A_532 = arith.addi %add3A_528, %shift_right_logical3A_531 : vector<16xi32>
        %xor3A_533 = arith.xori %mul3A_500, %xor3A_496 : vector<16xi32>
        %shift_right_logical3A_534 = arith.constant 16 : i32
        %shift_right_logical3A_535 = vector.broadcast %shift_right_logical3A_534 : i32 to vector<16xi32>
        %shift_right_logical3A_536 = arith.shrui %xor3A_533, %shift_right_logical3A_535 : vector<16xi32>
        %and3A_537 = arith.constant 65535 : i32
        %and3A_538 = vector.broadcast %and3A_537 : i32 to vector<16xi32>
        %and3A_539 = arith.andi %xor3A_533, %and3A_538 : vector<16xi32>
        %mul3A_540 = arith.constant 3036 : i32
        %mul3A_541 = vector.broadcast %mul3A_540 : i32 to vector<16xi32>
        %mul3A_542 = arith.muli %shift_right_logical3A_536, %mul3A_541 : vector<16xi32>
        %add3A_543 = arith.addi %mul3A_542, %and3A_539 : vector<16xi32>
        %rem3A_544 = arith.constant 15625 : i32
        %rem3A_545 = vector.broadcast %rem3A_544 : i32 to vector<16xi32>
        %rem3A_546 = arith.remui %add3A_543, %rem3A_545 : vector<16xi32>
        %rem3A_547 = arith.constant 15625 : i32
        %rem3A_548 = vector.broadcast %rem3A_547 : i32 to vector<16xi32>
        %rem3A_549 = arith.remui %add3A_532, %rem3A_548 : vector<16xi32>
        %mul3A_550 = arith.constant 14171 : i32
        %mul3A_551 = vector.broadcast %mul3A_550 : i32 to vector<16xi32>
        %mul3A_552 = arith.muli %rem3A_549, %mul3A_551 : vector<16xi32>
        %rem3A_553 = arith.constant 15625 : i32
        %rem3A_554 = vector.broadcast %rem3A_553 : i32 to vector<16xi32>
        %rem3A_555 = arith.remui %mul3A_552, %rem3A_554 : vector<16xi32>
        %add3A_556 = arith.addi %rem3A_555, %rem3A_546 : vector<16xi32>
        %rem3A_557 = arith.constant 15625 : i32
        %rem3A_558 = vector.broadcast %rem3A_557 : i32 to vector<16xi32>
        %rem3A_559 = arith.remui %add3A_556, %rem3A_558 : vector<16xi32>
        %and3A_560 = arith.constant 63 : i32
        %and3A_561 = vector.broadcast %and3A_560 : i32 to vector<16xi32>
        %and3A_562 = arith.andi %xor3A_533, %and3A_561 : vector<16xi32>
        %sub3A_563 = arith.subi %and3A_562, %rem3A_559 : vector<16xi32>
        %and3A_564 = arith.constant 63 : i32
        %and3A_565 = vector.broadcast %and3A_564 : i32 to vector<16xi32>
        %and3A_566 = arith.andi %sub3A_563, %and3A_565 : vector<16xi32>
        %mul3A_567 = arith.constant 57 : i32
        %mul3A_568 = vector.broadcast %mul3A_567 : i32 to vector<16xi32>
        %mul3A_569 = arith.muli %and3A_566, %mul3A_568 : vector<16xi32>
        %and3A_570 = arith.constant 63 : i32
        %and3A_571 = vector.broadcast %and3A_570 : i32 to vector<16xi32>
        %and3A_572 = arith.andi %mul3A_569, %and3A_571 : vector<16xi32>
        %mul3A_573 = arith.constant 15625 : i32
        %mul3A_574 = vector.broadcast %mul3A_573 : i32 to vector<16xi32>
        %mul3A_575 = arith.muli %mul3A_574, %and3A_572 : vector<16xi32>
        %add3A_576 = arith.addi %rem3A_559, %mul3A_575 : vector<16xi32>
        %mul3A_577 = arith.constant 64 : i32
        %mul3A_578 = arith.muli %while3A_465, %mul3A_577 : i32
        %mul3A_579 = arith.constant 4 : i32
        %mul3A_580 = vector.broadcast %mul3A_579 : i32 to vector<16xi32>
        %mul3A_581 = arith.muli %iota3A, %mul3A_580 : vector<16xi32>
        %add3A_582 = vector.broadcast %mul3A_578 : i32 to vector<16xi32>
        %add3A_583 = arith.addi %add3A_582, %mul3A_581 : vector<16xi32>
        %add3A_584 = arith.constant 0 : i32
        %add3A_585 = vector.broadcast %add3A_584 : i32 to vector<16xi32>
        %add3A_586 = arith.addi %add3A_583, %add3A_585 : vector<16xi32>
        %add3A_587 = arith.constant 0 : i32
        %add3A_588 = vector.broadcast %add3A_587 : i32 to vector<16xi32>
        %add3A_589 = arith.addi %rem3A_487, %add3A_588 : vector<16xi32>
        tpu.vector_store_idx %arg7[%add3A_586], %add3A_589 : memref<2560xi32, #tpu.memory_space<vmem>>[vector<16xi32>], vector<16xi32>,
        %add3A_590 = arith.constant 1 : i32
        %add3A_591 = vector.broadcast %add3A_590 : i32 to vector<16xi32>
        %add3A_592 = arith.addi %add3A_583, %add3A_591 : vector<16xi32>
        %add3A_593 = arith.constant 1000000 : i32
        %add3A_594 = vector.broadcast %add3A_593 : i32 to vector<16xi32>
        %add3A_595 = arith.addi %rem3A_491, %add3A_594 : vector<16xi32>
        tpu.vector_store_idx %arg7[%add3A_592], %add3A_595 : memref<2560xi32, #tpu.memory_space<vmem>>[vector<16xi32>], vector<16xi32>,
        %add3A_596 = arith.constant 2 : i32
        %add3A_597 = vector.broadcast %add3A_596 : i32 to vector<16xi32>
        %add3A_598 = arith.addi %add3A_583, %add3A_597 : vector<16xi32>
        %add3A_599 = arith.constant 2000000 : i32
        %add3A_600 = vector.broadcast %add3A_599 : i32 to vector<16xi32>
        %add3A_601 = arith.addi %rem3A_495, %add3A_600 : vector<16xi32>
        tpu.vector_store_idx %arg7[%add3A_598], %add3A_601 : memref<2560xi32, #tpu.memory_space<vmem>>[vector<16xi32>], vector<16xi32>,
        %add3A_602 = arith.constant 3 : i32
        %add3A_603 = vector.broadcast %add3A_602 : i32 to vector<16xi32>
        %add3A_604 = arith.addi %add3A_583, %add3A_603 : vector<16xi32>
        %add3A_605 = arith.constant 3000000 : i32
        %add3A_606 = vector.broadcast %add3A_605 : i32 to vector<16xi32>
        %add3A_607 = arith.addi %add3A_576, %add3A_606 : vector<16xi32>
        tpu.vector_store_idx %arg7[%add3A_604], %add3A_607 : memref<2560xi32, #tpu.memory_space<vmem>>[vector<16xi32>], vector<16xi32>,
        %while3A_608 = arith.constant 0 : i32
        scf.yield %while3A_608 : i32
      }
      %while3A_83 = arith.constant 1 : i32
      %while3A_84 = scf.for %while3A_465 = %while3A_80 to %while3A_76 step %while3A_83 iter_args(%while3A_466 = %while3A_82) -> (i32)  : i32 {
        %mul3A_467 = arith.constant 16 : i32
        %mul3A_468 = arith.muli %while3A_465, %mul3A_467 : i32
        %get3A = arith.constant 0 : i64
        %get3A_469 = arith.index_cast %get3A : i64 to index
        %get3A_470 = arith.index_cast %mul3A_468 : i32 to index
        %get3A_471 = tpu.vector_load %arg5[%get3A_469, %get3A_470] {strides = array<i32>} : memref<4x640xi32, #tpu.memory_space<vmem>>, vector<16xi32>,
        %get3A_472 = arith.constant 1 : i64
        %get3A_473 = arith.index_cast %get3A_472 : i64 to index
        %get3A_474 = arith.index_cast %mul3A_468 : i32 to index
        %get3A_475 = tpu.vector_load %arg5[%get3A_473, %get3A_474] {strides = array<i32>} : memref<4x640xi32, #tpu.memory_space<vmem>>, vector<16xi32>,
        %get3A_476 = arith.constant 2 : i64
        %get3A_477 = arith.index_cast %get3A_476 : i64 to index
        %get3A_478 = arith.index_cast %mul3A_468 : i32 to index
        %get3A_479 = tpu.vector_load %arg5[%get3A_477, %get3A_478] {strides = array<i32>} : memref<4x640xi32, #tpu.memory_space<vmem>>, vector<16xi32>,
        %get3A_480 = arith.constant 3 : i64
        %get3A_481 = arith.index_cast %get3A_480 : i64 to index
        %get3A_482 = arith.index_cast %mul3A_468 : i32 to index
        %get3A_483 = tpu.vector_load %arg5[%get3A_481, %get3A_482] {strides = array<i32>} : memref<4x640xi32, #tpu.memory_space<vmem>>, vector<16xi32>,
        %xor3A = arith.xori %get3A_471, %get3A_475 : vector<16xi32>
        %xor3A_484 = arith.xori %xor3A, %get3A_479 : vector<16xi32>
        %xor3A_485 = arith.xori %xor3A_484, %get3A_483 : vector<16xi32>
        %rem3A = arith.constant 1000000 : i32
        %rem3A_486 = vector.broadcast %rem3A : i32 to vector<16xi32>
        %rem3A_487 = arith.remsi %xor3A_485, %rem3A_486 : vector<16xi32>
        %xor3A_488 = arith.xori %get3A_471, %get3A_479 : vector<16xi32>
        %rem3A_489 = arith.constant 1000000 : i32
        %rem3A_490 = vector.broadcast %rem3A_489 : i32 to vector<16xi32>
        %rem3A_491 = arith.remsi %xor3A_488, %rem3A_490 : vector<16xi32>
        %xor3A_492 = arith.xori %get3A_475, %get3A_483 : vector<16xi32>
        %rem3A_493 = arith.constant 1000000 : i32
        %rem3A_494 = vector.broadcast %rem3A_493 : i32 to vector<16xi32>
        %rem3A_495 = arith.remsi %xor3A_492, %rem3A_494 : vector<16xi32>
        %xor3A_496 = arith.xori %get3A_471, %get3A_475 : vector<16xi32>
        %xor3A_497 = arith.xori %get3A_479, %get3A_483 : vector<16xi32>
        %mul3A_498 = arith.constant -1028477379 : i32
        %mul3A_499 = vector.broadcast %mul3A_498 : i32 to vector<16xi32>
        %mul3A_500 = arith.muli %xor3A_497, %mul3A_499 : vector<16xi32>
        %shift_right_logical3A = arith.constant 16 : i32
        %shift_right_logical3A_501 = vector.broadcast %shift_right_logical3A : i32 to vector<16xi32>
        %shift_right_logical3A_502 = arith.shrui %xor3A_497, %shift_right_logical3A_501 : vector<16xi32>
        %and3A = arith.constant 65535 : i32
        %and3A_503 = vector.broadcast %and3A : i32 to vector<16xi32>
        %and3A_504 = arith.andi %xor3A_497, %and3A_503 : vector<16xi32>
        %mul3A_505 = arith.constant 44605 : i32
        %mul3A_506 = vector.broadcast %mul3A_505 : i32 to vector<16xi32>
        %mul3A_507 = arith.muli %and3A_504, %mul3A_506 : vector<16xi32>
        %mul3A_508 = arith.constant 44605 : i32
        %mul3A_509 = vector.broadcast %mul3A_508 : i32 to vector<16xi32>
        %mul3A_510 = arith.muli %shift_right_logical3A_502, %mul3A_509 : vector<16xi32>
        %shift_right_logical3A_511 = arith.constant 16 : i32
        %shift_right_logical3A_512 = vector.broadcast %shift_right_logical3A_511 : i32 to vector<16xi32>
        %shift_right_logical3A_513 = arith.shrui %mul3A_507, %shift_right_logical3A_512 : vector<16xi32>
        %add3A_514 = arith.addi %mul3A_510, %shift_right_logical3A_513 : vector<16xi32>
        %mul3A_515 = arith.constant 49842 : i32
        %mul3A_516 = vector.broadcast %mul3A_515 : i32 to vector<16xi32>
        %mul3A_517 = arith.muli %and3A_504, %mul3A_516 : vector<16xi32>
        %and3A_518 = arith.constant 65535 : i32
        %and3A_519 = vector.broadcast %and3A_518 : i32 to vector<16xi32>
        %and3A_520 = arith.andi %add3A_514, %and3A_519 : vector<16xi32>
        %add3A_521 = arith.addi %mul3A_517, %and3A_520 : vector<16xi32>
        %mul3A_522 = arith.constant 49842 : i32
        %mul3A_523 = vector.broadcast %mul3A_522 : i32 to vector<16xi32>
        %mul3A_524 = arith.muli %shift_right_logical3A_502, %mul3A_523 : vector<16xi32>
        %shift_right_logical3A_525 = arith.constant 16 : i32
        %shift_right_logical3A_526 = vector.broadcast %shift_right_logical3A_525 : i32 to vector<16xi32>
        %shift_right_logical3A_527 = arith.shrui %add3A_514, %shift_right_logical3A_526 : vector<16xi32>
        %add3A_528 = arith.addi %mul3A_524, %shift_right_logical3A_527 : vector<16xi32>
        %shift_right_logical3A_529 = arith.constant 16 : i32
        %shift_right_logical3A_530 = vector.broadcast %shift_right_logical3A_529 : i32 to vector<16xi32>
        %shift_right_logical3A_531 = arith.shrui %add3A_521, %shift_right_logical3A_530 : vector<16xi32>
        %add3A_532 = arith.addi %add3A_528, %shift_right_logical3A_531 : vector<16xi32>
        %xor3A_533 = arith.xori %mul3A_500, %xor3A_496 : vector<16xi32>
        %shift_right_logical3A_534 = arith.constant 16 : i32
        %shift_right_logical3A_535 = vector.broadcast %shift_right_logical3A_534 : i32 to vector<16xi32>
        %shift_right_logical3A_536 = arith.shrui %xor3A_533, %shift_right_logical3A_535 : vector<16xi32>
        %and3A_537 = arith.constant 65535 : i32
        %and3A_538 = vector.broadcast %and3A_537 : i32 to vector<16xi32>
        %and3A_539 = arith.andi %xor3A_533, %and3A_538 : vector<16xi32>
        %mul3A_540 = arith.constant 3036 : i32
        %mul3A_541 = vector.broadcast %mul3A_540 : i32 to vector<16xi32>
        %mul3A_542 = arith.muli %shift_right_logical3A_536, %mul3A_541 : vector<16xi32>
        %add3A_543 = arith.addi %mul3A_542, %and3A_539 : vector<16xi32>
        %rem3A_544 = arith.constant 15625 : i32
        %rem3A_545 = vector.broadcast %rem3A_544 : i32 to vector<16xi32>
        %rem3A_546 = arith.remui %add3A_543, %rem3A_545 : vector<16xi32>
        %rem3A_547 = arith.constant 15625 : i32
        %rem3A_548 = vector.broadcast %rem3A_547 : i32 to vector<16xi32>
        %rem3A_549 = arith.remui %add3A_532, %rem3A_548 : vector<16xi32>
        %mul3A_550 = arith.constant 14171 : i32
        %mul3A_551 = vector.broadcast %mul3A_550 : i32 to vector<16xi32>
        %mul3A_552 = arith.muli %rem3A_549, %mul3A_551 : vector<16xi32>
        %rem3A_553 = arith.constant 15625 : i32
        %rem3A_554 = vector.broadcast %rem3A_553 : i32 to vector<16xi32>
        %rem3A_555 = arith.remui %mul3A_552, %rem3A_554 : vector<16xi32>
        %add3A_556 = arith.addi %rem3A_555, %rem3A_546 : vector<16xi32>
        %rem3A_557 = arith.constant 15625 : i32
        %rem3A_558 = vector.broadcast %rem3A_557 : i32 to vector<16xi32>
        %rem3A_559 = arith.remui %add3A_556, %rem3A_558 : vector<16xi32>
        %and3A_560 = arith.constant 63 : i32
        %and3A_561 = vector.broadcast %and3A_560 : i32 to vector<16xi32>
        %and3A_562 = arith.andi %xor3A_533, %and3A_561 : vector<16xi32>
        %sub3A_563 = arith.subi %and3A_562, %rem3A_559 : vector<16xi32>
        %and3A_564 = arith.constant 63 : i32
        %and3A_565 = vector.broadcast %and3A_564 : i32 to vector<16xi32>
        %and3A_566 = arith.andi %sub3A_563, %and3A_565 : vector<16xi32>
        %mul3A_567 = arith.constant 57 : i32
        %mul3A_568 = vector.broadcast %mul3A_567 : i32 to vector<16xi32>
        %mul3A_569 = arith.muli %and3A_566, %mul3A_568 : vector<16xi32>
        %and3A_570 = arith.constant 63 : i32
        %and3A_571 = vector.broadcast %and3A_570 : i32 to vector<16xi32>
        %and3A_572 = arith.andi %mul3A_569, %and3A_571 : vector<16xi32>
        %mul3A_573 = arith.constant 15625 : i32
        %mul3A_574 = vector.broadcast %mul3A_573 : i32 to vector<16xi32>
        %mul3A_575 = arith.muli %mul3A_574, %and3A_572 : vector<16xi32>
        %add3A_576 = arith.addi %rem3A_559, %mul3A_575 : vector<16xi32>
        %mul3A_577 = arith.constant 64 : i32
        %mul3A_578 = arith.muli %while3A_465, %mul3A_577 : i32
        %mul3A_579 = arith.constant 4 : i32
        %mul3A_580 = vector.broadcast %mul3A_579 : i32 to vector<16xi32>
        %mul3A_581 = arith.muli %iota3A, %mul3A_580 : vector<16xi32>
        %add3A_582 = vector.broadcast %mul3A_578 : i32 to vector<16xi32>
        %add3A_583 = arith.addi %add3A_582, %mul3A_581 : vector<16xi32>
        %add3A_584 = arith.constant 0 : i32
        %add3A_585 = vector.broadcast %add3A_584 : i32 to vector<16xi32>
        %add3A_586 = arith.addi %add3A_583, %add3A_585 : vector<16xi32>
        %add3A_587 = arith.constant 0 : i32
        %add3A_588 = vector.broadcast %add3A_587 : i32 to vector<16xi32>
        %add3A_589 = arith.addi %rem3A_487, %add3A_588 : vector<16xi32>
        tpu.vector_store_idx %arg7[%add3A_586], %add3A_589 : memref<2560xi32, #tpu.memory_space<vmem>>[vector<16xi32>], vector<16xi32>,
        %add3A_590 = arith.constant 1 : i32
        %add3A_591 = vector.broadcast %add3A_590 : i32 to vector<16xi32>
        %add3A_592 = arith.addi %add3A_583, %add3A_591 : vector<16xi32>
        %add3A_593 = arith.constant 1000000 : i32
        %add3A_594 = vector.broadcast %add3A_593 : i32 to vector<16xi32>
        %add3A_595 = arith.addi %rem3A_491, %add3A_594 : vector<16xi32>
        tpu.vector_store_idx %arg7[%add3A_592], %add3A_595 : memref<2560xi32, #tpu.memory_space<vmem>>[vector<16xi32>], vector<16xi32>,
        %add3A_596 = arith.constant 2 : i32
        %add3A_597 = vector.broadcast %add3A_596 : i32 to vector<16xi32>
        %add3A_598 = arith.addi %add3A_583, %add3A_597 : vector<16xi32>
        %add3A_599 = arith.constant 2000000 : i32
        %add3A_600 = vector.broadcast %add3A_599 : i32 to vector<16xi32>
        %add3A_601 = arith.addi %rem3A_495, %add3A_600 : vector<16xi32>
        tpu.vector_store_idx %arg7[%add3A_598], %add3A_601 : memref<2560xi32, #tpu.memory_space<vmem>>[vector<16xi32>], vector<16xi32>,
        %add3A_602 = arith.constant 3 : i32
        %add3A_603 = vector.broadcast %add3A_602 : i32 to vector<16xi32>
        %add3A_604 = arith.addi %add3A_583, %add3A_603 : vector<16xi32>
        %add3A_605 = arith.constant 3000000 : i32
        %add3A_606 = vector.broadcast %add3A_605 : i32 to vector<16xi32>
        %add3A_607 = arith.addi %add3A_576, %add3A_606 : vector<16xi32>
        tpu.vector_store_idx %arg7[%add3A_604], %add3A_607 : memref<2560xi32, #tpu.memory_space<vmem>>[vector<16xi32>], vector<16xi32>,
        %while3A_608 = arith.constant 0 : i32
        scf.yield %while3A_608 : i32
      }
      %gt3A = arith.constant 0 : i32
      %gt3A_85 = arith.cmpi sgt, %while3A_55, %gt3A : i32
      %convert_element_type3A_86 = arith.extui %gt3A_85 : i1 to i32
      %cond3A_87 = arith.constant 0 : i32
      %cond3A_88 = arith.cmpi ne, %convert_element_type3A_86, %cond3A_87 : i32
      scf.if %cond3A_88 {
        %dma_wait3A_465 = arith.constant 0 : i32
        %dma_wait3A_466 = arith.constant 0 : i32
        %dma_wait3A_467 = tpu.memref_slice %arg3[%dma_wait3A_465, %dma_wait3A_466] : memref<4000000x16xf32, #tpu.memory_space<hbm>> -> memref<4000000x16xf32, #tpu.memory_space<hbm>>
        tpu.wait_indirect_dma semaphore(%arg14 : memref<!tpu.dma_semaphore, #tpu.memory_space<semaphore_mem>>) src(%dma_wait3A_467 : memref<4000000x16xf32, #tpu.memory_space<hbm>>) dst(%arg10 : memref<2560x16xf32, #tpu.memory_space<vmem>>)
        %sub3A_468 = arith.constant 1 : i32
        %sub3A_469 = arith.subi %add3A_60, %sub3A_468 : i32
        %mul3A_470 = arith.constant 640 : i32
        %mul3A_471 = arith.muli %sub3A_469, %mul3A_470 : i32
        %add3A_472 = arith.addi %mul3A_2, %mul3A_471 : i32
        %mul3A_473 = arith.constant 4 : i32
        %mul3A_474 = arith.muli %add3A_472, %mul3A_473 : i32
        %dma_start3A_475 = arith.constant 0 : i32
        %dma_start3A_476 = tpu.memref_slice %arg4[%mul3A_474, %dma_start3A_475] : memref<819200x16xf32, #tpu.memory_space<hbm>> -> memref<2560x16xf32, #tpu.memory_space<hbm>>
        %dma_start3A_477 = arith.constant 0 : i32
        %dma_start3A_478 = tpu.memref_slice %arg4[%mul3A_474, %dma_start3A_477] : memref<819200x16xf32, #tpu.memory_space<hbm>> -> memref<2560x16xf32, #tpu.memory_space<hbm>>
        tpu.enqueue_dma source(%arg10 : memref<2560x16xf32, #tpu.memory_space<vmem>>) target(%dma_start3A_478 : memref<2560x16xf32, #tpu.memory_space<hbm>>) target_semaphore(%arg16 : memref<!tpu.dma_semaphore, #tpu.memory_space<semaphore_mem>>)
      } else {
      }
      %gt3A_89 = arith.constant 0 : i32
      %gt3A_90 = arith.cmpi sgt, %while3A_55, %gt3A_89 : i32
      %convert_element_type3A_91 = arith.extui %gt3A_90 : i1 to i32
      %cond3A_92 = arith.constant 0 : i32
      %cond3A_93 = arith.cmpi ne, %convert_element_type3A_91, %cond3A_92 : i32
      scf.if %cond3A_93 {
        %mul3A_465 = arith.constant 640 : i32
        %mul3A_466 = arith.muli %add3A_60, %mul3A_465 : i32
        %add3A_467 = arith.addi %mul3A_2, %mul3A_466 : i32
        %mul3A_468 = arith.constant 4 : i32
        %mul3A_469 = arith.muli %add3A_467, %mul3A_468 : i32
        %dma_wait3A_470 = arith.constant 0 : i32
        %dma_wait3A_471 = tpu.memref_slice %arg4[%mul3A_469, %dma_wait3A_470] : memref<819200x16xf32, #tpu.memory_space<hbm>> -> memref<2560x16xf32, #tpu.memory_space<hbm>>
        %dma_wait3A_472 = arith.constant 0 : i32
        %dma_wait3A_473 = tpu.memref_slice %arg4[%mul3A_469, %dma_wait3A_472] : memref<819200x16xf32, #tpu.memory_space<hbm>> -> memref<2560x16xf32, #tpu.memory_space<hbm>>
        tpu.wait_dma2 semaphore(%arg15 : memref<!tpu.dma_semaphore, #tpu.memory_space<semaphore_mem>>) src(%arg9 : memref<2560x16xf32, #tpu.memory_space<vmem>>) dst(%dma_wait3A_473 : memref<2560x16xf32, #tpu.memory_space<hbm>>)
      } else {
      }
      %dma_start3A_94 = arith.constant 0 : i32
      %dma_start3A_95 = arith.constant 0 : i32
      %dma_start3A_96 = tpu.memref_slice %arg9[%dma_start3A_94, %dma_start3A_95] : memref<2560x16xf32, #tpu.memory_space<vmem>> -> memref<128x16xf32, #tpu.memory_space<vmem>>
      %dma_start3A_97 = arith.constant 0 : i32
      %dma_start3A_98 = tpu.memref_slice %arg7[%dma_start3A_97] : memref<2560xi32, #tpu.memory_space<vmem>> -> memref<128xi32, #tpu.memory_space<vmem>>
      %dma_start3A_99 = arith.constant 0 : i32
      %dma_start3A_100 = arith.constant 0 : i32
      %dma_start3A_101 = tpu.memref_slice %arg3[%dma_start3A_99, %dma_start3A_100] : memref<4000000x16xf32, #tpu.memory_space<hbm>> -> memref<4000000x16xf32, #tpu.memory_space<hbm>>
      tpu.enqueue_indirect_dma source(%dma_start3A_101 : memref<4000000x16xf32, #tpu.memory_space<hbm>>) target(%dma_start3A_96 : memref<128x16xf32, #tpu.memory_space<vmem>>) offsets(%dma_start3A_98 : memref<128xi32, #tpu.memory_space<vmem>>) semaphore(%arg13 : memref<!tpu.dma_semaphore, #tpu.memory_space<semaphore_mem>>)
      %dma_start3A_102 = arith.constant 128 : i32
      %dma_start3A_103 = arith.constant 0 : i32
      %dma_start3A_104 = tpu.memref_slice %arg9[%dma_start3A_102, %dma_start3A_103] : memref<2560x16xf32, #tpu.memory_space<vmem>> -> memref<128x16xf32, #tpu.memory_space<vmem>>
      %dma_start3A_105 = arith.constant 128 : i32
      %dma_start3A_106 = tpu.memref_slice %arg7[%dma_start3A_105] : memref<2560xi32, #tpu.memory_space<vmem>> -> memref<128xi32, #tpu.memory_space<vmem>>
      %dma_start3A_107 = arith.constant 0 : i32
      %dma_start3A_108 = arith.constant 0 : i32
      %dma_start3A_109 = tpu.memref_slice %arg3[%dma_start3A_107, %dma_start3A_108] : memref<4000000x16xf32, #tpu.memory_space<hbm>> -> memref<4000000x16xf32, #tpu.memory_space<hbm>>
      tpu.enqueue_indirect_dma source(%dma_start3A_109 : memref<4000000x16xf32, #tpu.memory_space<hbm>>) target(%dma_start3A_104 : memref<128x16xf32, #tpu.memory_space<vmem>>) offsets(%dma_start3A_106 : memref<128xi32, #tpu.memory_space<vmem>>) semaphore(%arg13 : memref<!tpu.dma_semaphore, #tpu.memory_space<semaphore_mem>>)
      %dma_start3A_110 = arith.constant 256 : i32
      %dma_start3A_111 = arith.constant 0 : i32
      %dma_start3A_112 = tpu.memref_slice %arg9[%dma_start3A_110, %dma_start3A_111] : memref<2560x16xf32, #tpu.memory_space<vmem>> -> memref<128x16xf32, #tpu.memory_space<vmem>>
      %dma_start3A_113 = arith.constant 256 : i32
      %dma_start3A_114 = tpu.memref_slice %arg7[%dma_start3A_113] : memref<2560xi32, #tpu.memory_space<vmem>> -> memref<128xi32, #tpu.memory_space<vmem>>
      %dma_start3A_115 = arith.constant 0 : i32
      %dma_start3A_116 = arith.constant 0 : i32
      %dma_start3A_117 = tpu.memref_slice %arg3[%dma_start3A_115, %dma_start3A_116] : memref<4000000x16xf32, #tpu.memory_space<hbm>> -> memref<4000000x16xf32, #tpu.memory_space<hbm>>
      tpu.enqueue_indirect_dma source(%dma_start3A_117 : memref<4000000x16xf32, #tpu.memory_space<hbm>>) target(%dma_start3A_112 : memref<128x16xf32, #tpu.memory_space<vmem>>) offsets(%dma_start3A_114 : memref<128xi32, #tpu.memory_space<vmem>>) semaphore(%arg13 : memref<!tpu.dma_semaphore, #tpu.memory_space<semaphore_mem>>)
      %dma_start3A_118 = arith.constant 384 : i32
      %dma_start3A_119 = arith.constant 0 : i32
      %dma_start3A_120 = tpu.memref_slice %arg9[%dma_start3A_118, %dma_start3A_119] : memref<2560x16xf32, #tpu.memory_space<vmem>> -> memref<128x16xf32, #tpu.memory_space<vmem>>
      %dma_start3A_121 = arith.constant 384 : i32
      %dma_start3A_122 = tpu.memref_slice %arg7[%dma_start3A_121] : memref<2560xi32, #tpu.memory_space<vmem>> -> memref<128xi32, #tpu.memory_space<vmem>>
      %dma_start3A_123 = arith.constant 0 : i32
      %dma_start3A_124 = arith.constant 0 : i32
      %dma_start3A_125 = tpu.memref_slice %arg3[%dma_start3A_123, %dma_start3A_124] : memref<4000000x16xf32, #tpu.memory_space<hbm>> -> memref<4000000x16xf32, #tpu.memory_space<hbm>>
      tpu.enqueue_indirect_dma source(%dma_start3A_125 : memref<4000000x16xf32, #tpu.memory_space<hbm>>) target(%dma_start3A_120 : memref<128x16xf32, #tpu.memory_space<vmem>>) offsets(%dma_start3A_122 : memref<128xi32, #tpu.memory_space<vmem>>) semaphore(%arg13 : memref<!tpu.dma_semaphore, #tpu.memory_space<semaphore_mem>>)
      %dma_start3A_126 = arith.constant 512 : i32
      %dma_start3A_127 = arith.constant 0 : i32
      %dma_start3A_128 = tpu.memref_slice %arg9[%dma_start3A_126, %dma_start3A_127] : memref<2560x16xf32, #tpu.memory_space<vmem>> -> memref<128x16xf32, #tpu.memory_space<vmem>>
      %dma_start3A_129 = arith.constant 512 : i32
      %dma_start3A_130 = tpu.memref_slice %arg7[%dma_start3A_129] : memref<2560xi32, #tpu.memory_space<vmem>> -> memref<128xi32, #tpu.memory_space<vmem>>
      %dma_start3A_131 = arith.constant 0 : i32
      %dma_start3A_132 = arith.constant 0 : i32
      %dma_start3A_133 = tpu.memref_slice %arg3[%dma_start3A_131, %dma_start3A_132] : memref<4000000x16xf32, #tpu.memory_space<hbm>> -> memref<4000000x16xf32, #tpu.memory_space<hbm>>
      tpu.enqueue_indirect_dma source(%dma_start3A_133 : memref<4000000x16xf32, #tpu.memory_space<hbm>>) target(%dma_start3A_128 : memref<128x16xf32, #tpu.memory_space<vmem>>) offsets(%dma_start3A_130 : memref<128xi32, #tpu.memory_space<vmem>>) semaphore(%arg13 : memref<!tpu.dma_semaphore, #tpu.memory_space<semaphore_mem>>)
      %dma_start3A_134 = arith.constant 640 : i32
      %dma_start3A_135 = arith.constant 0 : i32
      %dma_start3A_136 = tpu.memref_slice %arg9[%dma_start3A_134, %dma_start3A_135] : memref<2560x16xf32, #tpu.memory_space<vmem>> -> memref<128x16xf32, #tpu.memory_space<vmem>>
      %dma_start3A_137 = arith.constant 640 : i32
      %dma_start3A_138 = tpu.memref_slice %arg7[%dma_start3A_137] : memref<2560xi32, #tpu.memory_space<vmem>> -> memref<128xi32, #tpu.memory_space<vmem>>
      %dma_start3A_139 = arith.constant 0 : i32
      %dma_start3A_140 = arith.constant 0 : i32
      %dma_start3A_141 = tpu.memref_slice %arg3[%dma_start3A_139, %dma_start3A_140] : memref<4000000x16xf32, #tpu.memory_space<hbm>> -> memref<4000000x16xf32, #tpu.memory_space<hbm>>
      tpu.enqueue_indirect_dma source(%dma_start3A_141 : memref<4000000x16xf32, #tpu.memory_space<hbm>>) target(%dma_start3A_136 : memref<128x16xf32, #tpu.memory_space<vmem>>) offsets(%dma_start3A_138 : memref<128xi32, #tpu.memory_space<vmem>>) semaphore(%arg13 : memref<!tpu.dma_semaphore, #tpu.memory_space<semaphore_mem>>)
      %dma_start3A_142 = arith.constant 768 : i32
      %dma_start3A_143 = arith.constant 0 : i32
      %dma_start3A_144 = tpu.memref_slice %arg9[%dma_start3A_142, %dma_start3A_143] : memref<2560x16xf32, #tpu.memory_space<vmem>> -> memref<128x16xf32, #tpu.memory_space<vmem>>
      %dma_start3A_145 = arith.constant 768 : i32
      %dma_start3A_146 = tpu.memref_slice %arg7[%dma_start3A_145] : memref<2560xi32, #tpu.memory_space<vmem>> -> memref<128xi32, #tpu.memory_space<vmem>>
      %dma_start3A_147 = arith.constant 0 : i32
      %dma_start3A_148 = arith.constant 0 : i32
      %dma_start3A_149 = tpu.memref_slice %arg3[%dma_start3A_147, %dma_start3A_148] : memref<4000000x16xf32, #tpu.memory_space<hbm>> -> memref<4000000x16xf32, #tpu.memory_space<hbm>>
      tpu.enqueue_indirect_dma source(%dma_start3A_149 : memref<4000000x16xf32, #tpu.memory_space<hbm>>) target(%dma_start3A_144 : memref<128x16xf32, #tpu.memory_space<vmem>>) offsets(%dma_start3A_146 : memref<128xi32, #tpu.memory_space<vmem>>) semaphore(%arg13 : memref<!tpu.dma_semaphore, #tpu.memory_space<semaphore_mem>>)
      %dma_start3A_150 = arith.constant 896 : i32
      %dma_start3A_151 = arith.constant 0 : i32
      %dma_start3A_152 = tpu.memref_slice %arg9[%dma_start3A_150, %dma_start3A_151] : memref<2560x16xf32, #tpu.memory_space<vmem>> -> memref<128x16xf32, #tpu.memory_space<vmem>>
      %dma_start3A_153 = arith.constant 896 : i32
      %dma_start3A_154 = tpu.memref_slice %arg7[%dma_start3A_153] : memref<2560xi32, #tpu.memory_space<vmem>> -> memref<128xi32, #tpu.memory_space<vmem>>
      %dma_start3A_155 = arith.constant 0 : i32
      %dma_start3A_156 = arith.constant 0 : i32
      %dma_start3A_157 = tpu.memref_slice %arg3[%dma_start3A_155, %dma_start3A_156] : memref<4000000x16xf32, #tpu.memory_space<hbm>> -> memref<4000000x16xf32, #tpu.memory_space<hbm>>
      tpu.enqueue_indirect_dma source(%dma_start3A_157 : memref<4000000x16xf32, #tpu.memory_space<hbm>>) target(%dma_start3A_152 : memref<128x16xf32, #tpu.memory_space<vmem>>) offsets(%dma_start3A_154 : memref<128xi32, #tpu.memory_space<vmem>>) semaphore(%arg13 : memref<!tpu.dma_semaphore, #tpu.memory_space<semaphore_mem>>)
      %dma_start3A_158 = arith.constant 1024 : i32
      %dma_start3A_159 = arith.constant 0 : i32
      %dma_start3A_160 = tpu.memref_slice %arg9[%dma_start3A_158, %dma_start3A_159] : memref<2560x16xf32, #tpu.memory_space<vmem>> -> memref<128x16xf32, #tpu.memory_space<vmem>>
      %dma_start3A_161 = arith.constant 1024 : i32
      %dma_start3A_162 = tpu.memref_slice %arg7[%dma_start3A_161] : memref<2560xi32, #tpu.memory_space<vmem>> -> memref<128xi32, #tpu.memory_space<vmem>>
      %dma_start3A_163 = arith.constant 0 : i32
      %dma_start3A_164 = arith.constant 0 : i32
      %dma_start3A_165 = tpu.memref_slice %arg3[%dma_start3A_163, %dma_start3A_164] : memref<4000000x16xf32, #tpu.memory_space<hbm>> -> memref<4000000x16xf32, #tpu.memory_space<hbm>>
      tpu.enqueue_indirect_dma source(%dma_start3A_165 : memref<4000000x16xf32, #tpu.memory_space<hbm>>) target(%dma_start3A_160 : memref<128x16xf32, #tpu.memory_space<vmem>>) offsets(%dma_start3A_162 : memref<128xi32, #tpu.memory_space<vmem>>) semaphore(%arg13 : memref<!tpu.dma_semaphore, #tpu.memory_space<semaphore_mem>>)
      %dma_start3A_166 = arith.constant 1152 : i32
      %dma_start3A_167 = arith.constant 0 : i32
      %dma_start3A_168 = tpu.memref_slice %arg9[%dma_start3A_166, %dma_start3A_167] : memref<2560x16xf32, #tpu.memory_space<vmem>> -> memref<128x16xf32, #tpu.memory_space<vmem>>
      %dma_start3A_169 = arith.constant 1152 : i32
      %dma_start3A_170 = tpu.memref_slice %arg7[%dma_start3A_169] : memref<2560xi32, #tpu.memory_space<vmem>> -> memref<128xi32, #tpu.memory_space<vmem>>
      %dma_start3A_171 = arith.constant 0 : i32
      %dma_start3A_172 = arith.constant 0 : i32
      %dma_start3A_173 = tpu.memref_slice %arg3[%dma_start3A_171, %dma_start3A_172] : memref<4000000x16xf32, #tpu.memory_space<hbm>> -> memref<4000000x16xf32, #tpu.memory_space<hbm>>
      tpu.enqueue_indirect_dma source(%dma_start3A_173 : memref<4000000x16xf32, #tpu.memory_space<hbm>>) target(%dma_start3A_168 : memref<128x16xf32, #tpu.memory_space<vmem>>) offsets(%dma_start3A_170 : memref<128xi32, #tpu.memory_space<vmem>>) semaphore(%arg13 : memref<!tpu.dma_semaphore, #tpu.memory_space<semaphore_mem>>)
      %dma_start3A_174 = arith.constant 1280 : i32
      %dma_start3A_175 = arith.constant 0 : i32
      %dma_start3A_176 = tpu.memref_slice %arg9[%dma_start3A_174, %dma_start3A_175] : memref<2560x16xf32, #tpu.memory_space<vmem>> -> memref<128x16xf32, #tpu.memory_space<vmem>>
      %dma_start3A_177 = arith.constant 1280 : i32
      %dma_start3A_178 = tpu.memref_slice %arg7[%dma_start3A_177] : memref<2560xi32, #tpu.memory_space<vmem>> -> memref<128xi32, #tpu.memory_space<vmem>>
      %dma_start3A_179 = arith.constant 0 : i32
      %dma_start3A_180 = arith.constant 0 : i32
      %dma_start3A_181 = tpu.memref_slice %arg3[%dma_start3A_179, %dma_start3A_180] : memref<4000000x16xf32, #tpu.memory_space<hbm>> -> memref<4000000x16xf32, #tpu.memory_space<hbm>>
      tpu.enqueue_indirect_dma source(%dma_start3A_181 : memref<4000000x16xf32, #tpu.memory_space<hbm>>) target(%dma_start3A_176 : memref<128x16xf32, #tpu.memory_space<vmem>>) offsets(%dma_start3A_178 : memref<128xi32, #tpu.memory_space<vmem>>) semaphore(%arg13 : memref<!tpu.dma_semaphore, #tpu.memory_space<semaphore_mem>>)
      %dma_start3A_182 = arith.constant 1408 : i32
      %dma_start3A_183 = arith.constant 0 : i32
      %dma_start3A_184 = tpu.memref_slice %arg9[%dma_start3A_182, %dma_start3A_183] : memref<2560x16xf32, #tpu.memory_space<vmem>> -> memref<128x16xf32, #tpu.memory_space<vmem>>
      %dma_start3A_185 = arith.constant 1408 : i32
      %dma_start3A_186 = tpu.memref_slice %arg7[%dma_start3A_185] : memref<2560xi32, #tpu.memory_space<vmem>> -> memref<128xi32, #tpu.memory_space<vmem>>
      %dma_start3A_187 = arith.constant 0 : i32
      %dma_start3A_188 = arith.constant 0 : i32
      %dma_start3A_189 = tpu.memref_slice %arg3[%dma_start3A_187, %dma_start3A_188] : memref<4000000x16xf32, #tpu.memory_space<hbm>> -> memref<4000000x16xf32, #tpu.memory_space<hbm>>
      tpu.enqueue_indirect_dma source(%dma_start3A_189 : memref<4000000x16xf32, #tpu.memory_space<hbm>>) target(%dma_start3A_184 : memref<128x16xf32, #tpu.memory_space<vmem>>) offsets(%dma_start3A_186 : memref<128xi32, #tpu.memory_space<vmem>>) semaphore(%arg13 : memref<!tpu.dma_semaphore, #tpu.memory_space<semaphore_mem>>)
      %dma_start3A_190 = arith.constant 1536 : i32
      %dma_start3A_191 = arith.constant 0 : i32
      %dma_start3A_192 = tpu.memref_slice %arg9[%dma_start3A_190, %dma_start3A_191] : memref<2560x16xf32, #tpu.memory_space<vmem>> -> memref<128x16xf32, #tpu.memory_space<vmem>>
      %dma_start3A_193 = arith.constant 1536 : i32
      %dma_start3A_194 = tpu.memref_slice %arg7[%dma_start3A_193] : memref<2560xi32, #tpu.memory_space<vmem>> -> memref<128xi32, #tpu.memory_space<vmem>>
      %dma_start3A_195 = arith.constant 0 : i32
      %dma_start3A_196 = arith.constant 0 : i32
      %dma_start3A_197 = tpu.memref_slice %arg3[%dma_start3A_195, %dma_start3A_196] : memref<4000000x16xf32, #tpu.memory_space<hbm>> -> memref<4000000x16xf32, #tpu.memory_space<hbm>>
      tpu.enqueue_indirect_dma source(%dma_start3A_197 : memref<4000000x16xf32, #tpu.memory_space<hbm>>) target(%dma_start3A_192 : memref<128x16xf32, #tpu.memory_space<vmem>>) offsets(%dma_start3A_194 : memref<128xi32, #tpu.memory_space<vmem>>) semaphore(%arg13 : memref<!tpu.dma_semaphore, #tpu.memory_space<semaphore_mem>>)
      %dma_start3A_198 = arith.constant 1664 : i32
      %dma_start3A_199 = arith.constant 0 : i32
      %dma_start3A_200 = tpu.memref_slice %arg9[%dma_start3A_198, %dma_start3A_199] : memref<2560x16xf32, #tpu.memory_space<vmem>> -> memref<128x16xf32, #tpu.memory_space<vmem>>
      %dma_start3A_201 = arith.constant 1664 : i32
      %dma_start3A_202 = tpu.memref_slice %arg7[%dma_start3A_201] : memref<2560xi32, #tpu.memory_space<vmem>> -> memref<128xi32, #tpu.memory_space<vmem>>
      %dma_start3A_203 = arith.constant 0 : i32
      %dma_start3A_204 = arith.constant 0 : i32
      %dma_start3A_205 = tpu.memref_slice %arg3[%dma_start3A_203, %dma_start3A_204] : memref<4000000x16xf32, #tpu.memory_space<hbm>> -> memref<4000000x16xf32, #tpu.memory_space<hbm>>
      tpu.enqueue_indirect_dma source(%dma_start3A_205 : memref<4000000x16xf32, #tpu.memory_space<hbm>>) target(%dma_start3A_200 : memref<128x16xf32, #tpu.memory_space<vmem>>) offsets(%dma_start3A_202 : memref<128xi32, #tpu.memory_space<vmem>>) semaphore(%arg13 : memref<!tpu.dma_semaphore, #tpu.memory_space<semaphore_mem>>)
      %dma_start3A_206 = arith.constant 1792 : i32
      %dma_start3A_207 = arith.constant 0 : i32
      %dma_start3A_208 = tpu.memref_slice %arg9[%dma_start3A_206, %dma_start3A_207] : memref<2560x16xf32, #tpu.memory_space<vmem>> -> memref<128x16xf32, #tpu.memory_space<vmem>>
      %dma_start3A_209 = arith.constant 1792 : i32
      %dma_start3A_210 = tpu.memref_slice %arg7[%dma_start3A_209] : memref<2560xi32, #tpu.memory_space<vmem>> -> memref<128xi32, #tpu.memory_space<vmem>>
      %dma_start3A_211 = arith.constant 0 : i32
      %dma_start3A_212 = arith.constant 0 : i32
      %dma_start3A_213 = tpu.memref_slice %arg3[%dma_start3A_211, %dma_start3A_212] : memref<4000000x16xf32, #tpu.memory_space<hbm>> -> memref<4000000x16xf32, #tpu.memory_space<hbm>>
      tpu.enqueue_indirect_dma source(%dma_start3A_213 : memref<4000000x16xf32, #tpu.memory_space<hbm>>) target(%dma_start3A_208 : memref<128x16xf32, #tpu.memory_space<vmem>>) offsets(%dma_start3A_210 : memref<128xi32, #tpu.memory_space<vmem>>) semaphore(%arg13 : memref<!tpu.dma_semaphore, #tpu.memory_space<semaphore_mem>>)
      %dma_start3A_214 = arith.constant 1920 : i32
      %dma_start3A_215 = arith.constant 0 : i32
      %dma_start3A_216 = tpu.memref_slice %arg9[%dma_start3A_214, %dma_start3A_215] : memref<2560x16xf32, #tpu.memory_space<vmem>> -> memref<128x16xf32, #tpu.memory_space<vmem>>
      %dma_start3A_217 = arith.constant 1920 : i32
      %dma_start3A_218 = tpu.memref_slice %arg7[%dma_start3A_217] : memref<2560xi32, #tpu.memory_space<vmem>> -> memref<128xi32, #tpu.memory_space<vmem>>
      %dma_start3A_219 = arith.constant 0 : i32
      %dma_start3A_220 = arith.constant 0 : i32
      %dma_start3A_221 = tpu.memref_slice %arg3[%dma_start3A_219, %dma_start3A_220] : memref<4000000x16xf32, #tpu.memory_space<hbm>> -> memref<4000000x16xf32, #tpu.memory_space<hbm>>
      tpu.enqueue_indirect_dma source(%dma_start3A_221 : memref<4000000x16xf32, #tpu.memory_space<hbm>>) target(%dma_start3A_216 : memref<128x16xf32, #tpu.memory_space<vmem>>) offsets(%dma_start3A_218 : memref<128xi32, #tpu.memory_space<vmem>>) semaphore(%arg13 : memref<!tpu.dma_semaphore, #tpu.memory_space<semaphore_mem>>)
      %dma_start3A_222 = arith.constant 2048 : i32
      %dma_start3A_223 = arith.constant 0 : i32
      %dma_start3A_224 = tpu.memref_slice %arg9[%dma_start3A_222, %dma_start3A_223] : memref<2560x16xf32, #tpu.memory_space<vmem>> -> memref<128x16xf32, #tpu.memory_space<vmem>>
      %dma_start3A_225 = arith.constant 2048 : i32
      %dma_start3A_226 = tpu.memref_slice %arg7[%dma_start3A_225] : memref<2560xi32, #tpu.memory_space<vmem>> -> memref<128xi32, #tpu.memory_space<vmem>>
      %dma_start3A_227 = arith.constant 0 : i32
      %dma_start3A_228 = arith.constant 0 : i32
      %dma_start3A_229 = tpu.memref_slice %arg3[%dma_start3A_227, %dma_start3A_228] : memref<4000000x16xf32, #tpu.memory_space<hbm>> -> memref<4000000x16xf32, #tpu.memory_space<hbm>>
      tpu.enqueue_indirect_dma source(%dma_start3A_229 : memref<4000000x16xf32, #tpu.memory_space<hbm>>) target(%dma_start3A_224 : memref<128x16xf32, #tpu.memory_space<vmem>>) offsets(%dma_start3A_226 : memref<128xi32, #tpu.memory_space<vmem>>) semaphore(%arg13 : memref<!tpu.dma_semaphore, #tpu.memory_space<semaphore_mem>>)
      %dma_start3A_230 = arith.constant 2176 : i32
      %dma_start3A_231 = arith.constant 0 : i32
      %dma_start3A_232 = tpu.memref_slice %arg9[%dma_start3A_230, %dma_start3A_231] : memref<2560x16xf32, #tpu.memory_space<vmem>> -> memref<128x16xf32, #tpu.memory_space<vmem>>
      %dma_start3A_233 = arith.constant 2176 : i32
      %dma_start3A_234 = tpu.memref_slice %arg7[%dma_start3A_233] : memref<2560xi32, #tpu.memory_space<vmem>> -> memref<128xi32, #tpu.memory_space<vmem>>
      %dma_start3A_235 = arith.constant 0 : i32
      %dma_start3A_236 = arith.constant 0 : i32
      %dma_start3A_237 = tpu.memref_slice %arg3[%dma_start3A_235, %dma_start3A_236] : memref<4000000x16xf32, #tpu.memory_space<hbm>> -> memref<4000000x16xf32, #tpu.memory_space<hbm>>
      tpu.enqueue_indirect_dma source(%dma_start3A_237 : memref<4000000x16xf32, #tpu.memory_space<hbm>>) target(%dma_start3A_232 : memref<128x16xf32, #tpu.memory_space<vmem>>) offsets(%dma_start3A_234 : memref<128xi32, #tpu.memory_space<vmem>>) semaphore(%arg13 : memref<!tpu.dma_semaphore, #tpu.memory_space<semaphore_mem>>)
      %dma_start3A_238 = arith.constant 2304 : i32
      %dma_start3A_239 = arith.constant 0 : i32
      %dma_start3A_240 = tpu.memref_slice %arg9[%dma_start3A_238, %dma_start3A_239] : memref<2560x16xf32, #tpu.memory_space<vmem>> -> memref<128x16xf32, #tpu.memory_space<vmem>>
      %dma_start3A_241 = arith.constant 2304 : i32
      %dma_start3A_242 = tpu.memref_slice %arg7[%dma_start3A_241] : memref<2560xi32, #tpu.memory_space<vmem>> -> memref<128xi32, #tpu.memory_space<vmem>>
      %dma_start3A_243 = arith.constant 0 : i32
      %dma_start3A_244 = arith.constant 0 : i32
      %dma_start3A_245 = tpu.memref_slice %arg3[%dma_start3A_243, %dma_start3A_244] : memref<4000000x16xf32, #tpu.memory_space<hbm>> -> memref<4000000x16xf32, #tpu.memory_space<hbm>>
      tpu.enqueue_indirect_dma source(%dma_start3A_245 : memref<4000000x16xf32, #tpu.memory_space<hbm>>) target(%dma_start3A_240 : memref<128x16xf32, #tpu.memory_space<vmem>>) offsets(%dma_start3A_242 : memref<128xi32, #tpu.memory_space<vmem>>) semaphore(%arg13 : memref<!tpu.dma_semaphore, #tpu.memory_space<semaphore_mem>>)
      %dma_start3A_246 = arith.constant 2432 : i32
      %dma_start3A_247 = arith.constant 0 : i32
      %dma_start3A_248 = tpu.memref_slice %arg9[%dma_start3A_246, %dma_start3A_247] : memref<2560x16xf32, #tpu.memory_space<vmem>> -> memref<128x16xf32, #tpu.memory_space<vmem>>
      %dma_start3A_249 = arith.constant 2432 : i32
      %dma_start3A_250 = tpu.memref_slice %arg7[%dma_start3A_249] : memref<2560xi32, #tpu.memory_space<vmem>> -> memref<128xi32, #tpu.memory_space<vmem>>
      %dma_start3A_251 = arith.constant 0 : i32
      %dma_start3A_252 = arith.constant 0 : i32
      %dma_start3A_253 = tpu.memref_slice %arg3[%dma_start3A_251, %dma_start3A_252] : memref<4000000x16xf32, #tpu.memory_space<hbm>> -> memref<4000000x16xf32, #tpu.memory_space<hbm>>
      tpu.enqueue_indirect_dma source(%dma_start3A_253 : memref<4000000x16xf32, #tpu.memory_space<hbm>>) target(%dma_start3A_248 : memref<128x16xf32, #tpu.memory_space<vmem>>) offsets(%dma_start3A_250 : memref<128xi32, #tpu.memory_space<vmem>>) semaphore(%arg13 : memref<!tpu.dma_semaphore, #tpu.memory_space<semaphore_mem>>)
      %mul3A_254 = arith.constant 2 : i32
      %mul3A_255 = arith.muli %while3A_55, %mul3A_254 : i32
      %add3A_256 = arith.constant 1 : i32
      %add3A_257 = arith.addi %mul3A_255, %add3A_256 : i32
      %mul3A_258 = arith.constant 640 : i32
      %mul3A_259 = arith.muli %add3A_257, %mul3A_258 : i32
      %add3A_260 = arith.addi %mul3A_2, %mul3A_259 : i32
      %dma_wait3A_261 = arith.constant 0 : i32
      %dma_wait3A_262 = tpu.memref_slice %arg2[%dma_wait3A_261, %add3A_260] : memref<4x204800xi32, #tpu.memory_space<hbm>> -> memref<4x640xi32, #tpu.memory_space<hbm>>
      %dma_wait3A_263 = arith.constant 0 : i32
      %dma_wait3A_264 = tpu.memref_slice %arg2[%dma_wait3A_263, %add3A_260] : memref<4x204800xi32, #tpu.memory_space<hbm>> -> memref<4x640xi32, #tpu.memory_space<hbm>>
      tpu.wait_dma2 semaphore(%arg12 : memref<!tpu.dma_semaphore, #tpu.memory_space<semaphore_mem>>) src(%dma_wait3A_264 : memref<4x640xi32, #tpu.memory_space<hbm>>) dst(%arg6 : memref<4x640xi32, #tpu.memory_space<vmem>>)
      %add3A_265 = arith.constant 1 : i32
      %add3A_266 = arith.addi %add3A_257, %add3A_265 : i32
      %lt3A_267 = arith.constant 10 : i32
      %lt3A_268 = arith.cmpi slt, %add3A_266, %lt3A_267 : i32
      %convert_element_type3A_269 = arith.extui %lt3A_268 : i1 to i32
      %cond3A_270 = arith.constant 0 : i32
      %cond3A_271 = arith.cmpi ne, %convert_element_type3A_269, %cond3A_270 : i32
      scf.if %cond3A_271 {
        %add3A_465 = arith.constant 1 : i32
        %add3A_466 = arith.addi %add3A_257, %add3A_465 : i32
        %mul3A_467 = arith.constant 640 : i32
        %mul3A_468 = arith.muli %add3A_466, %mul3A_467 : i32
        %add3A_469 = arith.addi %mul3A_2, %mul3A_468 : i32
        %dma_start3A_470 = arith.constant 0 : i32
        %dma_start3A_471 = tpu.memref_slice %arg2[%dma_start3A_470, %add3A_469] : memref<4x204800xi32, #tpu.memory_space<hbm>> -> memref<4x640xi32, #tpu.memory_space<hbm>>
        %dma_start3A_472 = arith.constant 0 : i32
        %dma_start3A_473 = tpu.memref_slice %arg2[%dma_start3A_472, %add3A_469] : memref<4x204800xi32, #tpu.memory_space<hbm>> -> memref<4x640xi32, #tpu.memory_space<hbm>>
        tpu.enqueue_dma source(%dma_start3A_473 : memref<4x640xi32, #tpu.memory_space<hbm>>) target(%arg5 : memref<4x640xi32, #tpu.memory_space<vmem>>) target_semaphore(%arg11 : memref<!tpu.dma_semaphore, #tpu.memory_space<semaphore_mem>>)
      } else {
      }
      %while3A_272 = arith.constant 0 : i32
      %while3A_273 = arith.constant 40 : i32
      %while3A_274 = arith.constant 0 : i32
      %while3A_275 = arith.subi %while3A_273, %while3A_272 : i32
      %while3A_276 = arith.addi %while3A_272, %while3A_275 : i32
      %while3A_277 = arith.constant 1 : i32
      %while3A_278 = arith.divsi %while3A_275, %while3A_277 : i32
      %while3A_279 = arith.muli %while3A_278, %while3A_277 : i32
      %while3A_280 = arith.addi %while3A_272, %while3A_279 : i32
      %while3A_281 = arith.constant 1 : i32
      %while3A_282 = scf.for %while3A_465 = %while3A_272 to %while3A_280 step %while3A_281 iter_args(%while3A_466 = %while3A_274) -> (i32)  : i32 {
        %mul3A_467 = arith.constant 16 : i32
        %mul3A_468 = arith.muli %while3A_465, %mul3A_467 : i32
        %get3A = arith.constant 0 : i64
        %get3A_469 = arith.index_cast %get3A : i64 to index
        %get3A_470 = arith.index_cast %mul3A_468 : i32 to index
        %get3A_471 = tpu.vector_load %arg6[%get3A_469, %get3A_470] {strides = array<i32>} : memref<4x640xi32, #tpu.memory_space<vmem>>, vector<16xi32>,
        %get3A_472 = arith.constant 1 : i64
        %get3A_473 = arith.index_cast %get3A_472 : i64 to index
        %get3A_474 = arith.index_cast %mul3A_468 : i32 to index
        %get3A_475 = tpu.vector_load %arg6[%get3A_473, %get3A_474] {strides = array<i32>} : memref<4x640xi32, #tpu.memory_space<vmem>>, vector<16xi32>,
        %get3A_476 = arith.constant 2 : i64
        %get3A_477 = arith.index_cast %get3A_476 : i64 to index
        %get3A_478 = arith.index_cast %mul3A_468 : i32 to index
        %get3A_479 = tpu.vector_load %arg6[%get3A_477, %get3A_478] {strides = array<i32>} : memref<4x640xi32, #tpu.memory_space<vmem>>, vector<16xi32>,
        %get3A_480 = arith.constant 3 : i64
        %get3A_481 = arith.index_cast %get3A_480 : i64 to index
        %get3A_482 = arith.index_cast %mul3A_468 : i32 to index
        %get3A_483 = tpu.vector_load %arg6[%get3A_481, %get3A_482] {strides = array<i32>} : memref<4x640xi32, #tpu.memory_space<vmem>>, vector<16xi32>,
        %xor3A = arith.xori %get3A_471, %get3A_475 : vector<16xi32>
        %xor3A_484 = arith.xori %xor3A, %get3A_479 : vector<16xi32>
        %xor3A_485 = arith.xori %xor3A_484, %get3A_483 : vector<16xi32>
        %rem3A = arith.constant 1000000 : i32
        %rem3A_486 = vector.broadcast %rem3A : i32 to vector<16xi32>
        %rem3A_487 = arith.remsi %xor3A_485, %rem3A_486 : vector<16xi32>
        %xor3A_488 = arith.xori %get3A_471, %get3A_479 : vector<16xi32>
        %rem3A_489 = arith.constant 1000000 : i32
        %rem3A_490 = vector.broadcast %rem3A_489 : i32 to vector<16xi32>
        %rem3A_491 = arith.remsi %xor3A_488, %rem3A_490 : vector<16xi32>
        %xor3A_492 = arith.xori %get3A_475, %get3A_483 : vector<16xi32>
        %rem3A_493 = arith.constant 1000000 : i32
        %rem3A_494 = vector.broadcast %rem3A_493 : i32 to vector<16xi32>
        %rem3A_495 = arith.remsi %xor3A_492, %rem3A_494 : vector<16xi32>
        %xor3A_496 = arith.xori %get3A_471, %get3A_475 : vector<16xi32>
        %xor3A_497 = arith.xori %get3A_479, %get3A_483 : vector<16xi32>
        %mul3A_498 = arith.constant -1028477379 : i32
        %mul3A_499 = vector.broadcast %mul3A_498 : i32 to vector<16xi32>
        %mul3A_500 = arith.muli %xor3A_497, %mul3A_499 : vector<16xi32>
        %shift_right_logical3A = arith.constant 16 : i32
        %shift_right_logical3A_501 = vector.broadcast %shift_right_logical3A : i32 to vector<16xi32>
        %shift_right_logical3A_502 = arith.shrui %xor3A_497, %shift_right_logical3A_501 : vector<16xi32>
        %and3A = arith.constant 65535 : i32
        %and3A_503 = vector.broadcast %and3A : i32 to vector<16xi32>
        %and3A_504 = arith.andi %xor3A_497, %and3A_503 : vector<16xi32>
        %mul3A_505 = arith.constant 44605 : i32
        %mul3A_506 = vector.broadcast %mul3A_505 : i32 to vector<16xi32>
        %mul3A_507 = arith.muli %and3A_504, %mul3A_506 : vector<16xi32>
        %mul3A_508 = arith.constant 44605 : i32
        %mul3A_509 = vector.broadcast %mul3A_508 : i32 to vector<16xi32>
        %mul3A_510 = arith.muli %shift_right_logical3A_502, %mul3A_509 : vector<16xi32>
        %shift_right_logical3A_511 = arith.constant 16 : i32
        %shift_right_logical3A_512 = vector.broadcast %shift_right_logical3A_511 : i32 to vector<16xi32>
        %shift_right_logical3A_513 = arith.shrui %mul3A_507, %shift_right_logical3A_512 : vector<16xi32>
        %add3A_514 = arith.addi %mul3A_510, %shift_right_logical3A_513 : vector<16xi32>
        %mul3A_515 = arith.constant 49842 : i32
        %mul3A_516 = vector.broadcast %mul3A_515 : i32 to vector<16xi32>
        %mul3A_517 = arith.muli %and3A_504, %mul3A_516 : vector<16xi32>
        %and3A_518 = arith.constant 65535 : i32
        %and3A_519 = vector.broadcast %and3A_518 : i32 to vector<16xi32>
        %and3A_520 = arith.andi %add3A_514, %and3A_519 : vector<16xi32>
        %add3A_521 = arith.addi %mul3A_517, %and3A_520 : vector<16xi32>
        %mul3A_522 = arith.constant 49842 : i32
        %mul3A_523 = vector.broadcast %mul3A_522 : i32 to vector<16xi32>
        %mul3A_524 = arith.muli %shift_right_logical3A_502, %mul3A_523 : vector<16xi32>
        %shift_right_logical3A_525 = arith.constant 16 : i32
        %shift_right_logical3A_526 = vector.broadcast %shift_right_logical3A_525 : i32 to vector<16xi32>
        %shift_right_logical3A_527 = arith.shrui %add3A_514, %shift_right_logical3A_526 : vector<16xi32>
        %add3A_528 = arith.addi %mul3A_524, %shift_right_logical3A_527 : vector<16xi32>
        %shift_right_logical3A_529 = arith.constant 16 : i32
        %shift_right_logical3A_530 = vector.broadcast %shift_right_logical3A_529 : i32 to vector<16xi32>
        %shift_right_logical3A_531 = arith.shrui %add3A_521, %shift_right_logical3A_530 : vector<16xi32>
        %add3A_532 = arith.addi %add3A_528, %shift_right_logical3A_531 : vector<16xi32>
        %xor3A_533 = arith.xori %mul3A_500, %xor3A_496 : vector<16xi32>
        %shift_right_logical3A_534 = arith.constant 16 : i32
        %shift_right_logical3A_535 = vector.broadcast %shift_right_logical3A_534 : i32 to vector<16xi32>
        %shift_right_logical3A_536 = arith.shrui %xor3A_533, %shift_right_logical3A_535 : vector<16xi32>
        %and3A_537 = arith.constant 65535 : i32
        %and3A_538 = vector.broadcast %and3A_537 : i32 to vector<16xi32>
        %and3A_539 = arith.andi %xor3A_533, %and3A_538 : vector<16xi32>
        %mul3A_540 = arith.constant 3036 : i32
        %mul3A_541 = vector.broadcast %mul3A_540 : i32 to vector<16xi32>
        %mul3A_542 = arith.muli %shift_right_logical3A_536, %mul3A_541 : vector<16xi32>
        %add3A_543 = arith.addi %mul3A_542, %and3A_539 : vector<16xi32>
        %rem3A_544 = arith.constant 15625 : i32
        %rem3A_545 = vector.broadcast %rem3A_544 : i32 to vector<16xi32>
        %rem3A_546 = arith.remui %add3A_543, %rem3A_545 : vector<16xi32>
        %rem3A_547 = arith.constant 15625 : i32
        %rem3A_548 = vector.broadcast %rem3A_547 : i32 to vector<16xi32>
        %rem3A_549 = arith.remui %add3A_532, %rem3A_548 : vector<16xi32>
        %mul3A_550 = arith.constant 14171 : i32
        %mul3A_551 = vector.broadcast %mul3A_550 : i32 to vector<16xi32>
        %mul3A_552 = arith.muli %rem3A_549, %mul3A_551 : vector<16xi32>
        %rem3A_553 = arith.constant 15625 : i32
        %rem3A_554 = vector.broadcast %rem3A_553 : i32 to vector<16xi32>
        %rem3A_555 = arith.remui %mul3A_552, %rem3A_554 : vector<16xi32>
        %add3A_556 = arith.addi %rem3A_555, %rem3A_546 : vector<16xi32>
        %rem3A_557 = arith.constant 15625 : i32
        %rem3A_558 = vector.broadcast %rem3A_557 : i32 to vector<16xi32>
        %rem3A_559 = arith.remui %add3A_556, %rem3A_558 : vector<16xi32>
        %and3A_560 = arith.constant 63 : i32
        %and3A_561 = vector.broadcast %and3A_560 : i32 to vector<16xi32>
        %and3A_562 = arith.andi %xor3A_533, %and3A_561 : vector<16xi32>
        %sub3A_563 = arith.subi %and3A_562, %rem3A_559 : vector<16xi32>
        %and3A_564 = arith.constant 63 : i32
        %and3A_565 = vector.broadcast %and3A_564 : i32 to vector<16xi32>
        %and3A_566 = arith.andi %sub3A_563, %and3A_565 : vector<16xi32>
        %mul3A_567 = arith.constant 57 : i32
        %mul3A_568 = vector.broadcast %mul3A_567 : i32 to vector<16xi32>
        %mul3A_569 = arith.muli %and3A_566, %mul3A_568 : vector<16xi32>
        %and3A_570 = arith.constant 63 : i32
        %and3A_571 = vector.broadcast %and3A_570 : i32 to vector<16xi32>
        %and3A_572 = arith.andi %mul3A_569, %and3A_571 : vector<16xi32>
        %mul3A_573 = arith.constant 15625 : i32
        %mul3A_574 = vector.broadcast %mul3A_573 : i32 to vector<16xi32>
        %mul3A_575 = arith.muli %mul3A_574, %and3A_572 : vector<16xi32>
        %add3A_576 = arith.addi %rem3A_559, %mul3A_575 : vector<16xi32>
        %mul3A_577 = arith.constant 64 : i32
        %mul3A_578 = arith.muli %while3A_465, %mul3A_577 : i32
        %mul3A_579 = arith.constant 4 : i32
        %mul3A_580 = vector.broadcast %mul3A_579 : i32 to vector<16xi32>
        %mul3A_581 = arith.muli %iota3A, %mul3A_580 : vector<16xi32>
        %add3A_582 = vector.broadcast %mul3A_578 : i32 to vector<16xi32>
        %add3A_583 = arith.addi %add3A_582, %mul3A_581 : vector<16xi32>
        %add3A_584 = arith.constant 0 : i32
        %add3A_585 = vector.broadcast %add3A_584 : i32 to vector<16xi32>
        %add3A_586 = arith.addi %add3A_583, %add3A_585 : vector<16xi32>
        %add3A_587 = arith.constant 0 : i32
        %add3A_588 = vector.broadcast %add3A_587 : i32 to vector<16xi32>
        %add3A_589 = arith.addi %rem3A_487, %add3A_588 : vector<16xi32>
        tpu.vector_store_idx %arg8[%add3A_586], %add3A_589 : memref<2560xi32, #tpu.memory_space<vmem>>[vector<16xi32>], vector<16xi32>,
        %add3A_590 = arith.constant 1 : i32
        %add3A_591 = vector.broadcast %add3A_590 : i32 to vector<16xi32>
        %add3A_592 = arith.addi %add3A_583, %add3A_591 : vector<16xi32>
        %add3A_593 = arith.constant 1000000 : i32
        %add3A_594 = vector.broadcast %add3A_593 : i32 to vector<16xi32>
        %add3A_595 = arith.addi %rem3A_491, %add3A_594 : vector<16xi32>
        tpu.vector_store_idx %arg8[%add3A_592], %add3A_595 : memref<2560xi32, #tpu.memory_space<vmem>>[vector<16xi32>], vector<16xi32>,
        %add3A_596 = arith.constant 2 : i32
        %add3A_597 = vector.broadcast %add3A_596 : i32 to vector<16xi32>
        %add3A_598 = arith.addi %add3A_583, %add3A_597 : vector<16xi32>
        %add3A_599 = arith.constant 2000000 : i32
        %add3A_600 = vector.broadcast %add3A_599 : i32 to vector<16xi32>
        %add3A_601 = arith.addi %rem3A_495, %add3A_600 : vector<16xi32>
        tpu.vector_store_idx %arg8[%add3A_598], %add3A_601 : memref<2560xi32, #tpu.memory_space<vmem>>[vector<16xi32>], vector<16xi32>,
        %add3A_602 = arith.constant 3 : i32
        %add3A_603 = vector.broadcast %add3A_602 : i32 to vector<16xi32>
        %add3A_604 = arith.addi %add3A_583, %add3A_603 : vector<16xi32>
        %add3A_605 = arith.constant 3000000 : i32
        %add3A_606 = vector.broadcast %add3A_605 : i32 to vector<16xi32>
        %add3A_607 = arith.addi %add3A_576, %add3A_606 : vector<16xi32>
        tpu.vector_store_idx %arg8[%add3A_604], %add3A_607 : memref<2560xi32, #tpu.memory_space<vmem>>[vector<16xi32>], vector<16xi32>,
        %while3A_608 = arith.constant 0 : i32
        scf.yield %while3A_608 : i32
      }
      %while3A_283 = arith.constant 1 : i32
      %while3A_284 = scf.for %while3A_465 = %while3A_280 to %while3A_276 step %while3A_283 iter_args(%while3A_466 = %while3A_282) -> (i32)  : i32 {
        %mul3A_467 = arith.constant 16 : i32
        %mul3A_468 = arith.muli %while3A_465, %mul3A_467 : i32
        %get3A = arith.constant 0 : i64
        %get3A_469 = arith.index_cast %get3A : i64 to index
        %get3A_470 = arith.index_cast %mul3A_468 : i32 to index
        %get3A_471 = tpu.vector_load %arg6[%get3A_469, %get3A_470] {strides = array<i32>} : memref<4x640xi32, #tpu.memory_space<vmem>>, vector<16xi32>,
        %get3A_472 = arith.constant 1 : i64
        %get3A_473 = arith.index_cast %get3A_472 : i64 to index
        %get3A_474 = arith.index_cast %mul3A_468 : i32 to index
        %get3A_475 = tpu.vector_load %arg6[%get3A_473, %get3A_474] {strides = array<i32>} : memref<4x640xi32, #tpu.memory_space<vmem>>, vector<16xi32>,
        %get3A_476 = arith.constant 2 : i64
        %get3A_477 = arith.index_cast %get3A_476 : i64 to index
        %get3A_478 = arith.index_cast %mul3A_468 : i32 to index
        %get3A_479 = tpu.vector_load %arg6[%get3A_477, %get3A_478] {strides = array<i32>} : memref<4x640xi32, #tpu.memory_space<vmem>>, vector<16xi32>,
        %get3A_480 = arith.constant 3 : i64
        %get3A_481 = arith.index_cast %get3A_480 : i64 to index
        %get3A_482 = arith.index_cast %mul3A_468 : i32 to index
        %get3A_483 = tpu.vector_load %arg6[%get3A_481, %get3A_482] {strides = array<i32>} : memref<4x640xi32, #tpu.memory_space<vmem>>, vector<16xi32>,
        %xor3A = arith.xori %get3A_471, %get3A_475 : vector<16xi32>
        %xor3A_484 = arith.xori %xor3A, %get3A_479 : vector<16xi32>
        %xor3A_485 = arith.xori %xor3A_484, %get3A_483 : vector<16xi32>
        %rem3A = arith.constant 1000000 : i32
        %rem3A_486 = vector.broadcast %rem3A : i32 to vector<16xi32>
        %rem3A_487 = arith.remsi %xor3A_485, %rem3A_486 : vector<16xi32>
        %xor3A_488 = arith.xori %get3A_471, %get3A_479 : vector<16xi32>
        %rem3A_489 = arith.constant 1000000 : i32
        %rem3A_490 = vector.broadcast %rem3A_489 : i32 to vector<16xi32>
        %rem3A_491 = arith.remsi %xor3A_488, %rem3A_490 : vector<16xi32>
        %xor3A_492 = arith.xori %get3A_475, %get3A_483 : vector<16xi32>
        %rem3A_493 = arith.constant 1000000 : i32
        %rem3A_494 = vector.broadcast %rem3A_493 : i32 to vector<16xi32>
        %rem3A_495 = arith.remsi %xor3A_492, %rem3A_494 : vector<16xi32>
        %xor3A_496 = arith.xori %get3A_471, %get3A_475 : vector<16xi32>
        %xor3A_497 = arith.xori %get3A_479, %get3A_483 : vector<16xi32>
        %mul3A_498 = arith.constant -1028477379 : i32
        %mul3A_499 = vector.broadcast %mul3A_498 : i32 to vector<16xi32>
        %mul3A_500 = arith.muli %xor3A_497, %mul3A_499 : vector<16xi32>
        %shift_right_logical3A = arith.constant 16 : i32
        %shift_right_logical3A_501 = vector.broadcast %shift_right_logical3A : i32 to vector<16xi32>
        %shift_right_logical3A_502 = arith.shrui %xor3A_497, %shift_right_logical3A_501 : vector<16xi32>
        %and3A = arith.constant 65535 : i32
        %and3A_503 = vector.broadcast %and3A : i32 to vector<16xi32>
        %and3A_504 = arith.andi %xor3A_497, %and3A_503 : vector<16xi32>
        %mul3A_505 = arith.constant 44605 : i32
        %mul3A_506 = vector.broadcast %mul3A_505 : i32 to vector<16xi32>
        %mul3A_507 = arith.muli %and3A_504, %mul3A_506 : vector<16xi32>
        %mul3A_508 = arith.constant 44605 : i32
        %mul3A_509 = vector.broadcast %mul3A_508 : i32 to vector<16xi32>
        %mul3A_510 = arith.muli %shift_right_logical3A_502, %mul3A_509 : vector<16xi32>
        %shift_right_logical3A_511 = arith.constant 16 : i32
        %shift_right_logical3A_512 = vector.broadcast %shift_right_logical3A_511 : i32 to vector<16xi32>
        %shift_right_logical3A_513 = arith.shrui %mul3A_507, %shift_right_logical3A_512 : vector<16xi32>
        %add3A_514 = arith.addi %mul3A_510, %shift_right_logical3A_513 : vector<16xi32>
        %mul3A_515 = arith.constant 49842 : i32
        %mul3A_516 = vector.broadcast %mul3A_515 : i32 to vector<16xi32>
        %mul3A_517 = arith.muli %and3A_504, %mul3A_516 : vector<16xi32>
        %and3A_518 = arith.constant 65535 : i32
        %and3A_519 = vector.broadcast %and3A_518 : i32 to vector<16xi32>
        %and3A_520 = arith.andi %add3A_514, %and3A_519 : vector<16xi32>
        %add3A_521 = arith.addi %mul3A_517, %and3A_520 : vector<16xi32>
        %mul3A_522 = arith.constant 49842 : i32
        %mul3A_523 = vector.broadcast %mul3A_522 : i32 to vector<16xi32>
        %mul3A_524 = arith.muli %shift_right_logical3A_502, %mul3A_523 : vector<16xi32>
        %shift_right_logical3A_525 = arith.constant 16 : i32
        %shift_right_logical3A_526 = vector.broadcast %shift_right_logical3A_525 : i32 to vector<16xi32>
        %shift_right_logical3A_527 = arith.shrui %add3A_514, %shift_right_logical3A_526 : vector<16xi32>
        %add3A_528 = arith.addi %mul3A_524, %shift_right_logical3A_527 : vector<16xi32>
        %shift_right_logical3A_529 = arith.constant 16 : i32
        %shift_right_logical3A_530 = vector.broadcast %shift_right_logical3A_529 : i32 to vector<16xi32>
        %shift_right_logical3A_531 = arith.shrui %add3A_521, %shift_right_logical3A_530 : vector<16xi32>
        %add3A_532 = arith.addi %add3A_528, %shift_right_logical3A_531 : vector<16xi32>
        %xor3A_533 = arith.xori %mul3A_500, %xor3A_496 : vector<16xi32>
        %shift_right_logical3A_534 = arith.constant 16 : i32
        %shift_right_logical3A_535 = vector.broadcast %shift_right_logical3A_534 : i32 to vector<16xi32>
        %shift_right_logical3A_536 = arith.shrui %xor3A_533, %shift_right_logical3A_535 : vector<16xi32>
        %and3A_537 = arith.constant 65535 : i32
        %and3A_538 = vector.broadcast %and3A_537 : i32 to vector<16xi32>
        %and3A_539 = arith.andi %xor3A_533, %and3A_538 : vector<16xi32>
        %mul3A_540 = arith.constant 3036 : i32
        %mul3A_541 = vector.broadcast %mul3A_540 : i32 to vector<16xi32>
        %mul3A_542 = arith.muli %shift_right_logical3A_536, %mul3A_541 : vector<16xi32>
        %add3A_543 = arith.addi %mul3A_542, %and3A_539 : vector<16xi32>
        %rem3A_544 = arith.constant 15625 : i32
        %rem3A_545 = vector.broadcast %rem3A_544 : i32 to vector<16xi32>
        %rem3A_546 = arith.remui %add3A_543, %rem3A_545 : vector<16xi32>
        %rem3A_547 = arith.constant 15625 : i32
        %rem3A_548 = vector.broadcast %rem3A_547 : i32 to vector<16xi32>
        %rem3A_549 = arith.remui %add3A_532, %rem3A_548 : vector<16xi32>
        %mul3A_550 = arith.constant 14171 : i32
        %mul3A_551 = vector.broadcast %mul3A_550 : i32 to vector<16xi32>
        %mul3A_552 = arith.muli %rem3A_549, %mul3A_551 : vector<16xi32>
        %rem3A_553 = arith.constant 15625 : i32
        %rem3A_554 = vector.broadcast %rem3A_553 : i32 to vector<16xi32>
        %rem3A_555 = arith.remui %mul3A_552, %rem3A_554 : vector<16xi32>
        %add3A_556 = arith.addi %rem3A_555, %rem3A_546 : vector<16xi32>
        %rem3A_557 = arith.constant 15625 : i32
        %rem3A_558 = vector.broadcast %rem3A_557 : i32 to vector<16xi32>
        %rem3A_559 = arith.remui %add3A_556, %rem3A_558 : vector<16xi32>
        %and3A_560 = arith.constant 63 : i32
        %and3A_561 = vector.broadcast %and3A_560 : i32 to vector<16xi32>
        %and3A_562 = arith.andi %xor3A_533, %and3A_561 : vector<16xi32>
        %sub3A_563 = arith.subi %and3A_562, %rem3A_559 : vector<16xi32>
        %and3A_564 = arith.constant 63 : i32
        %and3A_565 = vector.broadcast %and3A_564 : i32 to vector<16xi32>
        %and3A_566 = arith.andi %sub3A_563, %and3A_565 : vector<16xi32>
        %mul3A_567 = arith.constant 57 : i32
        %mul3A_568 = vector.broadcast %mul3A_567 : i32 to vector<16xi32>
        %mul3A_569 = arith.muli %and3A_566, %mul3A_568 : vector<16xi32>
        %and3A_570 = arith.constant 63 : i32
        %and3A_571 = vector.broadcast %and3A_570 : i32 to vector<16xi32>
        %and3A_572 = arith.andi %mul3A_569, %and3A_571 : vector<16xi32>
        %mul3A_573 = arith.constant 15625 : i32
        %mul3A_574 = vector.broadcast %mul3A_573 : i32 to vector<16xi32>
        %mul3A_575 = arith.muli %mul3A_574, %and3A_572 : vector<16xi32>
        %add3A_576 = arith.addi %rem3A_559, %mul3A_575 : vector<16xi32>
        %mul3A_577 = arith.constant 64 : i32
        %mul3A_578 = arith.muli %while3A_465, %mul3A_577 : i32
        %mul3A_579 = arith.constant 4 : i32
        %mul3A_580 = vector.broadcast %mul3A_579 : i32 to vector<16xi32>
        %mul3A_581 = arith.muli %iota3A, %mul3A_580 : vector<16xi32>
        %add3A_582 = vector.broadcast %mul3A_578 : i32 to vector<16xi32>
        %add3A_583 = arith.addi %add3A_582, %mul3A_581 : vector<16xi32>
        %add3A_584 = arith.constant 0 : i32
        %add3A_585 = vector.broadcast %add3A_584 : i32 to vector<16xi32>
        %add3A_586 = arith.addi %add3A_583, %add3A_585 : vector<16xi32>
        %add3A_587 = arith.constant 0 : i32
        %add3A_588 = vector.broadcast %add3A_587 : i32 to vector<16xi32>
        %add3A_589 = arith.addi %rem3A_487, %add3A_588 : vector<16xi32>
        tpu.vector_store_idx %arg8[%add3A_586], %add3A_589 : memref<2560xi32, #tpu.memory_space<vmem>>[vector<16xi32>], vector<16xi32>,
        %add3A_590 = arith.constant 1 : i32
        %add3A_591 = vector.broadcast %add3A_590 : i32 to vector<16xi32>
        %add3A_592 = arith.addi %add3A_583, %add3A_591 : vector<16xi32>
        %add3A_593 = arith.constant 1000000 : i32
        %add3A_594 = vector.broadcast %add3A_593 : i32 to vector<16xi32>
        %add3A_595 = arith.addi %rem3A_491, %add3A_594 : vector<16xi32>
        tpu.vector_store_idx %arg8[%add3A_592], %add3A_595 : memref<2560xi32, #tpu.memory_space<vmem>>[vector<16xi32>], vector<16xi32>,
        %add3A_596 = arith.constant 2 : i32
        %add3A_597 = vector.broadcast %add3A_596 : i32 to vector<16xi32>
        %add3A_598 = arith.addi %add3A_583, %add3A_597 : vector<16xi32>
        %add3A_599 = arith.constant 2000000 : i32
        %add3A_600 = vector.broadcast %add3A_599 : i32 to vector<16xi32>
        %add3A_601 = arith.addi %rem3A_495, %add3A_600 : vector<16xi32>
        tpu.vector_store_idx %arg8[%add3A_598], %add3A_601 : memref<2560xi32, #tpu.memory_space<vmem>>[vector<16xi32>], vector<16xi32>,
        %add3A_602 = arith.constant 3 : i32
        %add3A_603 = vector.broadcast %add3A_602 : i32 to vector<16xi32>
        %add3A_604 = arith.addi %add3A_583, %add3A_603 : vector<16xi32>
        %add3A_605 = arith.constant 3000000 : i32
        %add3A_606 = vector.broadcast %add3A_605 : i32 to vector<16xi32>
        %add3A_607 = arith.addi %add3A_576, %add3A_606 : vector<16xi32>
        tpu.vector_store_idx %arg8[%add3A_604], %add3A_607 : memref<2560xi32, #tpu.memory_space<vmem>>[vector<16xi32>], vector<16xi32>,
        %while3A_608 = arith.constant 0 : i32
        scf.yield %while3A_608 : i32
      }
      %dma_wait3A_285 = arith.constant 0 : i32
      %dma_wait3A_286 = arith.constant 0 : i32
      %dma_wait3A_287 = tpu.memref_slice %arg3[%dma_wait3A_285, %dma_wait3A_286] : memref<4000000x16xf32, #tpu.memory_space<hbm>> -> memref<4000000x16xf32, #tpu.memory_space<hbm>>
      tpu.wait_indirect_dma semaphore(%arg13 : memref<!tpu.dma_semaphore, #tpu.memory_space<semaphore_mem>>) src(%dma_wait3A_287 : memref<4000000x16xf32, #tpu.memory_space<hbm>>) dst(%arg9 : memref<2560x16xf32, #tpu.memory_space<vmem>>)
      %sub3A_288 = arith.constant 1 : i32
      %sub3A_289 = arith.subi %add3A_257, %sub3A_288 : i32
      %mul3A_290 = arith.constant 640 : i32
      %mul3A_291 = arith.muli %sub3A_289, %mul3A_290 : i32
      %add3A_292 = arith.addi %mul3A_2, %mul3A_291 : i32
      %mul3A_293 = arith.constant 4 : i32
      %mul3A_294 = arith.muli %add3A_292, %mul3A_293 : i32
      %dma_start3A_295 = arith.constant 0 : i32
      %dma_start3A_296 = tpu.memref_slice %arg4[%mul3A_294, %dma_start3A_295] : memref<819200x16xf32, #tpu.memory_space<hbm>> -> memref<2560x16xf32, #tpu.memory_space<hbm>>
      %dma_start3A_297 = arith.constant 0 : i32
      %dma_start3A_298 = tpu.memref_slice %arg4[%mul3A_294, %dma_start3A_297] : memref<819200x16xf32, #tpu.memory_space<hbm>> -> memref<2560x16xf32, #tpu.memory_space<hbm>>
      tpu.enqueue_dma source(%arg9 : memref<2560x16xf32, #tpu.memory_space<vmem>>) target(%dma_start3A_298 : memref<2560x16xf32, #tpu.memory_space<hbm>>) target_semaphore(%arg15 : memref<!tpu.dma_semaphore, #tpu.memory_space<semaphore_mem>>)
      %gt3A_299 = arith.constant 0 : i32
      %gt3A_300 = arith.cmpi sgt, %while3A_55, %gt3A_299 : i32
      %convert_element_type3A_301 = arith.extui %gt3A_300 : i1 to i32
      %cond3A_302 = arith.constant 0 : i32
      %cond3A_303 = arith.cmpi ne, %convert_element_type3A_301, %cond3A_302 : i32
      scf.if %cond3A_303 {
        %mul3A_465 = arith.constant 640 : i32
        %mul3A_466 = arith.muli %add3A_257, %mul3A_465 : i32
        %add3A_467 = arith.addi %mul3A_2, %mul3A_466 : i32
        %mul3A_468 = arith.constant 4 : i32
        %mul3A_469 = arith.muli %add3A_467, %mul3A_468 : i32
        %dma_wait3A_470 = arith.constant 0 : i32
        %dma_wait3A_471 = tpu.memref_slice %arg4[%mul3A_469, %dma_wait3A_470] : memref<819200x16xf32, #tpu.memory_space<hbm>> -> memref<2560x16xf32, #tpu.memory_space<hbm>>
        %dma_wait3A_472 = arith.constant 0 : i32
        %dma_wait3A_473 = tpu.memref_slice %arg4[%mul3A_469, %dma_wait3A_472] : memref<819200x16xf32, #tpu.memory_space<hbm>> -> memref<2560x16xf32, #tpu.memory_space<hbm>>
        tpu.wait_dma2 semaphore(%arg16 : memref<!tpu.dma_semaphore, #tpu.memory_space<semaphore_mem>>) src(%arg10 : memref<2560x16xf32, #tpu.memory_space<vmem>>) dst(%dma_wait3A_473 : memref<2560x16xf32, #tpu.memory_space<hbm>>)
      } else {
      }
      %dma_start3A_304 = arith.constant 0 : i32
      %dma_start3A_305 = arith.constant 0 : i32
      %dma_start3A_306 = tpu.memref_slice %arg10[%dma_start3A_304, %dma_start3A_305] : memref<2560x16xf32, #tpu.memory_space<vmem>> -> memref<128x16xf32, #tpu.memory_space<vmem>>
      %dma_start3A_307 = arith.constant 0 : i32
      %dma_start3A_308 = tpu.memref_slice %arg8[%dma_start3A_307] : memref<2560xi32, #tpu.memory_space<vmem>> -> memref<128xi32, #tpu.memory_space<vmem>>
      %dma_start3A_309 = arith.constant 0 : i32
      %dma_start3A_310 = arith.constant 0 : i32
      %dma_start3A_311 = tpu.memref_slice %arg3[%dma_start3A_309, %dma_start3A_310] : memref<4000000x16xf32, #tpu.memory_space<hbm>> -> memref<4000000x16xf32, #tpu.memory_space<hbm>>
      tpu.enqueue_indirect_dma source(%dma_start3A_311 : memref<4000000x16xf32, #tpu.memory_space<hbm>>) target(%dma_start3A_306 : memref<128x16xf32, #tpu.memory_space<vmem>>) offsets(%dma_start3A_308 : memref<128xi32, #tpu.memory_space<vmem>>) semaphore(%arg14 : memref<!tpu.dma_semaphore, #tpu.memory_space<semaphore_mem>>)
      %dma_start3A_312 = arith.constant 128 : i32
      %dma_start3A_313 = arith.constant 0 : i32
      %dma_start3A_314 = tpu.memref_slice %arg10[%dma_start3A_312, %dma_start3A_313] : memref<2560x16xf32, #tpu.memory_space<vmem>> -> memref<128x16xf32, #tpu.memory_space<vmem>>
      %dma_start3A_315 = arith.constant 128 : i32
      %dma_start3A_316 = tpu.memref_slice %arg8[%dma_start3A_315] : memref<2560xi32, #tpu.memory_space<vmem>> -> memref<128xi32, #tpu.memory_space<vmem>>
      %dma_start3A_317 = arith.constant 0 : i32
      %dma_start3A_318 = arith.constant 0 : i32
      %dma_start3A_319 = tpu.memref_slice %arg3[%dma_start3A_317, %dma_start3A_318] : memref<4000000x16xf32, #tpu.memory_space<hbm>> -> memref<4000000x16xf32, #tpu.memory_space<hbm>>
      tpu.enqueue_indirect_dma source(%dma_start3A_319 : memref<4000000x16xf32, #tpu.memory_space<hbm>>) target(%dma_start3A_314 : memref<128x16xf32, #tpu.memory_space<vmem>>) offsets(%dma_start3A_316 : memref<128xi32, #tpu.memory_space<vmem>>) semaphore(%arg14 : memref<!tpu.dma_semaphore, #tpu.memory_space<semaphore_mem>>)
      %dma_start3A_320 = arith.constant 256 : i32
      %dma_start3A_321 = arith.constant 0 : i32
      %dma_start3A_322 = tpu.memref_slice %arg10[%dma_start3A_320, %dma_start3A_321] : memref<2560x16xf32, #tpu.memory_space<vmem>> -> memref<128x16xf32, #tpu.memory_space<vmem>>
      %dma_start3A_323 = arith.constant 256 : i32
      %dma_start3A_324 = tpu.memref_slice %arg8[%dma_start3A_323] : memref<2560xi32, #tpu.memory_space<vmem>> -> memref<128xi32, #tpu.memory_space<vmem>>
      %dma_start3A_325 = arith.constant 0 : i32
      %dma_start3A_326 = arith.constant 0 : i32
      %dma_start3A_327 = tpu.memref_slice %arg3[%dma_start3A_325, %dma_start3A_326] : memref<4000000x16xf32, #tpu.memory_space<hbm>> -> memref<4000000x16xf32, #tpu.memory_space<hbm>>
      tpu.enqueue_indirect_dma source(%dma_start3A_327 : memref<4000000x16xf32, #tpu.memory_space<hbm>>) target(%dma_start3A_322 : memref<128x16xf32, #tpu.memory_space<vmem>>) offsets(%dma_start3A_324 : memref<128xi32, #tpu.memory_space<vmem>>) semaphore(%arg14 : memref<!tpu.dma_semaphore, #tpu.memory_space<semaphore_mem>>)
      %dma_start3A_328 = arith.constant 384 : i32
      %dma_start3A_329 = arith.constant 0 : i32
      %dma_start3A_330 = tpu.memref_slice %arg10[%dma_start3A_328, %dma_start3A_329] : memref<2560x16xf32, #tpu.memory_space<vmem>> -> memref<128x16xf32, #tpu.memory_space<vmem>>
      %dma_start3A_331 = arith.constant 384 : i32
      %dma_start3A_332 = tpu.memref_slice %arg8[%dma_start3A_331] : memref<2560xi32, #tpu.memory_space<vmem>> -> memref<128xi32, #tpu.memory_space<vmem>>
      %dma_start3A_333 = arith.constant 0 : i32
      %dma_start3A_334 = arith.constant 0 : i32
      %dma_start3A_335 = tpu.memref_slice %arg3[%dma_start3A_333, %dma_start3A_334] : memref<4000000x16xf32, #tpu.memory_space<hbm>> -> memref<4000000x16xf32, #tpu.memory_space<hbm>>
      tpu.enqueue_indirect_dma source(%dma_start3A_335 : memref<4000000x16xf32, #tpu.memory_space<hbm>>) target(%dma_start3A_330 : memref<128x16xf32, #tpu.memory_space<vmem>>) offsets(%dma_start3A_332 : memref<128xi32, #tpu.memory_space<vmem>>) semaphore(%arg14 : memref<!tpu.dma_semaphore, #tpu.memory_space<semaphore_mem>>)
      %dma_start3A_336 = arith.constant 512 : i32
      %dma_start3A_337 = arith.constant 0 : i32
      %dma_start3A_338 = tpu.memref_slice %arg10[%dma_start3A_336, %dma_start3A_337] : memref<2560x16xf32, #tpu.memory_space<vmem>> -> memref<128x16xf32, #tpu.memory_space<vmem>>
      %dma_start3A_339 = arith.constant 512 : i32
      %dma_start3A_340 = tpu.memref_slice %arg8[%dma_start3A_339] : memref<2560xi32, #tpu.memory_space<vmem>> -> memref<128xi32, #tpu.memory_space<vmem>>
      %dma_start3A_341 = arith.constant 0 : i32
      %dma_start3A_342 = arith.constant 0 : i32
      %dma_start3A_343 = tpu.memref_slice %arg3[%dma_start3A_341, %dma_start3A_342] : memref<4000000x16xf32, #tpu.memory_space<hbm>> -> memref<4000000x16xf32, #tpu.memory_space<hbm>>
      tpu.enqueue_indirect_dma source(%dma_start3A_343 : memref<4000000x16xf32, #tpu.memory_space<hbm>>) target(%dma_start3A_338 : memref<128x16xf32, #tpu.memory_space<vmem>>) offsets(%dma_start3A_340 : memref<128xi32, #tpu.memory_space<vmem>>) semaphore(%arg14 : memref<!tpu.dma_semaphore, #tpu.memory_space<semaphore_mem>>)
      %dma_start3A_344 = arith.constant 640 : i32
      %dma_start3A_345 = arith.constant 0 : i32
      %dma_start3A_346 = tpu.memref_slice %arg10[%dma_start3A_344, %dma_start3A_345] : memref<2560x16xf32, #tpu.memory_space<vmem>> -> memref<128x16xf32, #tpu.memory_space<vmem>>
      %dma_start3A_347 = arith.constant 640 : i32
      %dma_start3A_348 = tpu.memref_slice %arg8[%dma_start3A_347] : memref<2560xi32, #tpu.memory_space<vmem>> -> memref<128xi32, #tpu.memory_space<vmem>>
      %dma_start3A_349 = arith.constant 0 : i32
      %dma_start3A_350 = arith.constant 0 : i32
      %dma_start3A_351 = tpu.memref_slice %arg3[%dma_start3A_349, %dma_start3A_350] : memref<4000000x16xf32, #tpu.memory_space<hbm>> -> memref<4000000x16xf32, #tpu.memory_space<hbm>>
      tpu.enqueue_indirect_dma source(%dma_start3A_351 : memref<4000000x16xf32, #tpu.memory_space<hbm>>) target(%dma_start3A_346 : memref<128x16xf32, #tpu.memory_space<vmem>>) offsets(%dma_start3A_348 : memref<128xi32, #tpu.memory_space<vmem>>) semaphore(%arg14 : memref<!tpu.dma_semaphore, #tpu.memory_space<semaphore_mem>>)
      %dma_start3A_352 = arith.constant 768 : i32
      %dma_start3A_353 = arith.constant 0 : i32
      %dma_start3A_354 = tpu.memref_slice %arg10[%dma_start3A_352, %dma_start3A_353] : memref<2560x16xf32, #tpu.memory_space<vmem>> -> memref<128x16xf32, #tpu.memory_space<vmem>>
      %dma_start3A_355 = arith.constant 768 : i32
      %dma_start3A_356 = tpu.memref_slice %arg8[%dma_start3A_355] : memref<2560xi32, #tpu.memory_space<vmem>> -> memref<128xi32, #tpu.memory_space<vmem>>
      %dma_start3A_357 = arith.constant 0 : i32
      %dma_start3A_358 = arith.constant 0 : i32
      %dma_start3A_359 = tpu.memref_slice %arg3[%dma_start3A_357, %dma_start3A_358] : memref<4000000x16xf32, #tpu.memory_space<hbm>> -> memref<4000000x16xf32, #tpu.memory_space<hbm>>
      tpu.enqueue_indirect_dma source(%dma_start3A_359 : memref<4000000x16xf32, #tpu.memory_space<hbm>>) target(%dma_start3A_354 : memref<128x16xf32, #tpu.memory_space<vmem>>) offsets(%dma_start3A_356 : memref<128xi32, #tpu.memory_space<vmem>>) semaphore(%arg14 : memref<!tpu.dma_semaphore, #tpu.memory_space<semaphore_mem>>)
      %dma_start3A_360 = arith.constant 896 : i32
      %dma_start3A_361 = arith.constant 0 : i32
      %dma_start3A_362 = tpu.memref_slice %arg10[%dma_start3A_360, %dma_start3A_361] : memref<2560x16xf32, #tpu.memory_space<vmem>> -> memref<128x16xf32, #tpu.memory_space<vmem>>
      %dma_start3A_363 = arith.constant 896 : i32
      %dma_start3A_364 = tpu.memref_slice %arg8[%dma_start3A_363] : memref<2560xi32, #tpu.memory_space<vmem>> -> memref<128xi32, #tpu.memory_space<vmem>>
      %dma_start3A_365 = arith.constant 0 : i32
      %dma_start3A_366 = arith.constant 0 : i32
      %dma_start3A_367 = tpu.memref_slice %arg3[%dma_start3A_365, %dma_start3A_366] : memref<4000000x16xf32, #tpu.memory_space<hbm>> -> memref<4000000x16xf32, #tpu.memory_space<hbm>>
      tpu.enqueue_indirect_dma source(%dma_start3A_367 : memref<4000000x16xf32, #tpu.memory_space<hbm>>) target(%dma_start3A_362 : memref<128x16xf32, #tpu.memory_space<vmem>>) offsets(%dma_start3A_364 : memref<128xi32, #tpu.memory_space<vmem>>) semaphore(%arg14 : memref<!tpu.dma_semaphore, #tpu.memory_space<semaphore_mem>>)
      %dma_start3A_368 = arith.constant 1024 : i32
      %dma_start3A_369 = arith.constant 0 : i32
      %dma_start3A_370 = tpu.memref_slice %arg10[%dma_start3A_368, %dma_start3A_369] : memref<2560x16xf32, #tpu.memory_space<vmem>> -> memref<128x16xf32, #tpu.memory_space<vmem>>
      %dma_start3A_371 = arith.constant 1024 : i32
      %dma_start3A_372 = tpu.memref_slice %arg8[%dma_start3A_371] : memref<2560xi32, #tpu.memory_space<vmem>> -> memref<128xi32, #tpu.memory_space<vmem>>
      %dma_start3A_373 = arith.constant 0 : i32
      %dma_start3A_374 = arith.constant 0 : i32
      %dma_start3A_375 = tpu.memref_slice %arg3[%dma_start3A_373, %dma_start3A_374] : memref<4000000x16xf32, #tpu.memory_space<hbm>> -> memref<4000000x16xf32, #tpu.memory_space<hbm>>
      tpu.enqueue_indirect_dma source(%dma_start3A_375 : memref<4000000x16xf32, #tpu.memory_space<hbm>>) target(%dma_start3A_370 : memref<128x16xf32, #tpu.memory_space<vmem>>) offsets(%dma_start3A_372 : memref<128xi32, #tpu.memory_space<vmem>>) semaphore(%arg14 : memref<!tpu.dma_semaphore, #tpu.memory_space<semaphore_mem>>)
      %dma_start3A_376 = arith.constant 1152 : i32
      %dma_start3A_377 = arith.constant 0 : i32
      %dma_start3A_378 = tpu.memref_slice %arg10[%dma_start3A_376, %dma_start3A_377] : memref<2560x16xf32, #tpu.memory_space<vmem>> -> memref<128x16xf32, #tpu.memory_space<vmem>>
      %dma_start3A_379 = arith.constant 1152 : i32
      %dma_start3A_380 = tpu.memref_slice %arg8[%dma_start3A_379] : memref<2560xi32, #tpu.memory_space<vmem>> -> memref<128xi32, #tpu.memory_space<vmem>>
      %dma_start3A_381 = arith.constant 0 : i32
      %dma_start3A_382 = arith.constant 0 : i32
      %dma_start3A_383 = tpu.memref_slice %arg3[%dma_start3A_381, %dma_start3A_382] : memref<4000000x16xf32, #tpu.memory_space<hbm>> -> memref<4000000x16xf32, #tpu.memory_space<hbm>>
      tpu.enqueue_indirect_dma source(%dma_start3A_383 : memref<4000000x16xf32, #tpu.memory_space<hbm>>) target(%dma_start3A_378 : memref<128x16xf32, #tpu.memory_space<vmem>>) offsets(%dma_start3A_380 : memref<128xi32, #tpu.memory_space<vmem>>) semaphore(%arg14 : memref<!tpu.dma_semaphore, #tpu.memory_space<semaphore_mem>>)
      %dma_start3A_384 = arith.constant 1280 : i32
      %dma_start3A_385 = arith.constant 0 : i32
      %dma_start3A_386 = tpu.memref_slice %arg10[%dma_start3A_384, %dma_start3A_385] : memref<2560x16xf32, #tpu.memory_space<vmem>> -> memref<128x16xf32, #tpu.memory_space<vmem>>
      %dma_start3A_387 = arith.constant 1280 : i32
      %dma_start3A_388 = tpu.memref_slice %arg8[%dma_start3A_387] : memref<2560xi32, #tpu.memory_space<vmem>> -> memref<128xi32, #tpu.memory_space<vmem>>
      %dma_start3A_389 = arith.constant 0 : i32
      %dma_start3A_390 = arith.constant 0 : i32
      %dma_start3A_391 = tpu.memref_slice %arg3[%dma_start3A_389, %dma_start3A_390] : memref<4000000x16xf32, #tpu.memory_space<hbm>> -> memref<4000000x16xf32, #tpu.memory_space<hbm>>
      tpu.enqueue_indirect_dma source(%dma_start3A_391 : memref<4000000x16xf32, #tpu.memory_space<hbm>>) target(%dma_start3A_386 : memref<128x16xf32, #tpu.memory_space<vmem>>) offsets(%dma_start3A_388 : memref<128xi32, #tpu.memory_space<vmem>>) semaphore(%arg14 : memref<!tpu.dma_semaphore, #tpu.memory_space<semaphore_mem>>)
      %dma_start3A_392 = arith.constant 1408 : i32
      %dma_start3A_393 = arith.constant 0 : i32
      %dma_start3A_394 = tpu.memref_slice %arg10[%dma_start3A_392, %dma_start3A_393] : memref<2560x16xf32, #tpu.memory_space<vmem>> -> memref<128x16xf32, #tpu.memory_space<vmem>>
      %dma_start3A_395 = arith.constant 1408 : i32
      %dma_start3A_396 = tpu.memref_slice %arg8[%dma_start3A_395] : memref<2560xi32, #tpu.memory_space<vmem>> -> memref<128xi32, #tpu.memory_space<vmem>>
      %dma_start3A_397 = arith.constant 0 : i32
      %dma_start3A_398 = arith.constant 0 : i32
      %dma_start3A_399 = tpu.memref_slice %arg3[%dma_start3A_397, %dma_start3A_398] : memref<4000000x16xf32, #tpu.memory_space<hbm>> -> memref<4000000x16xf32, #tpu.memory_space<hbm>>
      tpu.enqueue_indirect_dma source(%dma_start3A_399 : memref<4000000x16xf32, #tpu.memory_space<hbm>>) target(%dma_start3A_394 : memref<128x16xf32, #tpu.memory_space<vmem>>) offsets(%dma_start3A_396 : memref<128xi32, #tpu.memory_space<vmem>>) semaphore(%arg14 : memref<!tpu.dma_semaphore, #tpu.memory_space<semaphore_mem>>)
      %dma_start3A_400 = arith.constant 1536 : i32
      %dma_start3A_401 = arith.constant 0 : i32
      %dma_start3A_402 = tpu.memref_slice %arg10[%dma_start3A_400, %dma_start3A_401] : memref<2560x16xf32, #tpu.memory_space<vmem>> -> memref<128x16xf32, #tpu.memory_space<vmem>>
      %dma_start3A_403 = arith.constant 1536 : i32
      %dma_start3A_404 = tpu.memref_slice %arg8[%dma_start3A_403] : memref<2560xi32, #tpu.memory_space<vmem>> -> memref<128xi32, #tpu.memory_space<vmem>>
      %dma_start3A_405 = arith.constant 0 : i32
      %dma_start3A_406 = arith.constant 0 : i32
      %dma_start3A_407 = tpu.memref_slice %arg3[%dma_start3A_405, %dma_start3A_406] : memref<4000000x16xf32, #tpu.memory_space<hbm>> -> memref<4000000x16xf32, #tpu.memory_space<hbm>>
      tpu.enqueue_indirect_dma source(%dma_start3A_407 : memref<4000000x16xf32, #tpu.memory_space<hbm>>) target(%dma_start3A_402 : memref<128x16xf32, #tpu.memory_space<vmem>>) offsets(%dma_start3A_404 : memref<128xi32, #tpu.memory_space<vmem>>) semaphore(%arg14 : memref<!tpu.dma_semaphore, #tpu.memory_space<semaphore_mem>>)
      %dma_start3A_408 = arith.constant 1664 : i32
      %dma_start3A_409 = arith.constant 0 : i32
      %dma_start3A_410 = tpu.memref_slice %arg10[%dma_start3A_408, %dma_start3A_409] : memref<2560x16xf32, #tpu.memory_space<vmem>> -> memref<128x16xf32, #tpu.memory_space<vmem>>
      %dma_start3A_411 = arith.constant 1664 : i32
      %dma_start3A_412 = tpu.memref_slice %arg8[%dma_start3A_411] : memref<2560xi32, #tpu.memory_space<vmem>> -> memref<128xi32, #tpu.memory_space<vmem>>
      %dma_start3A_413 = arith.constant 0 : i32
      %dma_start3A_414 = arith.constant 0 : i32
      %dma_start3A_415 = tpu.memref_slice %arg3[%dma_start3A_413, %dma_start3A_414] : memref<4000000x16xf32, #tpu.memory_space<hbm>> -> memref<4000000x16xf32, #tpu.memory_space<hbm>>
      tpu.enqueue_indirect_dma source(%dma_start3A_415 : memref<4000000x16xf32, #tpu.memory_space<hbm>>) target(%dma_start3A_410 : memref<128x16xf32, #tpu.memory_space<vmem>>) offsets(%dma_start3A_412 : memref<128xi32, #tpu.memory_space<vmem>>) semaphore(%arg14 : memref<!tpu.dma_semaphore, #tpu.memory_space<semaphore_mem>>)
      %dma_start3A_416 = arith.constant 1792 : i32
      %dma_start3A_417 = arith.constant 0 : i32
      %dma_start3A_418 = tpu.memref_slice %arg10[%dma_start3A_416, %dma_start3A_417] : memref<2560x16xf32, #tpu.memory_space<vmem>> -> memref<128x16xf32, #tpu.memory_space<vmem>>
      %dma_start3A_419 = arith.constant 1792 : i32
      %dma_start3A_420 = tpu.memref_slice %arg8[%dma_start3A_419] : memref<2560xi32, #tpu.memory_space<vmem>> -> memref<128xi32, #tpu.memory_space<vmem>>
      %dma_start3A_421 = arith.constant 0 : i32
      %dma_start3A_422 = arith.constant 0 : i32
      %dma_start3A_423 = tpu.memref_slice %arg3[%dma_start3A_421, %dma_start3A_422] : memref<4000000x16xf32, #tpu.memory_space<hbm>> -> memref<4000000x16xf32, #tpu.memory_space<hbm>>
      tpu.enqueue_indirect_dma source(%dma_start3A_423 : memref<4000000x16xf32, #tpu.memory_space<hbm>>) target(%dma_start3A_418 : memref<128x16xf32, #tpu.memory_space<vmem>>) offsets(%dma_start3A_420 : memref<128xi32, #tpu.memory_space<vmem>>) semaphore(%arg14 : memref<!tpu.dma_semaphore, #tpu.memory_space<semaphore_mem>>)
      %dma_start3A_424 = arith.constant 1920 : i32
      %dma_start3A_425 = arith.constant 0 : i32
      %dma_start3A_426 = tpu.memref_slice %arg10[%dma_start3A_424, %dma_start3A_425] : memref<2560x16xf32, #tpu.memory_space<vmem>> -> memref<128x16xf32, #tpu.memory_space<vmem>>
      %dma_start3A_427 = arith.constant 1920 : i32
      %dma_start3A_428 = tpu.memref_slice %arg8[%dma_start3A_427] : memref<2560xi32, #tpu.memory_space<vmem>> -> memref<128xi32, #tpu.memory_space<vmem>>
      %dma_start3A_429 = arith.constant 0 : i32
      %dma_start3A_430 = arith.constant 0 : i32
      %dma_start3A_431 = tpu.memref_slice %arg3[%dma_start3A_429, %dma_start3A_430] : memref<4000000x16xf32, #tpu.memory_space<hbm>> -> memref<4000000x16xf32, #tpu.memory_space<hbm>>
      tpu.enqueue_indirect_dma source(%dma_start3A_431 : memref<4000000x16xf32, #tpu.memory_space<hbm>>) target(%dma_start3A_426 : memref<128x16xf32, #tpu.memory_space<vmem>>) offsets(%dma_start3A_428 : memref<128xi32, #tpu.memory_space<vmem>>) semaphore(%arg14 : memref<!tpu.dma_semaphore, #tpu.memory_space<semaphore_mem>>)
      %dma_start3A_432 = arith.constant 2048 : i32
      %dma_start3A_433 = arith.constant 0 : i32
      %dma_start3A_434 = tpu.memref_slice %arg10[%dma_start3A_432, %dma_start3A_433] : memref<2560x16xf32, #tpu.memory_space<vmem>> -> memref<128x16xf32, #tpu.memory_space<vmem>>
      %dma_start3A_435 = arith.constant 2048 : i32
      %dma_start3A_436 = tpu.memref_slice %arg8[%dma_start3A_435] : memref<2560xi32, #tpu.memory_space<vmem>> -> memref<128xi32, #tpu.memory_space<vmem>>
      %dma_start3A_437 = arith.constant 0 : i32
      %dma_start3A_438 = arith.constant 0 : i32
      %dma_start3A_439 = tpu.memref_slice %arg3[%dma_start3A_437, %dma_start3A_438] : memref<4000000x16xf32, #tpu.memory_space<hbm>> -> memref<4000000x16xf32, #tpu.memory_space<hbm>>
      tpu.enqueue_indirect_dma source(%dma_start3A_439 : memref<4000000x16xf32, #tpu.memory_space<hbm>>) target(%dma_start3A_434 : memref<128x16xf32, #tpu.memory_space<vmem>>) offsets(%dma_start3A_436 : memref<128xi32, #tpu.memory_space<vmem>>) semaphore(%arg14 : memref<!tpu.dma_semaphore, #tpu.memory_space<semaphore_mem>>)
      %dma_start3A_440 = arith.constant 2176 : i32
      %dma_start3A_441 = arith.constant 0 : i32
      %dma_start3A_442 = tpu.memref_slice %arg10[%dma_start3A_440, %dma_start3A_441] : memref<2560x16xf32, #tpu.memory_space<vmem>> -> memref<128x16xf32, #tpu.memory_space<vmem>>
      %dma_start3A_443 = arith.constant 2176 : i32
      %dma_start3A_444 = tpu.memref_slice %arg8[%dma_start3A_443] : memref<2560xi32, #tpu.memory_space<vmem>> -> memref<128xi32, #tpu.memory_space<vmem>>
      %dma_start3A_445 = arith.constant 0 : i32
      %dma_start3A_446 = arith.constant 0 : i32
      %dma_start3A_447 = tpu.memref_slice %arg3[%dma_start3A_445, %dma_start3A_446] : memref<4000000x16xf32, #tpu.memory_space<hbm>> -> memref<4000000x16xf32, #tpu.memory_space<hbm>>
      tpu.enqueue_indirect_dma source(%dma_start3A_447 : memref<4000000x16xf32, #tpu.memory_space<hbm>>) target(%dma_start3A_442 : memref<128x16xf32, #tpu.memory_space<vmem>>) offsets(%dma_start3A_444 : memref<128xi32, #tpu.memory_space<vmem>>) semaphore(%arg14 : memref<!tpu.dma_semaphore, #tpu.memory_space<semaphore_mem>>)
      %dma_start3A_448 = arith.constant 2304 : i32
      %dma_start3A_449 = arith.constant 0 : i32
      %dma_start3A_450 = tpu.memref_slice %arg10[%dma_start3A_448, %dma_start3A_449] : memref<2560x16xf32, #tpu.memory_space<vmem>> -> memref<128x16xf32, #tpu.memory_space<vmem>>
      %dma_start3A_451 = arith.constant 2304 : i32
      %dma_start3A_452 = tpu.memref_slice %arg8[%dma_start3A_451] : memref<2560xi32, #tpu.memory_space<vmem>> -> memref<128xi32, #tpu.memory_space<vmem>>
      %dma_start3A_453 = arith.constant 0 : i32
      %dma_start3A_454 = arith.constant 0 : i32
      %dma_start3A_455 = tpu.memref_slice %arg3[%dma_start3A_453, %dma_start3A_454] : memref<4000000x16xf32, #tpu.memory_space<hbm>> -> memref<4000000x16xf32, #tpu.memory_space<hbm>>
      tpu.enqueue_indirect_dma source(%dma_start3A_455 : memref<4000000x16xf32, #tpu.memory_space<hbm>>) target(%dma_start3A_450 : memref<128x16xf32, #tpu.memory_space<vmem>>) offsets(%dma_start3A_452 : memref<128xi32, #tpu.memory_space<vmem>>) semaphore(%arg14 : memref<!tpu.dma_semaphore, #tpu.memory_space<semaphore_mem>>)
      %dma_start3A_456 = arith.constant 2432 : i32
      %dma_start3A_457 = arith.constant 0 : i32
      %dma_start3A_458 = tpu.memref_slice %arg10[%dma_start3A_456, %dma_start3A_457] : memref<2560x16xf32, #tpu.memory_space<vmem>> -> memref<128x16xf32, #tpu.memory_space<vmem>>
      %dma_start3A_459 = arith.constant 2432 : i32
      %dma_start3A_460 = tpu.memref_slice %arg8[%dma_start3A_459] : memref<2560xi32, #tpu.memory_space<vmem>> -> memref<128xi32, #tpu.memory_space<vmem>>
      %dma_start3A_461 = arith.constant 0 : i32
      %dma_start3A_462 = arith.constant 0 : i32
      %dma_start3A_463 = tpu.memref_slice %arg3[%dma_start3A_461, %dma_start3A_462] : memref<4000000x16xf32, #tpu.memory_space<hbm>> -> memref<4000000x16xf32, #tpu.memory_space<hbm>>
      tpu.enqueue_indirect_dma source(%dma_start3A_463 : memref<4000000x16xf32, #tpu.memory_space<hbm>>) target(%dma_start3A_458 : memref<128x16xf32, #tpu.memory_space<vmem>>) offsets(%dma_start3A_460 : memref<128xi32, #tpu.memory_space<vmem>>) semaphore(%arg14 : memref<!tpu.dma_semaphore, #tpu.memory_space<semaphore_mem>>)
      %while3A_464 = arith.constant 0 : i32
      scf.yield %while3A_464 : i32
    }
    %while3A_20 = arith.constant 1 : i32
    %while3A_21 = scf.for %while3A_55 = %while3A_17 to %while3A_13 step %while3A_20 iter_args(%while3A_56 = %while3A_19) -> (i32)  : i32 {
      %mul3A_57 = arith.constant 2 : i32
      %mul3A_58 = arith.muli %while3A_55, %mul3A_57 : i32
      %add3A_59 = arith.constant 0 : i32
      %add3A_60 = arith.addi %mul3A_58, %add3A_59 : i32
      %mul3A_61 = arith.constant 640 : i32
      %mul3A_62 = arith.muli %add3A_60, %mul3A_61 : i32
      %add3A_63 = arith.addi %mul3A_2, %mul3A_62 : i32
      %dma_wait3A_64 = arith.constant 0 : i32
      %dma_wait3A_65 = tpu.memref_slice %arg2[%dma_wait3A_64, %add3A_63] : memref<4x204800xi32, #tpu.memory_space<hbm>> -> memref<4x640xi32, #tpu.memory_space<hbm>>
      %dma_wait3A_66 = arith.constant 0 : i32
      %dma_wait3A_67 = tpu.memref_slice %arg2[%dma_wait3A_66, %add3A_63] : memref<4x204800xi32, #tpu.memory_space<hbm>> -> memref<4x640xi32, #tpu.memory_space<hbm>>
      tpu.wait_dma2 semaphore(%arg11 : memref<!tpu.dma_semaphore, #tpu.memory_space<semaphore_mem>>) src(%dma_wait3A_67 : memref<4x640xi32, #tpu.memory_space<hbm>>) dst(%arg5 : memref<4x640xi32, #tpu.memory_space<vmem>>)
      %add3A_68 = arith.constant 1 : i32
      %add3A_69 = arith.addi %add3A_60, %add3A_68 : i32
      %lt3A = arith.constant 10 : i32
      %lt3A_70 = arith.cmpi slt, %add3A_69, %lt3A : i32
      %convert_element_type3A = arith.extui %lt3A_70 : i1 to i32
      %cond3A = arith.constant 0 : i32
      %cond3A_71 = arith.cmpi ne, %convert_element_type3A, %cond3A : i32
      scf.if %cond3A_71 {
        %add3A_465 = arith.constant 1 : i32
        %add3A_466 = arith.addi %add3A_60, %add3A_465 : i32
        %mul3A_467 = arith.constant 640 : i32
        %mul3A_468 = arith.muli %add3A_466, %mul3A_467 : i32
        %add3A_469 = arith.addi %mul3A_2, %mul3A_468 : i32
        %dma_start3A_470 = arith.constant 0 : i32
        %dma_start3A_471 = tpu.memref_slice %arg2[%dma_start3A_470, %add3A_469] : memref<4x204800xi32, #tpu.memory_space<hbm>> -> memref<4x640xi32, #tpu.memory_space<hbm>>
        %dma_start3A_472 = arith.constant 0 : i32
        %dma_start3A_473 = tpu.memref_slice %arg2[%dma_start3A_472, %add3A_469] : memref<4x204800xi32, #tpu.memory_space<hbm>> -> memref<4x640xi32, #tpu.memory_space<hbm>>
        tpu.enqueue_dma source(%dma_start3A_473 : memref<4x640xi32, #tpu.memory_space<hbm>>) target(%arg6 : memref<4x640xi32, #tpu.memory_space<vmem>>) target_semaphore(%arg12 : memref<!tpu.dma_semaphore, #tpu.memory_space<semaphore_mem>>)
      } else {
      }
      %while3A_72 = arith.constant 0 : i32
      %while3A_73 = arith.constant 40 : i32
      %while3A_74 = arith.constant 0 : i32
      %while3A_75 = arith.subi %while3A_73, %while3A_72 : i32
      %while3A_76 = arith.addi %while3A_72, %while3A_75 : i32
      %while3A_77 = arith.constant 1 : i32
      %while3A_78 = arith.divsi %while3A_75, %while3A_77 : i32
      %while3A_79 = arith.muli %while3A_78, %while3A_77 : i32
      %while3A_80 = arith.addi %while3A_72, %while3A_79 : i32
      %while3A_81 = arith.constant 1 : i32
      %while3A_82 = scf.for %while3A_465 = %while3A_72 to %while3A_80 step %while3A_81 iter_args(%while3A_466 = %while3A_74) -> (i32)  : i32 {
        %mul3A_467 = arith.constant 16 : i32
        %mul3A_468 = arith.muli %while3A_465, %mul3A_467 : i32
        %get3A = arith.constant 0 : i64
        %get3A_469 = arith.index_cast %get3A : i64 to index
        %get3A_470 = arith.index_cast %mul3A_468 : i32 to index
        %get3A_471 = tpu.vector_load %arg5[%get3A_469, %get3A_470] {strides = array<i32>} : memref<4x640xi32, #tpu.memory_space<vmem>>, vector<16xi32>,
        %get3A_472 = arith.constant 1 : i64
        %get3A_473 = arith.index_cast %get3A_472 : i64 to index
        %get3A_474 = arith.index_cast %mul3A_468 : i32 to index
        %get3A_475 = tpu.vector_load %arg5[%get3A_473, %get3A_474] {strides = array<i32>} : memref<4x640xi32, #tpu.memory_space<vmem>>, vector<16xi32>,
        %get3A_476 = arith.constant 2 : i64
        %get3A_477 = arith.index_cast %get3A_476 : i64 to index
        %get3A_478 = arith.index_cast %mul3A_468 : i32 to index
        %get3A_479 = tpu.vector_load %arg5[%get3A_477, %get3A_478] {strides = array<i32>} : memref<4x640xi32, #tpu.memory_space<vmem>>, vector<16xi32>,
        %get3A_480 = arith.constant 3 : i64
        %get3A_481 = arith.index_cast %get3A_480 : i64 to index
        %get3A_482 = arith.index_cast %mul3A_468 : i32 to index
        %get3A_483 = tpu.vector_load %arg5[%get3A_481, %get3A_482] {strides = array<i32>} : memref<4x640xi32, #tpu.memory_space<vmem>>, vector<16xi32>,
        %xor3A = arith.xori %get3A_471, %get3A_475 : vector<16xi32>
        %xor3A_484 = arith.xori %xor3A, %get3A_479 : vector<16xi32>
        %xor3A_485 = arith.xori %xor3A_484, %get3A_483 : vector<16xi32>
        %rem3A = arith.constant 1000000 : i32
        %rem3A_486 = vector.broadcast %rem3A : i32 to vector<16xi32>
        %rem3A_487 = arith.remsi %xor3A_485, %rem3A_486 : vector<16xi32>
        %xor3A_488 = arith.xori %get3A_471, %get3A_479 : vector<16xi32>
        %rem3A_489 = arith.constant 1000000 : i32
        %rem3A_490 = vector.broadcast %rem3A_489 : i32 to vector<16xi32>
        %rem3A_491 = arith.remsi %xor3A_488, %rem3A_490 : vector<16xi32>
        %xor3A_492 = arith.xori %get3A_475, %get3A_483 : vector<16xi32>
        %rem3A_493 = arith.constant 1000000 : i32
        %rem3A_494 = vector.broadcast %rem3A_493 : i32 to vector<16xi32>
        %rem3A_495 = arith.remsi %xor3A_492, %rem3A_494 : vector<16xi32>
        %xor3A_496 = arith.xori %get3A_471, %get3A_475 : vector<16xi32>
        %xor3A_497 = arith.xori %get3A_479, %get3A_483 : vector<16xi32>
        %mul3A_498 = arith.constant -1028477379 : i32
        %mul3A_499 = vector.broadcast %mul3A_498 : i32 to vector<16xi32>
        %mul3A_500 = arith.muli %xor3A_497, %mul3A_499 : vector<16xi32>
        %shift_right_logical3A = arith.constant 16 : i32
        %shift_right_logical3A_501 = vector.broadcast %shift_right_logical3A : i32 to vector<16xi32>
        %shift_right_logical3A_502 = arith.shrui %xor3A_497, %shift_right_logical3A_501 : vector<16xi32>
        %and3A = arith.constant 65535 : i32
        %and3A_503 = vector.broadcast %and3A : i32 to vector<16xi32>
        %and3A_504 = arith.andi %xor3A_497, %and3A_503 : vector<16xi32>
        %mul3A_505 = arith.constant 44605 : i32
        %mul3A_506 = vector.broadcast %mul3A_505 : i32 to vector<16xi32>
        %mul3A_507 = arith.muli %and3A_504, %mul3A_506 : vector<16xi32>
        %mul3A_508 = arith.constant 44605 : i32
        %mul3A_509 = vector.broadcast %mul3A_508 : i32 to vector<16xi32>
        %mul3A_510 = arith.muli %shift_right_logical3A_502, %mul3A_509 : vector<16xi32>
        %shift_right_logical3A_511 = arith.constant 16 : i32
        %shift_right_logical3A_512 = vector.broadcast %shift_right_logical3A_511 : i32 to vector<16xi32>
        %shift_right_logical3A_513 = arith.shrui %mul3A_507, %shift_right_logical3A_512 : vector<16xi32>
        %add3A_514 = arith.addi %mul3A_510, %shift_right_logical3A_513 : vector<16xi32>
        %mul3A_515 = arith.constant 49842 : i32
        %mul3A_516 = vector.broadcast %mul3A_515 : i32 to vector<16xi32>
        %mul3A_517 = arith.muli %and3A_504, %mul3A_516 : vector<16xi32>
        %and3A_518 = arith.constant 65535 : i32
        %and3A_519 = vector.broadcast %and3A_518 : i32 to vector<16xi32>
        %and3A_520 = arith.andi %add3A_514, %and3A_519 : vector<16xi32>
        %add3A_521 = arith.addi %mul3A_517, %and3A_520 : vector<16xi32>
        %mul3A_522 = arith.constant 49842 : i32
        %mul3A_523 = vector.broadcast %mul3A_522 : i32 to vector<16xi32>
        %mul3A_524 = arith.muli %shift_right_logical3A_502, %mul3A_523 : vector<16xi32>
        %shift_right_logical3A_525 = arith.constant 16 : i32
        %shift_right_logical3A_526 = vector.broadcast %shift_right_logical3A_525 : i32 to vector<16xi32>
        %shift_right_logical3A_527 = arith.shrui %add3A_514, %shift_right_logical3A_526 : vector<16xi32>
        %add3A_528 = arith.addi %mul3A_524, %shift_right_logical3A_527 : vector<16xi32>
        %shift_right_logical3A_529 = arith.constant 16 : i32
        %shift_right_logical3A_530 = vector.broadcast %shift_right_logical3A_529 : i32 to vector<16xi32>
        %shift_right_logical3A_531 = arith.shrui %add3A_521, %shift_right_logical3A_530 : vector<16xi32>
        %add3A_532 = arith.addi %add3A_528, %shift_right_logical3A_531 : vector<16xi32>
        %xor3A_533 = arith.xori %mul3A_500, %xor3A_496 : vector<16xi32>
        %shift_right_logical3A_534 = arith.constant 16 : i32
        %shift_right_logical3A_535 = vector.broadcast %shift_right_logical3A_534 : i32 to vector<16xi32>
        %shift_right_logical3A_536 = arith.shrui %xor3A_533, %shift_right_logical3A_535 : vector<16xi32>
        %and3A_537 = arith.constant 65535 : i32
        %and3A_538 = vector.broadcast %and3A_537 : i32 to vector<16xi32>
        %and3A_539 = arith.andi %xor3A_533, %and3A_538 : vector<16xi32>
        %mul3A_540 = arith.constant 3036 : i32
        %mul3A_541 = vector.broadcast %mul3A_540 : i32 to vector<16xi32>
        %mul3A_542 = arith.muli %shift_right_logical3A_536, %mul3A_541 : vector<16xi32>
        %add3A_543 = arith.addi %mul3A_542, %and3A_539 : vector<16xi32>
        %rem3A_544 = arith.constant 15625 : i32
        %rem3A_545 = vector.broadcast %rem3A_544 : i32 to vector<16xi32>
        %rem3A_546 = arith.remui %add3A_543, %rem3A_545 : vector<16xi32>
        %rem3A_547 = arith.constant 15625 : i32
        %rem3A_548 = vector.broadcast %rem3A_547 : i32 to vector<16xi32>
        %rem3A_549 = arith.remui %add3A_532, %rem3A_548 : vector<16xi32>
        %mul3A_550 = arith.constant 14171 : i32
        %mul3A_551 = vector.broadcast %mul3A_550 : i32 to vector<16xi32>
        %mul3A_552 = arith.muli %rem3A_549, %mul3A_551 : vector<16xi32>
        %rem3A_553 = arith.constant 15625 : i32
        %rem3A_554 = vector.broadcast %rem3A_553 : i32 to vector<16xi32>
        %rem3A_555 = arith.remui %mul3A_552, %rem3A_554 : vector<16xi32>
        %add3A_556 = arith.addi %rem3A_555, %rem3A_546 : vector<16xi32>
        %rem3A_557 = arith.constant 15625 : i32
        %rem3A_558 = vector.broadcast %rem3A_557 : i32 to vector<16xi32>
        %rem3A_559 = arith.remui %add3A_556, %rem3A_558 : vector<16xi32>
        %and3A_560 = arith.constant 63 : i32
        %and3A_561 = vector.broadcast %and3A_560 : i32 to vector<16xi32>
        %and3A_562 = arith.andi %xor3A_533, %and3A_561 : vector<16xi32>
        %sub3A_563 = arith.subi %and3A_562, %rem3A_559 : vector<16xi32>
        %and3A_564 = arith.constant 63 : i32
        %and3A_565 = vector.broadcast %and3A_564 : i32 to vector<16xi32>
        %and3A_566 = arith.andi %sub3A_563, %and3A_565 : vector<16xi32>
        %mul3A_567 = arith.constant 57 : i32
        %mul3A_568 = vector.broadcast %mul3A_567 : i32 to vector<16xi32>
        %mul3A_569 = arith.muli %and3A_566, %mul3A_568 : vector<16xi32>
        %and3A_570 = arith.constant 63 : i32
        %and3A_571 = vector.broadcast %and3A_570 : i32 to vector<16xi32>
        %and3A_572 = arith.andi %mul3A_569, %and3A_571 : vector<16xi32>
        %mul3A_573 = arith.constant 15625 : i32
        %mul3A_574 = vector.broadcast %mul3A_573 : i32 to vector<16xi32>
        %mul3A_575 = arith.muli %mul3A_574, %and3A_572 : vector<16xi32>
        %add3A_576 = arith.addi %rem3A_559, %mul3A_575 : vector<16xi32>
        %mul3A_577 = arith.constant 64 : i32
        %mul3A_578 = arith.muli %while3A_465, %mul3A_577 : i32
        %mul3A_579 = arith.constant 4 : i32
        %mul3A_580 = vector.broadcast %mul3A_579 : i32 to vector<16xi32>
        %mul3A_581 = arith.muli %iota3A, %mul3A_580 : vector<16xi32>
        %add3A_582 = vector.broadcast %mul3A_578 : i32 to vector<16xi32>
        %add3A_583 = arith.addi %add3A_582, %mul3A_581 : vector<16xi32>
        %add3A_584 = arith.constant 0 : i32
        %add3A_585 = vector.broadcast %add3A_584 : i32 to vector<16xi32>
        %add3A_586 = arith.addi %add3A_583, %add3A_585 : vector<16xi32>
        %add3A_587 = arith.constant 0 : i32
        %add3A_588 = vector.broadcast %add3A_587 : i32 to vector<16xi32>
        %add3A_589 = arith.addi %rem3A_487, %add3A_588 : vector<16xi32>
        tpu.vector_store_idx %arg7[%add3A_586], %add3A_589 : memref<2560xi32, #tpu.memory_space<vmem>>[vector<16xi32>], vector<16xi32>,
        %add3A_590 = arith.constant 1 : i32
        %add3A_591 = vector.broadcast %add3A_590 : i32 to vector<16xi32>
        %add3A_592 = arith.addi %add3A_583, %add3A_591 : vector<16xi32>
        %add3A_593 = arith.constant 1000000 : i32
        %add3A_594 = vector.broadcast %add3A_593 : i32 to vector<16xi32>
        %add3A_595 = arith.addi %rem3A_491, %add3A_594 : vector<16xi32>
        tpu.vector_store_idx %arg7[%add3A_592], %add3A_595 : memref<2560xi32, #tpu.memory_space<vmem>>[vector<16xi32>], vector<16xi32>,
        %add3A_596 = arith.constant 2 : i32
        %add3A_597 = vector.broadcast %add3A_596 : i32 to vector<16xi32>
        %add3A_598 = arith.addi %add3A_583, %add3A_597 : vector<16xi32>
        %add3A_599 = arith.constant 2000000 : i32
        %add3A_600 = vector.broadcast %add3A_599 : i32 to vector<16xi32>
        %add3A_601 = arith.addi %rem3A_495, %add3A_600 : vector<16xi32>
        tpu.vector_store_idx %arg7[%add3A_598], %add3A_601 : memref<2560xi32, #tpu.memory_space<vmem>>[vector<16xi32>], vector<16xi32>,
        %add3A_602 = arith.constant 3 : i32
        %add3A_603 = vector.broadcast %add3A_602 : i32 to vector<16xi32>
        %add3A_604 = arith.addi %add3A_583, %add3A_603 : vector<16xi32>
        %add3A_605 = arith.constant 3000000 : i32
        %add3A_606 = vector.broadcast %add3A_605 : i32 to vector<16xi32>
        %add3A_607 = arith.addi %add3A_576, %add3A_606 : vector<16xi32>
        tpu.vector_store_idx %arg7[%add3A_604], %add3A_607 : memref<2560xi32, #tpu.memory_space<vmem>>[vector<16xi32>], vector<16xi32>,
        %while3A_608 = arith.constant 0 : i32
        scf.yield %while3A_608 : i32
      }
      %while3A_83 = arith.constant 1 : i32
      %while3A_84 = scf.for %while3A_465 = %while3A_80 to %while3A_76 step %while3A_83 iter_args(%while3A_466 = %while3A_82) -> (i32)  : i32 {
        %mul3A_467 = arith.constant 16 : i32
        %mul3A_468 = arith.muli %while3A_465, %mul3A_467 : i32
        %get3A = arith.constant 0 : i64
        %get3A_469 = arith.index_cast %get3A : i64 to index
        %get3A_470 = arith.index_cast %mul3A_468 : i32 to index
        %get3A_471 = tpu.vector_load %arg5[%get3A_469, %get3A_470] {strides = array<i32>} : memref<4x640xi32, #tpu.memory_space<vmem>>, vector<16xi32>,
        %get3A_472 = arith.constant 1 : i64
        %get3A_473 = arith.index_cast %get3A_472 : i64 to index
        %get3A_474 = arith.index_cast %mul3A_468 : i32 to index
        %get3A_475 = tpu.vector_load %arg5[%get3A_473, %get3A_474] {strides = array<i32>} : memref<4x640xi32, #tpu.memory_space<vmem>>, vector<16xi32>,
        %get3A_476 = arith.constant 2 : i64
        %get3A_477 = arith.index_cast %get3A_476 : i64 to index
        %get3A_478 = arith.index_cast %mul3A_468 : i32 to index
        %get3A_479 = tpu.vector_load %arg5[%get3A_477, %get3A_478] {strides = array<i32>} : memref<4x640xi32, #tpu.memory_space<vmem>>, vector<16xi32>,
        %get3A_480 = arith.constant 3 : i64
        %get3A_481 = arith.index_cast %get3A_480 : i64 to index
        %get3A_482 = arith.index_cast %mul3A_468 : i32 to index
        %get3A_483 = tpu.vector_load %arg5[%get3A_481, %get3A_482] {strides = array<i32>} : memref<4x640xi32, #tpu.memory_space<vmem>>, vector<16xi32>,
        %xor3A = arith.xori %get3A_471, %get3A_475 : vector<16xi32>
        %xor3A_484 = arith.xori %xor3A, %get3A_479 : vector<16xi32>
        %xor3A_485 = arith.xori %xor3A_484, %get3A_483 : vector<16xi32>
        %rem3A = arith.constant 1000000 : i32
        %rem3A_486 = vector.broadcast %rem3A : i32 to vector<16xi32>
        %rem3A_487 = arith.remsi %xor3A_485, %rem3A_486 : vector<16xi32>
        %xor3A_488 = arith.xori %get3A_471, %get3A_479 : vector<16xi32>
        %rem3A_489 = arith.constant 1000000 : i32
        %rem3A_490 = vector.broadcast %rem3A_489 : i32 to vector<16xi32>
        %rem3A_491 = arith.remsi %xor3A_488, %rem3A_490 : vector<16xi32>
        %xor3A_492 = arith.xori %get3A_475, %get3A_483 : vector<16xi32>
        %rem3A_493 = arith.constant 1000000 : i32
        %rem3A_494 = vector.broadcast %rem3A_493 : i32 to vector<16xi32>
        %rem3A_495 = arith.remsi %xor3A_492, %rem3A_494 : vector<16xi32>
        %xor3A_496 = arith.xori %get3A_471, %get3A_475 : vector<16xi32>
        %xor3A_497 = arith.xori %get3A_479, %get3A_483 : vector<16xi32>
        %mul3A_498 = arith.constant -1028477379 : i32
        %mul3A_499 = vector.broadcast %mul3A_498 : i32 to vector<16xi32>
        %mul3A_500 = arith.muli %xor3A_497, %mul3A_499 : vector<16xi32>
        %shift_right_logical3A = arith.constant 16 : i32
        %shift_right_logical3A_501 = vector.broadcast %shift_right_logical3A : i32 to vector<16xi32>
        %shift_right_logical3A_502 = arith.shrui %xor3A_497, %shift_right_logical3A_501 : vector<16xi32>
        %and3A = arith.constant 65535 : i32
        %and3A_503 = vector.broadcast %and3A : i32 to vector<16xi32>
        %and3A_504 = arith.andi %xor3A_497, %and3A_503 : vector<16xi32>
        %mul3A_505 = arith.constant 44605 : i32
        %mul3A_506 = vector.broadcast %mul3A_505 : i32 to vector<16xi32>
        %mul3A_507 = arith.muli %and3A_504, %mul3A_506 : vector<16xi32>
        %mul3A_508 = arith.constant 44605 : i32
        %mul3A_509 = vector.broadcast %mul3A_508 : i32 to vector<16xi32>
        %mul3A_510 = arith.muli %shift_right_logical3A_502, %mul3A_509 : vector<16xi32>
        %shift_right_logical3A_511 = arith.constant 16 : i32
        %shift_right_logical3A_512 = vector.broadcast %shift_right_logical3A_511 : i32 to vector<16xi32>
        %shift_right_logical3A_513 = arith.shrui %mul3A_507, %shift_right_logical3A_512 : vector<16xi32>
        %add3A_514 = arith.addi %mul3A_510, %shift_right_logical3A_513 : vector<16xi32>
        %mul3A_515 = arith.constant 49842 : i32
        %mul3A_516 = vector.broadcast %mul3A_515 : i32 to vector<16xi32>
        %mul3A_517 = arith.muli %and3A_504, %mul3A_516 : vector<16xi32>
        %and3A_518 = arith.constant 65535 : i32
        %and3A_519 = vector.broadcast %and3A_518 : i32 to vector<16xi32>
        %and3A_520 = arith.andi %add3A_514, %and3A_519 : vector<16xi32>
        %add3A_521 = arith.addi %mul3A_517, %and3A_520 : vector<16xi32>
        %mul3A_522 = arith.constant 49842 : i32
        %mul3A_523 = vector.broadcast %mul3A_522 : i32 to vector<16xi32>
        %mul3A_524 = arith.muli %shift_right_logical3A_502, %mul3A_523 : vector<16xi32>
        %shift_right_logical3A_525 = arith.constant 16 : i32
        %shift_right_logical3A_526 = vector.broadcast %shift_right_logical3A_525 : i32 to vector<16xi32>
        %shift_right_logical3A_527 = arith.shrui %add3A_514, %shift_right_logical3A_526 : vector<16xi32>
        %add3A_528 = arith.addi %mul3A_524, %shift_right_logical3A_527 : vector<16xi32>
        %shift_right_logical3A_529 = arith.constant 16 : i32
        %shift_right_logical3A_530 = vector.broadcast %shift_right_logical3A_529 : i32 to vector<16xi32>
        %shift_right_logical3A_531 = arith.shrui %add3A_521, %shift_right_logical3A_530 : vector<16xi32>
        %add3A_532 = arith.addi %add3A_528, %shift_right_logical3A_531 : vector<16xi32>
        %xor3A_533 = arith.xori %mul3A_500, %xor3A_496 : vector<16xi32>
        %shift_right_logical3A_534 = arith.constant 16 : i32
        %shift_right_logical3A_535 = vector.broadcast %shift_right_logical3A_534 : i32 to vector<16xi32>
        %shift_right_logical3A_536 = arith.shrui %xor3A_533, %shift_right_logical3A_535 : vector<16xi32>
        %and3A_537 = arith.constant 65535 : i32
        %and3A_538 = vector.broadcast %and3A_537 : i32 to vector<16xi32>
        %and3A_539 = arith.andi %xor3A_533, %and3A_538 : vector<16xi32>
        %mul3A_540 = arith.constant 3036 : i32
        %mul3A_541 = vector.broadcast %mul3A_540 : i32 to vector<16xi32>
        %mul3A_542 = arith.muli %shift_right_logical3A_536, %mul3A_541 : vector<16xi32>
        %add3A_543 = arith.addi %mul3A_542, %and3A_539 : vector<16xi32>
        %rem3A_544 = arith.constant 15625 : i32
        %rem3A_545 = vector.broadcast %rem3A_544 : i32 to vector<16xi32>
        %rem3A_546 = arith.remui %add3A_543, %rem3A_545 : vector<16xi32>
        %rem3A_547 = arith.constant 15625 : i32
        %rem3A_548 = vector.broadcast %rem3A_547 : i32 to vector<16xi32>
        %rem3A_549 = arith.remui %add3A_532, %rem3A_548 : vector<16xi32>
        %mul3A_550 = arith.constant 14171 : i32
        %mul3A_551 = vector.broadcast %mul3A_550 : i32 to vector<16xi32>
        %mul3A_552 = arith.muli %rem3A_549, %mul3A_551 : vector<16xi32>
        %rem3A_553 = arith.constant 15625 : i32
        %rem3A_554 = vector.broadcast %rem3A_553 : i32 to vector<16xi32>
        %rem3A_555 = arith.remui %mul3A_552, %rem3A_554 : vector<16xi32>
        %add3A_556 = arith.addi %rem3A_555, %rem3A_546 : vector<16xi32>
        %rem3A_557 = arith.constant 15625 : i32
        %rem3A_558 = vector.broadcast %rem3A_557 : i32 to vector<16xi32>
        %rem3A_559 = arith.remui %add3A_556, %rem3A_558 : vector<16xi32>
        %and3A_560 = arith.constant 63 : i32
        %and3A_561 = vector.broadcast %and3A_560 : i32 to vector<16xi32>
        %and3A_562 = arith.andi %xor3A_533, %and3A_561 : vector<16xi32>
        %sub3A_563 = arith.subi %and3A_562, %rem3A_559 : vector<16xi32>
        %and3A_564 = arith.constant 63 : i32
        %and3A_565 = vector.broadcast %and3A_564 : i32 to vector<16xi32>
        %and3A_566 = arith.andi %sub3A_563, %and3A_565 : vector<16xi32>
        %mul3A_567 = arith.constant 57 : i32
        %mul3A_568 = vector.broadcast %mul3A_567 : i32 to vector<16xi32>
        %mul3A_569 = arith.muli %and3A_566, %mul3A_568 : vector<16xi32>
        %and3A_570 = arith.constant 63 : i32
        %and3A_571 = vector.broadcast %and3A_570 : i32 to vector<16xi32>
        %and3A_572 = arith.andi %mul3A_569, %and3A_571 : vector<16xi32>
        %mul3A_573 = arith.constant 15625 : i32
        %mul3A_574 = vector.broadcast %mul3A_573 : i32 to vector<16xi32>
        %mul3A_575 = arith.muli %mul3A_574, %and3A_572 : vector<16xi32>
        %add3A_576 = arith.addi %rem3A_559, %mul3A_575 : vector<16xi32>
        %mul3A_577 = arith.constant 64 : i32
        %mul3A_578 = arith.muli %while3A_465, %mul3A_577 : i32
        %mul3A_579 = arith.constant 4 : i32
        %mul3A_580 = vector.broadcast %mul3A_579 : i32 to vector<16xi32>
        %mul3A_581 = arith.muli %iota3A, %mul3A_580 : vector<16xi32>
        %add3A_582 = vector.broadcast %mul3A_578 : i32 to vector<16xi32>
        %add3A_583 = arith.addi %add3A_582, %mul3A_581 : vector<16xi32>
        %add3A_584 = arith.constant 0 : i32
        %add3A_585 = vector.broadcast %add3A_584 : i32 to vector<16xi32>
        %add3A_586 = arith.addi %add3A_583, %add3A_585 : vector<16xi32>
        %add3A_587 = arith.constant 0 : i32
        %add3A_588 = vector.broadcast %add3A_587 : i32 to vector<16xi32>
        %add3A_589 = arith.addi %rem3A_487, %add3A_588 : vector<16xi32>
        tpu.vector_store_idx %arg7[%add3A_586], %add3A_589 : memref<2560xi32, #tpu.memory_space<vmem>>[vector<16xi32>], vector<16xi32>,
        %add3A_590 = arith.constant 1 : i32
        %add3A_591 = vector.broadcast %add3A_590 : i32 to vector<16xi32>
        %add3A_592 = arith.addi %add3A_583, %add3A_591 : vector<16xi32>
        %add3A_593 = arith.constant 1000000 : i32
        %add3A_594 = vector.broadcast %add3A_593 : i32 to vector<16xi32>
        %add3A_595 = arith.addi %rem3A_491, %add3A_594 : vector<16xi32>
        tpu.vector_store_idx %arg7[%add3A_592], %add3A_595 : memref<2560xi32, #tpu.memory_space<vmem>>[vector<16xi32>], vector<16xi32>,
        %add3A_596 = arith.constant 2 : i32
        %add3A_597 = vector.broadcast %add3A_596 : i32 to vector<16xi32>
        %add3A_598 = arith.addi %add3A_583, %add3A_597 : vector<16xi32>
        %add3A_599 = arith.constant 2000000 : i32
        %add3A_600 = vector.broadcast %add3A_599 : i32 to vector<16xi32>
        %add3A_601 = arith.addi %rem3A_495, %add3A_600 : vector<16xi32>
        tpu.vector_store_idx %arg7[%add3A_598], %add3A_601 : memref<2560xi32, #tpu.memory_space<vmem>>[vector<16xi32>], vector<16xi32>,
        %add3A_602 = arith.constant 3 : i32
        %add3A_603 = vector.broadcast %add3A_602 : i32 to vector<16xi32>
        %add3A_604 = arith.addi %add3A_583, %add3A_603 : vector<16xi32>
        %add3A_605 = arith.constant 3000000 : i32
        %add3A_606 = vector.broadcast %add3A_605 : i32 to vector<16xi32>
        %add3A_607 = arith.addi %add3A_576, %add3A_606 : vector<16xi32>
        tpu.vector_store_idx %arg7[%add3A_604], %add3A_607 : memref<2560xi32, #tpu.memory_space<vmem>>[vector<16xi32>], vector<16xi32>,
        %while3A_608 = arith.constant 0 : i32
        scf.yield %while3A_608 : i32
      }
      %gt3A = arith.constant 0 : i32
      %gt3A_85 = arith.cmpi sgt, %while3A_55, %gt3A : i32
      %convert_element_type3A_86 = arith.extui %gt3A_85 : i1 to i32
      %cond3A_87 = arith.constant 0 : i32
      %cond3A_88 = arith.cmpi ne, %convert_element_type3A_86, %cond3A_87 : i32
      scf.if %cond3A_88 {
        %dma_wait3A_465 = arith.constant 0 : i32
        %dma_wait3A_466 = arith.constant 0 : i32
        %dma_wait3A_467 = tpu.memref_slice %arg3[%dma_wait3A_465, %dma_wait3A_466] : memref<4000000x16xf32, #tpu.memory_space<hbm>> -> memref<4000000x16xf32, #tpu.memory_space<hbm>>
        tpu.wait_indirect_dma semaphore(%arg14 : memref<!tpu.dma_semaphore, #tpu.memory_space<semaphore_mem>>) src(%dma_wait3A_467 : memref<4000000x16xf32, #tpu.memory_space<hbm>>) dst(%arg10 : memref<2560x16xf32, #tpu.memory_space<vmem>>)
        %sub3A_468 = arith.constant 1 : i32
        %sub3A_469 = arith.subi %add3A_60, %sub3A_468 : i32
        %mul3A_470 = arith.constant 640 : i32
        %mul3A_471 = arith.muli %sub3A_469, %mul3A_470 : i32
        %add3A_472 = arith.addi %mul3A_2, %mul3A_471 : i32
        %mul3A_473 = arith.constant 4 : i32
        %mul3A_474 = arith.muli %add3A_472, %mul3A_473 : i32
        %dma_start3A_475 = arith.constant 0 : i32
        %dma_start3A_476 = tpu.memref_slice %arg4[%mul3A_474, %dma_start3A_475] : memref<819200x16xf32, #tpu.memory_space<hbm>> -> memref<2560x16xf32, #tpu.memory_space<hbm>>
        %dma_start3A_477 = arith.constant 0 : i32
        %dma_start3A_478 = tpu.memref_slice %arg4[%mul3A_474, %dma_start3A_477] : memref<819200x16xf32, #tpu.memory_space<hbm>> -> memref<2560x16xf32, #tpu.memory_space<hbm>>
        tpu.enqueue_dma source(%arg10 : memref<2560x16xf32, #tpu.memory_space<vmem>>) target(%dma_start3A_478 : memref<2560x16xf32, #tpu.memory_space<hbm>>) target_semaphore(%arg16 : memref<!tpu.dma_semaphore, #tpu.memory_space<semaphore_mem>>)
      } else {
      }
      %gt3A_89 = arith.constant 0 : i32
      %gt3A_90 = arith.cmpi sgt, %while3A_55, %gt3A_89 : i32
      %convert_element_type3A_91 = arith.extui %gt3A_90 : i1 to i32
      %cond3A_92 = arith.constant 0 : i32
      %cond3A_93 = arith.cmpi ne, %convert_element_type3A_91, %cond3A_92 : i32
      scf.if %cond3A_93 {
        %mul3A_465 = arith.constant 640 : i32
        %mul3A_466 = arith.muli %add3A_60, %mul3A_465 : i32
        %add3A_467 = arith.addi %mul3A_2, %mul3A_466 : i32
        %mul3A_468 = arith.constant 4 : i32
        %mul3A_469 = arith.muli %add3A_467, %mul3A_468 : i32
        %dma_wait3A_470 = arith.constant 0 : i32
        %dma_wait3A_471 = tpu.memref_slice %arg4[%mul3A_469, %dma_wait3A_470] : memref<819200x16xf32, #tpu.memory_space<hbm>> -> memref<2560x16xf32, #tpu.memory_space<hbm>>
        %dma_wait3A_472 = arith.constant 0 : i32
        %dma_wait3A_473 = tpu.memref_slice %arg4[%mul3A_469, %dma_wait3A_472] : memref<819200x16xf32, #tpu.memory_space<hbm>> -> memref<2560x16xf32, #tpu.memory_space<hbm>>
        tpu.wait_dma2 semaphore(%arg15 : memref<!tpu.dma_semaphore, #tpu.memory_space<semaphore_mem>>) src(%arg9 : memref<2560x16xf32, #tpu.memory_space<vmem>>) dst(%dma_wait3A_473 : memref<2560x16xf32, #tpu.memory_space<hbm>>)
      } else {
      }
      %dma_start3A_94 = arith.constant 0 : i32
      %dma_start3A_95 = arith.constant 0 : i32
      %dma_start3A_96 = tpu.memref_slice %arg9[%dma_start3A_94, %dma_start3A_95] : memref<2560x16xf32, #tpu.memory_space<vmem>> -> memref<128x16xf32, #tpu.memory_space<vmem>>
      %dma_start3A_97 = arith.constant 0 : i32
      %dma_start3A_98 = tpu.memref_slice %arg7[%dma_start3A_97] : memref<2560xi32, #tpu.memory_space<vmem>> -> memref<128xi32, #tpu.memory_space<vmem>>
      %dma_start3A_99 = arith.constant 0 : i32
      %dma_start3A_100 = arith.constant 0 : i32
      %dma_start3A_101 = tpu.memref_slice %arg3[%dma_start3A_99, %dma_start3A_100] : memref<4000000x16xf32, #tpu.memory_space<hbm>> -> memref<4000000x16xf32, #tpu.memory_space<hbm>>
      tpu.enqueue_indirect_dma source(%dma_start3A_101 : memref<4000000x16xf32, #tpu.memory_space<hbm>>) target(%dma_start3A_96 : memref<128x16xf32, #tpu.memory_space<vmem>>) offsets(%dma_start3A_98 : memref<128xi32, #tpu.memory_space<vmem>>) semaphore(%arg13 : memref<!tpu.dma_semaphore, #tpu.memory_space<semaphore_mem>>)
      %dma_start3A_102 = arith.constant 128 : i32
      %dma_start3A_103 = arith.constant 0 : i32
      %dma_start3A_104 = tpu.memref_slice %arg9[%dma_start3A_102, %dma_start3A_103] : memref<2560x16xf32, #tpu.memory_space<vmem>> -> memref<128x16xf32, #tpu.memory_space<vmem>>
      %dma_start3A_105 = arith.constant 128 : i32
      %dma_start3A_106 = tpu.memref_slice %arg7[%dma_start3A_105] : memref<2560xi32, #tpu.memory_space<vmem>> -> memref<128xi32, #tpu.memory_space<vmem>>
      %dma_start3A_107 = arith.constant 0 : i32
      %dma_start3A_108 = arith.constant 0 : i32
      %dma_start3A_109 = tpu.memref_slice %arg3[%dma_start3A_107, %dma_start3A_108] : memref<4000000x16xf32, #tpu.memory_space<hbm>> -> memref<4000000x16xf32, #tpu.memory_space<hbm>>
      tpu.enqueue_indirect_dma source(%dma_start3A_109 : memref<4000000x16xf32, #tpu.memory_space<hbm>>) target(%dma_start3A_104 : memref<128x16xf32, #tpu.memory_space<vmem>>) offsets(%dma_start3A_106 : memref<128xi32, #tpu.memory_space<vmem>>) semaphore(%arg13 : memref<!tpu.dma_semaphore, #tpu.memory_space<semaphore_mem>>)
      %dma_start3A_110 = arith.constant 256 : i32
      %dma_start3A_111 = arith.constant 0 : i32
      %dma_start3A_112 = tpu.memref_slice %arg9[%dma_start3A_110, %dma_start3A_111] : memref<2560x16xf32, #tpu.memory_space<vmem>> -> memref<128x16xf32, #tpu.memory_space<vmem>>
      %dma_start3A_113 = arith.constant 256 : i32
      %dma_start3A_114 = tpu.memref_slice %arg7[%dma_start3A_113] : memref<2560xi32, #tpu.memory_space<vmem>> -> memref<128xi32, #tpu.memory_space<vmem>>
      %dma_start3A_115 = arith.constant 0 : i32
      %dma_start3A_116 = arith.constant 0 : i32
      %dma_start3A_117 = tpu.memref_slice %arg3[%dma_start3A_115, %dma_start3A_116] : memref<4000000x16xf32, #tpu.memory_space<hbm>> -> memref<4000000x16xf32, #tpu.memory_space<hbm>>
      tpu.enqueue_indirect_dma source(%dma_start3A_117 : memref<4000000x16xf32, #tpu.memory_space<hbm>>) target(%dma_start3A_112 : memref<128x16xf32, #tpu.memory_space<vmem>>) offsets(%dma_start3A_114 : memref<128xi32, #tpu.memory_space<vmem>>) semaphore(%arg13 : memref<!tpu.dma_semaphore, #tpu.memory_space<semaphore_mem>>)
      %dma_start3A_118 = arith.constant 384 : i32
      %dma_start3A_119 = arith.constant 0 : i32
      %dma_start3A_120 = tpu.memref_slice %arg9[%dma_start3A_118, %dma_start3A_119] : memref<2560x16xf32, #tpu.memory_space<vmem>> -> memref<128x16xf32, #tpu.memory_space<vmem>>
      %dma_start3A_121 = arith.constant 384 : i32
      %dma_start3A_122 = tpu.memref_slice %arg7[%dma_start3A_121] : memref<2560xi32, #tpu.memory_space<vmem>> -> memref<128xi32, #tpu.memory_space<vmem>>
      %dma_start3A_123 = arith.constant 0 : i32
      %dma_start3A_124 = arith.constant 0 : i32
      %dma_start3A_125 = tpu.memref_slice %arg3[%dma_start3A_123, %dma_start3A_124] : memref<4000000x16xf32, #tpu.memory_space<hbm>> -> memref<4000000x16xf32, #tpu.memory_space<hbm>>
      tpu.enqueue_indirect_dma source(%dma_start3A_125 : memref<4000000x16xf32, #tpu.memory_space<hbm>>) target(%dma_start3A_120 : memref<128x16xf32, #tpu.memory_space<vmem>>) offsets(%dma_start3A_122 : memref<128xi32, #tpu.memory_space<vmem>>) semaphore(%arg13 : memref<!tpu.dma_semaphore, #tpu.memory_space<semaphore_mem>>)
      %dma_start3A_126 = arith.constant 512 : i32
      %dma_start3A_127 = arith.constant 0 : i32
      %dma_start3A_128 = tpu.memref_slice %arg9[%dma_start3A_126, %dma_start3A_127] : memref<2560x16xf32, #tpu.memory_space<vmem>> -> memref<128x16xf32, #tpu.memory_space<vmem>>
      %dma_start3A_129 = arith.constant 512 : i32
      %dma_start3A_130 = tpu.memref_slice %arg7[%dma_start3A_129] : memref<2560xi32, #tpu.memory_space<vmem>> -> memref<128xi32, #tpu.memory_space<vmem>>
      %dma_start3A_131 = arith.constant 0 : i32
      %dma_start3A_132 = arith.constant 0 : i32
      %dma_start3A_133 = tpu.memref_slice %arg3[%dma_start3A_131, %dma_start3A_132] : memref<4000000x16xf32, #tpu.memory_space<hbm>> -> memref<4000000x16xf32, #tpu.memory_space<hbm>>
      tpu.enqueue_indirect_dma source(%dma_start3A_133 : memref<4000000x16xf32, #tpu.memory_space<hbm>>) target(%dma_start3A_128 : memref<128x16xf32, #tpu.memory_space<vmem>>) offsets(%dma_start3A_130 : memref<128xi32, #tpu.memory_space<vmem>>) semaphore(%arg13 : memref<!tpu.dma_semaphore, #tpu.memory_space<semaphore_mem>>)
      %dma_start3A_134 = arith.constant 640 : i32
      %dma_start3A_135 = arith.constant 0 : i32
      %dma_start3A_136 = tpu.memref_slice %arg9[%dma_start3A_134, %dma_start3A_135] : memref<2560x16xf32, #tpu.memory_space<vmem>> -> memref<128x16xf32, #tpu.memory_space<vmem>>
      %dma_start3A_137 = arith.constant 640 : i32
      %dma_start3A_138 = tpu.memref_slice %arg7[%dma_start3A_137] : memref<2560xi32, #tpu.memory_space<vmem>> -> memref<128xi32, #tpu.memory_space<vmem>>
      %dma_start3A_139 = arith.constant 0 : i32
      %dma_start3A_140 = arith.constant 0 : i32
      %dma_start3A_141 = tpu.memref_slice %arg3[%dma_start3A_139, %dma_start3A_140] : memref<4000000x16xf32, #tpu.memory_space<hbm>> -> memref<4000000x16xf32, #tpu.memory_space<hbm>>
      tpu.enqueue_indirect_dma source(%dma_start3A_141 : memref<4000000x16xf32, #tpu.memory_space<hbm>>) target(%dma_start3A_136 : memref<128x16xf32, #tpu.memory_space<vmem>>) offsets(%dma_start3A_138 : memref<128xi32, #tpu.memory_space<vmem>>) semaphore(%arg13 : memref<!tpu.dma_semaphore, #tpu.memory_space<semaphore_mem>>)
      %dma_start3A_142 = arith.constant 768 : i32
      %dma_start3A_143 = arith.constant 0 : i32
      %dma_start3A_144 = tpu.memref_slice %arg9[%dma_start3A_142, %dma_start3A_143] : memref<2560x16xf32, #tpu.memory_space<vmem>> -> memref<128x16xf32, #tpu.memory_space<vmem>>
      %dma_start3A_145 = arith.constant 768 : i32
      %dma_start3A_146 = tpu.memref_slice %arg7[%dma_start3A_145] : memref<2560xi32, #tpu.memory_space<vmem>> -> memref<128xi32, #tpu.memory_space<vmem>>
      %dma_start3A_147 = arith.constant 0 : i32
      %dma_start3A_148 = arith.constant 0 : i32
      %dma_start3A_149 = tpu.memref_slice %arg3[%dma_start3A_147, %dma_start3A_148] : memref<4000000x16xf32, #tpu.memory_space<hbm>> -> memref<4000000x16xf32, #tpu.memory_space<hbm>>
      tpu.enqueue_indirect_dma source(%dma_start3A_149 : memref<4000000x16xf32, #tpu.memory_space<hbm>>) target(%dma_start3A_144 : memref<128x16xf32, #tpu.memory_space<vmem>>) offsets(%dma_start3A_146 : memref<128xi32, #tpu.memory_space<vmem>>) semaphore(%arg13 : memref<!tpu.dma_semaphore, #tpu.memory_space<semaphore_mem>>)
      %dma_start3A_150 = arith.constant 896 : i32
      %dma_start3A_151 = arith.constant 0 : i32
      %dma_start3A_152 = tpu.memref_slice %arg9[%dma_start3A_150, %dma_start3A_151] : memref<2560x16xf32, #tpu.memory_space<vmem>> -> memref<128x16xf32, #tpu.memory_space<vmem>>
      %dma_start3A_153 = arith.constant 896 : i32
      %dma_start3A_154 = tpu.memref_slice %arg7[%dma_start3A_153] : memref<2560xi32, #tpu.memory_space<vmem>> -> memref<128xi32, #tpu.memory_space<vmem>>
      %dma_start3A_155 = arith.constant 0 : i32
      %dma_start3A_156 = arith.constant 0 : i32
      %dma_start3A_157 = tpu.memref_slice %arg3[%dma_start3A_155, %dma_start3A_156] : memref<4000000x16xf32, #tpu.memory_space<hbm>> -> memref<4000000x16xf32, #tpu.memory_space<hbm>>
      tpu.enqueue_indirect_dma source(%dma_start3A_157 : memref<4000000x16xf32, #tpu.memory_space<hbm>>) target(%dma_start3A_152 : memref<128x16xf32, #tpu.memory_space<vmem>>) offsets(%dma_start3A_154 : memref<128xi32, #tpu.memory_space<vmem>>) semaphore(%arg13 : memref<!tpu.dma_semaphore, #tpu.memory_space<semaphore_mem>>)
      %dma_start3A_158 = arith.constant 1024 : i32
      %dma_start3A_159 = arith.constant 0 : i32
      %dma_start3A_160 = tpu.memref_slice %arg9[%dma_start3A_158, %dma_start3A_159] : memref<2560x16xf32, #tpu.memory_space<vmem>> -> memref<128x16xf32, #tpu.memory_space<vmem>>
      %dma_start3A_161 = arith.constant 1024 : i32
      %dma_start3A_162 = tpu.memref_slice %arg7[%dma_start3A_161] : memref<2560xi32, #tpu.memory_space<vmem>> -> memref<128xi32, #tpu.memory_space<vmem>>
      %dma_start3A_163 = arith.constant 0 : i32
      %dma_start3A_164 = arith.constant 0 : i32
      %dma_start3A_165 = tpu.memref_slice %arg3[%dma_start3A_163, %dma_start3A_164] : memref<4000000x16xf32, #tpu.memory_space<hbm>> -> memref<4000000x16xf32, #tpu.memory_space<hbm>>
      tpu.enqueue_indirect_dma source(%dma_start3A_165 : memref<4000000x16xf32, #tpu.memory_space<hbm>>) target(%dma_start3A_160 : memref<128x16xf32, #tpu.memory_space<vmem>>) offsets(%dma_start3A_162 : memref<128xi32, #tpu.memory_space<vmem>>) semaphore(%arg13 : memref<!tpu.dma_semaphore, #tpu.memory_space<semaphore_mem>>)
      %dma_start3A_166 = arith.constant 1152 : i32
      %dma_start3A_167 = arith.constant 0 : i32
      %dma_start3A_168 = tpu.memref_slice %arg9[%dma_start3A_166, %dma_start3A_167] : memref<2560x16xf32, #tpu.memory_space<vmem>> -> memref<128x16xf32, #tpu.memory_space<vmem>>
      %dma_start3A_169 = arith.constant 1152 : i32
      %dma_start3A_170 = tpu.memref_slice %arg7[%dma_start3A_169] : memref<2560xi32, #tpu.memory_space<vmem>> -> memref<128xi32, #tpu.memory_space<vmem>>
      %dma_start3A_171 = arith.constant 0 : i32
      %dma_start3A_172 = arith.constant 0 : i32
      %dma_start3A_173 = tpu.memref_slice %arg3[%dma_start3A_171, %dma_start3A_172] : memref<4000000x16xf32, #tpu.memory_space<hbm>> -> memref<4000000x16xf32, #tpu.memory_space<hbm>>
      tpu.enqueue_indirect_dma source(%dma_start3A_173 : memref<4000000x16xf32, #tpu.memory_space<hbm>>) target(%dma_start3A_168 : memref<128x16xf32, #tpu.memory_space<vmem>>) offsets(%dma_start3A_170 : memref<128xi32, #tpu.memory_space<vmem>>) semaphore(%arg13 : memref<!tpu.dma_semaphore, #tpu.memory_space<semaphore_mem>>)
      %dma_start3A_174 = arith.constant 1280 : i32
      %dma_start3A_175 = arith.constant 0 : i32
      %dma_start3A_176 = tpu.memref_slice %arg9[%dma_start3A_174, %dma_start3A_175] : memref<2560x16xf32, #tpu.memory_space<vmem>> -> memref<128x16xf32, #tpu.memory_space<vmem>>
      %dma_start3A_177 = arith.constant 1280 : i32
      %dma_start3A_178 = tpu.memref_slice %arg7[%dma_start3A_177] : memref<2560xi32, #tpu.memory_space<vmem>> -> memref<128xi32, #tpu.memory_space<vmem>>
      %dma_start3A_179 = arith.constant 0 : i32
      %dma_start3A_180 = arith.constant 0 : i32
      %dma_start3A_181 = tpu.memref_slice %arg3[%dma_start3A_179, %dma_start3A_180] : memref<4000000x16xf32, #tpu.memory_space<hbm>> -> memref<4000000x16xf32, #tpu.memory_space<hbm>>
      tpu.enqueue_indirect_dma source(%dma_start3A_181 : memref<4000000x16xf32, #tpu.memory_space<hbm>>) target(%dma_start3A_176 : memref<128x16xf32, #tpu.memory_space<vmem>>) offsets(%dma_start3A_178 : memref<128xi32, #tpu.memory_space<vmem>>) semaphore(%arg13 : memref<!tpu.dma_semaphore, #tpu.memory_space<semaphore_mem>>)
      %dma_start3A_182 = arith.constant 1408 : i32
      %dma_start3A_183 = arith.constant 0 : i32
      %dma_start3A_184 = tpu.memref_slice %arg9[%dma_start3A_182, %dma_start3A_183] : memref<2560x16xf32, #tpu.memory_space<vmem>> -> memref<128x16xf32, #tpu.memory_space<vmem>>
      %dma_start3A_185 = arith.constant 1408 : i32
      %dma_start3A_186 = tpu.memref_slice %arg7[%dma_start3A_185] : memref<2560xi32, #tpu.memory_space<vmem>> -> memref<128xi32, #tpu.memory_space<vmem>>
      %dma_start3A_187 = arith.constant 0 : i32
      %dma_start3A_188 = arith.constant 0 : i32
      %dma_start3A_189 = tpu.memref_slice %arg3[%dma_start3A_187, %dma_start3A_188] : memref<4000000x16xf32, #tpu.memory_space<hbm>> -> memref<4000000x16xf32, #tpu.memory_space<hbm>>
      tpu.enqueue_indirect_dma source(%dma_start3A_189 : memref<4000000x16xf32, #tpu.memory_space<hbm>>) target(%dma_start3A_184 : memref<128x16xf32, #tpu.memory_space<vmem>>) offsets(%dma_start3A_186 : memref<128xi32, #tpu.memory_space<vmem>>) semaphore(%arg13 : memref<!tpu.dma_semaphore, #tpu.memory_space<semaphore_mem>>)
      %dma_start3A_190 = arith.constant 1536 : i32
      %dma_start3A_191 = arith.constant 0 : i32
      %dma_start3A_192 = tpu.memref_slice %arg9[%dma_start3A_190, %dma_start3A_191] : memref<2560x16xf32, #tpu.memory_space<vmem>> -> memref<128x16xf32, #tpu.memory_space<vmem>>
      %dma_start3A_193 = arith.constant 1536 : i32
      %dma_start3A_194 = tpu.memref_slice %arg7[%dma_start3A_193] : memref<2560xi32, #tpu.memory_space<vmem>> -> memref<128xi32, #tpu.memory_space<vmem>>
      %dma_start3A_195 = arith.constant 0 : i32
      %dma_start3A_196 = arith.constant 0 : i32
      %dma_start3A_197 = tpu.memref_slice %arg3[%dma_start3A_195, %dma_start3A_196] : memref<4000000x16xf32, #tpu.memory_space<hbm>> -> memref<4000000x16xf32, #tpu.memory_space<hbm>>
      tpu.enqueue_indirect_dma source(%dma_start3A_197 : memref<4000000x16xf32, #tpu.memory_space<hbm>>) target(%dma_start3A_192 : memref<128x16xf32, #tpu.memory_space<vmem>>) offsets(%dma_start3A_194 : memref<128xi32, #tpu.memory_space<vmem>>) semaphore(%arg13 : memref<!tpu.dma_semaphore, #tpu.memory_space<semaphore_mem>>)
      %dma_start3A_198 = arith.constant 1664 : i32
      %dma_start3A_199 = arith.constant 0 : i32
      %dma_start3A_200 = tpu.memref_slice %arg9[%dma_start3A_198, %dma_start3A_199] : memref<2560x16xf32, #tpu.memory_space<vmem>> -> memref<128x16xf32, #tpu.memory_space<vmem>>
      %dma_start3A_201 = arith.constant 1664 : i32
      %dma_start3A_202 = tpu.memref_slice %arg7[%dma_start3A_201] : memref<2560xi32, #tpu.memory_space<vmem>> -> memref<128xi32, #tpu.memory_space<vmem>>
      %dma_start3A_203 = arith.constant 0 : i32
      %dma_start3A_204 = arith.constant 0 : i32
      %dma_start3A_205 = tpu.memref_slice %arg3[%dma_start3A_203, %dma_start3A_204] : memref<4000000x16xf32, #tpu.memory_space<hbm>> -> memref<4000000x16xf32, #tpu.memory_space<hbm>>
      tpu.enqueue_indirect_dma source(%dma_start3A_205 : memref<4000000x16xf32, #tpu.memory_space<hbm>>) target(%dma_start3A_200 : memref<128x16xf32, #tpu.memory_space<vmem>>) offsets(%dma_start3A_202 : memref<128xi32, #tpu.memory_space<vmem>>) semaphore(%arg13 : memref<!tpu.dma_semaphore, #tpu.memory_space<semaphore_mem>>)
      %dma_start3A_206 = arith.constant 1792 : i32
      %dma_start3A_207 = arith.constant 0 : i32
      %dma_start3A_208 = tpu.memref_slice %arg9[%dma_start3A_206, %dma_start3A_207] : memref<2560x16xf32, #tpu.memory_space<vmem>> -> memref<128x16xf32, #tpu.memory_space<vmem>>
      %dma_start3A_209 = arith.constant 1792 : i32
      %dma_start3A_210 = tpu.memref_slice %arg7[%dma_start3A_209] : memref<2560xi32, #tpu.memory_space<vmem>> -> memref<128xi32, #tpu.memory_space<vmem>>
      %dma_start3A_211 = arith.constant 0 : i32
      %dma_start3A_212 = arith.constant 0 : i32
      %dma_start3A_213 = tpu.memref_slice %arg3[%dma_start3A_211, %dma_start3A_212] : memref<4000000x16xf32, #tpu.memory_space<hbm>> -> memref<4000000x16xf32, #tpu.memory_space<hbm>>
      tpu.enqueue_indirect_dma source(%dma_start3A_213 : memref<4000000x16xf32, #tpu.memory_space<hbm>>) target(%dma_start3A_208 : memref<128x16xf32, #tpu.memory_space<vmem>>) offsets(%dma_start3A_210 : memref<128xi32, #tpu.memory_space<vmem>>) semaphore(%arg13 : memref<!tpu.dma_semaphore, #tpu.memory_space<semaphore_mem>>)
      %dma_start3A_214 = arith.constant 1920 : i32
      %dma_start3A_215 = arith.constant 0 : i32
      %dma_start3A_216 = tpu.memref_slice %arg9[%dma_start3A_214, %dma_start3A_215] : memref<2560x16xf32, #tpu.memory_space<vmem>> -> memref<128x16xf32, #tpu.memory_space<vmem>>
      %dma_start3A_217 = arith.constant 1920 : i32
      %dma_start3A_218 = tpu.memref_slice %arg7[%dma_start3A_217] : memref<2560xi32, #tpu.memory_space<vmem>> -> memref<128xi32, #tpu.memory_space<vmem>>
      %dma_start3A_219 = arith.constant 0 : i32
      %dma_start3A_220 = arith.constant 0 : i32
      %dma_start3A_221 = tpu.memref_slice %arg3[%dma_start3A_219, %dma_start3A_220] : memref<4000000x16xf32, #tpu.memory_space<hbm>> -> memref<4000000x16xf32, #tpu.memory_space<hbm>>
      tpu.enqueue_indirect_dma source(%dma_start3A_221 : memref<4000000x16xf32, #tpu.memory_space<hbm>>) target(%dma_start3A_216 : memref<128x16xf32, #tpu.memory_space<vmem>>) offsets(%dma_start3A_218 : memref<128xi32, #tpu.memory_space<vmem>>) semaphore(%arg13 : memref<!tpu.dma_semaphore, #tpu.memory_space<semaphore_mem>>)
      %dma_start3A_222 = arith.constant 2048 : i32
      %dma_start3A_223 = arith.constant 0 : i32
      %dma_start3A_224 = tpu.memref_slice %arg9[%dma_start3A_222, %dma_start3A_223] : memref<2560x16xf32, #tpu.memory_space<vmem>> -> memref<128x16xf32, #tpu.memory_space<vmem>>
      %dma_start3A_225 = arith.constant 2048 : i32
      %dma_start3A_226 = tpu.memref_slice %arg7[%dma_start3A_225] : memref<2560xi32, #tpu.memory_space<vmem>> -> memref<128xi32, #tpu.memory_space<vmem>>
      %dma_start3A_227 = arith.constant 0 : i32
      %dma_start3A_228 = arith.constant 0 : i32
      %dma_start3A_229 = tpu.memref_slice %arg3[%dma_start3A_227, %dma_start3A_228] : memref<4000000x16xf32, #tpu.memory_space<hbm>> -> memref<4000000x16xf32, #tpu.memory_space<hbm>>
      tpu.enqueue_indirect_dma source(%dma_start3A_229 : memref<4000000x16xf32, #tpu.memory_space<hbm>>) target(%dma_start3A_224 : memref<128x16xf32, #tpu.memory_space<vmem>>) offsets(%dma_start3A_226 : memref<128xi32, #tpu.memory_space<vmem>>) semaphore(%arg13 : memref<!tpu.dma_semaphore, #tpu.memory_space<semaphore_mem>>)
      %dma_start3A_230 = arith.constant 2176 : i32
      %dma_start3A_231 = arith.constant 0 : i32
      %dma_start3A_232 = tpu.memref_slice %arg9[%dma_start3A_230, %dma_start3A_231] : memref<2560x16xf32, #tpu.memory_space<vmem>> -> memref<128x16xf32, #tpu.memory_space<vmem>>
      %dma_start3A_233 = arith.constant 2176 : i32
      %dma_start3A_234 = tpu.memref_slice %arg7[%dma_start3A_233] : memref<2560xi32, #tpu.memory_space<vmem>> -> memref<128xi32, #tpu.memory_space<vmem>>
      %dma_start3A_235 = arith.constant 0 : i32
      %dma_start3A_236 = arith.constant 0 : i32
      %dma_start3A_237 = tpu.memref_slice %arg3[%dma_start3A_235, %dma_start3A_236] : memref<4000000x16xf32, #tpu.memory_space<hbm>> -> memref<4000000x16xf32, #tpu.memory_space<hbm>>
      tpu.enqueue_indirect_dma source(%dma_start3A_237 : memref<4000000x16xf32, #tpu.memory_space<hbm>>) target(%dma_start3A_232 : memref<128x16xf32, #tpu.memory_space<vmem>>) offsets(%dma_start3A_234 : memref<128xi32, #tpu.memory_space<vmem>>) semaphore(%arg13 : memref<!tpu.dma_semaphore, #tpu.memory_space<semaphore_mem>>)
      %dma_start3A_238 = arith.constant 2304 : i32
      %dma_start3A_239 = arith.constant 0 : i32
      %dma_start3A_240 = tpu.memref_slice %arg9[%dma_start3A_238, %dma_start3A_239] : memref<2560x16xf32, #tpu.memory_space<vmem>> -> memref<128x16xf32, #tpu.memory_space<vmem>>
      %dma_start3A_241 = arith.constant 2304 : i32
      %dma_start3A_242 = tpu.memref_slice %arg7[%dma_start3A_241] : memref<2560xi32, #tpu.memory_space<vmem>> -> memref<128xi32, #tpu.memory_space<vmem>>
      %dma_start3A_243 = arith.constant 0 : i32
      %dma_start3A_244 = arith.constant 0 : i32
      %dma_start3A_245 = tpu.memref_slice %arg3[%dma_start3A_243, %dma_start3A_244] : memref<4000000x16xf32, #tpu.memory_space<hbm>> -> memref<4000000x16xf32, #tpu.memory_space<hbm>>
      tpu.enqueue_indirect_dma source(%dma_start3A_245 : memref<4000000x16xf32, #tpu.memory_space<hbm>>) target(%dma_start3A_240 : memref<128x16xf32, #tpu.memory_space<vmem>>) offsets(%dma_start3A_242 : memref<128xi32, #tpu.memory_space<vmem>>) semaphore(%arg13 : memref<!tpu.dma_semaphore, #tpu.memory_space<semaphore_mem>>)
      %dma_start3A_246 = arith.constant 2432 : i32
      %dma_start3A_247 = arith.constant 0 : i32
      %dma_start3A_248 = tpu.memref_slice %arg9[%dma_start3A_246, %dma_start3A_247] : memref<2560x16xf32, #tpu.memory_space<vmem>> -> memref<128x16xf32, #tpu.memory_space<vmem>>
      %dma_start3A_249 = arith.constant 2432 : i32
      %dma_start3A_250 = tpu.memref_slice %arg7[%dma_start3A_249] : memref<2560xi32, #tpu.memory_space<vmem>> -> memref<128xi32, #tpu.memory_space<vmem>>
      %dma_start3A_251 = arith.constant 0 : i32
      %dma_start3A_252 = arith.constant 0 : i32
      %dma_start3A_253 = tpu.memref_slice %arg3[%dma_start3A_251, %dma_start3A_252] : memref<4000000x16xf32, #tpu.memory_space<hbm>> -> memref<4000000x16xf32, #tpu.memory_space<hbm>>
      tpu.enqueue_indirect_dma source(%dma_start3A_253 : memref<4000000x16xf32, #tpu.memory_space<hbm>>) target(%dma_start3A_248 : memref<128x16xf32, #tpu.memory_space<vmem>>) offsets(%dma_start3A_250 : memref<128xi32, #tpu.memory_space<vmem>>) semaphore(%arg13 : memref<!tpu.dma_semaphore, #tpu.memory_space<semaphore_mem>>)
      %mul3A_254 = arith.constant 2 : i32
      %mul3A_255 = arith.muli %while3A_55, %mul3A_254 : i32
      %add3A_256 = arith.constant 1 : i32
      %add3A_257 = arith.addi %mul3A_255, %add3A_256 : i32
      %mul3A_258 = arith.constant 640 : i32
      %mul3A_259 = arith.muli %add3A_257, %mul3A_258 : i32
      %add3A_260 = arith.addi %mul3A_2, %mul3A_259 : i32
      %dma_wait3A_261 = arith.constant 0 : i32
      %dma_wait3A_262 = tpu.memref_slice %arg2[%dma_wait3A_261, %add3A_260] : memref<4x204800xi32, #tpu.memory_space<hbm>> -> memref<4x640xi32, #tpu.memory_space<hbm>>
      %dma_wait3A_263 = arith.constant 0 : i32
      %dma_wait3A_264 = tpu.memref_slice %arg2[%dma_wait3A_263, %add3A_260] : memref<4x204800xi32, #tpu.memory_space<hbm>> -> memref<4x640xi32, #tpu.memory_space<hbm>>
      tpu.wait_dma2 semaphore(%arg12 : memref<!tpu.dma_semaphore, #tpu.memory_space<semaphore_mem>>) src(%dma_wait3A_264 : memref<4x640xi32, #tpu.memory_space<hbm>>) dst(%arg6 : memref<4x640xi32, #tpu.memory_space<vmem>>)
      %add3A_265 = arith.constant 1 : i32
      %add3A_266 = arith.addi %add3A_257, %add3A_265 : i32
      %lt3A_267 = arith.constant 10 : i32
      %lt3A_268 = arith.cmpi slt, %add3A_266, %lt3A_267 : i32
      %convert_element_type3A_269 = arith.extui %lt3A_268 : i1 to i32
      %cond3A_270 = arith.constant 0 : i32
      %cond3A_271 = arith.cmpi ne, %convert_element_type3A_269, %cond3A_270 : i32
      scf.if %cond3A_271 {
        %add3A_465 = arith.constant 1 : i32
        %add3A_466 = arith.addi %add3A_257, %add3A_465 : i32
        %mul3A_467 = arith.constant 640 : i32
        %mul3A_468 = arith.muli %add3A_466, %mul3A_467 : i32
        %add3A_469 = arith.addi %mul3A_2, %mul3A_468 : i32
        %dma_start3A_470 = arith.constant 0 : i32
        %dma_start3A_471 = tpu.memref_slice %arg2[%dma_start3A_470, %add3A_469] : memref<4x204800xi32, #tpu.memory_space<hbm>> -> memref<4x640xi32, #tpu.memory_space<hbm>>
        %dma_start3A_472 = arith.constant 0 : i32
        %dma_start3A_473 = tpu.memref_slice %arg2[%dma_start3A_472, %add3A_469] : memref<4x204800xi32, #tpu.memory_space<hbm>> -> memref<4x640xi32, #tpu.memory_space<hbm>>
        tpu.enqueue_dma source(%dma_start3A_473 : memref<4x640xi32, #tpu.memory_space<hbm>>) target(%arg5 : memref<4x640xi32, #tpu.memory_space<vmem>>) target_semaphore(%arg11 : memref<!tpu.dma_semaphore, #tpu.memory_space<semaphore_mem>>)
      } else {
      }
      %while3A_272 = arith.constant 0 : i32
      %while3A_273 = arith.constant 40 : i32
      %while3A_274 = arith.constant 0 : i32
      %while3A_275 = arith.subi %while3A_273, %while3A_272 : i32
      %while3A_276 = arith.addi %while3A_272, %while3A_275 : i32
      %while3A_277 = arith.constant 1 : i32
      %while3A_278 = arith.divsi %while3A_275, %while3A_277 : i32
      %while3A_279 = arith.muli %while3A_278, %while3A_277 : i32
      %while3A_280 = arith.addi %while3A_272, %while3A_279 : i32
      %while3A_281 = arith.constant 1 : i32
      %while3A_282 = scf.for %while3A_465 = %while3A_272 to %while3A_280 step %while3A_281 iter_args(%while3A_466 = %while3A_274) -> (i32)  : i32 {
        %mul3A_467 = arith.constant 16 : i32
        %mul3A_468 = arith.muli %while3A_465, %mul3A_467 : i32
        %get3A = arith.constant 0 : i64
        %get3A_469 = arith.index_cast %get3A : i64 to index
        %get3A_470 = arith.index_cast %mul3A_468 : i32 to index
        %get3A_471 = tpu.vector_load %arg6[%get3A_469, %get3A_470] {strides = array<i32>} : memref<4x640xi32, #tpu.memory_space<vmem>>, vector<16xi32>,
        %get3A_472 = arith.constant 1 : i64
        %get3A_473 = arith.index_cast %get3A_472 : i64 to index
        %get3A_474 = arith.index_cast %mul3A_468 : i32 to index
        %get3A_475 = tpu.vector_load %arg6[%get3A_473, %get3A_474] {strides = array<i32>} : memref<4x640xi32, #tpu.memory_space<vmem>>, vector<16xi32>,
        %get3A_476 = arith.constant 2 : i64
        %get3A_477 = arith.index_cast %get3A_476 : i64 to index
        %get3A_478 = arith.index_cast %mul3A_468 : i32 to index
        %get3A_479 = tpu.vector_load %arg6[%get3A_477, %get3A_478] {strides = array<i32>} : memref<4x640xi32, #tpu.memory_space<vmem>>, vector<16xi32>,
        %get3A_480 = arith.constant 3 : i64
        %get3A_481 = arith.index_cast %get3A_480 : i64 to index
        %get3A_482 = arith.index_cast %mul3A_468 : i32 to index
        %get3A_483 = tpu.vector_load %arg6[%get3A_481, %get3A_482] {strides = array<i32>} : memref<4x640xi32, #tpu.memory_space<vmem>>, vector<16xi32>,
        %xor3A = arith.xori %get3A_471, %get3A_475 : vector<16xi32>
        %xor3A_484 = arith.xori %xor3A, %get3A_479 : vector<16xi32>
        %xor3A_485 = arith.xori %xor3A_484, %get3A_483 : vector<16xi32>
        %rem3A = arith.constant 1000000 : i32
        %rem3A_486 = vector.broadcast %rem3A : i32 to vector<16xi32>
        %rem3A_487 = arith.remsi %xor3A_485, %rem3A_486 : vector<16xi32>
        %xor3A_488 = arith.xori %get3A_471, %get3A_479 : vector<16xi32>
        %rem3A_489 = arith.constant 1000000 : i32
        %rem3A_490 = vector.broadcast %rem3A_489 : i32 to vector<16xi32>
        %rem3A_491 = arith.remsi %xor3A_488, %rem3A_490 : vector<16xi32>
        %xor3A_492 = arith.xori %get3A_475, %get3A_483 : vector<16xi32>
        %rem3A_493 = arith.constant 1000000 : i32
        %rem3A_494 = vector.broadcast %rem3A_493 : i32 to vector<16xi32>
        %rem3A_495 = arith.remsi %xor3A_492, %rem3A_494 : vector<16xi32>
        %xor3A_496 = arith.xori %get3A_471, %get3A_475 : vector<16xi32>
        %xor3A_497 = arith.xori %get3A_479, %get3A_483 : vector<16xi32>
        %mul3A_498 = arith.constant -1028477379 : i32
        %mul3A_499 = vector.broadcast %mul3A_498 : i32 to vector<16xi32>
        %mul3A_500 = arith.muli %xor3A_497, %mul3A_499 : vector<16xi32>
        %shift_right_logical3A = arith.constant 16 : i32
        %shift_right_logical3A_501 = vector.broadcast %shift_right_logical3A : i32 to vector<16xi32>
        %shift_right_logical3A_502 = arith.shrui %xor3A_497, %shift_right_logical3A_501 : vector<16xi32>
        %and3A = arith.constant 65535 : i32
        %and3A_503 = vector.broadcast %and3A : i32 to vector<16xi32>
        %and3A_504 = arith.andi %xor3A_497, %and3A_503 : vector<16xi32>
        %mul3A_505 = arith.constant 44605 : i32
        %mul3A_506 = vector.broadcast %mul3A_505 : i32 to vector<16xi32>
        %mul3A_507 = arith.muli %and3A_504, %mul3A_506 : vector<16xi32>
        %mul3A_508 = arith.constant 44605 : i32
        %mul3A_509 = vector.broadcast %mul3A_508 : i32 to vector<16xi32>
        %mul3A_510 = arith.muli %shift_right_logical3A_502, %mul3A_509 : vector<16xi32>
        %shift_right_logical3A_511 = arith.constant 16 : i32
        %shift_right_logical3A_512 = vector.broadcast %shift_right_logical3A_511 : i32 to vector<16xi32>
        %shift_right_logical3A_513 = arith.shrui %mul3A_507, %shift_right_logical3A_512 : vector<16xi32>
        %add3A_514 = arith.addi %mul3A_510, %shift_right_logical3A_513 : vector<16xi32>
        %mul3A_515 = arith.constant 49842 : i32
        %mul3A_516 = vector.broadcast %mul3A_515 : i32 to vector<16xi32>
        %mul3A_517 = arith.muli %and3A_504, %mul3A_516 : vector<16xi32>
        %and3A_518 = arith.constant 65535 : i32
        %and3A_519 = vector.broadcast %and3A_518 : i32 to vector<16xi32>
        %and3A_520 = arith.andi %add3A_514, %and3A_519 : vector<16xi32>
        %add3A_521 = arith.addi %mul3A_517, %and3A_520 : vector<16xi32>
        %mul3A_522 = arith.constant 49842 : i32
        %mul3A_523 = vector.broadcast %mul3A_522 : i32 to vector<16xi32>
        %mul3A_524 = arith.muli %shift_right_logical3A_502, %mul3A_523 : vector<16xi32>
        %shift_right_logical3A_525 = arith.constant 16 : i32
        %shift_right_logical3A_526 = vector.broadcast %shift_right_logical3A_525 : i32 to vector<16xi32>
        %shift_right_logical3A_527 = arith.shrui %add3A_514, %shift_right_logical3A_526 : vector<16xi32>
        %add3A_528 = arith.addi %mul3A_524, %shift_right_logical3A_527 : vector<16xi32>
        %shift_right_logical3A_529 = arith.constant 16 : i32
        %shift_right_logical3A_530 = vector.broadcast %shift_right_logical3A_529 : i32 to vector<16xi32>
        %shift_right_logical3A_531 = arith.shrui %add3A_521, %shift_right_logical3A_530 : vector<16xi32>
        %add3A_532 = arith.addi %add3A_528, %shift_right_logical3A_531 : vector<16xi32>
        %xor3A_533 = arith.xori %mul3A_500, %xor3A_496 : vector<16xi32>
        %shift_right_logical3A_534 = arith.constant 16 : i32
        %shift_right_logical3A_535 = vector.broadcast %shift_right_logical3A_534 : i32 to vector<16xi32>
        %shift_right_logical3A_536 = arith.shrui %xor3A_533, %shift_right_logical3A_535 : vector<16xi32>
        %and3A_537 = arith.constant 65535 : i32
        %and3A_538 = vector.broadcast %and3A_537 : i32 to vector<16xi32>
        %and3A_539 = arith.andi %xor3A_533, %and3A_538 : vector<16xi32>
        %mul3A_540 = arith.constant 3036 : i32
        %mul3A_541 = vector.broadcast %mul3A_540 : i32 to vector<16xi32>
        %mul3A_542 = arith.muli %shift_right_logical3A_536, %mul3A_541 : vector<16xi32>
        %add3A_543 = arith.addi %mul3A_542, %and3A_539 : vector<16xi32>
        %rem3A_544 = arith.constant 15625 : i32
        %rem3A_545 = vector.broadcast %rem3A_544 : i32 to vector<16xi32>
        %rem3A_546 = arith.remui %add3A_543, %rem3A_545 : vector<16xi32>
        %rem3A_547 = arith.constant 15625 : i32
        %rem3A_548 = vector.broadcast %rem3A_547 : i32 to vector<16xi32>
        %rem3A_549 = arith.remui %add3A_532, %rem3A_548 : vector<16xi32>
        %mul3A_550 = arith.constant 14171 : i32
        %mul3A_551 = vector.broadcast %mul3A_550 : i32 to vector<16xi32>
        %mul3A_552 = arith.muli %rem3A_549, %mul3A_551 : vector<16xi32>
        %rem3A_553 = arith.constant 15625 : i32
        %rem3A_554 = vector.broadcast %rem3A_553 : i32 to vector<16xi32>
        %rem3A_555 = arith.remui %mul3A_552, %rem3A_554 : vector<16xi32>
        %add3A_556 = arith.addi %rem3A_555, %rem3A_546 : vector<16xi32>
        %rem3A_557 = arith.constant 15625 : i32
        %rem3A_558 = vector.broadcast %rem3A_557 : i32 to vector<16xi32>
        %rem3A_559 = arith.remui %add3A_556, %rem3A_558 : vector<16xi32>
        %and3A_560 = arith.constant 63 : i32
        %and3A_561 = vector.broadcast %and3A_560 : i32 to vector<16xi32>
        %and3A_562 = arith.andi %xor3A_533, %and3A_561 : vector<16xi32>
        %sub3A_563 = arith.subi %and3A_562, %rem3A_559 : vector<16xi32>
        %and3A_564 = arith.constant 63 : i32
        %and3A_565 = vector.broadcast %and3A_564 : i32 to vector<16xi32>
        %and3A_566 = arith.andi %sub3A_563, %and3A_565 : vector<16xi32>
        %mul3A_567 = arith.constant 57 : i32
        %mul3A_568 = vector.broadcast %mul3A_567 : i32 to vector<16xi32>
        %mul3A_569 = arith.muli %and3A_566, %mul3A_568 : vector<16xi32>
        %and3A_570 = arith.constant 63 : i32
        %and3A_571 = vector.broadcast %and3A_570 : i32 to vector<16xi32>
        %and3A_572 = arith.andi %mul3A_569, %and3A_571 : vector<16xi32>
        %mul3A_573 = arith.constant 15625 : i32
        %mul3A_574 = vector.broadcast %mul3A_573 : i32 to vector<16xi32>
        %mul3A_575 = arith.muli %mul3A_574, %and3A_572 : vector<16xi32>
        %add3A_576 = arith.addi %rem3A_559, %mul3A_575 : vector<16xi32>
        %mul3A_577 = arith.constant 64 : i32
        %mul3A_578 = arith.muli %while3A_465, %mul3A_577 : i32
        %mul3A_579 = arith.constant 4 : i32
        %mul3A_580 = vector.broadcast %mul3A_579 : i32 to vector<16xi32>
        %mul3A_581 = arith.muli %iota3A, %mul3A_580 : vector<16xi32>
        %add3A_582 = vector.broadcast %mul3A_578 : i32 to vector<16xi32>
        %add3A_583 = arith.addi %add3A_582, %mul3A_581 : vector<16xi32>
        %add3A_584 = arith.constant 0 : i32
        %add3A_585 = vector.broadcast %add3A_584 : i32 to vector<16xi32>
        %add3A_586 = arith.addi %add3A_583, %add3A_585 : vector<16xi32>
        %add3A_587 = arith.constant 0 : i32
        %add3A_588 = vector.broadcast %add3A_587 : i32 to vector<16xi32>
        %add3A_589 = arith.addi %rem3A_487, %add3A_588 : vector<16xi32>
        tpu.vector_store_idx %arg8[%add3A_586], %add3A_589 : memref<2560xi32, #tpu.memory_space<vmem>>[vector<16xi32>], vector<16xi32>,
        %add3A_590 = arith.constant 1 : i32
        %add3A_591 = vector.broadcast %add3A_590 : i32 to vector<16xi32>
        %add3A_592 = arith.addi %add3A_583, %add3A_591 : vector<16xi32>
        %add3A_593 = arith.constant 1000000 : i32
        %add3A_594 = vector.broadcast %add3A_593 : i32 to vector<16xi32>
        %add3A_595 = arith.addi %rem3A_491, %add3A_594 : vector<16xi32>
        tpu.vector_store_idx %arg8[%add3A_592], %add3A_595 : memref<2560xi32, #tpu.memory_space<vmem>>[vector<16xi32>], vector<16xi32>,
        %add3A_596 = arith.constant 2 : i32
        %add3A_597 = vector.broadcast %add3A_596 : i32 to vector<16xi32>
        %add3A_598 = arith.addi %add3A_583, %add3A_597 : vector<16xi32>
        %add3A_599 = arith.constant 2000000 : i32
        %add3A_600 = vector.broadcast %add3A_599 : i32 to vector<16xi32>
        %add3A_601 = arith.addi %rem3A_495, %add3A_600 : vector<16xi32>
        tpu.vector_store_idx %arg8[%add3A_598], %add3A_601 : memref<2560xi32, #tpu.memory_space<vmem>>[vector<16xi32>], vector<16xi32>,
        %add3A_602 = arith.constant 3 : i32
        %add3A_603 = vector.broadcast %add3A_602 : i32 to vector<16xi32>
        %add3A_604 = arith.addi %add3A_583, %add3A_603 : vector<16xi32>
        %add3A_605 = arith.constant 3000000 : i32
        %add3A_606 = vector.broadcast %add3A_605 : i32 to vector<16xi32>
        %add3A_607 = arith.addi %add3A_576, %add3A_606 : vector<16xi32>
        tpu.vector_store_idx %arg8[%add3A_604], %add3A_607 : memref<2560xi32, #tpu.memory_space<vmem>>[vector<16xi32>], vector<16xi32>,
        %while3A_608 = arith.constant 0 : i32
        scf.yield %while3A_608 : i32
      }
      %while3A_283 = arith.constant 1 : i32
      %while3A_284 = scf.for %while3A_465 = %while3A_280 to %while3A_276 step %while3A_283 iter_args(%while3A_466 = %while3A_282) -> (i32)  : i32 {
        %mul3A_467 = arith.constant 16 : i32
        %mul3A_468 = arith.muli %while3A_465, %mul3A_467 : i32
        %get3A = arith.constant 0 : i64
        %get3A_469 = arith.index_cast %get3A : i64 to index
        %get3A_470 = arith.index_cast %mul3A_468 : i32 to index
        %get3A_471 = tpu.vector_load %arg6[%get3A_469, %get3A_470] {strides = array<i32>} : memref<4x640xi32, #tpu.memory_space<vmem>>, vector<16xi32>,
        %get3A_472 = arith.constant 1 : i64
        %get3A_473 = arith.index_cast %get3A_472 : i64 to index
        %get3A_474 = arith.index_cast %mul3A_468 : i32 to index
        %get3A_475 = tpu.vector_load %arg6[%get3A_473, %get3A_474] {strides = array<i32>} : memref<4x640xi32, #tpu.memory_space<vmem>>, vector<16xi32>,
        %get3A_476 = arith.constant 2 : i64
        %get3A_477 = arith.index_cast %get3A_476 : i64 to index
        %get3A_478 = arith.index_cast %mul3A_468 : i32 to index
        %get3A_479 = tpu.vector_load %arg6[%get3A_477, %get3A_478] {strides = array<i32>} : memref<4x640xi32, #tpu.memory_space<vmem>>, vector<16xi32>,
        %get3A_480 = arith.constant 3 : i64
        %get3A_481 = arith.index_cast %get3A_480 : i64 to index
        %get3A_482 = arith.index_cast %mul3A_468 : i32 to index
        %get3A_483 = tpu.vector_load %arg6[%get3A_481, %get3A_482] {strides = array<i32>} : memref<4x640xi32, #tpu.memory_space<vmem>>, vector<16xi32>,
        %xor3A = arith.xori %get3A_471, %get3A_475 : vector<16xi32>
        %xor3A_484 = arith.xori %xor3A, %get3A_479 : vector<16xi32>
        %xor3A_485 = arith.xori %xor3A_484, %get3A_483 : vector<16xi32>
        %rem3A = arith.constant 1000000 : i32
        %rem3A_486 = vector.broadcast %rem3A : i32 to vector<16xi32>
        %rem3A_487 = arith.remsi %xor3A_485, %rem3A_486 : vector<16xi32>
        %xor3A_488 = arith.xori %get3A_471, %get3A_479 : vector<16xi32>
        %rem3A_489 = arith.constant 1000000 : i32
        %rem3A_490 = vector.broadcast %rem3A_489 : i32 to vector<16xi32>
        %rem3A_491 = arith.remsi %xor3A_488, %rem3A_490 : vector<16xi32>
        %xor3A_492 = arith.xori %get3A_475, %get3A_483 : vector<16xi32>
        %rem3A_493 = arith.constant 1000000 : i32
        %rem3A_494 = vector.broadcast %rem3A_493 : i32 to vector<16xi32>
        %rem3A_495 = arith.remsi %xor3A_492, %rem3A_494 : vector<16xi32>
        %xor3A_496 = arith.xori %get3A_471, %get3A_475 : vector<16xi32>
        %xor3A_497 = arith.xori %get3A_479, %get3A_483 : vector<16xi32>
        %mul3A_498 = arith.constant -1028477379 : i32
        %mul3A_499 = vector.broadcast %mul3A_498 : i32 to vector<16xi32>
        %mul3A_500 = arith.muli %xor3A_497, %mul3A_499 : vector<16xi32>
        %shift_right_logical3A = arith.constant 16 : i32
        %shift_right_logical3A_501 = vector.broadcast %shift_right_logical3A : i32 to vector<16xi32>
        %shift_right_logical3A_502 = arith.shrui %xor3A_497, %shift_right_logical3A_501 : vector<16xi32>
        %and3A = arith.constant 65535 : i32
        %and3A_503 = vector.broadcast %and3A : i32 to vector<16xi32>
        %and3A_504 = arith.andi %xor3A_497, %and3A_503 : vector<16xi32>
        %mul3A_505 = arith.constant 44605 : i32
        %mul3A_506 = vector.broadcast %mul3A_505 : i32 to vector<16xi32>
        %mul3A_507 = arith.muli %and3A_504, %mul3A_506 : vector<16xi32>
        %mul3A_508 = arith.constant 44605 : i32
        %mul3A_509 = vector.broadcast %mul3A_508 : i32 to vector<16xi32>
        %mul3A_510 = arith.muli %shift_right_logical3A_502, %mul3A_509 : vector<16xi32>
        %shift_right_logical3A_511 = arith.constant 16 : i32
        %shift_right_logical3A_512 = vector.broadcast %shift_right_logical3A_511 : i32 to vector<16xi32>
        %shift_right_logical3A_513 = arith.shrui %mul3A_507, %shift_right_logical3A_512 : vector<16xi32>
        %add3A_514 = arith.addi %mul3A_510, %shift_right_logical3A_513 : vector<16xi32>
        %mul3A_515 = arith.constant 49842 : i32
        %mul3A_516 = vector.broadcast %mul3A_515 : i32 to vector<16xi32>
        %mul3A_517 = arith.muli %and3A_504, %mul3A_516 : vector<16xi32>
        %and3A_518 = arith.constant 65535 : i32
        %and3A_519 = vector.broadcast %and3A_518 : i32 to vector<16xi32>
        %and3A_520 = arith.andi %add3A_514, %and3A_519 : vector<16xi32>
        %add3A_521 = arith.addi %mul3A_517, %and3A_520 : vector<16xi32>
        %mul3A_522 = arith.constant 49842 : i32
        %mul3A_523 = vector.broadcast %mul3A_522 : i32 to vector<16xi32>
        %mul3A_524 = arith.muli %shift_right_logical3A_502, %mul3A_523 : vector<16xi32>
        %shift_right_logical3A_525 = arith.constant 16 : i32
        %shift_right_logical3A_526 = vector.broadcast %shift_right_logical3A_525 : i32 to vector<16xi32>
        %shift_right_logical3A_527 = arith.shrui %add3A_514, %shift_right_logical3A_526 : vector<16xi32>
        %add3A_528 = arith.addi %mul3A_524, %shift_right_logical3A_527 : vector<16xi32>
        %shift_right_logical3A_529 = arith.constant 16 : i32
        %shift_right_logical3A_530 = vector.broadcast %shift_right_logical3A_529 : i32 to vector<16xi32>
        %shift_right_logical3A_531 = arith.shrui %add3A_521, %shift_right_logical3A_530 : vector<16xi32>
        %add3A_532 = arith.addi %add3A_528, %shift_right_logical3A_531 : vector<16xi32>
        %xor3A_533 = arith.xori %mul3A_500, %xor3A_496 : vector<16xi32>
        %shift_right_logical3A_534 = arith.constant 16 : i32
        %shift_right_logical3A_535 = vector.broadcast %shift_right_logical3A_534 : i32 to vector<16xi32>
        %shift_right_logical3A_536 = arith.shrui %xor3A_533, %shift_right_logical3A_535 : vector<16xi32>
        %and3A_537 = arith.constant 65535 : i32
        %and3A_538 = vector.broadcast %and3A_537 : i32 to vector<16xi32>
        %and3A_539 = arith.andi %xor3A_533, %and3A_538 : vector<16xi32>
        %mul3A_540 = arith.constant 3036 : i32
        %mul3A_541 = vector.broadcast %mul3A_540 : i32 to vector<16xi32>
        %mul3A_542 = arith.muli %shift_right_logical3A_536, %mul3A_541 : vector<16xi32>
        %add3A_543 = arith.addi %mul3A_542, %and3A_539 : vector<16xi32>
        %rem3A_544 = arith.constant 15625 : i32
        %rem3A_545 = vector.broadcast %rem3A_544 : i32 to vector<16xi32>
        %rem3A_546 = arith.remui %add3A_543, %rem3A_545 : vector<16xi32>
        %rem3A_547 = arith.constant 15625 : i32
        %rem3A_548 = vector.broadcast %rem3A_547 : i32 to vector<16xi32>
        %rem3A_549 = arith.remui %add3A_532, %rem3A_548 : vector<16xi32>
        %mul3A_550 = arith.constant 14171 : i32
        %mul3A_551 = vector.broadcast %mul3A_550 : i32 to vector<16xi32>
        %mul3A_552 = arith.muli %rem3A_549, %mul3A_551 : vector<16xi32>
        %rem3A_553 = arith.constant 15625 : i32
        %rem3A_554 = vector.broadcast %rem3A_553 : i32 to vector<16xi32>
        %rem3A_555 = arith.remui %mul3A_552, %rem3A_554 : vector<16xi32>
        %add3A_556 = arith.addi %rem3A_555, %rem3A_546 : vector<16xi32>
        %rem3A_557 = arith.constant 15625 : i32
        %rem3A_558 = vector.broadcast %rem3A_557 : i32 to vector<16xi32>
        %rem3A_559 = arith.remui %add3A_556, %rem3A_558 : vector<16xi32>
        %and3A_560 = arith.constant 63 : i32
        %and3A_561 = vector.broadcast %and3A_560 : i32 to vector<16xi32>
        %and3A_562 = arith.andi %xor3A_533, %and3A_561 : vector<16xi32>
        %sub3A_563 = arith.subi %and3A_562, %rem3A_559 : vector<16xi32>
        %and3A_564 = arith.constant 63 : i32
        %and3A_565 = vector.broadcast %and3A_564 : i32 to vector<16xi32>
        %and3A_566 = arith.andi %sub3A_563, %and3A_565 : vector<16xi32>
        %mul3A_567 = arith.constant 57 : i32
        %mul3A_568 = vector.broadcast %mul3A_567 : i32 to vector<16xi32>
        %mul3A_569 = arith.muli %and3A_566, %mul3A_568 : vector<16xi32>
        %and3A_570 = arith.constant 63 : i32
        %and3A_571 = vector.broadcast %and3A_570 : i32 to vector<16xi32>
        %and3A_572 = arith.andi %mul3A_569, %and3A_571 : vector<16xi32>
        %mul3A_573 = arith.constant 15625 : i32
        %mul3A_574 = vector.broadcast %mul3A_573 : i32 to vector<16xi32>
        %mul3A_575 = arith.muli %mul3A_574, %and3A_572 : vector<16xi32>
        %add3A_576 = arith.addi %rem3A_559, %mul3A_575 : vector<16xi32>
        %mul3A_577 = arith.constant 64 : i32
        %mul3A_578 = arith.muli %while3A_465, %mul3A_577 : i32
        %mul3A_579 = arith.constant 4 : i32
        %mul3A_580 = vector.broadcast %mul3A_579 : i32 to vector<16xi32>
        %mul3A_581 = arith.muli %iota3A, %mul3A_580 : vector<16xi32>
        %add3A_582 = vector.broadcast %mul3A_578 : i32 to vector<16xi32>
        %add3A_583 = arith.addi %add3A_582, %mul3A_581 : vector<16xi32>
        %add3A_584 = arith.constant 0 : i32
        %add3A_585 = vector.broadcast %add3A_584 : i32 to vector<16xi32>
        %add3A_586 = arith.addi %add3A_583, %add3A_585 : vector<16xi32>
        %add3A_587 = arith.constant 0 : i32
        %add3A_588 = vector.broadcast %add3A_587 : i32 to vector<16xi32>
        %add3A_589 = arith.addi %rem3A_487, %add3A_588 : vector<16xi32>
        tpu.vector_store_idx %arg8[%add3A_586], %add3A_589 : memref<2560xi32, #tpu.memory_space<vmem>>[vector<16xi32>], vector<16xi32>,
        %add3A_590 = arith.constant 1 : i32
        %add3A_591 = vector.broadcast %add3A_590 : i32 to vector<16xi32>
        %add3A_592 = arith.addi %add3A_583, %add3A_591 : vector<16xi32>
        %add3A_593 = arith.constant 1000000 : i32
        %add3A_594 = vector.broadcast %add3A_593 : i32 to vector<16xi32>
        %add3A_595 = arith.addi %rem3A_491, %add3A_594 : vector<16xi32>
        tpu.vector_store_idx %arg8[%add3A_592], %add3A_595 : memref<2560xi32, #tpu.memory_space<vmem>>[vector<16xi32>], vector<16xi32>,
        %add3A_596 = arith.constant 2 : i32
        %add3A_597 = vector.broadcast %add3A_596 : i32 to vector<16xi32>
        %add3A_598 = arith.addi %add3A_583, %add3A_597 : vector<16xi32>
        %add3A_599 = arith.constant 2000000 : i32
        %add3A_600 = vector.broadcast %add3A_599 : i32 to vector<16xi32>
        %add3A_601 = arith.addi %rem3A_495, %add3A_600 : vector<16xi32>
        tpu.vector_store_idx %arg8[%add3A_598], %add3A_601 : memref<2560xi32, #tpu.memory_space<vmem>>[vector<16xi32>], vector<16xi32>,
        %add3A_602 = arith.constant 3 : i32
        %add3A_603 = vector.broadcast %add3A_602 : i32 to vector<16xi32>
        %add3A_604 = arith.addi %add3A_583, %add3A_603 : vector<16xi32>
        %add3A_605 = arith.constant 3000000 : i32
        %add3A_606 = vector.broadcast %add3A_605 : i32 to vector<16xi32>
        %add3A_607 = arith.addi %add3A_576, %add3A_606 : vector<16xi32>
        tpu.vector_store_idx %arg8[%add3A_604], %add3A_607 : memref<2560xi32, #tpu.memory_space<vmem>>[vector<16xi32>], vector<16xi32>,
        %while3A_608 = arith.constant 0 : i32
        scf.yield %while3A_608 : i32
      }
      %dma_wait3A_285 = arith.constant 0 : i32
      %dma_wait3A_286 = arith.constant 0 : i32
      %dma_wait3A_287 = tpu.memref_slice %arg3[%dma_wait3A_285, %dma_wait3A_286] : memref<4000000x16xf32, #tpu.memory_space<hbm>> -> memref<4000000x16xf32, #tpu.memory_space<hbm>>
      tpu.wait_indirect_dma semaphore(%arg13 : memref<!tpu.dma_semaphore, #tpu.memory_space<semaphore_mem>>) src(%dma_wait3A_287 : memref<4000000x16xf32, #tpu.memory_space<hbm>>) dst(%arg9 : memref<2560x16xf32, #tpu.memory_space<vmem>>)
      %sub3A_288 = arith.constant 1 : i32
      %sub3A_289 = arith.subi %add3A_257, %sub3A_288 : i32
      %mul3A_290 = arith.constant 640 : i32
      %mul3A_291 = arith.muli %sub3A_289, %mul3A_290 : i32
      %add3A_292 = arith.addi %mul3A_2, %mul3A_291 : i32
      %mul3A_293 = arith.constant 4 : i32
      %mul3A_294 = arith.muli %add3A_292, %mul3A_293 : i32
      %dma_start3A_295 = arith.constant 0 : i32
      %dma_start3A_296 = tpu.memref_slice %arg4[%mul3A_294, %dma_start3A_295] : memref<819200x16xf32, #tpu.memory_space<hbm>> -> memref<2560x16xf32, #tpu.memory_space<hbm>>
      %dma_start3A_297 = arith.constant 0 : i32
      %dma_start3A_298 = tpu.memref_slice %arg4[%mul3A_294, %dma_start3A_297] : memref<819200x16xf32, #tpu.memory_space<hbm>> -> memref<2560x16xf32, #tpu.memory_space<hbm>>
      tpu.enqueue_dma source(%arg9 : memref<2560x16xf32, #tpu.memory_space<vmem>>) target(%dma_start3A_298 : memref<2560x16xf32, #tpu.memory_space<hbm>>) target_semaphore(%arg15 : memref<!tpu.dma_semaphore, #tpu.memory_space<semaphore_mem>>)
      %gt3A_299 = arith.constant 0 : i32
      %gt3A_300 = arith.cmpi sgt, %while3A_55, %gt3A_299 : i32
      %convert_element_type3A_301 = arith.extui %gt3A_300 : i1 to i32
      %cond3A_302 = arith.constant 0 : i32
      %cond3A_303 = arith.cmpi ne, %convert_element_type3A_301, %cond3A_302 : i32
      scf.if %cond3A_303 {
        %mul3A_465 = arith.constant 640 : i32
        %mul3A_466 = arith.muli %add3A_257, %mul3A_465 : i32
        %add3A_467 = arith.addi %mul3A_2, %mul3A_466 : i32
        %mul3A_468 = arith.constant 4 : i32
        %mul3A_469 = arith.muli %add3A_467, %mul3A_468 : i32
        %dma_wait3A_470 = arith.constant 0 : i32
        %dma_wait3A_471 = tpu.memref_slice %arg4[%mul3A_469, %dma_wait3A_470] : memref<819200x16xf32, #tpu.memory_space<hbm>> -> memref<2560x16xf32, #tpu.memory_space<hbm>>
        %dma_wait3A_472 = arith.constant 0 : i32
        %dma_wait3A_473 = tpu.memref_slice %arg4[%mul3A_469, %dma_wait3A_472] : memref<819200x16xf32, #tpu.memory_space<hbm>> -> memref<2560x16xf32, #tpu.memory_space<hbm>>
        tpu.wait_dma2 semaphore(%arg16 : memref<!tpu.dma_semaphore, #tpu.memory_space<semaphore_mem>>) src(%arg10 : memref<2560x16xf32, #tpu.memory_space<vmem>>) dst(%dma_wait3A_473 : memref<2560x16xf32, #tpu.memory_space<hbm>>)
      } else {
      }
      %dma_start3A_304 = arith.constant 0 : i32
      %dma_start3A_305 = arith.constant 0 : i32
      %dma_start3A_306 = tpu.memref_slice %arg10[%dma_start3A_304, %dma_start3A_305] : memref<2560x16xf32, #tpu.memory_space<vmem>> -> memref<128x16xf32, #tpu.memory_space<vmem>>
      %dma_start3A_307 = arith.constant 0 : i32
      %dma_start3A_308 = tpu.memref_slice %arg8[%dma_start3A_307] : memref<2560xi32, #tpu.memory_space<vmem>> -> memref<128xi32, #tpu.memory_space<vmem>>
      %dma_start3A_309 = arith.constant 0 : i32
      %dma_start3A_310 = arith.constant 0 : i32
      %dma_start3A_311 = tpu.memref_slice %arg3[%dma_start3A_309, %dma_start3A_310] : memref<4000000x16xf32, #tpu.memory_space<hbm>> -> memref<4000000x16xf32, #tpu.memory_space<hbm>>
      tpu.enqueue_indirect_dma source(%dma_start3A_311 : memref<4000000x16xf32, #tpu.memory_space<hbm>>) target(%dma_start3A_306 : memref<128x16xf32, #tpu.memory_space<vmem>>) offsets(%dma_start3A_308 : memref<128xi32, #tpu.memory_space<vmem>>) semaphore(%arg14 : memref<!tpu.dma_semaphore, #tpu.memory_space<semaphore_mem>>)
      %dma_start3A_312 = arith.constant 128 : i32
      %dma_start3A_313 = arith.constant 0 : i32
      %dma_start3A_314 = tpu.memref_slice %arg10[%dma_start3A_312, %dma_start3A_313] : memref<2560x16xf32, #tpu.memory_space<vmem>> -> memref<128x16xf32, #tpu.memory_space<vmem>>
      %dma_start3A_315 = arith.constant 128 : i32
      %dma_start3A_316 = tpu.memref_slice %arg8[%dma_start3A_315] : memref<2560xi32, #tpu.memory_space<vmem>> -> memref<128xi32, #tpu.memory_space<vmem>>
      %dma_start3A_317 = arith.constant 0 : i32
      %dma_start3A_318 = arith.constant 0 : i32
      %dma_start3A_319 = tpu.memref_slice %arg3[%dma_start3A_317, %dma_start3A_318] : memref<4000000x16xf32, #tpu.memory_space<hbm>> -> memref<4000000x16xf32, #tpu.memory_space<hbm>>
      tpu.enqueue_indirect_dma source(%dma_start3A_319 : memref<4000000x16xf32, #tpu.memory_space<hbm>>) target(%dma_start3A_314 : memref<128x16xf32, #tpu.memory_space<vmem>>) offsets(%dma_start3A_316 : memref<128xi32, #tpu.memory_space<vmem>>) semaphore(%arg14 : memref<!tpu.dma_semaphore, #tpu.memory_space<semaphore_mem>>)
      %dma_start3A_320 = arith.constant 256 : i32
      %dma_start3A_321 = arith.constant 0 : i32
      %dma_start3A_322 = tpu.memref_slice %arg10[%dma_start3A_320, %dma_start3A_321] : memref<2560x16xf32, #tpu.memory_space<vmem>> -> memref<128x16xf32, #tpu.memory_space<vmem>>
      %dma_start3A_323 = arith.constant 256 : i32
      %dma_start3A_324 = tpu.memref_slice %arg8[%dma_start3A_323] : memref<2560xi32, #tpu.memory_space<vmem>> -> memref<128xi32, #tpu.memory_space<vmem>>
      %dma_start3A_325 = arith.constant 0 : i32
      %dma_start3A_326 = arith.constant 0 : i32
      %dma_start3A_327 = tpu.memref_slice %arg3[%dma_start3A_325, %dma_start3A_326] : memref<4000000x16xf32, #tpu.memory_space<hbm>> -> memref<4000000x16xf32, #tpu.memory_space<hbm>>
      tpu.enqueue_indirect_dma source(%dma_start3A_327 : memref<4000000x16xf32, #tpu.memory_space<hbm>>) target(%dma_start3A_322 : memref<128x16xf32, #tpu.memory_space<vmem>>) offsets(%dma_start3A_324 : memref<128xi32, #tpu.memory_space<vmem>>) semaphore(%arg14 : memref<!tpu.dma_semaphore, #tpu.memory_space<semaphore_mem>>)
      %dma_start3A_328 = arith.constant 384 : i32
      %dma_start3A_329 = arith.constant 0 : i32
      %dma_start3A_330 = tpu.memref_slice %arg10[%dma_start3A_328, %dma_start3A_329] : memref<2560x16xf32, #tpu.memory_space<vmem>> -> memref<128x16xf32, #tpu.memory_space<vmem>>
      %dma_start3A_331 = arith.constant 384 : i32
      %dma_start3A_332 = tpu.memref_slice %arg8[%dma_start3A_331] : memref<2560xi32, #tpu.memory_space<vmem>> -> memref<128xi32, #tpu.memory_space<vmem>>
      %dma_start3A_333 = arith.constant 0 : i32
      %dma_start3A_334 = arith.constant 0 : i32
      %dma_start3A_335 = tpu.memref_slice %arg3[%dma_start3A_333, %dma_start3A_334] : memref<4000000x16xf32, #tpu.memory_space<hbm>> -> memref<4000000x16xf32, #tpu.memory_space<hbm>>
      tpu.enqueue_indirect_dma source(%dma_start3A_335 : memref<4000000x16xf32, #tpu.memory_space<hbm>>) target(%dma_start3A_330 : memref<128x16xf32, #tpu.memory_space<vmem>>) offsets(%dma_start3A_332 : memref<128xi32, #tpu.memory_space<vmem>>) semaphore(%arg14 : memref<!tpu.dma_semaphore, #tpu.memory_space<semaphore_mem>>)
      %dma_start3A_336 = arith.constant 512 : i32
      %dma_start3A_337 = arith.constant 0 : i32
      %dma_start3A_338 = tpu.memref_slice %arg10[%dma_start3A_336, %dma_start3A_337] : memref<2560x16xf32, #tpu.memory_space<vmem>> -> memref<128x16xf32, #tpu.memory_space<vmem>>
      %dma_start3A_339 = arith.constant 512 : i32
      %dma_start3A_340 = tpu.memref_slice %arg8[%dma_start3A_339] : memref<2560xi32, #tpu.memory_space<vmem>> -> memref<128xi32, #tpu.memory_space<vmem>>
      %dma_start3A_341 = arith.constant 0 : i32
      %dma_start3A_342 = arith.constant 0 : i32
      %dma_start3A_343 = tpu.memref_slice %arg3[%dma_start3A_341, %dma_start3A_342] : memref<4000000x16xf32, #tpu.memory_space<hbm>> -> memref<4000000x16xf32, #tpu.memory_space<hbm>>
      tpu.enqueue_indirect_dma source(%dma_start3A_343 : memref<4000000x16xf32, #tpu.memory_space<hbm>>) target(%dma_start3A_338 : memref<128x16xf32, #tpu.memory_space<vmem>>) offsets(%dma_start3A_340 : memref<128xi32, #tpu.memory_space<vmem>>) semaphore(%arg14 : memref<!tpu.dma_semaphore, #tpu.memory_space<semaphore_mem>>)
      %dma_start3A_344 = arith.constant 640 : i32
      %dma_start3A_345 = arith.constant 0 : i32
      %dma_start3A_346 = tpu.memref_slice %arg10[%dma_start3A_344, %dma_start3A_345] : memref<2560x16xf32, #tpu.memory_space<vmem>> -> memref<128x16xf32, #tpu.memory_space<vmem>>
      %dma_start3A_347 = arith.constant 640 : i32
      %dma_start3A_348 = tpu.memref_slice %arg8[%dma_start3A_347] : memref<2560xi32, #tpu.memory_space<vmem>> -> memref<128xi32, #tpu.memory_space<vmem>>
      %dma_start3A_349 = arith.constant 0 : i32
      %dma_start3A_350 = arith.constant 0 : i32
      %dma_start3A_351 = tpu.memref_slice %arg3[%dma_start3A_349, %dma_start3A_350] : memref<4000000x16xf32, #tpu.memory_space<hbm>> -> memref<4000000x16xf32, #tpu.memory_space<hbm>>
      tpu.enqueue_indirect_dma source(%dma_start3A_351 : memref<4000000x16xf32, #tpu.memory_space<hbm>>) target(%dma_start3A_346 : memref<128x16xf32, #tpu.memory_space<vmem>>) offsets(%dma_start3A_348 : memref<128xi32, #tpu.memory_space<vmem>>) semaphore(%arg14 : memref<!tpu.dma_semaphore, #tpu.memory_space<semaphore_mem>>)
      %dma_start3A_352 = arith.constant 768 : i32
      %dma_start3A_353 = arith.constant 0 : i32
      %dma_start3A_354 = tpu.memref_slice %arg10[%dma_start3A_352, %dma_start3A_353] : memref<2560x16xf32, #tpu.memory_space<vmem>> -> memref<128x16xf32, #tpu.memory_space<vmem>>
      %dma_start3A_355 = arith.constant 768 : i32
      %dma_start3A_356 = tpu.memref_slice %arg8[%dma_start3A_355] : memref<2560xi32, #tpu.memory_space<vmem>> -> memref<128xi32, #tpu.memory_space<vmem>>
      %dma_start3A_357 = arith.constant 0 : i32
      %dma_start3A_358 = arith.constant 0 : i32
      %dma_start3A_359 = tpu.memref_slice %arg3[%dma_start3A_357, %dma_start3A_358] : memref<4000000x16xf32, #tpu.memory_space<hbm>> -> memref<4000000x16xf32, #tpu.memory_space<hbm>>
      tpu.enqueue_indirect_dma source(%dma_start3A_359 : memref<4000000x16xf32, #tpu.memory_space<hbm>>) target(%dma_start3A_354 : memref<128x16xf32, #tpu.memory_space<vmem>>) offsets(%dma_start3A_356 : memref<128xi32, #tpu.memory_space<vmem>>) semaphore(%arg14 : memref<!tpu.dma_semaphore, #tpu.memory_space<semaphore_mem>>)
      %dma_start3A_360 = arith.constant 896 : i32
      %dma_start3A_361 = arith.constant 0 : i32
      %dma_start3A_362 = tpu.memref_slice %arg10[%dma_start3A_360, %dma_start3A_361] : memref<2560x16xf32, #tpu.memory_space<vmem>> -> memref<128x16xf32, #tpu.memory_space<vmem>>
      %dma_start3A_363 = arith.constant 896 : i32
      %dma_start3A_364 = tpu.memref_slice %arg8[%dma_start3A_363] : memref<2560xi32, #tpu.memory_space<vmem>> -> memref<128xi32, #tpu.memory_space<vmem>>
      %dma_start3A_365 = arith.constant 0 : i32
      %dma_start3A_366 = arith.constant 0 : i32
      %dma_start3A_367 = tpu.memref_slice %arg3[%dma_start3A_365, %dma_start3A_366] : memref<4000000x16xf32, #tpu.memory_space<hbm>> -> memref<4000000x16xf32, #tpu.memory_space<hbm>>
      tpu.enqueue_indirect_dma source(%dma_start3A_367 : memref<4000000x16xf32, #tpu.memory_space<hbm>>) target(%dma_start3A_362 : memref<128x16xf32, #tpu.memory_space<vmem>>) offsets(%dma_start3A_364 : memref<128xi32, #tpu.memory_space<vmem>>) semaphore(%arg14 : memref<!tpu.dma_semaphore, #tpu.memory_space<semaphore_mem>>)
      %dma_start3A_368 = arith.constant 1024 : i32
      %dma_start3A_369 = arith.constant 0 : i32
      %dma_start3A_370 = tpu.memref_slice %arg10[%dma_start3A_368, %dma_start3A_369] : memref<2560x16xf32, #tpu.memory_space<vmem>> -> memref<128x16xf32, #tpu.memory_space<vmem>>
      %dma_start3A_371 = arith.constant 1024 : i32
      %dma_start3A_372 = tpu.memref_slice %arg8[%dma_start3A_371] : memref<2560xi32, #tpu.memory_space<vmem>> -> memref<128xi32, #tpu.memory_space<vmem>>
      %dma_start3A_373 = arith.constant 0 : i32
      %dma_start3A_374 = arith.constant 0 : i32
      %dma_start3A_375 = tpu.memref_slice %arg3[%dma_start3A_373, %dma_start3A_374] : memref<4000000x16xf32, #tpu.memory_space<hbm>> -> memref<4000000x16xf32, #tpu.memory_space<hbm>>
      tpu.enqueue_indirect_dma source(%dma_start3A_375 : memref<4000000x16xf32, #tpu.memory_space<hbm>>) target(%dma_start3A_370 : memref<128x16xf32, #tpu.memory_space<vmem>>) offsets(%dma_start3A_372 : memref<128xi32, #tpu.memory_space<vmem>>) semaphore(%arg14 : memref<!tpu.dma_semaphore, #tpu.memory_space<semaphore_mem>>)
      %dma_start3A_376 = arith.constant 1152 : i32
      %dma_start3A_377 = arith.constant 0 : i32
      %dma_start3A_378 = tpu.memref_slice %arg10[%dma_start3A_376, %dma_start3A_377] : memref<2560x16xf32, #tpu.memory_space<vmem>> -> memref<128x16xf32, #tpu.memory_space<vmem>>
      %dma_start3A_379 = arith.constant 1152 : i32
      %dma_start3A_380 = tpu.memref_slice %arg8[%dma_start3A_379] : memref<2560xi32, #tpu.memory_space<vmem>> -> memref<128xi32, #tpu.memory_space<vmem>>
      %dma_start3A_381 = arith.constant 0 : i32
      %dma_start3A_382 = arith.constant 0 : i32
      %dma_start3A_383 = tpu.memref_slice %arg3[%dma_start3A_381, %dma_start3A_382] : memref<4000000x16xf32, #tpu.memory_space<hbm>> -> memref<4000000x16xf32, #tpu.memory_space<hbm>>
      tpu.enqueue_indirect_dma source(%dma_start3A_383 : memref<4000000x16xf32, #tpu.memory_space<hbm>>) target(%dma_start3A_378 : memref<128x16xf32, #tpu.memory_space<vmem>>) offsets(%dma_start3A_380 : memref<128xi32, #tpu.memory_space<vmem>>) semaphore(%arg14 : memref<!tpu.dma_semaphore, #tpu.memory_space<semaphore_mem>>)
      %dma_start3A_384 = arith.constant 1280 : i32
      %dma_start3A_385 = arith.constant 0 : i32
      %dma_start3A_386 = tpu.memref_slice %arg10[%dma_start3A_384, %dma_start3A_385] : memref<2560x16xf32, #tpu.memory_space<vmem>> -> memref<128x16xf32, #tpu.memory_space<vmem>>
      %dma_start3A_387 = arith.constant 1280 : i32
      %dma_start3A_388 = tpu.memref_slice %arg8[%dma_start3A_387] : memref<2560xi32, #tpu.memory_space<vmem>> -> memref<128xi32, #tpu.memory_space<vmem>>
      %dma_start3A_389 = arith.constant 0 : i32
      %dma_start3A_390 = arith.constant 0 : i32
      %dma_start3A_391 = tpu.memref_slice %arg3[%dma_start3A_389, %dma_start3A_390] : memref<4000000x16xf32, #tpu.memory_space<hbm>> -> memref<4000000x16xf32, #tpu.memory_space<hbm>>
      tpu.enqueue_indirect_dma source(%dma_start3A_391 : memref<4000000x16xf32, #tpu.memory_space<hbm>>) target(%dma_start3A_386 : memref<128x16xf32, #tpu.memory_space<vmem>>) offsets(%dma_start3A_388 : memref<128xi32, #tpu.memory_space<vmem>>) semaphore(%arg14 : memref<!tpu.dma_semaphore, #tpu.memory_space<semaphore_mem>>)
      %dma_start3A_392 = arith.constant 1408 : i32
      %dma_start3A_393 = arith.constant 0 : i32
      %dma_start3A_394 = tpu.memref_slice %arg10[%dma_start3A_392, %dma_start3A_393] : memref<2560x16xf32, #tpu.memory_space<vmem>> -> memref<128x16xf32, #tpu.memory_space<vmem>>
      %dma_start3A_395 = arith.constant 1408 : i32
      %dma_start3A_396 = tpu.memref_slice %arg8[%dma_start3A_395] : memref<2560xi32, #tpu.memory_space<vmem>> -> memref<128xi32, #tpu.memory_space<vmem>>
      %dma_start3A_397 = arith.constant 0 : i32
      %dma_start3A_398 = arith.constant 0 : i32
      %dma_start3A_399 = tpu.memref_slice %arg3[%dma_start3A_397, %dma_start3A_398] : memref<4000000x16xf32, #tpu.memory_space<hbm>> -> memref<4000000x16xf32, #tpu.memory_space<hbm>>
      tpu.enqueue_indirect_dma source(%dma_start3A_399 : memref<4000000x16xf32, #tpu.memory_space<hbm>>) target(%dma_start3A_394 : memref<128x16xf32, #tpu.memory_space<vmem>>) offsets(%dma_start3A_396 : memref<128xi32, #tpu.memory_space<vmem>>) semaphore(%arg14 : memref<!tpu.dma_semaphore, #tpu.memory_space<semaphore_mem>>)
      %dma_start3A_400 = arith.constant 1536 : i32
      %dma_start3A_401 = arith.constant 0 : i32
      %dma_start3A_402 = tpu.memref_slice %arg10[%dma_start3A_400, %dma_start3A_401] : memref<2560x16xf32, #tpu.memory_space<vmem>> -> memref<128x16xf32, #tpu.memory_space<vmem>>
      %dma_start3A_403 = arith.constant 1536 : i32
      %dma_start3A_404 = tpu.memref_slice %arg8[%dma_start3A_403] : memref<2560xi32, #tpu.memory_space<vmem>> -> memref<128xi32, #tpu.memory_space<vmem>>
      %dma_start3A_405 = arith.constant 0 : i32
      %dma_start3A_406 = arith.constant 0 : i32
      %dma_start3A_407 = tpu.memref_slice %arg3[%dma_start3A_405, %dma_start3A_406] : memref<4000000x16xf32, #tpu.memory_space<hbm>> -> memref<4000000x16xf32, #tpu.memory_space<hbm>>
      tpu.enqueue_indirect_dma source(%dma_start3A_407 : memref<4000000x16xf32, #tpu.memory_space<hbm>>) target(%dma_start3A_402 : memref<128x16xf32, #tpu.memory_space<vmem>>) offsets(%dma_start3A_404 : memref<128xi32, #tpu.memory_space<vmem>>) semaphore(%arg14 : memref<!tpu.dma_semaphore, #tpu.memory_space<semaphore_mem>>)
      %dma_start3A_408 = arith.constant 1664 : i32
      %dma_start3A_409 = arith.constant 0 : i32
      %dma_start3A_410 = tpu.memref_slice %arg10[%dma_start3A_408, %dma_start3A_409] : memref<2560x16xf32, #tpu.memory_space<vmem>> -> memref<128x16xf32, #tpu.memory_space<vmem>>
      %dma_start3A_411 = arith.constant 1664 : i32
      %dma_start3A_412 = tpu.memref_slice %arg8[%dma_start3A_411] : memref<2560xi32, #tpu.memory_space<vmem>> -> memref<128xi32, #tpu.memory_space<vmem>>
      %dma_start3A_413 = arith.constant 0 : i32
      %dma_start3A_414 = arith.constant 0 : i32
      %dma_start3A_415 = tpu.memref_slice %arg3[%dma_start3A_413, %dma_start3A_414] : memref<4000000x16xf32, #tpu.memory_space<hbm>> -> memref<4000000x16xf32, #tpu.memory_space<hbm>>
      tpu.enqueue_indirect_dma source(%dma_start3A_415 : memref<4000000x16xf32, #tpu.memory_space<hbm>>) target(%dma_start3A_410 : memref<128x16xf32, #tpu.memory_space<vmem>>) offsets(%dma_start3A_412 : memref<128xi32, #tpu.memory_space<vmem>>) semaphore(%arg14 : memref<!tpu.dma_semaphore, #tpu.memory_space<semaphore_mem>>)
      %dma_start3A_416 = arith.constant 1792 : i32
      %dma_start3A_417 = arith.constant 0 : i32
      %dma_start3A_418 = tpu.memref_slice %arg10[%dma_start3A_416, %dma_start3A_417] : memref<2560x16xf32, #tpu.memory_space<vmem>> -> memref<128x16xf32, #tpu.memory_space<vmem>>
      %dma_start3A_419 = arith.constant 1792 : i32
      %dma_start3A_420 = tpu.memref_slice %arg8[%dma_start3A_419] : memref<2560xi32, #tpu.memory_space<vmem>> -> memref<128xi32, #tpu.memory_space<vmem>>
      %dma_start3A_421 = arith.constant 0 : i32
      %dma_start3A_422 = arith.constant 0 : i32
      %dma_start3A_423 = tpu.memref_slice %arg3[%dma_start3A_421, %dma_start3A_422] : memref<4000000x16xf32, #tpu.memory_space<hbm>> -> memref<4000000x16xf32, #tpu.memory_space<hbm>>
      tpu.enqueue_indirect_dma source(%dma_start3A_423 : memref<4000000x16xf32, #tpu.memory_space<hbm>>) target(%dma_start3A_418 : memref<128x16xf32, #tpu.memory_space<vmem>>) offsets(%dma_start3A_420 : memref<128xi32, #tpu.memory_space<vmem>>) semaphore(%arg14 : memref<!tpu.dma_semaphore, #tpu.memory_space<semaphore_mem>>)
      %dma_start3A_424 = arith.constant 1920 : i32
      %dma_start3A_425 = arith.constant 0 : i32
      %dma_start3A_426 = tpu.memref_slice %arg10[%dma_start3A_424, %dma_start3A_425] : memref<2560x16xf32, #tpu.memory_space<vmem>> -> memref<128x16xf32, #tpu.memory_space<vmem>>
      %dma_start3A_427 = arith.constant 1920 : i32
      %dma_start3A_428 = tpu.memref_slice %arg8[%dma_start3A_427] : memref<2560xi32, #tpu.memory_space<vmem>> -> memref<128xi32, #tpu.memory_space<vmem>>
      %dma_start3A_429 = arith.constant 0 : i32
      %dma_start3A_430 = arith.constant 0 : i32
      %dma_start3A_431 = tpu.memref_slice %arg3[%dma_start3A_429, %dma_start3A_430] : memref<4000000x16xf32, #tpu.memory_space<hbm>> -> memref<4000000x16xf32, #tpu.memory_space<hbm>>
      tpu.enqueue_indirect_dma source(%dma_start3A_431 : memref<4000000x16xf32, #tpu.memory_space<hbm>>) target(%dma_start3A_426 : memref<128x16xf32, #tpu.memory_space<vmem>>) offsets(%dma_start3A_428 : memref<128xi32, #tpu.memory_space<vmem>>) semaphore(%arg14 : memref<!tpu.dma_semaphore, #tpu.memory_space<semaphore_mem>>)
      %dma_start3A_432 = arith.constant 2048 : i32
      %dma_start3A_433 = arith.constant 0 : i32
      %dma_start3A_434 = tpu.memref_slice %arg10[%dma_start3A_432, %dma_start3A_433] : memref<2560x16xf32, #tpu.memory_space<vmem>> -> memref<128x16xf32, #tpu.memory_space<vmem>>
      %dma_start3A_435 = arith.constant 2048 : i32
      %dma_start3A_436 = tpu.memref_slice %arg8[%dma_start3A_435] : memref<2560xi32, #tpu.memory_space<vmem>> -> memref<128xi32, #tpu.memory_space<vmem>>
      %dma_start3A_437 = arith.constant 0 : i32
      %dma_start3A_438 = arith.constant 0 : i32
      %dma_start3A_439 = tpu.memref_slice %arg3[%dma_start3A_437, %dma_start3A_438] : memref<4000000x16xf32, #tpu.memory_space<hbm>> -> memref<4000000x16xf32, #tpu.memory_space<hbm>>
      tpu.enqueue_indirect_dma source(%dma_start3A_439 : memref<4000000x16xf32, #tpu.memory_space<hbm>>) target(%dma_start3A_434 : memref<128x16xf32, #tpu.memory_space<vmem>>) offsets(%dma_start3A_436 : memref<128xi32, #tpu.memory_space<vmem>>) semaphore(%arg14 : memref<!tpu.dma_semaphore, #tpu.memory_space<semaphore_mem>>)
      %dma_start3A_440 = arith.constant 2176 : i32
      %dma_start3A_441 = arith.constant 0 : i32
      %dma_start3A_442 = tpu.memref_slice %arg10[%dma_start3A_440, %dma_start3A_441] : memref<2560x16xf32, #tpu.memory_space<vmem>> -> memref<128x16xf32, #tpu.memory_space<vmem>>
      %dma_start3A_443 = arith.constant 2176 : i32
      %dma_start3A_444 = tpu.memref_slice %arg8[%dma_start3A_443] : memref<2560xi32, #tpu.memory_space<vmem>> -> memref<128xi32, #tpu.memory_space<vmem>>
      %dma_start3A_445 = arith.constant 0 : i32
      %dma_start3A_446 = arith.constant 0 : i32
      %dma_start3A_447 = tpu.memref_slice %arg3[%dma_start3A_445, %dma_start3A_446] : memref<4000000x16xf32, #tpu.memory_space<hbm>> -> memref<4000000x16xf32, #tpu.memory_space<hbm>>
      tpu.enqueue_indirect_dma source(%dma_start3A_447 : memref<4000000x16xf32, #tpu.memory_space<hbm>>) target(%dma_start3A_442 : memref<128x16xf32, #tpu.memory_space<vmem>>) offsets(%dma_start3A_444 : memref<128xi32, #tpu.memory_space<vmem>>) semaphore(%arg14 : memref<!tpu.dma_semaphore, #tpu.memory_space<semaphore_mem>>)
      %dma_start3A_448 = arith.constant 2304 : i32
      %dma_start3A_449 = arith.constant 0 : i32
      %dma_start3A_450 = tpu.memref_slice %arg10[%dma_start3A_448, %dma_start3A_449] : memref<2560x16xf32, #tpu.memory_space<vmem>> -> memref<128x16xf32, #tpu.memory_space<vmem>>
      %dma_start3A_451 = arith.constant 2304 : i32
      %dma_start3A_452 = tpu.memref_slice %arg8[%dma_start3A_451] : memref<2560xi32, #tpu.memory_space<vmem>> -> memref<128xi32, #tpu.memory_space<vmem>>
      %dma_start3A_453 = arith.constant 0 : i32
      %dma_start3A_454 = arith.constant 0 : i32
      %dma_start3A_455 = tpu.memref_slice %arg3[%dma_start3A_453, %dma_start3A_454] : memref<4000000x16xf32, #tpu.memory_space<hbm>> -> memref<4000000x16xf32, #tpu.memory_space<hbm>>
      tpu.enqueue_indirect_dma source(%dma_start3A_455 : memref<4000000x16xf32, #tpu.memory_space<hbm>>) target(%dma_start3A_450 : memref<128x16xf32, #tpu.memory_space<vmem>>) offsets(%dma_start3A_452 : memref<128xi32, #tpu.memory_space<vmem>>) semaphore(%arg14 : memref<!tpu.dma_semaphore, #tpu.memory_space<semaphore_mem>>)
      %dma_start3A_456 = arith.constant 2432 : i32
      %dma_start3A_457 = arith.constant 0 : i32
      %dma_start3A_458 = tpu.memref_slice %arg10[%dma_start3A_456, %dma_start3A_457] : memref<2560x16xf32, #tpu.memory_space<vmem>> -> memref<128x16xf32, #tpu.memory_space<vmem>>
      %dma_start3A_459 = arith.constant 2432 : i32
      %dma_start3A_460 = tpu.memref_slice %arg8[%dma_start3A_459] : memref<2560xi32, #tpu.memory_space<vmem>> -> memref<128xi32, #tpu.memory_space<vmem>>
      %dma_start3A_461 = arith.constant 0 : i32
      %dma_start3A_462 = arith.constant 0 : i32
      %dma_start3A_463 = tpu.memref_slice %arg3[%dma_start3A_461, %dma_start3A_462] : memref<4000000x16xf32, #tpu.memory_space<hbm>> -> memref<4000000x16xf32, #tpu.memory_space<hbm>>
      tpu.enqueue_indirect_dma source(%dma_start3A_463 : memref<4000000x16xf32, #tpu.memory_space<hbm>>) target(%dma_start3A_458 : memref<128x16xf32, #tpu.memory_space<vmem>>) offsets(%dma_start3A_460 : memref<128xi32, #tpu.memory_space<vmem>>) semaphore(%arg14 : memref<!tpu.dma_semaphore, #tpu.memory_space<semaphore_mem>>)
      %while3A_464 = arith.constant 0 : i32
      scf.yield %while3A_464 : i32
    }
    %dma_wait3A = arith.constant 0 : i32
    %dma_wait3A_22 = arith.constant 0 : i32
    %dma_wait3A_23 = tpu.memref_slice %arg3[%dma_wait3A, %dma_wait3A_22] : memref<4000000x16xf32, #tpu.memory_space<hbm>> -> memref<4000000x16xf32, #tpu.memory_space<hbm>>
    tpu.wait_indirect_dma semaphore(%arg14 : memref<!tpu.dma_semaphore, #tpu.memory_space<semaphore_mem>>) src(%dma_wait3A_23 : memref<4000000x16xf32, #tpu.memory_space<hbm>>) dst(%arg10 : memref<2560x16xf32, #tpu.memory_space<vmem>>)
    %mul3A_24 = arith.constant 9 : i32
    %mul3A_25 = arith.constant 640 : i32
    %mul3A_26 = arith.muli %mul3A_24, %mul3A_25 : i32
    %add3A_27 = arith.addi %mul3A_2, %mul3A_26 : i32
    %mul3A_28 = arith.constant 4 : i32
    %mul3A_29 = arith.muli %add3A_27, %mul3A_28 : i32
    %dma_start3A_30 = arith.constant 0 : i32
    %dma_start3A_31 = tpu.memref_slice %arg4[%mul3A_29, %dma_start3A_30] : memref<819200x16xf32, #tpu.memory_space<hbm>> -> memref<2560x16xf32, #tpu.memory_space<hbm>>
    %dma_start3A_32 = arith.constant 0 : i32
    %dma_start3A_33 = tpu.memref_slice %arg4[%mul3A_29, %dma_start3A_32] : memref<819200x16xf32, #tpu.memory_space<hbm>> -> memref<2560x16xf32, #tpu.memory_space<hbm>>
    tpu.enqueue_dma source(%arg10 : memref<2560x16xf32, #tpu.memory_space<vmem>>) target(%dma_start3A_33 : memref<2560x16xf32, #tpu.memory_space<hbm>>) target_semaphore(%arg16 : memref<!tpu.dma_semaphore, #tpu.memory_space<semaphore_mem>>)
    %sub3A = arith.constant 9 : i32
    %sub3A_34 = arith.constant 1 : i32
    %sub3A_35 = arith.subi %sub3A, %sub3A_34 : i32
    %mul3A_36 = arith.constant 640 : i32
    %mul3A_37 = arith.muli %sub3A_35, %mul3A_36 : i32
    %add3A_38 = arith.addi %mul3A_2, %mul3A_37 : i32
    %mul3A_39 = arith.constant 4 : i32
    %mul3A_40 = arith.muli %add3A_38, %mul3A_39 : i32
    %dma_wait3A_41 = arith.constant 0 : i32
    %dma_wait3A_42 = tpu.memref_slice %arg4[%mul3A_40, %dma_wait3A_41] : memref<819200x16xf32, #tpu.memory_space<hbm>> -> memref<2560x16xf32, #tpu.memory_space<hbm>>
    %dma_wait3A_43 = arith.constant 0 : i32
    %dma_wait3A_44 = tpu.memref_slice %arg4[%mul3A_40, %dma_wait3A_43] : memref<819200x16xf32, #tpu.memory_space<hbm>> -> memref<2560x16xf32, #tpu.memory_space<hbm>>
    tpu.wait_dma2 semaphore(%arg15 : memref<!tpu.dma_semaphore, #tpu.memory_space<semaphore_mem>>) src(%arg9 : memref<2560x16xf32, #tpu.memory_space<vmem>>) dst(%dma_wait3A_44 : memref<2560x16xf32, #tpu.memory_space<hbm>>)
    %mul3A_45 = arith.constant 9 : i32
    %mul3A_46 = arith.constant 640 : i32
    %mul3A_47 = arith.muli %mul3A_45, %mul3A_46 : i32
    %add3A_48 = arith.addi %mul3A_2, %mul3A_47 : i32
    %mul3A_49 = arith.constant 4 : i32
    %mul3A_50 = arith.muli %add3A_48, %mul3A_49 : i32
    %dma_wait3A_51 = arith.constant 0 : i32
    %dma_wait3A_52 = tpu.memref_slice %arg4[%mul3A_50, %dma_wait3A_51] : memref<819200x16xf32, #tpu.memory_space<hbm>> -> memref<2560x16xf32, #tpu.memory_space<hbm>>
    %dma_wait3A_53 = arith.constant 0 : i32
    %dma_wait3A_54 = tpu.memref_slice %arg4[%mul3A_50, %dma_wait3A_53] : memref<819200x16xf32, #tpu.memory_space<hbm>> -> memref<2560x16xf32, #tpu.memory_space<hbm>>
    tpu.wait_dma2 semaphore(%arg16 : memref<!tpu.dma_semaphore, #tpu.memory_space<semaphore_mem>>) src(%arg10 : memref<2560x16xf32, #tpu.memory_space<vmem>>) dst(%dma_wait3A_54 : memref<2560x16xf32, #tpu.memory_space<hbm>>)
    return
  }
}

</mosaic_0001>

<sc_bundles>
// kernel: kernel.4.cloned.1.call-start
scs
__scs_entry_jumppad:
0x0: {  	(pc) =	sbr.rel $0x88, $3  }
0x1: {  	(tag) =	ssettag $0x0;
	lr =	simm.s32 $0x1  }
0x2: {  	[smem:$0x3F9F] =	sst lr;
	_ =	strace $0xD0000000  }
0x3: {  	_ = 	snop  }
0x4: {  	_ = 	snop  }
0x5: {  	_ = 	snop  }
0x6: {  	_ = 	snop  }
0x7: {  	_ = 	snop  }
__scs_overlays_trampoline_lowered:
0x8: {  	[smem:$0x3FAE] =	sst s0  }
0x9: {  	[smem:$0x3FAF] =	sst s1  }
0xa: {  	[smem:$0x3FB0] =	sst s2  }
0xb: {  	[smem:$0x3FB1] =	sst s3  }
0xc: {  	[smem:$0x3FB2] =	sst s4  }
0xd: {  	[smem:$0x3FB3] =	sst s5  }
0xe: {  	[smem:$0x3FB4] =	sst s6  }
0xf: {  	[smem:$0x3FB5] =	sst s7  }
0x10: {  	[smem:$0x3FB6] =	sst s8  }
0x11: {  	[smem:$0x3FB7] =	sst s9;
	s0 =	simm.s32 @!p0 $0x0  }
0x12: {  	s1 =	sld [smem:$0x3F9D];
	s0 =	simm.s32 @p0 $0x1  }
0x13: {  	[smem:$0x3FB8] =	sst s0;
	s0 =	simm.s32 @!p1 $0x0  }
0x14: {  	s2 =	sld [smem:$0x3F9C];
	s0 =	simm.s32 @p1 $0x1  }
0x15: {  	[smem:$0x3FB9] =	sst s0;
	s0 =	simm.s32 @!p2 $0x0  }
0x16: {  	s3 =	sld [smem:$0x3FDB];
	s0 =	simm.s32 @p2 $0x1  }
0x17: {  	s4 =	simm.s32 $0x1BF5;
	[smem:$0x3FBB] =	sst s0  }
0x18: {  	s0 =	sld [smem:$0x3F9E];
	_ =	swait.ge [sflag:s4], $0x0  }
0x19: {  	s7 =	sld [smem:$0x3F9F]  }
0x1a: {  	s8 =	sadd.s32 $0xFFFFE003, lr  }
0x1b: {  	s9 =	sadd.s32 $0xFFFFFEF7, lr;
	s5 =	simm.s32 $0xFFFFFFFF;
	p2 =	slt.u32 s8, $0xFFFFF086  }
0x1c: {  	p1 =	slt.u32 s9, $0xF7A;
	s5 =	simm.s32 @!p2 $0x0  }
0x1d: {  	s5 =	simm.s32 @p1 $0x1;
	p0 =	seq.s32 s7, s2  }
0x1e: {  	s7 =	smul.u32 @!p0 $0xF7A, s2;
	p2 =	seq.s32 @!p0 s5, $0x0  }
0x1f: {  	s9 =	smul.u32 $0xF7A, s1;
	s8 =	simm.s32 @!p0 $0x1BF5;
	p2 =	por !p2, p0  }
0x20: {  	[sflag:s8] =	ssyncset.s32 @!p0 $0xFFFFF086;
	s6 =	sadd.s32 @!p0 s3, s7;
	s7 =	simm.s32 @!p0 $0x108  }
0x21: {  	s3 =	sadd.s32 s3, s9;
	s6 =	sadd.s32 @!p0 $0x88, s6;
	s7 =	simm.s32 @p2 $0x1082  }
0x22: {  	[simem:s7], [sflag:s8] =	dma.local @!p0 [hbm:s6], $0xF7A  }
0x23: {  	s9 =	sor.u32 $0xD0000000, s2;
	s6 =	simm.s32 $0x108;
	_ =	swait.ge @!p0 [sflag:s8], $0x0  }
0x24: {  	s3 =	sadd.s32 $0x88, s3;
	s6 =	simm.s32 @!p1 $0x1082;
	[sflag:s4] =	ssyncset.s32 $0xFFFFF086  }
0x25: {  	[simem:s6], [sflag:s4] =	dma.local [hbm:s3], $0xF7A  }
0x26: {  	[smem:$0x3F9F] =	sst s1;
	(tag) =	ssettag s2;
	_ =	strace s9  }
0x27: {  	s1 =	sld [smem:$0x3FAF]  }
0x28: {  	s2 =	sld [smem:$0x3FB0]  }
0x29: {  	s4 =	sld [smem:$0x3FB2]  }
0x2a: {  	p0 =	seq.s32 s5, $0x0;
	s5 =	sld [smem:$0x3FB3]  }
0x2b: {  	s6 =	sld [smem:$0x3FB4]  }
0x2c: {  	s7 =	sld [smem:$0x3FB5]  }
0x2d: {  	s3 =	simm.s32 $0x108;
	s8 =	sld [smem:$0x3FB6]  }
0x2e: {  	s3 =	simm.s32 @!p0 $0x1082;
	s9 =	sld [smem:$0x3FB7]  }
0x2f: {  	lr =	sadd.s32 s0, s3;
	s0 =	sld [smem:$0x3FAE]  }
0x30: {  	s3 =	sld [smem:$0x3FB1]  }
0x31: {  	[smem:$0x3FBA] =	sst s10  }
0x32: {  	s10 =	sld [smem:$0x3FB8];
	_ =	sdelay $0x3  }
0x33: {  	p0 =	seq.s32 s10, $0x1;
	s10 =	sld [smem:$0x3FBA];
	_ =	sdelay $0x3  }
0x34: {  	[smem:$0x3FBA] =	sst s10  }
0x35: {  	s10 =	sld [smem:$0x3FB9];
	_ =	sdelay $0x3  }
0x36: {  	p1 =	seq.s32 s10, $0x1;
	s10 =	sld [smem:$0x3FBA];
	_ =	sdelay $0x3  }
0x37: {  	[smem:$0x3FBA] =	sst s10  }
0x38: {  	s10 =	sld [smem:$0x3FBB]  }
0x39: {  	_ = 	snop;
	(pc) =	sbr.ind lr, $3  }
0x3a: {  	_ = 	snop  }
0x3b: {  	_ = 	snop  }
0x3c: {  	p2 =	seq.s32 s10, $0x1;
	s10 =	sld [smem:$0x3FBA]  }
0x3d: {  	_ =	shalt  }
0x3e: {  	_ =	shalt  }
0x3f: {  	_ =	shalt  }
0x40: {  	_ =	shalt  }
0x41: {  	_ =	shalt  }
0x42: {  	_ =	shalt  }
0x43: {  	_ =	shalt  }
0x44: {  	_ =	shalt  }
0x45: {  	_ =	shalt  }
0x46: {  	_ =	shalt  }
0x47: {  	_ =	shalt  }
0x48: {  	_ =	shalt  }
0x49: {  	_ =	shalt  }
0x4a: {  	_ =	shalt  }
0x4b: {  	_ =	shalt  }
0x4c: {  	_ =	shalt  }
0x4d: {  	_ =	shalt  }
0x4e: {  	_ =	shalt  }
0x4f: {  	_ =	shalt  }
0x50: {  	_ =	shalt  }
0x51: {  	_ =	shalt  }
0x52: {  	_ =	shalt  }
0x53: {  	_ =	shalt  }
0x54: {  	_ =	shalt  }
0x55: {  	_ =	shalt  }
0x56: {  	_ =	shalt  }
0x57: {  	_ =	shalt  }
0x58: {  	_ =	shalt  }
0x59: {  	_ =	shalt  }
0x5a: {  	_ =	shalt  }
0x5b: {  	_ =	shalt  }
0x5c: {  	_ =	shalt  }
0x5d: {  	_ =	shalt  }
0x5e: {  	_ =	shalt  }
0x5f: {  	_ =	shalt  }
0x60: {  	_ =	shalt  }
0x61: {  	_ =	shalt  }
0x62: {  	_ =	shalt  }
0x63: {  	_ =	shalt  }
0x64: {  	_ =	shalt  }
0x65: {  	_ =	shalt  }
0x66: {  	_ =	shalt  }
0x67: {  	_ =	shalt  }
0x68: {  	_ =	shalt  }
0x69: {  	_ =	shalt  }
0x6a: {  	_ =	shalt  }
0x6b: {  	_ =	shalt  }
0x6c: {  	_ =	shalt  }
0x6d: {  	_ =	shalt  }
0x6e: {  	_ =	shalt  }
0x6f: {  	_ =	shalt  }
0x70: {  	_ =	shalt  }
0x71: {  	_ =	shalt  }
0x72: {  	_ =	shalt  }
0x73: {  	_ =	shalt  }
0x74: {  	_ =	shalt  }
0x75: {  	_ =	shalt  }
0x76: {  	_ =	shalt  }
0x77: {  	_ =	shalt  }
0x78: {  	_ =	shalt  }
0x79: {  	_ =	shalt  }
0x7a: {  	_ =	shalt  }
0x7b: {  	_ =	shalt  }
0x7c: {  	_ =	shalt  }
0x7d: {  	_ =	shalt  }
0x7e: {  	_ =	shalt  }
0x7f: {  	_ =	shalt  }
0x80: {  	_ =	shalt  }
0x81: {  	_ =	shalt  }
0x82: {  	_ =	shalt  }
0x83: {  	_ =	shalt  }
0x84: {  	_ =	shalt  }
0x85: {  	_ =	shalt  }
0x86: {  	_ =	shalt  }
0x87: {  	_ =	shalt  }
.Lfunc_end0:
.L_simem_size_0:
called_computation.1_lowered:
.L_overlay_start_0:
0x88: {  	s2 =	sld [smem:$0x3FD9]  }
0x89: {  	s3 =	sld [smem:$0x3FFE];
	_ =	sdelay $0x1  }
0x8a: {  	s1 =	srdreg.scid  }
0x8b: {  	s0 =	sand.u32 $0x1, s1  }
0x8c: {  	s17 =	sshll.u32 s0, $0xA;
	s2 =	sadd.s32 s3, s2  }
0x8d: {  	s2 =	sadd.s32 s2, s17  }
0x8e: {  	[smem:$0x3FC6] =	sst s2  }
0x8f: {  	_ = 	snop  }
0x90: {  	s2 =	sld [smem:$0x3FC8]  }
0x91: {  	s18 =	sld [smem:$0x3FD0];
	(tm) =	ssettm $0x1  }
0x92: {  	s4 =	sld [smem:$0x3FFB];
	_ =	sdelay $0x3  }
0x93: {  	_ =	strace s4  }
0x94: {  	s4 =	sld [smem:$0x3FFC];
	_ =	sdelay $0x3  }
0x95: {  	_ =	strace s4  }
0x96: {  	s4 =	sld [smem:$0x3FFD];
	_ =	sdelay $0x3  }
0x97: {  	_ =	strace s4  }
0x98: {  	_ =	strace $0x8FFFFFFF  }
0x99: {  	s19 =	sld [smem:$0x3FDB];
	_ =	sdelay $0x1  }
0x9a: {  	s5 =	simm.s32 $_scs_section_size  }
0x9b: {  	s6 =	simm.s32 $_size__tile_overlayer_lowered;
	s7 =	simm.s32 $_tile_overlayer_lowered  }
0x9c: {  	s22 =	simm.s32 $0x1BFF;
	s21 =	sshll.u32 s7, $0x1;
	s4 =	sadd.s32 s5, s19  }
0x9d: {  	s8 =	simm.s32 $0x0;
	s20 =	sshll.u32 s6, $0x1;
	s6 =	sadd.s32 s21, s4  }
0x9e: {  	[timem:s8], [sflag:s22] =	dma.local [hbm:s6], s20  }
0x9f: {  	_ =	swait.ge [sflag:s22], s20  }
0xa0: {  	s5 =	ssub.s32 $0x0, s20;
	[sflag:s22] =	ssyncset.done $0x0  }
0xa1: {  	[sflag:s22] =	ssyncadd.s32 s5;
	_ =	sdelay $0x1  }
0xa2: {  	s23 =	simm.s32 $0x1B8B  }
0xa3: {  	_ =	swait.ge [sflag:s23], $0x1  }
0xa4: {  	[sflag:s23] =	ssyncset.done $0x0  }
0xa5: {  	s25 =	simm.s32 $0x1B8E;
	s24 =	sld [smem:$0x3FFE];
	[sflag:s23] =	ssyncadd.s32 $0xFFFFFFFF  }
0xa6: {  	s26 =	simm.s32 $execute0_lowered;
	[smem:$0x3FD2] =	sst s25  }
0xa7: {  	s6 =	sshll.u32 s26, $0x1;
	_ =	strace $0x80000046;
	[dreg:$0x1] =	wrdreg $0xFFFFFFFF  }
0xa8: {  	s28 =	simm.s32 $_size_execute0_lowered;
	s4 =	sadd.s32 s4, s6;
	[dreg:$0x0] =	wrdreg $0x0  }
0xa9: {  	s6 =	sshll.u32 s28, $0x1;
	[dreg:$0x2] =	wrdreg s4  }
0xaa: {  	[dreg:$0x3] =	wrdreg s6  }
0xab: {  	[dreg:$0x4] =	wrdreg $0xC0  }
0xac: {  	_ =	task [dreg:s8], $0x5FFFF  }
0xad: {  	[dreg:$0x1] =	wrdreg $0xFFFFFFFF  }
0xae: {  	[dreg:$0x0] =	wrdreg $0x60  }
0xaf: {  	[dreg:$0x2] =	wrdreg s2  }
0xb0: {  	[dreg:$0x3] =	wrdreg s18  }
0xb1: {  	[dreg:$0x4] =	wrdreg s24  }
0xb2: {  	[dreg:$0x5] =	wrdreg $0x9  }
0xb3: {  	_ =	task.clear_ibuf [dreg:s8], $0x6FFFF;
	_ =	strace $0x90000046  }
0xb4: {  	s29 =	simm.s32 $0x9;
	_ =	strace $0x80000048  }
0xb5: {  	_ =	swait.ge [sflag:s29], $0x1  }
0xb6: {  	[sflag:s29] =	ssyncadd.s32 $0xFFFFFFFF  }
0xb7: {  	_ =	strace $0x90000048  }
0xb8: {  	_ =	sfence  }
0xb9: {  	s30 =	sld [smem:$0x0];
	_ =	sdelay $0x2  }
0xba: {  	s31 =	sshll.u32 s1, $0xD;
	s1 =	sshrl.u32 s1, $0x2  }
0xbb: {  	s3 =	sand.u32 $0x4000, s31;
	s1 =	sadd.s32 s1, s30  }
0xbc: {  	s0 =	sor.u32 s3, s0;
	s1 =	sshll.u32 s1, $0x11  }
0xbd: {  	s0 =	sor.u32 s1, s0  }
0xbe: {  	s0 =	sadd.s32 $0x8F2B, s0  }
0xbf: {  	[sflag:s0] =	ssyncadd.remote.s32 $0x1  }
0xc0: {  	_ =	sfence.sel $0xFFFF  }
0xc1: {  	[dreg:$0x0] =	wrdreg $0xFFFFFFFF;
	(pc) =	sbr.abs _section_cstart, $3  }
0xc2: {  	[dreg:$0x1] =	wrdreg $0xFFFFFFFF  }
0xc3: {  	_ =	task.clear_ibuf [dreg:s8], $0x2FFFF;
	_ =	strace $0x9FFFFFFF  }
0xc4: {  	(tm) =	ssettm $0x7FFFFFFF  }
0xc5: {  	_ =	shalt  }
tec
execute0_lowered:
.L_overlay_start_1:
0x0: {  	(tag) =	ssettag $0x1  }
0x1: {  	s0 =	srdreg.scid;
	s11 =	rddreg [dreg:$0x1]  }
0x2: {  	s1 =	stileid.u32;
	s4 =	rddreg [dreg:$0x2]  }
0x3: {  	v0 =	vimm.s32 $0x1780;
	vm0 =	vcmask $0x300;
	s15 =	simm.s32 $0x1400;
	s16 =	simm.s32 $0x1;
	s17 =	simm.s32 $0x2800  }
0x4: {  	vm14 =	vcmask $0x704;
	s18 =	simm.s32 $0x3C00;
	s19 =	simm.s32 $0x5000;
	s20 =	simm.s32 $0x2;
	v0 =	vsel vm0, $0x0, v0  }
0x5: {  	vm15 =	vcmask $0xB08;
	s21 =	simm.s32 $0x7000;
	s22 =	simm.s32 $0x3;
	s23 =	simm.s32 $0x4;
	v0 =	vsel vm14, $0x80, v0  }
0x6: {  	vm4 =	vcmask $0xF0C;
	s24 =	simm.s32 $0x5;
	s28 =	simm.s32 $0x9000;
	s29 =	simm.s32 $0x0;
	v0 =	vsel vm15, $0x100, v0  }
0x7: {  	vm5 =	vcmask $0x1310;
	s2 =	sand.u32 $0x1, s0;
	s26 =	sshll.u32 s1, $0x1;
	s9 =	sshrl.u32 s1, $0x2;
	v0 =	vsel vm4, $0x180, v0  }
0x8: {  	vm6 =	vcmask $0x1714;
	s1 =	rddreg [dreg:$0x0];
	s4 =	sadd.s32 $0xC00, s4;
	s10 =	smul.u32 $0xF42800, s9;
	v0 =	vsel vm5, $0x200, v0  }
0x9: {  	vm7 =	vcmask $0x1B18;
	s0 =	sor.u32 s2, s26;
	s3 =	sshll.u32 s9, $0x3;
	s7 =	smul.u32 $0xF4240, s9;
	v0 =	vsel vm6, $0x280, v0  }
0xa: {  	vm8 =	vcmask $0x1F1C;
	s2 =	ssub.s32 $0x2, s2;
	s13 =	smul.u32 $0xF42400, s9;
	s31 =	sshll.u32 s9, $0x4;
	v0 =	vsel vm7, $0x300, v0  }
0xb: {  	vm9 =	vcmask $0x2320;
	vm10 =	vcmask $0x2724;
	s26 =	simm.s32 $0x200;
	s0 =	ssub.s32 s0, s3;
	s3 =	simm.s32 $0x0;
	v0 =	vsel vm8, $0x380, v0  }
0xc: {  	vm11 =	vcmask $0x2B28;
	v1 =	vlaneseq.u32;
	s8 =	sshrl.u32 s2, $0x1;
	s11 =	sadd.s32 s11, s31;
	s6 =	smul.u32 $0x1E800, s0;
	v0 =	vsel vm9, $0x1400, v0  }
0xd: {  	vm12 =	vcmask $0x2F2C;
	vm13 =	vcmask $0x3330;
	[smem:$0x7FF] =	sst s3;
	s5 =	smul.u32 $0xF4000, s0;
	s2 =	ssub.s32 s2, s8;
	v0 =	vsel vm10, $0x1480, v0  }
0xe: {  	vm14 =	vcmask $0x3734;
	s30 =	sshrl.u32 s13, $0x3;
	p0 =	sne.s32 s0, $0x7;
	_ =	strace $0x80000047;
	v2 =	vsel vm11, $0x1500, v0;
	v0 =	vmul.u32 $0x11, v1  }
.Ltmp0:
0xf: {  	vm15 =	vcmask $0x3B38;
	s13 =	smax.u32 s2, $0x1;
	s5 =	sadd.s32 s10, s5;
	v1 =	vadd.s32 $0xFFFFFFF1, v1;
	v2 =	vsel vm12, $0x1580, v2;
	(pc) =	sbr.rel .LBB2_1-.Ltmp0, $4  }
0x10: {  	s7 =	sadd.s32 s7, s6;
	s10 =	sshrl.u32 s10, $0x3;
	s12 =	sshrl.u32 s5, $0x3;
	v3 =	vsel vm13, $0x1600, v2;
	v2 =	vadd.s32 $0xFFFFFF10, v0;
	v4 =	vadd.s32 $0x10, v0  }
0x11: {  	s10 =	sadd.s32 s1, s10;
	s6 =	sadd.s32 s1, s12;
	s12 =	sadd.s32 s4, s30;
	v5 =	vadd.s32 $0x20, v0;
	v6 =	vadd.s32 $0x30, v0;
	v7 =	vadd.s32 $0x40, v0  }
0x12: {  	s8 =	sadd.s32 $0x2000, s5;
	s9 =	sadd.s32 $0xF4000, s10;
	s10 =	sadd.s32 $0x1E8000, s12;
	v8 =	vadd.s32 $0x50, v0;
	v9 =	vadd.s32 $0x60, v0;
	v3 =	vsel vm14, $0x1680, v3  }
0x13: {  	s7 =	sshll.u32 s7, $0x4;
	s12 =	sadd.s32 $0x1E8400, s12;
	s14 =	sadd.s32 $0xF4280, s6;
	v10 =	vadd.s32 $0x70, v0;
	v11 =	vor.u32 $0x1F00, v0;
	v3 =	vsel vm15, $0x1700, v3  }
.LBB2_31:
0x14: {  	s29 =	sadd.s32 $0x1, s29  }
0x15: {  	p1 =	sne.s32 s29, s13  }
.Ltmp1:
0x16: {  	_ = 	snop;
	(pc) =	sbr.rel @!p1 .LBB2_32-.Ltmp1, $1  }
0x17: {  	_ =	sdelay $0x3  }
.LBB2_1:
0x18: {  	[tilespmem:s3], [sflag:$0x1] =	stream.linear.gather [hbm4b:s6+s3], $0x1000, $0x38;
	[tilespmem:$0x9400] =	vst v63  }
0x19: {  	s30 =	simm.s32 $0x0  }
0x1a: {  	[tilespmem:s15], [sflag:$0x1] =	stream.linear.gather [hbm4b:s14+s3], $0x1000, $0x38;
	[tilespmem:$0x9400] =	vst v63  }
.LBB2_2:
0x1b: {  	s31 =	sshllo.u32 s30, $0x1  }
0x1c: {  	s0 =	sshll.u32 s31, $0xC  }
0x1d: {  	_ =	swait.ge [sflag:s16], $0x2000;
	vm0 =	vgt.s32 v1, $0x0;
	s0 =	sadd.s32 s0, s5  }
0x1e: {  	[sflag:s16] =	ssyncset.done $0x0;
	v12 =	vnsel vm0, $0x0, v1;
	s0 =	sshrl.u32 s0, $0x3  }
0x1f: {  	[sflag:s16] =	ssyncadd.s32 $0xFFFFE000;
	v13 =	vshll.u32 v12, $0x3;
	s0 =	sadd.s32 s1, s0  }
0x20: {  	v12 =	vand.u32 $0x7F, v12;
	v13 =	vand.u32 $0xFFFFFC00, v13;
	[tilespmem:s17], [sflag:$0x2] =	stream.linear.gather [hbm4b:s0+s3], $0x1000, $0x38;
	[tilespmem:$0x9400] =	vst v63  }
0x21: {  	p1 =	seq.s32 s30, $0x0;
	v13 =	vor.u32 v12, v13;
	s0 =	sadd.s32 $0xF4280, s0  }
0x22: {  	v12 =	vadd.s32 $0x1, v1;
	v13 =	vadd.s32 v3, v13;
	[tilespmem:s18], [sflag:$0x2] =	stream.linear.gather [hbm4b:s0+s3], $0x1000, $0x38;
	[tilespmem:$0x9400] =	vst v63  }
0x23: {  	vm0 =	vgt.s32 v12, $0x0;
	s0 =	simm.s32 @!p1 $0x3  }
0x24: {  	v14 =	vnsel vm0, $0x0, v12;
	_ =	swait.ge @!p1 [sflag:s0], $0x2000  }
0x25: {  	v15 =	vshll.u32 v14, $0x3;
	[sflag:s0] =	ssyncset.done @!p1 $0x0  }
0x26: {  	vm0 =	vgt.s32 v1, $0xFFFFFFFF;
	v14 =	vand.u32 $0x7F, v14;
	v15 =	vand.u32 $0xFFFFFC00, v15;
	[sflag:s0] =	ssyncadd.s32 @!p1 $0xFFFFE000;
	s0 =	simm.s32 $0x0  }
0x27: {  	v16 =	vmov v2;
	v14 =	vor.u32 v14, v15;
	v19 =	vld.idx.msk [tilespmem:v13+s0+$0x0], $0xffff  }
0x28: {  	v17 =	vadd.s32 v3, v14  }
0x29: {  	v15 =	vadd.s32 $0x1, v12  }
0x2a: {  	s2 =	simm.s32 $0xC;
	v18 =	vmov v12;
	vm1 =	vgt.s32 v15, $0x0  }
.LBB2_3:
0x2b: {  	p1 =	sne.s32 s2, $0x1;
	v20 =	vnsel vm1, $0x0, v15  }
0x2c: {  	v21 =	vshll.u32 v20, $0x3;
	[tilespmem:v16+s19+$0x0] =	vst.idx.msk vm0, v19  }
.Ltmp2:
0x2d: {  	v20 =	vand.u32 $0x7F, v20;
	vm0 =	vgt.s32 v18, $0xFFFFFFFF;
	v18 =	vmovc v15;
	v21 =	vand.u32 $0xFFFFFC00, v21;
	v19 =	vld.idx.msk [tilespmem:v17+s0+$0x0], $0xffff;
	(pc) =	sbr.rel @p1 .LBB2_3-.Ltmp2, $4  }
0x2e: {  	v16 =	vadd.s32 $0x10, v16;
	v17 =	vor.u32 v20, v21  }
0x2f: {  	v17 =	vadd.s32 v3, v17  }
0x30: {  	v15 =	vadd.s32 $0x1, v15  }
0x31: {  	s2 =	sadd.s32 $0xFFFFFFFF, s2;
	vm1 =	vgt.s32 v15, $0x0  }
0x32: {  	_ =	sdelay $0x2  }
0x33: {  	v20 =	vnsel vm1, $0x0, v15  }
0x34: {  	v21 =	vshll.u32 v20, $0x3  }
0x35: {  	s25 =	simm.s32 $0x0;
	[tilespmem:v16+s19+$0x0] =	vst.idx.msk vm0, v19;
	vm14 =	vgt.s32 v18, $0xFFFFFFFF;
	v19 =	vand.u32 $0x7F, v20;
	v63 =	vand.u32 $0xFFFFFC00, v21  }
0x36: {  	v16 =	vadd.s32 $0x10, v16;
	v17 =	vld.idx.msk [tilespmem:v17+s25+$0x0], $0xffff;
	v18 =	vor.u32 v19, v63  }
0x37: {  	v18 =	vadd.s32 v3, v18;
	_ =	sdelay $0x3  }
0x38: {  	vm15 =	vgt.s32 v15, $0xFFFFFFFF;
	[tilespmem:v16+s19+$0x0] =	vst.idx.msk vm14, v17  }
0x39: {  	p2 =	por $0x1, $0x1;
	v16 =	vadd.s32 $0x10, v16;
	v17 =	vld.idx.msk [tilespmem:v18+s25+$0x0], $0xffff  }
.Ltmp3:
0x3a: {  	_ = 	snop;
	(pc) =	sbr.rel @!p2 .LBB2_5-.Ltmp3, $3  }
0x3b: {  	_ =	sdelay $0x1  }
0x3c: {  	v15 =	vadd.s32 $0x1, v15  }
0x3d: {  	s2 =	simm.s32 $0x200;
	p1 =	por $0x0, $0x0;
	[tilespmem:v16+s19+$0x0] =	vst.idx.msk vm15, v17;
	v17 =	vshll.u32 v15, $0x3  }
0x3e: {  	v16 =	vand.u32 $0x7F, v15;
	v17 =	vand.u32 $0xFFFFFC00, v17  }
0x3f: {  	v16 =	vor.u32 v16, v17  }
0x40: {  	v16 =	vadd.s32 v3, v16;
	_ =	sdelay $0x1  }
0x41: {  	v17 =	vadd.s32 $0x1, v15  }
0x42: {  	v18 =	vshll.u32 v17, $0x3  }
0x43: {  	v17 =	vand.u32 $0x7F, v17;
	v18 =	vand.u32 $0xFFFFFC00, v18  }
0x44: {  	v17 =	vor.u32 v17, v18;
	v16 =	vld.idx.msk [tilespmem:v16+s3+$0x0], $0xffff  }
0x45: {  	v17 =	vadd.s32 v3, v17;
	_ =	sdelay $0x1  }
0x46: {  	v18 =	vadd.s32 $0x2, v15  }
0x47: {  	s0 =	simm.s32 $0x0;
	v19 =	vshll.u32 v18, $0x3  }
0x48: {  	[tilespmem:v0+s0+$0x5000] =	vst.idx.msk $0xffff, v16;
	v16 =	vand.u32 $0x7F, v18;
	v18 =	vand.u32 $0xFFFFFC00, v19  }
0x49: {  	v17 =	vld.idx.msk [tilespmem:v17+s3+$0x0], $0xffff;
	v16 =	vor.u32 v16, v18  }
0x4a: {  	v16 =	vadd.s32 v3, v16;
	_ =	sdelay $0x1  }
0x4b: {  	v18 =	vadd.s32 $0x3, v15  }
0x4c: {  	v19 =	vshll.u32 v18, $0x3  }
0x4d: {  	[tilespmem:v4+s0+$0x5000] =	vst.idx.msk $0xffff, v17;
	v17 =	vand.u32 $0x7F, v18;
	v18 =	vand.u32 $0xFFFFFC00, v19  }
0x4e: {  	v16 =	vld.idx.msk [tilespmem:v16+s3+$0x0], $0xffff;
	v17 =	vor.u32 v17, v18  }
0x4f: {  	v17 =	vadd.s32 v3, v17;
	_ =	sdelay $0x1  }
0x50: {  	v18 =	vadd.s32 $0x4, v15  }
0x51: {  	v19 =	vshll.u32 v18, $0x3  }
0x52: {  	[tilespmem:v5+s0+$0x5000] =	vst.idx.msk $0xffff, v16;
	v16 =	vand.u32 $0x7F, v18;
	v18 =	vand.u32 $0xFFFFFC00, v19  }
0x53: {  	v17 =	vld.idx.msk [tilespmem:v17+s3+$0x0], $0xffff;
	v16 =	vor.u32 v16, v18  }
0x54: {  	v16 =	vadd.s32 v3, v16;
	_ =	sdelay $0x1  }
0x55: {  	v18 =	vadd.s32 $0x5, v15  }
0x56: {  	v19 =	vshll.u32 v18, $0x3  }
0x57: {  	[tilespmem:v6+s0+$0x5000] =	vst.idx.msk $0xffff, v17;
	v17 =	vand.u32 $0x7F, v18;
	v18 =	vand.u32 $0xFFFFFC00, v19  }
0x58: {  	v16 =	vld.idx.msk [tilespmem:v16+s3+$0x0], $0xffff;
	v17 =	vor.u32 v17, v18  }
0x59: {  	v17 =	vadd.s32 v3, v17;
	_ =	sdelay $0x1  }
0x5a: {  	v18 =	vadd.s32 $0x6, v15  }
0x5b: {  	v19 =	vshll.u32 v18, $0x3  }
0x5c: {  	[tilespmem:v7+s0+$0x5000] =	vst.idx.msk $0xffff, v16;
	v16 =	vand.u32 $0x7F, v18;
	v18 =	vand.u32 $0xFFFFFC00, v19  }
0x5d: {  	v17 =	vld.idx.msk [tilespmem:v17+s3+$0x0], $0xffff;
	v16 =	vor.u32 v16, v18  }
0x5e: {  	v16 =	vadd.s32 v3, v16;
	_ =	sdelay $0x3  }
0x5f: {  	[tilespmem:v8+s0+$0x5000] =	vst.idx.msk $0xffff, v17  }
0x60: {  	v18 =	vld.idx.msk [tilespmem:v16+s3+$0x0], $0xffff;
	v16 =	vadd.s32 $0x7, v15  }
0x61: {  	v17 =	vshll.u32 v16, $0x3  }
0x62: {  	v16 =	vand.u32 $0x7F, v16;
	v17 =	vand.u32 $0xFFFFFC00, v17  }
0x63: {  	p2 =	por $0x1, $0x1;
	v16 =	vor.u32 v16, v17  }
.Ltmp4:
0x64: {  	v16 =	vadd.s32 v3, v16;
	(pc) =	sbr.rel @!p2 .LBB2_7-.Ltmp4, $3  }
0x65: {  	_ =	sdelay $0x1  }
0x66: {  	v15 =	vadd.s32 $0x8, v15  }
0x67: {  	s25 =	simm.s32 $0x400;
	p1 =	por $0x1, $0x1;
	v17 =	vshll.u32 v15, $0x3;
	[tilespmem:v9+s0+$0x5000] =	vst.idx.msk $0xffff, v18  }
.LBB2_8:
0x68: {  	p2 =	sne.s32 s25, $0x7A00;
	v18 =	vand.u32 $0x7F, v15;
	v17 =	vand.u32 $0xFFFFFC00, v17;
	v16 =	vld.idx.msk [tilespmem:v16+s3+$0x0], $0xffff  }
0x69: {  	v17 =	vor.u32 v18, v17  }
0x6a: {  	v17 =	vadd.s32 v3, v17;
	_ =	sdelay $0x2  }
0x6b: {  	v18 =	vadd.s32 $0x1, v15  }
0x6c: {  	v19 =	vshll.u32 v18, $0x3;
	[tilespmem:v10+s0+$0x5000] =	vst.idx.msk $0xffff, v16  }
0x6d: {  	v16 =	vld.idx.msk [tilespmem:v17+s3+$0x0], $0xffff;
	v17 =	vand.u32 $0x7F, v18;
	v18 =	vand.u32 $0xFFFFFC00, v19  }
0x6e: {  	v17 =	vor.u32 v17, v18  }
0x6f: {  	v17 =	vadd.s32 v3, v17;
	_ =	sdelay $0x2  }
0x70: {  	s0 =	sshra.s32 s2, $0x2;
	s2 =	smov.u32 s25;
	v18 =	vadd.s32 $0x2, v15  }
0x71: {  	[tilespmem:v0+s0+$0x5000] =	vst.idx.msk $0xffff, v16;
	v16 =	vshll.u32 v18, $0x3  }
0x72: {  	v18 =	vand.u32 $0x7F, v18;
	v17 =	vld.idx.msk [tilespmem:v17+s3+$0x0], $0xffff;
	v16 =	vand.u32 $0xFFFFFC00, v16  }
0x73: {  	v16 =	vor.u32 v18, v16  }
0x74: {  	v16 =	vadd.s32 v3, v16;
	_ =	sdelay $0x2  }
0x75: {  	v18 =	vadd.s32 $0x3, v15  }
0x76: {  	[tilespmem:v4+s0+$0x5000] =	vst.idx.msk $0xffff, v17;
	v17 =	vshll.u32 v18, $0x3  }
0x77: {  	v18 =	vand.u32 $0x7F, v18;
	v16 =	vld.idx.msk [tilespmem:v16+s3+$0x0], $0xffff;
	v17 =	vand.u32 $0xFFFFFC00, v17  }
0x78: {  	v17 =	vor.u32 v18, v17  }
0x79: {  	v17 =	vadd.s32 v3, v17;
	_ =	sdelay $0x2  }
0x7a: {  	v18 =	vadd.s32 $0x4, v15  }
0x7b: {  	[tilespmem:v5+s0+$0x5000] =	vst.idx.msk $0xffff, v16;
	v16 =	vshll.u32 v18, $0x3  }
0x7c: {  	v18 =	vand.u32 $0x7F, v18;
	v17 =	vld.idx.msk [tilespmem:v17+s3+$0x0], $0xffff;
	v16 =	vand.u32 $0xFFFFFC00, v16  }
0x7d: {  	v16 =	vor.u32 v18, v16  }
0x7e: {  	v16 =	vadd.s32 v3, v16;
	_ =	sdelay $0x2  }
0x7f: {  	v18 =	vadd.s32 $0x5, v15  }
0x80: {  	[tilespmem:v6+s0+$0x5000] =	vst.idx.msk $0xffff, v17;
	v17 =	vshll.u32 v18, $0x3  }
0x81: {  	v18 =	vand.u32 $0x7F, v18;
	v16 =	vld.idx.msk [tilespmem:v16+s3+$0x0], $0xffff;
	v17 =	vand.u32 $0xFFFFFC00, v17  }
0x82: {  	v17 =	vor.u32 v18, v17  }
0x83: {  	v17 =	vadd.s32 v3, v17;
	_ =	sdelay $0x2  }
0x84: {  	v18 =	vadd.s32 $0x6, v15  }
0x85: {  	[tilespmem:v7+s0+$0x5000] =	vst.idx.msk $0xffff, v16;
	v16 =	vshll.u32 v18, $0x3  }
0x86: {  	v18 =	vand.u32 $0x7F, v18;
	v17 =	vld.idx.msk [tilespmem:v17+s3+$0x0], $0xffff;
	v16 =	vand.u32 $0xFFFFFC00, v16  }
0x87: {  	v16 =	vor.u32 v18, v16  }
0x88: {  	v16 =	vadd.s32 v3, v16;
	_ =	sdelay $0x2  }
0x89: {  	v18 =	vadd.s32 $0x7, v15  }
0x8a: {  	[tilespmem:v8+s0+$0x5000] =	vst.idx.msk $0xffff, v17;
	v17 =	vshll.u32 v18, $0x3  }
0x8b: {  	v19 =	vld.idx.msk [tilespmem:v16+s3+$0x0], $0xffff;
	v16 =	vand.u32 $0x7F, v18;
	v17 =	vand.u32 $0xFFFFFC00, v17  }
0x8c: {  	v16 =	vor.u32 v16, v17  }
.Ltmp5:
0x8d: {  	v16 =	vadd.s32 v3, v16;
	(pc) =	sbr.rel @p2 .LBB2_8-.Ltmp5, $3  }
0x8e: {  	_ =	sdelay $0x1  }
0x8f: {  	v15 =	vadd.s32 $0x8, v15  }
0x90: {  	s25 =	sadd.s32 $0x200, s25;
	v17 =	vshll.u32 v15, $0x3;
	[tilespmem:v9+s0+$0x5000] =	vst.idx.msk $0xffff, v19  }
0x91: {  	s25 =	smov.u32 s2  }
.LBB2_10:
0x92: {  	_ =	sdelay $0x2  }
0x93: {  	v18 =	vand.u32 $0x7F, v15;
	v17 =	vand.u32 $0xFFFFFC00, v17  }
0x94: {  	v16 =	vld.idx.msk @p1 [tilespmem:v16+s3+$0x0], $0xffff;
	v17 =	vor.u32 v18, v17  }
0x95: {  	v17 =	vadd.s32 v3, v17;
	_ =	sdelay $0x1  }
0x96: {  	v18 =	vadd.s32 $0x1, v15  }
0x97: {  	v19 =	vshll.u32 v18, $0x3  }
0x98: {  	[tilespmem:v10+s0+$0x5000] =	vst.idx.msk @p1 $0xffff, v16;
	v16 =	vand.u32 $0x7F, v18;
	v18 =	vand.u32 $0xFFFFFC00, v19  }
0x99: {  	v16 =	vor.u32 v16, v18;
	v17 =	vld.idx.msk [tilespmem:v17+s3+$0x0], $0xffff  }
0x9a: {  	v16 =	vadd.s32 v3, v16;
	_ =	sdelay $0x1  }
0x9b: {  	v18 =	vadd.s32 $0x2, v15  }
0x9c: {  	s25 =	sshra.s32 s25, $0x2;
	v19 =	vshll.u32 v18, $0x3  }
0x9d: {  	[tilespmem:v0+s25+$0x5000] =	vst.idx.msk $0xffff, v17;
	v17 =	vand.u32 $0x7F, v18;
	v18 =	vand.u32 $0xFFFFFC00, v19  }
0x9e: {  	v16 =	vld.idx.msk [tilespmem:v16+s3+$0x0], $0xffff;
	v17 =	vor.u32 v17, v18  }
0x9f: {  	v17 =	vadd.s32 v3, v17;
	_ =	sdelay $0x1  }
0xa0: {  	v18 =	vadd.s32 $0x3, v15  }
0xa1: {  	v19 =	vshll.u32 v18, $0x3  }
0xa2: {  	[tilespmem:v4+s25+$0x5000] =	vst.idx.msk $0xffff, v16;
	v16 =	vand.u32 $0x7F, v18;
	v18 =	vand.u32 $0xFFFFFC00, v19  }
0xa3: {  	v17 =	vld.idx.msk [tilespmem:v17+s3+$0x0], $0xffff;
	v16 =	vor.u32 v16, v18  }
0xa4: {  	v16 =	vadd.s32 v3, v16;
	_ =	sdelay $0x1  }
0xa5: {  	v18 =	vadd.s32 $0x4, v15  }
0xa6: {  	v19 =	vshll.u32 v18, $0x3  }
0xa7: {  	[tilespmem:v5+s25+$0x5000] =	vst.idx.msk $0xffff, v17;
	v17 =	vand.u32 $0x7F, v18;
	v18 =	vand.u32 $0xFFFFFC00, v19  }
0xa8: {  	v16 =	vld.idx.msk [tilespmem:v16+s3+$0x0], $0xffff;
	v17 =	vor.u32 v17, v18  }
0xa9: {  	v17 =	vadd.s32 v3, v17;
	_ =	sdelay $0x1  }
0xaa: {  	v18 =	vadd.s32 $0x5, v15  }
0xab: {  	v19 =	vshll.u32 v18, $0x3  }
0xac: {  	[tilespmem:v6+s25+$0x5000] =	vst.idx.msk $0xffff, v16;
	v16 =	vand.u32 $0x7F, v18;
	v18 =	vand.u32 $0xFFFFFC00, v19  }
0xad: {  	v17 =	vld.idx.msk [tilespmem:v17+s3+$0x0], $0xffff;
	v16 =	vor.u32 v16, v18  }
0xae: {  	v16 =	vadd.s32 v3, v16;
	_ =	sdelay $0x1  }
0xaf: {  	v18 =	vadd.s32 $0x6, v15  }
0xb0: {  	v19 =	vshll.u32 v18, $0x3  }
0xb1: {  	[tilespmem:v7+s25+$0x5000] =	vst.idx.msk $0xffff, v17;
	v17 =	vand.u32 $0x7F, v18;
	v18 =	vand.u32 $0xFFFFFC00, v19  }
0xb2: {  	v16 =	vld.idx.msk [tilespmem:v16+s3+$0x0], $0xffff;
	v17 =	vor.u32 v17, v18  }
0xb3: {  	v17 =	vadd.s32 v3, v17;
	_ =	sdelay $0x1  }
0xb4: {  	v18 =	vadd.s32 $0x7, v15  }
0xb5: {  	v19 =	vshll.u32 v18, $0x3  }
0xb6: {  	[tilespmem:v8+s25+$0x5000] =	vst.idx.msk $0xffff, v16;
	v16 =	vand.u32 $0x7F, v18;
	v18 =	vand.u32 $0xFFFFFC00, v19  }
0xb7: {  	v17 =	vld.idx.msk [tilespmem:v17+s3+$0x0], $0xffff;
	v16 =	vor.u32 v16, v18  }
0xb8: {  	v18 =	vadd.s32 $0x8, v15;
	v16 =	vadd.s32 v3, v16  }
0xb9: {  	vm0 =	vgt.s32 v18, $0x0  }
0xba: {  	v15 =	vnsel vm0, $0x0, v18  }
0xbb: {  	v19 =	vshll.u32 v15, $0x3  }
0xbc: {  	v15 =	vand.u32 $0x7F, v15;
	[tilespmem:v9+s25+$0x5000] =	vst.idx.msk $0xffff, v17;
	v17 =	vand.u32 $0xFFFFFC00, v19  }
0xbd: {  	v16 =	vld.idx.msk [tilespmem:v16+s3+$0x0], $0xffff;
	v17 =	vor.u32 v15, v17  }
0xbe: {  	v15 =	vadd.s32 $0x1, v18;
	v17 =	vadd.s32 v3, v17  }
0xbf: {  	vm0 =	vgt.s32 v15, $0x0  }
0xc0: {  	v19 =	vnsel vm0, $0x0, v15  }
0xc1: {  	v20 =	vshll.u32 v19, $0x3  }
0xc2: {  	vm0 =	vlt.s32 v18, $0x200;
	v19 =	vand.u32 $0x7F, v19;
	v20 =	vand.u32 $0xFFFFFC00, v20;
	[tilespmem:v10+s25+$0x5000] =	vst.idx.msk $0xffff, v16  }
0xc3: {  	v20 =	vor.u32 v19, v20;
	v19 =	vld.idx.msk [tilespmem:v17+s3+$0x0], $0xffff;
	v17 =	vmov v11  }
0xc4: {  	v18 =	vadd.s32 v3, v20  }
0xc5: {  	v16 =	vadd.s32 $0x1, v15  }
0xc6: {  	s0 =	simm.s32 $0xD;
	vm1 =	vgt.s32 v16, $0x0  }
.LBB2_11:
0xc7: {  	p1 =	sne.s32 s0, $0x1;
	v20 =	vnsel vm1, $0x0, v16  }
0xc8: {  	v21 =	vshll.u32 v20, $0x3;
	[tilespmem:v17+s19+$0x0] =	vst.idx.msk vm0, v19  }
.Ltmp6:
0xc9: {  	v20 =	vand.u32 $0x7F, v20;
	vm0 =	vlt.s32 v15, $0x200;
	v15 =	vmovc v16;
	v21 =	vand.u32 $0xFFFFFC00, v21;
	v19 =	vld.idx.msk [tilespmem:v18+s3+$0x0], $0xffff;
	(pc) =	sbr.rel @p1 .LBB2_11-.Ltmp6, $4  }
0xca: {  	v17 =	vadd.s32 $0x10, v17;
	v18 =	vor.u32 v20, v21  }
0xcb: {  	v18 =	vadd.s32 v3, v18  }
0xcc: {  	v16 =	vadd.s32 $0x1, v16  }
0xcd: {  	s0 =	sadd.s32 $0xFFFFFFFF, s0;
	vm1 =	vgt.s32 v16, $0x0  }
0xce: {  	_ =	sdelay $0x2  }
0xcf: {  	v20 =	vnsel vm1, $0x0, v16  }
0xd0: {  	v21 =	vshll.u32 v20, $0x3  }
0xd1: {  	[tilespmem:v17+s19+$0x0] =	vst.idx.msk vm0, v19;
	vm0 =	vlt.s32 v15, $0x200;
	v19 =	vand.u32 $0x7F, v20;
	v20 =	vand.u32 $0xFFFFFC00, v21  }
0xd2: {  	v17 =	vadd.s32 $0x10, v17;
	v15 =	vld.idx.msk [tilespmem:v18+s3+$0x0], $0xffff;
	v18 =	vor.u32 v19, v20  }
0xd3: {  	v18 =	vadd.s32 v3, v18;
	_ =	sdelay $0x3  }
0xd4: {  	[tilespmem:v17+s19+$0x0] =	vst.idx.msk vm0, v15;
	vm0 =	vlt.s32 v16, $0x200  }
0xd5: {  	v16 =	vadd.s32 $0x10, v17;
	v15 =	vld.idx.msk [tilespmem:v18+s3+$0x0], $0xffff;
	_ =	sdelay $0x1  }
0xd6: {  	s0 =	sshll.u32 s30, $0xE  }
0xd7: {  	s0 =	sadd.s32 s7, s0  }
0xd8: {  	s0 =	sshrl.u32 s0, $0x3  }
0xd9: {  	p1 =	seq.s32 s30, $0x79;
	s0 =	sadd.s32 s4, s0;
	[tilespmem:v16+s19+$0x0] =	vst.idx.msk vm0, v15  }
0xda: {  	[hbm4b:s0+s3] =	stream.linear.scatter [tilespmem:s19], [sflag:$0x3], $0x2000, $0x38;
	[tilespmem:$0x9400] =	vst v63  }
0xdb: {  	s0 =	sshll.u32 @!p1 s30, $0xD  }
0xdc: {  	_ =	swait.ge [sflag:s20], $0x2000;
	s0 =	sadd.s32 @!p1 s0, s8  }
0xdd: {  	[sflag:s20] =	ssyncset.done $0x0;
	s0 =	sshrl.u32 @!p1 s0, $0x3  }
0xde: {  	s2 =	simm.s32 @!p1 $0x0;
	[sflag:s20] =	ssyncadd.s32 $0xFFFFE000;
	s0 =	sadd.s32 @!p1 s1, s0  }
0xdf: {  	[tilespmem:s2], [sflag:$0x1] =	stream.linear.gather @!p1 [hbm4b:s0+s2], $0x1000, $0x38;
	[tilespmem:$0x9400] =	vst v63  }
0xe0: {  	p2 =	seq.s32 @!p1 s30, $0x0;
	s25 =	simm.s32 @!p1 $0x1400;
	s0 =	sadd.s32 @!p1 $0xF4280, s0  }
0xe1: {  	[tilespmem:s25], [sflag:$0x1] =	stream.linear.gather @!p1 [hbm4b:s0+s2], $0x1000, $0x38;
	[tilespmem:$0x9400] =	vst v63  }
0xe2: {  	p1 =	por p1, !p2  }
0xe3: {  	_ =	swait.ge @p1 [sflag:s23], $0x2000  }
0xe4: {  	[sflag:s23] =	ssyncset.done @p1 $0x0  }
0xe5: {  	vm0 =	vgt.s32 v1, $0xFFFFFFFF;
	[sflag:s23] =	ssyncadd.s32 @p1 $0xFFFFE000  }
0xe6: {  	v16 =	vmov v2;
	v19 =	vld.idx.msk [tilespmem:v13+s17+$0x0], $0xffff  }
0xe7: {  	v17 =	vadd.s32 v3, v14  }
0xe8: {  	v15 =	vadd.s32 $0x1, v12  }
0xe9: {  	v18 =	vmov v12;
	vm1 =	vgt.s32 v15, $0x0;
	s0 =	simm.s32 $0xC  }
.LBB2_13:
0xea: {  	p1 =	sne.s32 s0, $0x1;
	v20 =	vnsel vm1, $0x0, v15  }
0xeb: {  	v21 =	vshll.u32 v20, $0x3;
	[tilespmem:v16+s21+$0x0] =	vst.idx.msk vm0, v19  }
.Ltmp7:
0xec: {  	v20 =	vand.u32 $0x7F, v20;
	vm0 =	vgt.s32 v18, $0xFFFFFFFF;
	v18 =	vmovc v15;
	v21 =	vand.u32 $0xFFFFFC00, v21;
	v19 =	vld.idx.msk [tilespmem:v17+s17+$0x0], $0xffff;
	(pc) =	sbr.rel @p1 .LBB2_13-.Ltmp7, $4  }
0xed: {  	v16 =	vadd.s32 $0x10, v16;
	v17 =	vor.u32 v20, v21  }
0xee: {  	v17 =	vadd.s32 v3, v17  }
0xef: {  	v15 =	vadd.s32 $0x1, v15  }
0xf0: {  	s0 =	sadd.s32 $0xFFFFFFFF, s0;
	vm1 =	vgt.s32 v15, $0x0  }
0xf1: {  	_ =	sdelay $0x2  }
0xf2: {  	v20 =	vnsel vm1, $0x0, v15  }
0xf3: {  	v21 =	vshll.u32 v20, $0x3  }
0xf4: {  	[tilespmem:v16+s21+$0x0] =	vst.idx.msk vm0, v19;
	vm14 =	vgt.s32 v18, $0xFFFFFFFF;
	v19 =	vand.u32 $0x7F, v20;
	v61 =	vand.u32 $0xFFFFFC00, v21  }
0xf5: {  	v16 =	vadd.s32 $0x10, v16;
	v17 =	vld.idx.msk [tilespmem:v17+s17+$0x0], $0xffff;
	v18 =	vor.u32 v19, v61  }
0xf6: {  	v18 =	vadd.s32 v3, v18;
	_ =	sdelay $0x1  }
0xf7: {  	v19 =	vadd.s32 $0x1, v15  }
0xf8: {  	v62 =	vshll.u32 v19, $0x3  }
0xf9: {  	vm15 =	vgt.s32 v15, $0xFFFFFFFF;
	v15 =	vand.u32 $0x7F, v19;
	[tilespmem:v16+s21+$0x0] =	vst.idx.msk vm14, v17;
	v17 =	vand.u32 $0xFFFFFC00, v62  }
0xfa: {  	v16 =	vadd.s32 $0x10, v16;
	v15 =	vor.u32 v15, v17;
	v18 =	vld.idx.msk [tilespmem:v18+s17+$0x0], $0xffff  }
0xfb: {  	v15 =	vadd.s32 v3, v15;
	_ =	sdelay $0x1  }
0xfc: {  	v17 =	vadd.s32 $0x1, v19  }
0xfd: {  	v63 =	vshll.u32 v17, $0x3  }
0xfe: {  	[tilespmem:v16+s21+$0x0] =	vst.idx.msk vm15, v18;
	v16 =	vand.u32 $0x7F, v17;
	v17 =	vand.u32 $0xFFFFFC00, v63  }
0xff: {  	v15 =	vld.idx.msk [tilespmem:v15+s17+$0x0], $0xffff;
	v16 =	vor.u32 v16, v17  }
0x100: {  	v16 =	vadd.s32 v3, v16;
	_ =	sdelay $0x1  }
0x101: {  	v17 =	vadd.s32 $0x2, v19  }
0x102: {  	s0 =	simm.s32 $0x0;
	v18 =	vshll.u32 v17, $0x3  }
0x103: {  	[tilespmem:v0+s0+$0x7000] =	vst.idx.msk $0xffff, v15;
	v15 =	vand.u32 $0x7F, v17;
	v17 =	vand.u32 $0xFFFFFC00, v18  }
0x104: {  	v16 =	vld.idx.msk [tilespmem:v16+s17+$0x0], $0xffff;
	v15 =	vor.u32 v15, v17  }
0x105: {  	v15 =	vadd.s32 v3, v15;
	_ =	sdelay $0x1  }
0x106: {  	v17 =	vadd.s32 $0x3, v19  }
0x107: {  	v18 =	vshll.u32 v17, $0x3  }
0x108: {  	[tilespmem:v4+s0+$0x7000] =	vst.idx.msk $0xffff, v16;
	v16 =	vand.u32 $0x7F, v17;
	v17 =	vand.u32 $0xFFFFFC00, v18  }
0x109: {  	v15 =	vld.idx.msk [tilespmem:v15+s17+$0x0], $0xffff;
	v16 =	vor.u32 v16, v17  }
0x10a: {  	v16 =	vadd.s32 v3, v16;
	_ =	sdelay $0x1  }
0x10b: {  	v17 =	vadd.s32 $0x4, v19  }
0x10c: {  	v18 =	vshll.u32 v17, $0x3  }
0x10d: {  	[tilespmem:v5+s0+$0x7000] =	vst.idx.msk $0xffff, v15;
	v15 =	vand.u32 $0x7F, v17;
	v17 =	vand.u32 $0xFFFFFC00, v18  }
0x10e: {  	v16 =	vld.idx.msk [tilespmem:v16+s17+$0x0], $0xffff;
	v15 =	vor.u32 v15, v17  }
0x10f: {  	v15 =	vadd.s32 v3, v15;
	_ =	sdelay $0x1  }
0x110: {  	v17 =	vadd.s32 $0x5, v19  }
0x111: {  	v18 =	vshll.u32 v17, $0x3  }
0x112: {  	[tilespmem:v6+s0+$0x7000] =	vst.idx.msk $0xffff, v16;
	v16 =	vand.u32 $0x7F, v17;
	v17 =	vand.u32 $0xFFFFFC00, v18  }
0x113: {  	v15 =	vld.idx.msk [tilespmem:v15+s17+$0x0], $0xffff;
	v16 =	vor.u32 v16, v17  }
0x114: {  	v16 =	vadd.s32 v3, v16;
	_ =	sdelay $0x1  }
0x115: {  	v17 =	vadd.s32 $0x6, v19  }
0x116: {  	v18 =	vshll.u32 v17, $0x3  }
0x117: {  	[tilespmem:v7+s0+$0x7000] =	vst.idx.msk $0xffff, v15;
	v15 =	vand.u32 $0x7F, v17;
	v17 =	vand.u32 $0xFFFFFC00, v18  }
0x118: {  	v16 =	vld.idx.msk [tilespmem:v16+s17+$0x0], $0xffff;
	v15 =	vor.u32 v15, v17  }
0x119: {  	v15 =	vadd.s32 v3, v15;
	_ =	sdelay $0x3  }
0x11a: {  	[tilespmem:v8+s0+$0x7000] =	vst.idx.msk $0xffff, v16  }
0x11b: {  	v18 =	vld.idx.msk [tilespmem:v15+s17+$0x0], $0xffff;
	v15 =	vadd.s32 $0x7, v19  }
0x11c: {  	v16 =	vshll.u32 v15, $0x3  }
0x11d: {  	v15 =	vand.u32 $0x7F, v15;
	v16 =	vand.u32 $0xFFFFFC00, v16  }
0x11e: {  	v16 =	vor.u32 v15, v16  }
0x11f: {  	v16 =	vadd.s32 v3, v16;
	_ =	sdelay $0x2  }
0x120: {  	v15 =	vadd.s32 $0x8, v19  }
0x121: {  	s2 =	simm.s32 $0x200;
	s25 =	simm.s32 $0x400;
	v17 =	vshll.u32 v15, $0x3;
	[tilespmem:v9+s0+$0x7000] =	vst.idx.msk $0xffff, v18  }
.LBB2_15:
0x122: {  	p1 =	sne.s32 s25, $0x7A00;
	v18 =	vand.u32 $0x7F, v15;
	v17 =	vand.u32 $0xFFFFFC00, v17;
	v16 =	vld.idx.msk [tilespmem:v16+s17+$0x0], $0xffff  }
0x123: {  	v17 =	vor.u32 v18, v17  }
0x124: {  	v17 =	vadd.s32 v3, v17;
	_ =	sdelay $0x2  }
0x125: {  	v18 =	vadd.s32 $0x1, v15  }
0x126: {  	v19 =	vshll.u32 v18, $0x3;
	[tilespmem:v10+s0+$0x7000] =	vst.idx.msk $0xffff, v16  }
0x127: {  	v16 =	vld.idx.msk [tilespmem:v17+s17+$0x0], $0xffff;
	v17 =	vand.u32 $0x7F, v18;
	v18 =	vand.u32 $0xFFFFFC00, v19  }
0x128: {  	v17 =	vor.u32 v17, v18  }
0x129: {  	v17 =	vadd.s32 v3, v17;
	_ =	sdelay $0x2  }
0x12a: {  	s0 =	sshra.s32 s2, $0x2;
	s2 =	smov.u32 s25;
	v18 =	vadd.s32 $0x2, v15  }
0x12b: {  	[tilespmem:v0+s0+$0x7000] =	vst.idx.msk $0xffff, v16;
	v16 =	vshll.u32 v18, $0x3  }
0x12c: {  	v18 =	vand.u32 $0x7F, v18;
	v17 =	vld.idx.msk [tilespmem:v17+s17+$0x0], $0xffff;
	v16 =	vand.u32 $0xFFFFFC00, v16  }
0x12d: {  	v16 =	vor.u32 v18, v16  }
0x12e: {  	v16 =	vadd.s32 v3, v16;
	_ =	sdelay $0x2  }
0x12f: {  	v18 =	vadd.s32 $0x3, v15  }
0x130: {  	[tilespmem:v4+s0+$0x7000] =	vst.idx.msk $0xffff, v17;
	v17 =	vshll.u32 v18, $0x3  }
0x131: {  	v18 =	vand.u32 $0x7F, v18;
	v16 =	vld.idx.msk [tilespmem:v16+s17+$0x0], $0xffff;
	v17 =	vand.u32 $0xFFFFFC00, v17  }
0x132: {  	v17 =	vor.u32 v18, v17  }
0x133: {  	v17 =	vadd.s32 v3, v17;
	_ =	sdelay $0x2  }
0x134: {  	v18 =	vadd.s32 $0x4, v15  }
0x135: {  	[tilespmem:v5+s0+$0x7000] =	vst.idx.msk $0xffff, v16;
	v16 =	vshll.u32 v18, $0x3  }
0x136: {  	v18 =	vand.u32 $0x7F, v18;
	v17 =	vld.idx.msk [tilespmem:v17+s17+$0x0], $0xffff;
	v16 =	vand.u32 $0xFFFFFC00, v16  }
0x137: {  	v16 =	vor.u32 v18, v16  }
0x138: {  	v16 =	vadd.s32 v3, v16;
	_ =	sdelay $0x2  }
0x139: {  	v18 =	vadd.s32 $0x5, v15  }
0x13a: {  	[tilespmem:v6+s0+$0x7000] =	vst.idx.msk $0xffff, v17;
	v17 =	vshll.u32 v18, $0x3  }
0x13b: {  	v18 =	vand.u32 $0x7F, v18;
	v16 =	vld.idx.msk [tilespmem:v16+s17+$0x0], $0xffff;
	v17 =	vand.u32 $0xFFFFFC00, v17  }
0x13c: {  	v17 =	vor.u32 v18, v17  }
0x13d: {  	v17 =	vadd.s32 v3, v17;
	_ =	sdelay $0x2  }
0x13e: {  	v18 =	vadd.s32 $0x6, v15  }
0x13f: {  	[tilespmem:v7+s0+$0x7000] =	vst.idx.msk $0xffff, v16;
	v16 =	vshll.u32 v18, $0x3  }
0x140: {  	v18 =	vand.u32 $0x7F, v18;
	v17 =	vld.idx.msk [tilespmem:v17+s17+$0x0], $0xffff;
	v16 =	vand.u32 $0xFFFFFC00, v16  }
0x141: {  	v16 =	vor.u32 v18, v16  }
0x142: {  	v16 =	vadd.s32 v3, v16;
	_ =	sdelay $0x2  }
0x143: {  	v18 =	vadd.s32 $0x7, v15  }
0x144: {  	[tilespmem:v8+s0+$0x7000] =	vst.idx.msk $0xffff, v17;
	v17 =	vshll.u32 v18, $0x3  }
0x145: {  	v19 =	vld.idx.msk [tilespmem:v16+s17+$0x0], $0xffff;
	v16 =	vand.u32 $0x7F, v18;
	v17 =	vand.u32 $0xFFFFFC00, v17  }
0x146: {  	v16 =	vor.u32 v16, v17  }
.Ltmp8:
0x147: {  	v16 =	vadd.s32 v3, v16;
	(pc) =	sbr.rel @p1 .LBB2_15-.Ltmp8, $3  }
0x148: {  	_ =	sdelay $0x1  }
0x149: {  	v15 =	vadd.s32 $0x8, v15  }
0x14a: {  	s25 =	sadd.s32 $0x200, s25;
	v17 =	vshll.u32 v15, $0x3;
	[tilespmem:v9+s0+$0x7000] =	vst.idx.msk $0xffff, v19  }
0x14b: {  	_ =	sdelay $0x2  }
0x14c: {  	v18 =	vand.u32 $0x7F, v15;
	v17 =	vand.u32 $0xFFFFFC00, v17  }
0x14d: {  	v16 =	vld.idx.msk [tilespmem:v16+s17+$0x0], $0xffff;
	v17 =	vor.u32 v18, v17  }
0x14e: {  	v17 =	vadd.s32 v3, v17;
	_ =	sdelay $0x1  }
0x14f: {  	v18 =	vadd.s32 $0x1, v15  }
0x150: {  	v19 =	vshll.u32 v18, $0x3  }
0x151: {  	[tilespmem:v10+s0+$0x7000] =	vst.idx.msk $0xffff, v16;
	v16 =	vand.u32 $0x7F, v18;
	v18 =	vand.u32 $0xFFFFFC00, v19  }
0x152: {  	v16 =	vor.u32 v16, v18;
	v17 =	vld.idx.msk [tilespmem:v17+s17+$0x0], $0xffff  }
0x153: {  	v16 =	vadd.s32 v3, v16;
	_ =	sdelay $0x1  }
0x154: {  	v18 =	vadd.s32 $0x2, v15  }
0x155: {  	s25 =	sshra.s32 s2, $0x2;
	v19 =	vshll.u32 v18, $0x3  }
0x156: {  	[tilespmem:v0+s25+$0x7000] =	vst.idx.msk $0xffff, v17;
	v17 =	vand.u32 $0x7F, v18;
	v18 =	vand.u32 $0xFFFFFC00, v19  }
0x157: {  	v16 =	vld.idx.msk [tilespmem:v16+s17+$0x0], $0xffff;
	v17 =	vor.u32 v17, v18  }
0x158: {  	v17 =	vadd.s32 v3, v17;
	_ =	sdelay $0x1  }
0x159: {  	v18 =	vadd.s32 $0x3, v15  }
0x15a: {  	v19 =	vshll.u32 v18, $0x3  }
0x15b: {  	[tilespmem:v4+s25+$0x7000] =	vst.idx.msk $0xffff, v16;
	v16 =	vand.u32 $0x7F, v18;
	v18 =	vand.u32 $0xFFFFFC00, v19  }
0x15c: {  	v17 =	vld.idx.msk [tilespmem:v17+s17+$0x0], $0xffff;
	v16 =	vor.u32 v16, v18  }
0x15d: {  	v16 =	vadd.s32 v3, v16;
	_ =	sdelay $0x1  }
0x15e: {  	v18 =	vadd.s32 $0x4, v15  }
0x15f: {  	v19 =	vshll.u32 v18, $0x3  }
0x160: {  	[tilespmem:v5+s25+$0x7000] =	vst.idx.msk $0xffff, v17;
	v17 =	vand.u32 $0x7F, v18;
	v18 =	vand.u32 $0xFFFFFC00, v19  }
0x161: {  	v16 =	vld.idx.msk [tilespmem:v16+s17+$0x0], $0xffff;
	v17 =	vor.u32 v17, v18  }
0x162: {  	v17 =	vadd.s32 v3, v17;
	_ =	sdelay $0x1  }
0x163: {  	v18 =	vadd.s32 $0x5, v15  }
0x164: {  	v19 =	vshll.u32 v18, $0x3  }
0x165: {  	[tilespmem:v6+s25+$0x7000] =	vst.idx.msk $0xffff, v16;
	v16 =	vand.u32 $0x7F, v18;
	v18 =	vand.u32 $0xFFFFFC00, v19  }
0x166: {  	v17 =	vld.idx.msk [tilespmem:v17+s17+$0x0], $0xffff;
	v16 =	vor.u32 v16, v18  }
0x167: {  	v16 =	vadd.s32 v3, v16;
	_ =	sdelay $0x1  }
0x168: {  	v18 =	vadd.s32 $0x6, v15  }
0x169: {  	v19 =	vshll.u32 v18, $0x3  }
0x16a: {  	[tilespmem:v7+s25+$0x7000] =	vst.idx.msk $0xffff, v17;
	v17 =	vand.u32 $0x7F, v18;
	v18 =	vand.u32 $0xFFFFFC00, v19  }
0x16b: {  	v16 =	vld.idx.msk [tilespmem:v16+s17+$0x0], $0xffff;
	v17 =	vor.u32 v17, v18  }
0x16c: {  	v17 =	vadd.s32 v3, v17;
	_ =	sdelay $0x1  }
0x16d: {  	v18 =	vadd.s32 $0x7, v15  }
0x16e: {  	v19 =	vshll.u32 v18, $0x3  }
0x16f: {  	[tilespmem:v8+s25+$0x7000] =	vst.idx.msk $0xffff, v16;
	v16 =	vand.u32 $0x7F, v18;
	v18 =	vand.u32 $0xFFFFFC00, v19  }
0x170: {  	v17 =	vld.idx.msk [tilespmem:v17+s17+$0x0], $0xffff;
	v16 =	vor.u32 v16, v18  }
0x171: {  	v18 =	vadd.s32 $0x8, v15;
	v16 =	vadd.s32 v3, v16  }
0x172: {  	vm0 =	vgt.s32 v18, $0x0  }
0x173: {  	v15 =	vnsel vm0, $0x0, v18  }
0x174: {  	v19 =	vshll.u32 v15, $0x3  }
0x175: {  	v15 =	vand.u32 $0x7F, v15;
	[tilespmem:v9+s25+$0x7000] =	vst.idx.msk $0xffff, v17;
	v17 =	vand.u32 $0xFFFFFC00, v19  }
0x176: {  	v16 =	vld.idx.msk [tilespmem:v16+s17+$0x0], $0xffff;
	v17 =	vor.u32 v15, v17  }
0x177: {  	v15 =	vadd.s32 $0x1, v18;
	v17 =	vadd.s32 v3, v17  }
0x178: {  	vm0 =	vgt.s32 v15, $0x0  }
0x179: {  	v19 =	vnsel vm0, $0x0, v15  }
0x17a: {  	v20 =	vshll.u32 v19, $0x3  }
0x17b: {  	vm0 =	vlt.s32 v18, $0x200;
	v19 =	vand.u32 $0x7F, v19;
	v20 =	vand.u32 $0xFFFFFC00, v20;
	[tilespmem:v10+s25+$0x7000] =	vst.idx.msk $0xffff, v16  }
0x17c: {  	v20 =	vor.u32 v19, v20;
	v19 =	vld.idx.msk [tilespmem:v17+s17+$0x0], $0xffff;
	v17 =	vmov v11  }
0x17d: {  	v18 =	vadd.s32 v3, v20  }
0x17e: {  	v16 =	vadd.s32 $0x1, v15  }
0x17f: {  	s0 =	simm.s32 $0xD;
	vm1 =	vgt.s32 v16, $0x0  }
.LBB2_17:
0x180: {  	p1 =	sne.s32 s0, $0x1;
	v20 =	vnsel vm1, $0x0, v16  }
0x181: {  	v21 =	vshll.u32 v20, $0x3;
	[tilespmem:v17+s21+$0x0] =	vst.idx.msk vm0, v19  }
.Ltmp9:
0x182: {  	v20 =	vand.u32 $0x7F, v20;
	vm0 =	vlt.s32 v15, $0x200;
	v15 =	vmovc v16;
	v21 =	vand.u32 $0xFFFFFC00, v21;
	v19 =	vld.idx.msk [tilespmem:v18+s17+$0x0], $0xffff;
	(pc) =	sbr.rel @p1 .LBB2_17-.Ltmp9, $4  }
0x183: {  	v17 =	vadd.s32 $0x10, v17;
	v18 =	vor.u32 v20, v21  }
0x184: {  	v18 =	vadd.s32 v3, v18  }
0x185: {  	v16 =	vadd.s32 $0x1, v16  }
0x186: {  	s0 =	sadd.s32 $0xFFFFFFFF, s0;
	vm1 =	vgt.s32 v16, $0x0  }
0x187: {  	_ =	sdelay $0x2  }
0x188: {  	v20 =	vnsel vm1, $0x0, v16  }
0x189: {  	v21 =	vshll.u32 v20, $0x3  }
0x18a: {  	[tilespmem:v17+s21+$0x0] =	vst.idx.msk vm0, v19;
	vm14 =	vlt.s32 v15, $0x200;
	v59 =	vand.u32 $0x7F, v20;
	v60 =	vand.u32 $0xFFFFFC00, v21  }
0x18b: {  	v62 =	vadd.s32 $0x10, v17;
	v15 =	vld.idx.msk [tilespmem:v18+s17+$0x0], $0xffff;
	v61 =	vor.u32 v59, v60  }
0x18c: {  	v18 =	vadd.s32 v3, v61;
	_ =	sdelay $0x3  }
0x18d: {  	vm15 =	vlt.s32 v16, $0x200;
	[tilespmem:v62+s21+$0x0] =	vst.idx.msk vm14, v15  }
0x18e: {  	s30 =	sadd.s32 $0x1, s30;
	v63 =	vadd.s32 $0x10, v62;
	v15 =	vld.idx.msk [tilespmem:v18+s17+$0x0], $0xffff  }
0x18f: {  	p1 =	sne.s32 s30, $0x7A  }
.Ltmp10:
0x190: {  	s0 =	sshll.u32 s31, $0xD;
	(pc) =	sbr.rel @p1 .LBB2_2-.Ltmp10, $4  }
.Ltmp11:
0x191: {  	s0 =	sadd.s32 s7, s0;
	(pc) =	sbr.rel @!p1 .LBB2_19-.Ltmp11, $4  }
0x192: {  	s0 =	sshrl.u32 s0, $0x3  }
0x193: {  	s0 =	sadd.s32 s4, s0;
	[tilespmem:v63+s21+$0x0] =	vst.idx.msk vm15, v15  }
0x194: {  	[hbm4b:s0+s3] =	stream.linear.scatter [tilespmem:s21], [sflag:$0x4], $0x2000, $0x38;
	[tilespmem:$0x9400] =	vst v63  }
0x195: {  	_ = 	snop  }
.LBB2_5:
.Ltmp12:
0x196: {  	(pc) =	sbr.rel .LBB2_10-.Ltmp12, $2  }
0x197: {  	_ =	sdelay $0x2  }
0x198: {  	_ = 	snop  }
.LBB2_7:
.Ltmp13:
0x199: {  	(pc) =	sbr.rel .LBB2_10-.Ltmp13, $2  }
0x19a: {  	_ =	sdelay $0x2  }
0x19b: {  	s25 =	simm.s32 $0x200  }
.LBB2_19:
0x19c: {  	_ =	swait.ge [sflag:s22], $0x2000  }
.Ltmp14:
0x19d: {  	[sflag:s22] =	ssyncset.done $0x0;
	(pc) =	sbr.rel @p0 .LBB2_31-.Ltmp14, $4  }
0x19e: {  	[sflag:s22] =	ssyncadd.s32 $0xFFFFE000  }
0x19f: {  	_ =	swait.ge [sflag:s23], $0x2000  }
0x1a0: {  	[sflag:s23] =	ssyncset.done $0x0  }
0x1a1: {  	[sflag:s23] =	ssyncadd.s32 $0xFFFFE000  }
0x1a2: {  	[tilespmem:s3], [sflag:$0x5] =	stream.linear.gather [hbm4b:s9+s3], $0x1000, $0x38;
	[tilespmem:$0x9400] =	vst v63  }
0x1a3: {  	s0 =	sadd.s32 $0xF4280, s9  }
0x1a4: {  	[tilespmem:s15], [sflag:$0x5] =	stream.linear.gather [hbm4b:s0+s3], $0x1000, $0x38;
	[tilespmem:$0x9400] =	vst v63  }
0x1a5: {  	_ =	swait.ge [sflag:s24], $0x2000  }
0x1a6: {  	[sflag:s24] =	ssyncset.done $0x0  }
0x1a7: {  	vm0 =	vgt.s32 v1, $0xFFFFFFFF;
	s0 =	simm.s32 $0x0;
	[sflag:s24] =	ssyncadd.s32 $0xFFFFE000  }
0x1a8: {  	v16 =	vld.idx.msk [tilespmem:v13+s0+$0x0], $0xffff;
	v13 =	vmov v2  }
0x1a9: {  	v14 =	vadd.s32 v3, v14  }
0x1aa: {  	v15 =	vadd.s32 $0x1, v12  }
0x1ab: {  	s2 =	simm.s32 $0xC;
	vm1 =	vgt.s32 v15, $0x0  }
.LBB2_21:
0x1ac: {  	p1 =	sne.s32 s2, $0x1;
	v17 =	vnsel vm1, $0x0, v15  }
0x1ad: {  	v18 =	vshll.u32 v17, $0x3;
	[tilespmem:v13+s19+$0x0] =	vst.idx.msk vm0, v16  }
.Ltmp15:
0x1ae: {  	v17 =	vand.u32 $0x7F, v17;
	vm0 =	vgt.s32 v12, $0xFFFFFFFF;
	v12 =	vmovc v15;
	v18 =	vand.u32 $0xFFFFFC00, v18;
	v16 =	vld.idx.msk [tilespmem:v14+s0+$0x0], $0xffff;
	(pc) =	sbr.rel @p1 .LBB2_21-.Ltmp15, $4  }
0x1af: {  	v13 =	vadd.s32 $0x10, v13;
	v14 =	vor.u32 v17, v18  }
0x1b0: {  	v14 =	vadd.s32 v3, v14  }
0x1b1: {  	v15 =	vadd.s32 $0x1, v15  }
0x1b2: {  	s2 =	sadd.s32 $0xFFFFFFFF, s2;
	vm1 =	vgt.s32 v15, $0x0  }
0x1b3: {  	_ =	sdelay $0x2  }
0x1b4: {  	v17 =	vnsel vm1, $0x0, v15  }
0x1b5: {  	v18 =	vshll.u32 v17, $0x3  }
0x1b6: {  	s25 =	simm.s32 $0x0;
	[tilespmem:v13+s19+$0x0] =	vst.idx.msk vm0, v16;
	vm14 =	vgt.s32 v12, $0xFFFFFFFF;
	v62 =	vand.u32 $0x7F, v17;
	v63 =	vand.u32 $0xFFFFFC00, v18  }
0x1b7: {  	v13 =	vadd.s32 $0x10, v13;
	v12 =	vld.idx.msk [tilespmem:v14+s25+$0x0], $0xffff;
	v14 =	vor.u32 v62, v63  }
0x1b8: {  	v14 =	vadd.s32 v3, v14;
	_ =	sdelay $0x3  }
0x1b9: {  	vm15 =	vgt.s32 v15, $0xFFFFFFFF;
	[tilespmem:v13+s19+$0x0] =	vst.idx.msk vm14, v12  }
0x1ba: {  	p2 =	por $0x1, $0x1;
	v13 =	vadd.s32 $0x10, v13;
	v14 =	vld.idx.msk [tilespmem:v14+s25+$0x0], $0xffff  }
.Ltmp16:
0x1bb: {  	_ = 	snop;
	(pc) =	sbr.rel @!p2 .LBB2_23-.Ltmp16, $3  }
0x1bc: {  	_ =	sdelay $0x1  }
0x1bd: {  	v12 =	vadd.s32 $0x1, v15  }
0x1be: {  	s2 =	simm.s32 $0x200;
	p1 =	por $0x0, $0x0;
	[tilespmem:v13+s19+$0x0] =	vst.idx.msk vm15, v14;
	v14 =	vshll.u32 v12, $0x3  }
0x1bf: {  	v13 =	vand.u32 $0x7F, v12;
	v14 =	vand.u32 $0xFFFFFC00, v14  }
0x1c0: {  	v13 =	vor.u32 v13, v14  }
0x1c1: {  	v13 =	vadd.s32 v3, v13;
	_ =	sdelay $0x1  }
0x1c2: {  	v14 =	vadd.s32 $0x1, v12  }
0x1c3: {  	v15 =	vshll.u32 v14, $0x3  }
0x1c4: {  	v14 =	vand.u32 $0x7F, v14;
	v15 =	vand.u32 $0xFFFFFC00, v15  }
0x1c5: {  	v14 =	vor.u32 v14, v15;
	v13 =	vld.idx.msk [tilespmem:v13+s3+$0x0], $0xffff  }
0x1c6: {  	v14 =	vadd.s32 v3, v14;
	_ =	sdelay $0x1  }
0x1c7: {  	v15 =	vadd.s32 $0x2, v12  }
0x1c8: {  	s0 =	simm.s32 $0x0;
	v16 =	vshll.u32 v15, $0x3  }
0x1c9: {  	[tilespmem:v0+s0+$0x5000] =	vst.idx.msk $0xffff, v13;
	v13 =	vand.u32 $0x7F, v15;
	v15 =	vand.u32 $0xFFFFFC00, v16  }
0x1ca: {  	v14 =	vld.idx.msk [tilespmem:v14+s3+$0x0], $0xffff;
	v13 =	vor.u32 v13, v15  }
0x1cb: {  	v13 =	vadd.s32 v3, v13;
	_ =	sdelay $0x1  }
0x1cc: {  	v15 =	vadd.s32 $0x3, v12  }
0x1cd: {  	v60 =	vshll.u32 v15, $0x3  }
0x1ce: {  	[tilespmem:v4+s0+$0x5000] =	vst.idx.msk $0xffff, v14;
	v14 =	vand.u32 $0x7F, v15;
	v15 =	vand.u32 $0xFFFFFC00, v60  }
0x1cf: {  	v13 =	vld.idx.msk [tilespmem:v13+s3+$0x0], $0xffff;
	v14 =	vor.u32 v14, v15  }
0x1d0: {  	v14 =	vadd.s32 v3, v14;
	_ =	sdelay $0x1  }
0x1d1: {  	v15 =	vadd.s32 $0x4, v12  }
0x1d2: {  	v61 =	vshll.u32 v15, $0x3  }
0x1d3: {  	[tilespmem:v5+s0+$0x5000] =	vst.idx.msk $0xffff, v13;
	v13 =	vand.u32 $0x7F, v15;
	v15 =	vand.u32 $0xFFFFFC00, v61  }
0x1d4: {  	v14 =	vld.idx.msk [tilespmem:v14+s3+$0x0], $0xffff;
	v13 =	vor.u32 v13, v15  }
0x1d5: {  	v13 =	vadd.s32 v3, v13;
	_ =	sdelay $0x1  }
0x1d6: {  	v15 =	vadd.s32 $0x5, v12  }
0x1d7: {  	v62 =	vshll.u32 v15, $0x3  }
0x1d8: {  	[tilespmem:v6+s0+$0x5000] =	vst.idx.msk $0xffff, v14;
	v14 =	vand.u32 $0x7F, v15;
	v15 =	vand.u32 $0xFFFFFC00, v62  }
0x1d9: {  	v13 =	vld.idx.msk [tilespmem:v13+s3+$0x0], $0xffff;
	v14 =	vor.u32 v14, v15  }
0x1da: {  	v14 =	vadd.s32 v3, v14;
	_ =	sdelay $0x1  }
0x1db: {  	v15 =	vadd.s32 $0x6, v12  }
0x1dc: {  	v63 =	vshll.u32 v15, $0x3  }
0x1dd: {  	[tilespmem:v7+s0+$0x5000] =	vst.idx.msk $0xffff, v13;
	v13 =	vand.u32 $0x7F, v15;
	v15 =	vand.u32 $0xFFFFFC00, v63  }
0x1de: {  	v14 =	vld.idx.msk [tilespmem:v14+s3+$0x0], $0xffff;
	v13 =	vor.u32 v13, v15  }
0x1df: {  	v13 =	vadd.s32 v3, v13;
	_ =	sdelay $0x3  }
0x1e0: {  	[tilespmem:v8+s0+$0x5000] =	vst.idx.msk $0xffff, v14  }
0x1e1: {  	v15 =	vld.idx.msk [tilespmem:v13+s3+$0x0], $0xffff;
	v13 =	vadd.s32 $0x7, v12  }
0x1e2: {  	v14 =	vshll.u32 v13, $0x3  }
0x1e3: {  	v13 =	vand.u32 $0x7F, v13;
	v14 =	vand.u32 $0xFFFFFC00, v14  }
0x1e4: {  	p2 =	por $0x1, $0x1;
	v13 =	vor.u32 v13, v14  }
.Ltmp17:
0x1e5: {  	v13 =	vadd.s32 v3, v13;
	(pc) =	sbr.rel @!p2 .LBB2_25-.Ltmp17, $3  }
0x1e6: {  	_ =	sdelay $0x1  }
0x1e7: {  	v12 =	vadd.s32 $0x8, v12  }
0x1e8: {  	s25 =	simm.s32 $0x400;
	p1 =	por $0x1, $0x1;
	v14 =	vshll.u32 v12, $0x3;
	[tilespmem:v9+s0+$0x5000] =	vst.idx.msk $0xffff, v15  }
.LBB2_26:
0x1e9: {  	p2 =	sne.s32 s25, $0x7A00;
	v15 =	vand.u32 $0x7F, v12;
	v14 =	vand.u32 $0xFFFFFC00, v14;
	v13 =	vld.idx.msk [tilespmem:v13+s3+$0x0], $0xffff  }
0x1ea: {  	v14 =	vor.u32 v15, v14  }
0x1eb: {  	v14 =	vadd.s32 v3, v14;
	_ =	sdelay $0x2  }
0x1ec: {  	v15 =	vadd.s32 $0x1, v12  }
0x1ed: {  	v16 =	vshll.u32 v15, $0x3;
	[tilespmem:v10+s0+$0x5000] =	vst.idx.msk $0xffff, v13  }
0x1ee: {  	v13 =	vld.idx.msk [tilespmem:v14+s3+$0x0], $0xffff;
	v14 =	vand.u32 $0x7F, v15;
	v15 =	vand.u32 $0xFFFFFC00, v16  }
0x1ef: {  	v14 =	vor.u32 v14, v15  }
0x1f0: {  	v14 =	vadd.s32 v3, v14;
	_ =	sdelay $0x2  }
0x1f1: {  	s0 =	sshra.s32 s2, $0x2;
	s2 =	smov.u32 s25;
	v15 =	vadd.s32 $0x2, v12  }
0x1f2: {  	[tilespmem:v0+s0+$0x5000] =	vst.idx.msk $0xffff, v13;
	v13 =	vshll.u32 v15, $0x3  }
0x1f3: {  	v15 =	vand.u32 $0x7F, v15;
	v14 =	vld.idx.msk [tilespmem:v14+s3+$0x0], $0xffff;
	v13 =	vand.u32 $0xFFFFFC00, v13  }
0x1f4: {  	v13 =	vor.u32 v15, v13  }
0x1f5: {  	v13 =	vadd.s32 v3, v13;
	_ =	sdelay $0x2  }
0x1f6: {  	v15 =	vadd.s32 $0x3, v12  }
0x1f7: {  	[tilespmem:v4+s0+$0x5000] =	vst.idx.msk $0xffff, v14;
	v14 =	vshll.u32 v15, $0x3  }
0x1f8: {  	v15 =	vand.u32 $0x7F, v15;
	v13 =	vld.idx.msk [tilespmem:v13+s3+$0x0], $0xffff;
	v14 =	vand.u32 $0xFFFFFC00, v14  }
0x1f9: {  	v14 =	vor.u32 v15, v14  }
0x1fa: {  	v14 =	vadd.s32 v3, v14;
	_ =	sdelay $0x2  }
0x1fb: {  	v15 =	vadd.s32 $0x4, v12  }
0x1fc: {  	[tilespmem:v5+s0+$0x5000] =	vst.idx.msk $0xffff, v13;
	v13 =	vshll.u32 v15, $0x3  }
0x1fd: {  	v15 =	vand.u32 $0x7F, v15;
	v14 =	vld.idx.msk [tilespmem:v14+s3+$0x0], $0xffff;
	v13 =	vand.u32 $0xFFFFFC00, v13  }
0x1fe: {  	v13 =	vor.u32 v15, v13  }
0x1ff: {  	v13 =	vadd.s32 v3, v13;
	_ =	sdelay $0x2  }
0x200: {  	v15 =	vadd.s32 $0x5, v12  }
0x201: {  	[tilespmem:v6+s0+$0x5000] =	vst.idx.msk $0xffff, v14;
	v14 =	vshll.u32 v15, $0x3  }
0x202: {  	v15 =	vand.u32 $0x7F, v15;
	v13 =	vld.idx.msk [tilespmem:v13+s3+$0x0], $0xffff;
	v14 =	vand.u32 $0xFFFFFC00, v14  }
0x203: {  	v14 =	vor.u32 v15, v14  }
0x204: {  	v14 =	vadd.s32 v3, v14;
	_ =	sdelay $0x2  }
0x205: {  	v15 =	vadd.s32 $0x6, v12  }
0x206: {  	[tilespmem:v7+s0+$0x5000] =	vst.idx.msk $0xffff, v13;
	v13 =	vshll.u32 v15, $0x3  }
0x207: {  	v15 =	vand.u32 $0x7F, v15;
	v14 =	vld.idx.msk [tilespmem:v14+s3+$0x0], $0xffff;
	v13 =	vand.u32 $0xFFFFFC00, v13  }
0x208: {  	v13 =	vor.u32 v15, v13  }
0x209: {  	v13 =	vadd.s32 v3, v13;
	_ =	sdelay $0x2  }
0x20a: {  	v15 =	vadd.s32 $0x7, v12  }
0x20b: {  	[tilespmem:v8+s0+$0x5000] =	vst.idx.msk $0xffff, v14;
	v14 =	vshll.u32 v15, $0x3  }
0x20c: {  	v16 =	vld.idx.msk [tilespmem:v13+s3+$0x0], $0xffff;
	v13 =	vand.u32 $0x7F, v15;
	v14 =	vand.u32 $0xFFFFFC00, v14  }
0x20d: {  	v13 =	vor.u32 v13, v14  }
.Ltmp18:
0x20e: {  	v13 =	vadd.s32 v3, v13;
	(pc) =	sbr.rel @p2 .LBB2_26-.Ltmp18, $3  }
0x20f: {  	_ =	sdelay $0x1  }
0x210: {  	v12 =	vadd.s32 $0x8, v12  }
0x211: {  	s25 =	sadd.s32 $0x200, s25;
	v14 =	vshll.u32 v12, $0x3;
	[tilespmem:v9+s0+$0x5000] =	vst.idx.msk $0xffff, v16  }
0x212: {  	s25 =	smov.u32 s2  }
.LBB2_28:
0x213: {  	_ =	sdelay $0x2  }
0x214: {  	v15 =	vand.u32 $0x7F, v12;
	v14 =	vand.u32 $0xFFFFFC00, v14  }
0x215: {  	v13 =	vld.idx.msk @p1 [tilespmem:v13+s3+$0x0], $0xffff;
	v14 =	vor.u32 v15, v14  }
0x216: {  	v14 =	vadd.s32 v3, v14;
	_ =	sdelay $0x1  }
0x217: {  	v15 =	vadd.s32 $0x1, v12  }
0x218: {  	v16 =	vshll.u32 v15, $0x3  }
0x219: {  	[tilespmem:v10+s0+$0x5000] =	vst.idx.msk @p1 $0xffff, v13;
	v13 =	vand.u32 $0x7F, v15;
	v15 =	vand.u32 $0xFFFFFC00, v16  }
0x21a: {  	v13 =	vor.u32 v13, v15;
	v14 =	vld.idx.msk [tilespmem:v14+s3+$0x0], $0xffff  }
0x21b: {  	v13 =	vadd.s32 v3, v13;
	_ =	sdelay $0x1  }
0x21c: {  	v15 =	vadd.s32 $0x2, v12  }
0x21d: {  	s31 =	sshra.s32 s25, $0x2;
	v16 =	vshll.u32 v15, $0x3  }
0x21e: {  	[tilespmem:v0+s31+$0x5000] =	vst.idx.msk $0xffff, v14;
	v14 =	vand.u32 $0x7F, v15;
	v15 =	vand.u32 $0xFFFFFC00, v16  }
0x21f: {  	v13 =	vld.idx.msk [tilespmem:v13+s3+$0x0], $0xffff;
	v14 =	vor.u32 v14, v15  }
0x220: {  	v14 =	vadd.s32 v3, v14;
	_ =	sdelay $0x1  }
0x221: {  	v15 =	vadd.s32 $0x3, v12  }
0x222: {  	v16 =	vshll.u32 v15, $0x3  }
0x223: {  	[tilespmem:v4+s31+$0x5000] =	vst.idx.msk $0xffff, v13;
	v13 =	vand.u32 $0x7F, v15;
	v15 =	vand.u32 $0xFFFFFC00, v16  }
0x224: {  	v14 =	vld.idx.msk [tilespmem:v14+s3+$0x0], $0xffff;
	v13 =	vor.u32 v13, v15  }
0x225: {  	v13 =	vadd.s32 v3, v13;
	_ =	sdelay $0x1  }
0x226: {  	v15 =	vadd.s32 $0x4, v12  }
0x227: {  	v16 =	vshll.u32 v15, $0x3  }
0x228: {  	[tilespmem:v5+s31+$0x5000] =	vst.idx.msk $0xffff, v14;
	v14 =	vand.u32 $0x7F, v15;
	v15 =	vand.u32 $0xFFFFFC00, v16  }
0x229: {  	v13 =	vld.idx.msk [tilespmem:v13+s3+$0x0], $0xffff;
	v14 =	vor.u32 v14, v15  }
0x22a: {  	v14 =	vadd.s32 v3, v14;
	_ =	sdelay $0x1  }
0x22b: {  	v15 =	vadd.s32 $0x5, v12  }
0x22c: {  	v16 =	vshll.u32 v15, $0x3  }
0x22d: {  	[tilespmem:v6+s31+$0x5000] =	vst.idx.msk $0xffff, v13;
	v13 =	vand.u32 $0x7F, v15;
	v15 =	vand.u32 $0xFFFFFC00, v16  }
0x22e: {  	v14 =	vld.idx.msk [tilespmem:v14+s3+$0x0], $0xffff;
	v13 =	vor.u32 v13, v15  }
0x22f: {  	v13 =	vadd.s32 v3, v13;
	_ =	sdelay $0x1  }
0x230: {  	v15 =	vadd.s32 $0x6, v12  }
0x231: {  	v16 =	vshll.u32 v15, $0x3  }
0x232: {  	[tilespmem:v7+s31+$0x5000] =	vst.idx.msk $0xffff, v14;
	v14 =	vand.u32 $0x7F, v15;
	v15 =	vand.u32 $0xFFFFFC00, v16  }
0x233: {  	v13 =	vld.idx.msk [tilespmem:v13+s3+$0x0], $0xffff;
	v14 =	vor.u32 v14, v15  }
0x234: {  	v14 =	vadd.s32 v3, v14;
	_ =	sdelay $0x1  }
0x235: {  	v15 =	vadd.s32 $0x7, v12  }
0x236: {  	v16 =	vshll.u32 v15, $0x3  }
0x237: {  	[tilespmem:v8+s31+$0x5000] =	vst.idx.msk $0xffff, v13;
	v13 =	vand.u32 $0x7F, v15;
	v15 =	vand.u32 $0xFFFFFC00, v16  }
0x238: {  	v14 =	vld.idx.msk [tilespmem:v14+s3+$0x0], $0xffff;
	v13 =	vor.u32 v13, v15  }
0x239: {  	v15 =	vadd.s32 $0x8, v12;
	v13 =	vadd.s32 v3, v13  }
0x23a: {  	vm0 =	vgt.s32 v15, $0x0  }
0x23b: {  	v12 =	vnsel vm0, $0x0, v15  }
0x23c: {  	v16 =	vshll.u32 v12, $0x3  }
0x23d: {  	v12 =	vand.u32 $0x7F, v12;
	[tilespmem:v9+s31+$0x5000] =	vst.idx.msk $0xffff, v14;
	v14 =	vand.u32 $0xFFFFFC00, v16  }
0x23e: {  	v13 =	vld.idx.msk [tilespmem:v13+s3+$0x0], $0xffff;
	v14 =	vor.u32 v12, v14  }
0x23f: {  	v12 =	vadd.s32 $0x1, v15;
	v14 =	vadd.s32 v3, v14  }
0x240: {  	vm0 =	vgt.s32 v12, $0x0  }
0x241: {  	v16 =	vnsel vm0, $0x0, v12  }
0x242: {  	v17 =	vshll.u32 v16, $0x3  }
0x243: {  	vm0 =	vlt.s32 v15, $0x200;
	v16 =	vand.u32 $0x7F, v16;
	v17 =	vand.u32 $0xFFFFFC00, v17;
	[tilespmem:v10+s31+$0x5000] =	vst.idx.msk $0xffff, v13  }
0x244: {  	v17 =	vor.u32 v16, v17;
	v16 =	vld.idx.msk [tilespmem:v14+s3+$0x0], $0xffff;
	v14 =	vmov v11  }
0x245: {  	v15 =	vadd.s32 v3, v17  }
0x246: {  	v13 =	vadd.s32 $0x1, v12  }
0x247: {  	s0 =	simm.s32 $0xD;
	vm1 =	vgt.s32 v13, $0x0  }
.LBB2_29:
0x248: {  	p1 =	sne.s32 s0, $0x1;
	v17 =	vnsel vm1, $0x0, v13  }
0x249: {  	v18 =	vshll.u32 v17, $0x3;
	[tilespmem:v14+s19+$0x0] =	vst.idx.msk vm0, v16  }
.Ltmp19:
0x24a: {  	v17 =	vand.u32 $0x7F, v17;
	vm0 =	vlt.s32 v12, $0x200;
	v12 =	vmovc v13;
	v18 =	vand.u32 $0xFFFFFC00, v18;
	v16 =	vld.idx.msk [tilespmem:v15+s3+$0x0], $0xffff;
	(pc) =	sbr.rel @p1 .LBB2_29-.Ltmp19, $4  }
0x24b: {  	v14 =	vadd.s32 $0x10, v14;
	v15 =	vor.u32 v17, v18  }
0x24c: {  	v15 =	vadd.s32 v3, v15  }
0x24d: {  	v13 =	vadd.s32 $0x1, v13  }
0x24e: {  	s0 =	sadd.s32 $0xFFFFFFFF, s0;
	vm1 =	vgt.s32 v13, $0x0  }
0x24f: {  	_ =	sdelay $0x2  }
0x250: {  	v17 =	vnsel vm1, $0x0, v13  }
0x251: {  	v18 =	vshll.u32 v17, $0x3  }
0x252: {  	[tilespmem:v14+s19+$0x0] =	vst.idx.msk vm0, v16;
	vm14 =	vlt.s32 v12, $0x200;
	v58 =	vand.u32 $0x7F, v17;
	v59 =	vand.u32 $0xFFFFFC00, v18  }
0x253: {  	v62 =	vadd.s32 $0x10, v14;
	v60 =	vld.idx.msk [tilespmem:v15+s3+$0x0], $0xffff;
	v61 =	vor.u32 v58, v59  }
0x254: {  	v15 =	vadd.s32 v3, v61;
	_ =	sdelay $0x3  }
0x255: {  	vm15 =	vlt.s32 v13, $0x200;
	[tilespmem:v62+s19+$0x0] =	vst.idx.msk vm14, v60  }
0x256: {  	v63 =	vadd.s32 $0x10, v62;
	v12 =	vld.idx.msk [tilespmem:v15+s3+$0x0], $0xffff;
	_ =	sdelay $0x4  }
0x257: {  	[tilespmem:v63+s19+$0x0] =	vst.idx.msk vm15, v12  }
0x258: {  	[hbm4b:s10+s3] =	stream.linear.scatter [tilespmem:s19], [sflag:$0x5], $0x2000, $0x38;
	[tilespmem:$0x9400] =	vst v63  }
0x259: {  	_ =	swait.ge [sflag:s24], $0x2000  }
0x25a: {  	[sflag:s24] =	ssyncset.done $0x0  }
0x25b: {  	s0 =	simm.s32 $0x80;
	[sflag:s24] =	ssyncadd.s32 $0xFFFFE000  }
0x25c: {  	[tilespmem:s28], [sflag:$0x5] =	stream.strided.gather [hbm4b:s11+s0], $0x400, s26, s0, $0x38;
	[tilespmem:$0x9400] =	vst v63  }
0x25d: {  	_ =	swait.ge [sflag:s24], $0x400  }
0x25e: {  	[sflag:s24] =	ssyncset.done $0x0  }
.Ltmp20:
0x25f: {  	[sflag:s24] =	ssyncadd.s32 $0xFFFFFC00;
	(pc) =	sbr.rel .LBB2_31-.Ltmp20, $4  }
0x260: {  	[hbm4b:s12+s3] =	stream.linear.scatter [tilespmem:s28], [sflag:$0x5], $0x400, $0x38;
	[tilespmem:$0x9400] =	vst v63  }
0x261: {  	_ =	swait.ge [sflag:s24], $0x400  }
0x262: {  	[sflag:s24] =	ssyncset.done $0x0  }
0x263: {  	[sflag:s24] =	ssyncadd.s32 $0xFFFFFC00  }
.LBB2_23:
.Ltmp21:
0x264: {  	(pc) =	sbr.rel .LBB2_28-.Ltmp21, $2  }
0x265: {  	_ =	sdelay $0x2  }
0x266: {  	_ = 	snop  }
.LBB2_25:
.Ltmp22:
0x267: {  	(pc) =	sbr.rel .LBB2_28-.Ltmp22, $2  }
0x268: {  	_ =	sdelay $0x2  }
0x269: {  	s25 =	simm.s32 $0x200  }
.LBB2_32:
0x26a: {  	_ =	sfence.sel $0x180000  }
0x26b: {  	[bflag:$0x0] =	sbarrier.arrive $0xFFFF  }
0x26c: {  	_ =	strace $0x90000047  }
0x26d: {  	s0 =	stileid.u32;
	[bflag:$0x2] =	sbarrier.arrive $0xFFFF  }
0x26e: {  	p0 =	sne.s32 s0, $0x0;
	s0 =	rddreg [dreg:$0x3]  }
0x26f: {  	s0 =	sadd.s32 @!p0 $0x100000, s0  }
0x270: {  	[sflag:s0] =	ssyncadd.tile.s32 @!p0 $0x1;
	_ =	shalt  }
.Lfunc_end2:
_tile_overlayer_lowered:
.L_overlay_start_2:
0x271: {  	(tag) =	ssettag $0x2  }
0x272: {  	s0 =	rddreg [dreg:$0x0];
	s2 =	stileid.u32  }
0x273: {  	s1 =	rddreg [dreg:$0x1];
	p0 =	sne.s32 s2, $0x0  }
0x274: {  	s3 =	rddreg [dreg:$0x2];
	[bflag:$0x3] =	sbarrier.arrive $0xFFFF;
	s2 =	simm.s32 @!p0 $0x1C05  }
0x275: {  	[timem:s3], [sflag:s2] =	dma.local @!p0 [hbm:s0], s1  }
0x276: {  	s0 =	simm.s32 @!p0 $0x5  }
0x277: {  	_ =	swait.ge @!p0 [sflag:s0], s1  }
0x278: {  	s1 =	ssub.s32 @!p0 $0x0, s1;
	[sflag:s0] =	ssyncset.done @!p0 $0x0  }
0x279: {  	[sflag:s0] =	ssyncadd.s32 @!p0 s1  }
0x27a: {  	[bflag:$0x3] =	sbarrier.arrive $0xFFFF  }
0x27b: {  	_ =	shalt  }

// kernel: kernel.7.cloned.1.call-start
scs
__scs_entry_jumppad:
0x0: {  	(pc) =	sbr.rel $0x88, $3  }
0x1: {  	(tag) =	ssettag $0x0;
	lr =	simm.s32 $0x1  }
0x2: {  	[smem:$0x3F9F] =	sst lr;
	_ =	strace $0xD0000000  }
0x3: {  	_ = 	snop  }
0x4: {  	_ = 	snop  }
0x5: {  	_ = 	snop  }
0x6: {  	_ = 	snop  }
0x7: {  	_ = 	snop  }
__scs_overlays_trampoline_lowered:
0x8: {  	[smem:$0x3FAE] =	sst s0  }
0x9: {  	[smem:$0x3FAF] =	sst s1  }
0xa: {  	[smem:$0x3FB0] =	sst s2  }
0xb: {  	[smem:$0x3FB1] =	sst s3  }
0xc: {  	[smem:$0x3FB2] =	sst s4  }
0xd: {  	[smem:$0x3FB3] =	sst s5  }
0xe: {  	[smem:$0x3FB4] =	sst s6  }
0xf: {  	[smem:$0x3FB5] =	sst s7  }
0x10: {  	[smem:$0x3FB6] =	sst s8  }
0x11: {  	[smem:$0x3FB7] =	sst s9;
	s0 =	simm.s32 @!p0 $0x0  }
0x12: {  	s1 =	sld [smem:$0x3F9D];
	s0 =	simm.s32 @p0 $0x1  }
0x13: {  	[smem:$0x3FB8] =	sst s0;
	s0 =	simm.s32 @!p1 $0x0  }
0x14: {  	s2 =	sld [smem:$0x3F9C];
	s0 =	simm.s32 @p1 $0x1  }
0x15: {  	[smem:$0x3FB9] =	sst s0;
	s0 =	simm.s32 @!p2 $0x0  }
0x16: {  	s3 =	sld [smem:$0x3FDB];
	s0 =	simm.s32 @p2 $0x1  }
0x17: {  	s4 =	simm.s32 $0x1BF5;
	[smem:$0x3FBB] =	sst s0  }
0x18: {  	s0 =	sld [smem:$0x3F9E];
	_ =	swait.ge [sflag:s4], $0x0  }
0x19: {  	s7 =	sld [smem:$0x3F9F]  }
0x1a: {  	s8 =	sadd.s32 $0xFFFFE003, lr  }
0x1b: {  	s9 =	sadd.s32 $0xFFFFFEF7, lr;
	s5 =	simm.s32 $0xFFFFFFFF;
	p2 =	slt.u32 s8, $0xFFFFF086  }
0x1c: {  	p1 =	slt.u32 s9, $0xF7A;
	s5 =	simm.s32 @!p2 $0x0  }
0x1d: {  	s5 =	simm.s32 @p1 $0x1;
	p0 =	seq.s32 s7, s2  }
0x1e: {  	s7 =	smul.u32 @!p0 $0xF7A, s2;
	p2 =	seq.s32 @!p0 s5, $0x0  }
0x1f: {  	s9 =	smul.u32 $0xF7A, s1;
	s8 =	simm.s32 @!p0 $0x1BF5;
	p2 =	por !p2, p0  }
0x20: {  	[sflag:s8] =	ssyncset.s32 @!p0 $0xFFFFF086;
	s6 =	sadd.s32 @!p0 s3, s7;
	s7 =	simm.s32 @!p0 $0x108  }
0x21: {  	s3 =	sadd.s32 s3, s9;
	s6 =	sadd.s32 @!p0 $0x88, s6;
	s7 =	simm.s32 @p2 $0x1082  }
0x22: {  	[simem:s7], [sflag:s8] =	dma.local @!p0 [hbm:s6], $0xF7A  }
0x23: {  	s9 =	sor.u32 $0xD0000000, s2;
	s6 =	simm.s32 $0x108;
	_ =	swait.ge @!p0 [sflag:s8], $0x0  }
0x24: {  	s3 =	sadd.s32 $0x88, s3;
	s6 =	simm.s32 @!p1 $0x1082;
	[sflag:s4] =	ssyncset.s32 $0xFFFFF086  }
0x25: {  	[simem:s6], [sflag:s4] =	dma.local [hbm:s3], $0xF7A  }
0x26: {  	[smem:$0x3F9F] =	sst s1;
	(tag) =	ssettag s2;
	_ =	strace s9  }
0x27: {  	s1 =	sld [smem:$0x3FAF]  }
0x28: {  	s2 =	sld [smem:$0x3FB0]  }
0x29: {  	s4 =	sld [smem:$0x3FB2]  }
0x2a: {  	p0 =	seq.s32 s5, $0x0;
	s5 =	sld [smem:$0x3FB3]  }
0x2b: {  	s6 =	sld [smem:$0x3FB4]  }
0x2c: {  	s7 =	sld [smem:$0x3FB5]  }
0x2d: {  	s3 =	simm.s32 $0x108;
	s8 =	sld [smem:$0x3FB6]  }
0x2e: {  	s3 =	simm.s32 @!p0 $0x1082;
	s9 =	sld [smem:$0x3FB7]  }
0x2f: {  	lr =	sadd.s32 s0, s3;
	s0 =	sld [smem:$0x3FAE]  }
0x30: {  	s3 =	sld [smem:$0x3FB1]  }
0x31: {  	[smem:$0x3FBA] =	sst s10  }
0x32: {  	s10 =	sld [smem:$0x3FB8];
	_ =	sdelay $0x3  }
0x33: {  	p0 =	seq.s32 s10, $0x1;
	s10 =	sld [smem:$0x3FBA];
	_ =	sdelay $0x3  }
0x34: {  	[smem:$0x3FBA] =	sst s10  }
0x35: {  	s10 =	sld [smem:$0x3FB9];
	_ =	sdelay $0x3  }
0x36: {  	p1 =	seq.s32 s10, $0x1;
	s10 =	sld [smem:$0x3FBA];
	_ =	sdelay $0x3  }
0x37: {  	[smem:$0x3FBA] =	sst s10  }
0x38: {  	s10 =	sld [smem:$0x3FBB]  }
0x39: {  	_ = 	snop;
	(pc) =	sbr.ind lr, $3  }
0x3a: {  	_ = 	snop  }
0x3b: {  	_ = 	snop  }
0x3c: {  	p2 =	seq.s32 s10, $0x1;
	s10 =	sld [smem:$0x3FBA]  }
0x3d: {  	_ =	shalt  }
0x3e: {  	_ =	shalt  }
0x3f: {  	_ =	shalt  }
0x40: {  	_ =	shalt  }
0x41: {  	_ =	shalt  }
0x42: {  	_ =	shalt  }
0x43: {  	_ =	shalt  }
0x44: {  	_ =	shalt  }
0x45: {  	_ =	shalt  }
0x46: {  	_ =	shalt  }
0x47: {  	_ =	shalt  }
0x48: {  	_ =	shalt  }
0x49: {  	_ =	shalt  }
0x4a: {  	_ =	shalt  }
0x4b: {  	_ =	shalt  }
0x4c: {  	_ =	shalt  }
0x4d: {  	_ =	shalt  }
0x4e: {  	_ =	shalt  }
0x4f: {  	_ =	shalt  }
0x50: {  	_ =	shalt  }
0x51: {  	_ =	shalt  }
0x52: {  	_ =	shalt  }
0x53: {  	_ =	shalt  }
0x54: {  	_ =	shalt  }
0x55: {  	_ =	shalt  }
0x56: {  	_ =	shalt  }
0x57: {  	_ =	shalt  }
0x58: {  	_ =	shalt  }
0x59: {  	_ =	shalt  }
0x5a: {  	_ =	shalt  }
0x5b: {  	_ =	shalt  }
0x5c: {  	_ =	shalt  }
0x5d: {  	_ =	shalt  }
0x5e: {  	_ =	shalt  }
0x5f: {  	_ =	shalt  }
0x60: {  	_ =	shalt  }
0x61: {  	_ =	shalt  }
0x62: {  	_ =	shalt  }
0x63: {  	_ =	shalt  }
0x64: {  	_ =	shalt  }
0x65: {  	_ =	shalt  }
0x66: {  	_ =	shalt  }
0x67: {  	_ =	shalt  }
0x68: {  	_ =	shalt  }
0x69: {  	_ =	shalt  }
0x6a: {  	_ =	shalt  }
0x6b: {  	_ =	shalt  }
0x6c: {  	_ =	shalt  }
0x6d: {  	_ =	shalt  }
0x6e: {  	_ =	shalt  }
0x6f: {  	_ =	shalt  }
0x70: {  	_ =	shalt  }
0x71: {  	_ =	shalt  }
0x72: {  	_ =	shalt  }
0x73: {  	_ =	shalt  }
0x74: {  	_ =	shalt  }
0x75: {  	_ =	shalt  }
0x76: {  	_ =	shalt  }
0x77: {  	_ =	shalt  }
0x78: {  	_ =	shalt  }
0x79: {  	_ =	shalt  }
0x7a: {  	_ =	shalt  }
0x7b: {  	_ =	shalt  }
0x7c: {  	_ =	shalt  }
0x7d: {  	_ =	shalt  }
0x7e: {  	_ =	shalt  }
0x7f: {  	_ =	shalt  }
0x80: {  	_ =	shalt  }
0x81: {  	_ =	shalt  }
0x82: {  	_ =	shalt  }
0x83: {  	_ =	shalt  }
0x84: {  	_ =	shalt  }
0x85: {  	_ =	shalt  }
0x86: {  	_ =	shalt  }
0x87: {  	_ =	shalt  }
.Lfunc_end0:
.L_simem_size_0:
called_computation.2_lowered:
.L_overlay_start_0:
0x88: {  	s2 =	sld [smem:$0x3FD9]  }
0x89: {  	s3 =	sld [smem:$0x3FFE];
	_ =	sdelay $0x1  }
0x8a: {  	s1 =	srdreg.scid  }
0x8b: {  	s0 =	sand.u32 $0x1, s1  }
0x8c: {  	s17 =	sshll.u32 s0, $0xA;
	s2 =	sadd.s32 s3, s2  }
0x8d: {  	s2 =	sadd.s32 s2, s17  }
0x8e: {  	[smem:$0x3FC6] =	sst s2  }
0x8f: {  	_ = 	snop  }
0x90: {  	s2 =	sld [smem:$0x3FD0];
	(tm) =	ssettm $0x1  }
0x91: {  	s18 =	sld [smem:$0x3FFB];
	_ =	sdelay $0x3  }
0x92: {  	_ =	strace s18  }
0x93: {  	s3 =	sld [smem:$0x3FFC];
	_ =	sdelay $0x3  }
0x94: {  	_ =	strace s3  }
0x95: {  	s3 =	sld [smem:$0x3FFD];
	_ =	sdelay $0x3  }
0x96: {  	_ =	strace s3  }
0x97: {  	_ =	strace $0x8FFFFFFF  }
0x98: {  	s19 =	sld [smem:$0x3FDB];
	_ =	sdelay $0x1  }
0x99: {  	s4 =	simm.s32 $_scs_section_size  }
0x9a: {  	s5 =	simm.s32 $_size__tile_overlayer_lowered;
	s6 =	simm.s32 $_tile_overlayer_lowered  }
0x9b: {  	s22 =	simm.s32 $0x1BFF;
	s21 =	sshll.u32 s6, $0x1;
	s3 =	sadd.s32 s4, s19  }
0x9c: {  	s7 =	simm.s32 $0x0;
	s20 =	sshll.u32 s5, $0x1;
	s5 =	sadd.s32 s21, s3  }
0x9d: {  	[timem:s7], [sflag:s22] =	dma.local [hbm:s5], s20  }
0x9e: {  	_ =	swait.ge [sflag:s22], s20  }
0x9f: {  	s4 =	ssub.s32 $0x0, s20;
	[sflag:s22] =	ssyncset.done $0x0  }
0xa0: {  	[sflag:s22] =	ssyncadd.s32 s4;
	_ =	sdelay $0x1  }
0xa1: {  	s23 =	simm.s32 $0x1B8B  }
0xa2: {  	_ =	swait.ge [sflag:s23], $0x1  }
0xa3: {  	[sflag:s23] =	ssyncset.done $0x0  }
0xa4: {  	s25 =	simm.s32 $0x1B8E;
	s24 =	sld [smem:$0x3FFE];
	[sflag:s23] =	ssyncadd.s32 $0xFFFFFFFF  }
0xa5: {  	s26 =	simm.s32 $execute0_lowered;
	[smem:$0x3FD2] =	sst s25  }
0xa6: {  	s5 =	sshll.u32 s26, $0x1;
	_ =	strace $0x80000049;
	[dreg:$0x1] =	wrdreg $0xFFFFFFFF  }
0xa7: {  	s28 =	simm.s32 $_size_execute0_lowered;
	s3 =	sadd.s32 s3, s5;
	[dreg:$0x0] =	wrdreg $0x0  }
0xa8: {  	s5 =	sshll.u32 s28, $0x1;
	[dreg:$0x2] =	wrdreg s3  }
0xa9: {  	[dreg:$0x3] =	wrdreg s5  }
0xaa: {  	[dreg:$0x4] =	wrdreg $0xC0  }
0xab: {  	_ =	task [dreg:s7], $0x5FFFF  }
0xac: {  	[dreg:$0x1] =	wrdreg $0xFFFFFFFF  }
0xad: {  	[dreg:$0x0] =	wrdreg $0x60  }
0xae: {  	[dreg:$0x2] =	wrdreg s24  }
0xaf: {  	[dreg:$0x3] =	wrdreg s2  }
0xb0: {  	[dreg:$0x4] =	wrdreg $0x9  }
0xb1: {  	_ =	task.clear_ibuf [dreg:s7], $0x5FFFF;
	_ =	strace $0x90000049  }
0xb2: {  	s29 =	simm.s32 $0x9;
	_ =	strace $0x8000004B  }
0xb3: {  	_ =	swait.ge [sflag:s29], $0x1  }
0xb4: {  	[sflag:s29] =	ssyncadd.s32 $0xFFFFFFFF  }
0xb5: {  	_ =	strace $0x9000004B  }
0xb6: {  	_ =	sfence  }
0xb7: {  	s30 =	sld [smem:$0x0];
	_ =	sdelay $0x2  }
0xb8: {  	s31 =	sshll.u32 s1, $0xD;
	s1 =	sshrl.u32 s1, $0x2  }
0xb9: {  	s3 =	sand.u32 $0x4000, s31;
	s1 =	sadd.s32 s1, s30  }
0xba: {  	s0 =	sor.u32 s3, s0;
	s1 =	sshll.u32 s1, $0x11  }
0xbb: {  	s0 =	sor.u32 s1, s0  }
0xbc: {  	s0 =	sadd.s32 $0x8F2B, s0  }
0xbd: {  	[sflag:s0] =	ssyncadd.remote.s32 $0x1  }
0xbe: {  	_ =	sfence.sel $0xFFFF  }
0xbf: {  	[dreg:$0x0] =	wrdreg $0xFFFFFFFF;
	(pc) =	sbr.abs _section_cstart, $3  }
0xc0: {  	[dreg:$0x1] =	wrdreg $0xFFFFFFFF  }
0xc1: {  	_ =	task.clear_ibuf [dreg:s7], $0x2FFFF;
	_ =	strace $0x9FFFFFFF  }
0xc2: {  	(tm) =	ssettm $0x7FFFFFFF  }
0xc3: {  	_ =	shalt  }
tec
execute0_lowered:
.L_overlay_start_1:
0x0: {  	(tag) =	ssettag $0x1  }
0x1: {  	s0 =	rddreg [dreg:$0x0]  }
0x2: {  	s4 =	rddreg [dreg:$0x1];
	s1 =	srdreg.scid  }
0x3: {  	s2 =	stileid.u32;
	s5 =	simm.s32 $0x0;
	s1 =	sand.u32 $0x1, s1  }
0x4: {  	s2 =	sshll.u32 s2, $0x1;
	[smem:$0x7FF] =	sst s5;
	s7 =	sadd.s32 $0x7A1E00, s0  }
0x5: {  	v0 =	vimm.s32 $0xECA86420;
	s0 =	sadd.s32 $0xC00, s0;
	s2 =	sor.u32 s1, s2;
	_ =	strace $0x8000004A  }
0x6: {  	vm0 =	vcmask $0xB08;
	vm1 =	vcmask $0x1310;
	vm2 =	vcmask $0x1B18;
	s1 =	ssub.s32 $0x2, s1;
	[dreg:$0x5] =	wrdreg s0;
	s6 =	smul.u32 $0x1900, s2  }
0x7: {  	vm3 =	vcmask $0x300;
	vm4 =	vcmask $0x2320;
	vm5 =	vcmask $0x2B28;
	[dreg:$0x4] =	wrdreg s7;
	s3 =	sshrl.u32 s1, $0x1  }
0x8: {  	v2 =	vlaneseq.u32;
	vm6 =	vcmask $0x3330;
	vm7 =	vcmask $0x3B38;
	s2 =	smul.u32 $0x64000, s2;
	s28 =	sadd.s32 $0x280, s6;
	[dreg:$0x3] =	wrdreg s6  }
0x9: {  	vm8 =	vmmov $0xff;
	vm9 =	vcmask $0x704;
	vm10 =	vcmask $0xF0C;
	s25 =	ssub.s32 s1, s3;
	s30 =	sadd.s32 $0x3FFFD80, s6;
	[dreg:$0x7] =	wrdreg s28  }
0xa: {  	vm11 =	vcmask $0x1714;
	vm12 =	vcmask $0x1F1C;
	v0 =	vunpack.c.l.s4.s8 v0;
	s26 =	sshrl.u32 s6, $0x3;
	s31 =	sadd.s32 $0x500, s6;
	[dreg:$0x8] =	wrdreg s30  }
0xb: {  	v1 =	vmul.u32 $0x2, v2;
	v3 =	vand.u32 $0x1, v2;
	v2 =	vmul.u32 $0x4, v2;
	s29 =	sshrl.u32 s2, $0x3;
	s1 =	sadd.s32 s7, s26;
	[dreg:$0x9] =	wrdreg s31  }
0xc: {  	vm13 =	vcmask $0x2724;
	vm14 =	vcmask $0x2F2C;
	v3 =	vmul.u32 $0x4, v3;
	s0 =	smax.u32 s25, $0x1;
	[dreg:$0x6] =	wrdreg s1;
	s1 =	sadd.s32 s4, s29  }
0xd: {  	vm15 =	vcmask $0x3734;
	v0 =	vunpack.c.0.s8.s32 v0;
	v4 =	vor.u32 $0x1, v2;
	[dreg:$0xb] =	wrdreg s0;
	s1 =	sadd.s32 $0xB400, s1  }
0xe: {  	v5 =	vor.u32 $0x2, v2;
	v6 =	vor.u32 $0x3, v2;
	v3 =	vor.u32 $0xFFFFFFF8, v3;
	s2 =	simm.s32 $0x0;
	[dreg:$0xa] =	wrdreg s1  }
.LBB2_1:
0xf: {  	s0 =	rddreg [dreg:$0x6];
	s1 =	simm.s32 $0x280;
	s31 =	simm.s32 $0x32000  }
0x10: {  	[tilespmem:s5], [sflag:$0x1] =	stream.strided.gather [hbm4b:s0+s1], $0xA00, s31, s1, $0x38;
	[tilespmem:$0x16800] =	vst v63  }
0x11: {  	[dreg:$0xc] =	wrdreg s2;
	s0 =	simm.s32 $0x0  }
.LBB2_2:
0x12: {  	[dreg:$0xd] =	wrdreg s0;
	s1 =	simm.s32 $0x1  }
0x13: {  	s2 =	smul.u32 $0x500, s0;
	_ =	swait.ge [sflag:s1], $0xA00  }
0x14: {  	s28 =	rddreg [dreg:$0x7]  }
0x15: {  	s30 =	simm.s32 $0x280;
	s31 =	simm.s32 $0x32000;
	s0 =	sadd.s32 s2, s28  }
0x16: {  	[sflag:s1] =	ssyncset.done $0x0;
	s29 =	rddreg [dreg:$0x4];
	s0 =	sshrl.u32 s0, $0x3  }
0x17: {  	s3 =	simm.s32 $0xA00;
	[sflag:s1] =	ssyncadd.s32 $0xFFFFF600;
	s0 =	sadd.s32 s29, s0  }
0x18: {  	[tilespmem:s3], [sflag:$0x2] =	stream.strided.gather [hbm4b:s0+s30], $0xA00, s31, s30, $0x38;
	[tilespmem:$0x16800] =	vst v63  }
0x19: {  	[dreg:$0xe] =	wrdreg s2;
	s0 =	simm.s32 $0x0  }
.LBB2_3:
0x1a: {  	[dreg:$0x10] =	wrdreg s0  }
0x1b: {  	s0 =	rddreg [dreg:$0x10]  }
0x1c: {  	s0 =	sshra.s32 s0, $0x2  }
0x1d: {  	v8 =	vld [tilespmem:s0+$0x0]  }
0x1e: {  	v11 =	vld [tilespmem:s0+$0x280]  }
0x1f: {  	v13 =	vld [tilespmem:s0+$0x500]  }
0x20: {  	v12 =	vld [tilespmem:s0+$0x780];
	_ =	sdelay $0x4  }
0x21: {  	v9 =	vxor.u32 v8, v11;
	v10 =	vxor.u32 v13, v12  }
0x22: {  	v7 =	vxor.u32 v9, v10  }
0x23: {  	(v2sf) =	vpush v7, $0xD;
	_ =	sdelay $0x1  }
0x24: {  	(v2sf) =	vpush v7, $0xC;
	_ =	sdelay $0x1  }
0x25: {  	(v2sf) =	vpush v7, $0xE;
	_ =	sdelay $0x1  }
0x26: {  	(v2sf) =	vpush v7, $0xF;
	_ =	sdelay $0x1  }
0x27: {  	(v2sf) =	vpush v7, $0x9;
	_ =	sdelay $0x1  }
0x28: {  	(v2sf) =	vpush v7, $0x8;
	_ =	sdelay $0x1  }
0x29: {  	(v2sf) =	vpush v7, $0xA;
	_ =	sdelay $0x1  }
0x2a: {  	(v2sf) =	vpush v7, $0xB  }
0x2b: {  	s9 =	spop (v2sf)  }
0x2c: {  	(v2sf) =	vpush v7, $0x0;
	s4 =	smulhi.u32 $0x431BDE83, s9;
	s0 =	sshra.s32 s9, $0x1F  }
0x2d: {  	s10 =	spop (v2sf);
	s24 =	smul.u32 $0x431BDE83, s0  }
0x2e: {  	(v2sf) =	vpush v7, $0x1;
	s7 =	smulhi.u32 $0x431BDE83, s10;
	s0 =	sshra.s32 s10, $0x1F  }
0x2f: {  	s11 =	spop (v2sf);
	s12 =	smul.u32 $0x431BDE83, s0  }
0x30: {  	(v2sf) =	vpush v7, $0x2;
	s8 =	smulhi.u32 $0x431BDE83, s11;
	s0 =	sshra.s32 s11, $0x1F  }
0x31: {  	s13 =	spop (v2sf);
	s5 =	smul.u32 $0x431BDE83, s0  }
0x32: {  	(v2sf) =	vpush v7, $0x3;
	s9 =	smulhi.u32 $0x431BDE83, s13;
	s0 =	sshra.s32 s13, $0x1F  }
0x33: {  	s14 =	spop (v2sf);
	(v2sf) =	vpush v7, $0x4;
	s16 =	smul.u32 $0x431BDE83, s0  }
0x34: {  	s10 =	smulhi.u32 $0x431BDE83, s14;
	s0 =	sshra.s32 s14, $0x1F  }
0x35: {  	s15 =	spop (v2sf);
	(v2sf) =	vpush v7, $0x5;
	s6 =	smul.u32 $0x431BDE83, s0  }
0x36: {  	s11 =	smulhi.u32 $0x431BDE83, s15;
	s0 =	sshra.s32 s15, $0x1F  }
0x37: {  	s17 =	spop (v2sf);
	(v2sf) =	vpush v7, $0x6;
	s25 =	smul.u32 $0x431BDE83, s0  }
0x38: {  	s13 =	smulhi.u32 $0x431BDE83, s17;
	s0 =	sshra.s32 s17, $0x1F  }
0x39: {  	s18 =	spop (v2sf);
	s20 =	smul.u32 $0x431BDE83, s0  }
0x3a: {  	(v2sf) =	vpush v7, $0x7;
	s14 =	smulhi.u32 $0x431BDE83, s18;
	s0 =	sshra.s32 s18, $0x1F  }
0x3b: {  	s21 =	smul.u32 $0x431BDE83, s0;
	s19 =	spop (v2sf)  }
0x3c: {  	s31 =	smulhi.u32 $0x431BDE83, s19;
	s0 =	sshra.s32 s19, $0x1F  }
0x3d: {  	v8 =	vxor.u32 v8, v13;
	s22 =	spop (v2sf);
	s17 =	smul.u32 $0x431BDE83, s0  }
0x3e: {  	(v2sf) =	vpush v8, $0xD;
	s1 =	smulhi.u32 $0x431BDE83, s22;
	s0 =	sshra.s32 s22, $0x1F  }
0x3f: {  	s4 =	sadd.s32 s24, s4;
	s23 =	spop (v2sf);
	s18 =	smul.u32 $0x431BDE83, s0  }
0x40: {  	[smem:$0x7F9] =	sst s4;
	(v2sf) =	vpush v8, $0xC;
	s26 =	smulhi.u32 $0x431BDE83, s23  }
0x41: {  	s28 =	spop (v2sf);
	[smem:$0x7E7] =	sst s1  }
0x42: {  	(v2sf) =	vpush v8, $0xE;
	s0 =	sshra.s32 s23, $0x1F;
	s29 =	smulhi.u32 $0x431BDE83, s28;
	s30 =	spop (v2sf)  }
0x43: {  	[smem:$0x7E8] =	sst s26;
	s26 =	smul.u32 $0x431BDE83, s0  }
0x44: {  	(v2sf) =	vpush v8, $0xF;
	s0 =	sshra.s32 s28, $0x1F;
	s2 =	smulhi.u32 $0x431BDE83, s30;
	s3 =	spop (v2sf)  }
0x45: {  	[smem:$0x7E9] =	sst s29;
	s15 =	smul.u32 $0x431BDE83, s0  }
0x46: {  	s0 =	sshra.s32 s30, $0x1F;
	s22 =	smulhi.u32 $0x431BDE83, s3;
	s23 =	spop (v2sf)  }
0x47: {  	(v2sf) =	vpush v8, $0x9;
	[smem:$0x7EA] =	sst s2;
	s19 =	smul.u32 $0x431BDE83, s0  }
0x48: {  	s24 =	sadd.s32 s6, s10;
	s28 =	smulhi.u32 $0x431BDE83, s23;
	[smem:$0x7EB] =	sst s22  }
0x49: {  	s25 =	sadd.s32 s25, s11;
	(v2sf) =	vpush v8, $0x8;
	s29 =	spop (v2sf);
	s10 =	sld [smem:$0x7EA]  }
0x4a: {  	s0 =	sshra.s32 s3, $0x1F;
	s2 =	smulhi.u32 $0x431BDE83, s29;
	s11 =	sld [smem:$0x7EB]  }
0x4b: {  	s3 =	smul.u32 $0x431BDE83, s0;
	s0 =	sshra.s32 s23, $0x1F;
	[smem:$0x7EC] =	sst s28  }
0x4c: {  	(v2sf) =	vpush v8, $0xA;
	s1 =	smul.u32 $0x431BDE83, s0;
	s0 =	sshra.s32 s29, $0x1F;
	[smem:$0x7ED] =	sst s2  }
0x4d: {  	s2 =	smul.u32 $0x431BDE83, s0;
	s11 =	sadd.s32 s3, s11;
	s30 =	spop (v2sf)  }
0x4e: {  	s3 =	sld [smem:$0x7ED];
	s22 =	smulhi.u32 $0x431BDE83, s30;
	s0 =	sshra.s32 s30, $0x1F  }
0x4f: {  	(v2sf) =	vpush v8, $0xB;
	s23 =	spop (v2sf);
	s0 =	smul.u32 $0x431BDE83, s0  }
0x50: {  	s28 =	smulhi.u32 $0x431BDE83, s23;
	[smem:$0x7EE] =	sst s22  }
0x51: {  	s29 =	spop (v2sf);
	[smem:$0x7EF] =	sst s0  }
0x52: {  	s30 =	smulhi.u32 $0x431BDE83, s29;
	[smem:$0x7F0] =	sst s28;
	s0 =	sshra.s32 s23, $0x1F  }
0x53: {  	(v2sf) =	vpush v8, $0x0;
	s23 =	spop (v2sf);
	s0 =	smul.u32 $0x431BDE83, s0  }
0x54: {  	[smem:$0x7F2] =	sst s30;
	s28 =	smulhi.u32 $0x431BDE83, s23  }
0x55: {  	[smem:$0x7F1] =	sst s0  }
0x56: {  	(v2sf) =	vpush v8, $0x1;
	s30 =	spop (v2sf);
	s0 =	sshra.s32 s29, $0x1F;
	[smem:$0x7F4] =	sst s28  }
0x57: {  	(v2sf) =	vpush v8, $0x2;
	s29 =	sadd.s32 s12, s7;
	s7 =	sadd.s32 s5, s8;
	s8 =	smulhi.u32 $0x431BDE83, s30  }
0x58: {  	s28 =	sadd.s32 s16, s9;
	s9 =	spop (v2sf);
	s5 =	sld [smem:$0x7E7]  }
0x59: {  	s0 =	smul.u32 $0x431BDE83, s0;
	[smem:$0x7FA] =	sst s29  }
0x5a: {  	(v2sf) =	vpush v8, $0x3;
	[smem:$0x7FB] =	sst s7;
	s12 =	smulhi.u32 $0x431BDE83, s9  }
0x5b: {  	s17 =	sadd.s32 s17, s31;
	s16 =	spop (v2sf);
	s7 =	sld [smem:$0x7E8]  }
0x5c: {  	s22 =	smulhi.u32 $0x431BDE83, s16;
	[smem:$0x7F3] =	sst s0;
	s0 =	sshra.s32 s23, $0x1F  }
0x5d: {  	s19 =	sadd.s32 s19, s10;
	[smem:$0x7F6] =	sst s8;
	s0 =	smul.u32 $0x431BDE83, s0  }
0x5e: {  	s4 =	spop (v2sf);
	[smem:$0x7F8] =	sst s22;
	s22 =	sadd.s32 s21, s14  }
0x5f: {  	s21 =	smulhi.u32 $0x431BDE83, s4;
	[smem:$0x7F5] =	sst s0;
	s0 =	sshra.s32 s30, $0x1F  }
0x60: {  	s8 =	sld [smem:$0x7E9];
	s30 =	smul.u32 $0x431BDE83, s0;
	s0 =	sshra.s32 s9, $0x1F  }
0x61: {  	[smem:$0x7F7] =	sst s12;
	s29 =	smul.u32 $0x431BDE83, s0;
	s0 =	sshra.s32 s16, $0x1F  }
0x62: {  	s23 =	sadd.s32 s20, s13;
	s6 =	spop (v2sf);
	s20 =	smul.u32 $0x431BDE83, s0  }
0x63: {  	s18 =	sadd.s32 s18, s5;
	s0 =	sshra.s32 s4, $0x1F;
	s14 =	smulhi.u32 $0x431BDE83, s6  }
0x64: {  	s13 =	sld [smem:$0x7EC];
	s31 =	sshra.s32 s6, $0x1F;
	s16 =	smul.u32 $0x431BDE83, s0  }
0x65: {  	s15 =	sadd.s32 s15, s8;
	s9 =	spop (v2sf);
	s8 =	smul.u32 $0x431BDE83, s31  }
0x66: {  	s10 =	smulhi.u32 $0x431BDE83, s9;
	s31 =	sshra.s32 s9, $0x1F;
	s12 =	spop (v2sf)  }
0x67: {  	s5 =	sld [smem:$0x7EE];
	s9 =	smul.u32 $0x431BDE83, s31;
	s31 =	sshra.s32 s12, $0x1F  }
0x68: {  	s6 =	smul.u32 $0x431BDE83, s31;
	s31 =	sld [smem:$0x7EF]  }
0x69: {  	s26 =	sadd.s32 s26, s7;
	s7 =	smulhi.u32 $0x431BDE83, s12;
	s4 =	spop (v2sf)  }
0x6a: {  	s12 =	sadd.s32 s2, s3;
	s3 =	sld [smem:$0x7F0];
	s0 =	sshra.s32 s4, $0x1F  }
0x6b: {  	s31 =	sadd.s32 s31, s5;
	s5 =	smulhi.u32 $0x431BDE83, s4;
	s4 =	sld [smem:$0x7F1]  }
0x6c: {  	_ = 	snop  }
0x6d: {  	s2 =	sld [smem:$0x7F2]  }
0x6e: {  	s13 =	sadd.s32 s1, s13;
	s1 =	sadd.s32 s4, s3;
	s3 =	sld [smem:$0x7F3]  }
0x6f: {  	(v2sf) =	vpush v8, $0x4  }
0x70: {  	[smem:$0x7FC] =	sst s1  }
0x71: {  	(v2sf) =	vpush v8, $0x5;
	s1 =	sadd.s32 s3, s2;
	s2 =	sld [smem:$0x7F5]  }
0x72: {  	[dreg:$0x1f] =	wrdreg s1  }
0x73: {  	s1 =	sld [smem:$0x7F4];
	_ =	sdelay $0x2  }
0x74: {  	(v2sf) =	vpush v8, $0x6;
	s1 =	sadd.s32 s2, s1  }
0x75: {  	[dreg:$0x1d] =	wrdreg s1  }
0x76: {  	(v2sf) =	vpush v8, $0x7;
	s1 =	sld [smem:$0x7F6];
	_ =	sdelay $0x2  }
0x77: {  	s1 =	sadd.s32 s30, s1  }
0x78: {  	[dreg:$0x1b] =	wrdreg s1  }
0x79: {  	s1 =	sld [smem:$0x7F7]  }
0x7a: {  	s4 =	smul.u32 $0x431BDE83, s0;
	s0 =	spop (v2sf)  }
0x7b: {  	s3 =	smulhi.u32 $0x431BDE83, s0;
	s0 =	sshra.s32 s0, $0x1F  }
0x7c: {  	s2 =	smul.u32 $0x431BDE83, s0;
	s0 =	spop (v2sf);
	s1 =	sadd.s32 s29, s1  }
0x7d: {  	s30 =	smulhi.u32 $0x431BDE83, s0;
	s0 =	sshra.s32 s0, $0x1F;
	[dreg:$0x19] =	wrdreg s1  }
0x7e: {  	s1 =	smul.u32 $0x431BDE83, s0;
	s0 =	sld [smem:$0x7F8]  }
0x7f: {  	s21 =	sadd.s32 s16, s21  }
0x80: {  	s14 =	sadd.s32 s8, s14;
	[dreg:$0x16] =	wrdreg s21;
	s7 =	sadd.s32 s6, s7  }
0x81: {  	s6 =	sld [smem:$0x7F9];
	s29 =	spop (v2sf);
	s0 =	sadd.s32 s20, s0  }
0x82: {  	s20 =	smulhi.u32 $0x431BDE83, s29;
	s29 =	sshra.s32 s29, $0x1F;
	[dreg:$0x17] =	wrdreg s0  }
0x83: {  	s4 =	sadd.s32 s4, s5;
	s16 =	smul.u32 $0x431BDE83, s29;
	s0 =	spop (v2sf)  }
0x84: {  	s29 =	sadd.s32 s9, s10;
	s9 =	sadd.s32 s2, s3;
	s2 =	sadd.s32 s1, s30  }
0x85: {  	s10 =	sld [smem:$0x7FA];
	s30 =	sshrl.u32 s23, $0x1F;
	s8 =	smulhi.u32 $0x431BDE83, s0  }
0x86: {  	s21 =	sshra.s32 s0, $0x1F;
	s3 =	sadd.s32 s16, s20;
	s20 =	sld [smem:$0x7FB]  }
0x87: {  	s0 =	sshra.s32 s6, $0x12;
	s21 =	smul.u32 $0x431BDE83, s21;
	[dreg:$0x12] =	wrdreg s3  }
0x88: {  	s16 =	sshrl.u32 s10, $0x1F;
	s1 =	sshra.s32 s10, $0x12;
	s10 =	sshrl.u32 s28, $0x1F  }
0x89: {  	s3 =	sshra.s32 s28, $0x12;
	s28 =	sshrl.u32 s24, $0x1F;
	s5 =	sadd.s32 s21, s8  }
0x8a: {  	s8 =	sshrl.u32 s6, $0x1F;
	v62 =	vmov s16;
	s16 =	sshra.s32 s24, $0x12;
	s24 =	sshrl.u32 s25, $0x1F  }
0x8b: {  	s25 =	sshra.s32 s25, $0x12;
	s6 =	sshrl.u32 s18, $0x1F;
	v25 =	vmov s1;
	s1 =	rddreg [dreg:$0x1d]  }
0x8c: {  	v11 =	vxor.u32 v11, v12;
	[dreg:$0x14] =	wrdreg s5;
	s21 =	sshrl.u32 s20, $0x1F;
	s5 =	sshra.s32 s20, $0x12  }
0x8d: {  	(v2sf) =	vpush v11, $0xD;
	v13 =	vsel vm0, s8, v62;
	s20 =	sshra.s32 s23, $0x12;
	s8 =	sshrl.u32 s22, $0x1F;
	s23 =	sshrl.u32 s17, $0x1F  }
0x8e: {  	v22 =	vmov s24;
	s24 =	sshrl.u32 s15, $0x1F;
	v17 =	vmov s25;
	s25 =	rddreg [dreg:$0x17];
	v13 =	vsel vm1, s21, v13;
	s21 =	sshra.s32 s22, $0x12  }
0x8f: {  	v14 =	vmov s23;
	s22 =	sshra.s32 s18, $0x12;
	s18 =	sshra.s32 s18, $0x1F;
	s23 =	sshrl.u32 s26, $0x1F;
	v63 =	vsel vm2, s10, v13;
	v13 =	vsel vm0, s28, v22  }
0x90: {  	v17 =	vsel vm0, s16, v17;
	s10 =	sshra.s32 s17, $0x12;
	s17 =	sshra.s32 s17, $0x1F;
	v14 =	vnsel vm3, $0x0, v14;
	v13 =	vsel vm1, s30, v13;
	s30 =	sshra.s32 s12, $0x1F  }
0x91: {  	s28 =	sshra.s32 s26, $0x12;
	v17 =	vsel vm1, s20, v17;
	s20 =	sshra.s32 s29, $0x12;
	v14 =	vsel vm0, s6, v14;
	s6 =	sshra.s32 s26, $0x1F;
	v15 =	vmov s30  }
0x92: {  	s26 =	sshra.s32 s15, $0x12;
	s15 =	sshra.s32 s15, $0x1F;
	v17 =	vsel vm2, s21, v17;
	s21 =	sshra.s32 s29, $0x1F;
	v14 =	vsel vm1, s23, v14;
	v15 =	vsel vm3, s10, v15  }
0x93: {  	(v2sf) =	vpush v11, $0xC;
	s30 =	sshrl.u32 s19, $0x1F;
	s23 =	sshra.s32 s19, $0x12;
	v14 =	vsel vm2, s24, v14;
	s24 =	sshra.s32 s11, $0x12;
	v15 =	vsel vm9, s17, v15  }
0x94: {  	(v2sf) =	vpush v11, $0xE;
	s10 =	sshra.s32 s31, $0x12;
	s17 =	sshrl.u32 s11, $0x1F;
	v14 =	vsel vm4, s30, v14;
	v15 =	vsel vm0, s22, v15;
	s22 =	sshra.s32 s11, $0x1F  }
0x95: {  	(v2sf) =	vpush v11, $0xF;
	s11 =	sshrl.u32 s13, $0x1F;
	v14 =	vsel vm5, s17, v14;
	v15 =	vsel vm10, s18, v15;
	s18 =	sshrl.u32 s31, $0x1F;
	s31 =	sld [smem:$0x7FC]  }
0x96: {  	(v2sf) =	vpush v11, $0x9;
	s19 =	sshra.s32 s19, $0x1F;
	v16 =	vsel vm2, s8, v13;
	s17 =	sshrl.u32 s12, $0x1F;
	v23 =	vsel vm6, s11, v14;
	s11 =	rddreg [dreg:$0x1b]  }
0x97: {  	s30 =	sshra.s32 s13, $0x12;
	v24 =	vsel vm1, s28, v15;
	v13 =	vsel vm7, s17, v23;
	s17 =	rddreg [dreg:$0x1f];
	v15 =	vsel vm0, s0, v25;
	s0 =	sshra.s32 s11, $0x12  }
0x98: {  	(v2sf) =	vpush v11, $0x8;
	s13 =	sshra.s32 s13, $0x1F;
	s12 =	sshra.s32 s12, $0x12;
	[smem:$0x7FD] =	sst s0  }
0x99: {  	(v2sf) =	vpush v11, $0xA;
	v14 =	vsel vm11, s6, v24;
	s8 =	sshra.s32 s17, $0x12;
	s0 =	rddreg [dreg:$0x16];
	s28 =	sshrl.u32 s31, $0x1F  }
0x9a: {  	(v2sf) =	vpush v11, $0xB;
	s6 =	sshra.s32 s31, $0x12;
	s31 =	sshrl.u32 s17, $0x1F;
	v14 =	vsel vm2, s26, v14;
	s26 =	sshrl.u32 s1, $0x1F  }
0x9b: {  	(v2sf) =	vpush v11, $0x0;
	v15 =	vsel vm1, s5, v15;
	s17 =	sshra.s32 s1, $0x12;
	s1 =	sshrl.u32 s11, $0x1F;
	s11 =	sshra.s32 s25, $0x12  }
0x9c: {  	(v2sf) =	vpush v11, $0x1;
	s16 =	sshra.s32 s0, $0x12;
	v15 =	vsel vm2, s3, v15;
	s3 =	sshra.s32 s14, $0x1F;
	v14 =	vsel vm12, s15, v14;
	s15 =	rddreg [dreg:$0x19]  }
0x9d: {  	(v2sf) =	vpush v11, $0x2;
	v18 =	vmov s28;
	s28 =	sshrl.u32 s4, $0x1F;
	s5 =	sshrl.u32 s15, $0x1F;
	s15 =	sshra.s32 s15, $0x12  }
0x9e: {  	(v2sf) =	vpush v11, $0x3;
	v22 =	vmov s6;
	v14 =	vsel vm4, s23, v14;
	s23 =	sshrl.u32 s25, $0x1F;
	s25 =	sshrl.u32 s0, $0x1F;
	s0 =	sshra.s32 s14, $0x12  }
0x9f: {  	v18 =	vsel vm0, s18, v18;
	s18 =	sshra.s32 s7, $0x12;
	v22 =	vsel vm0, s10, v22;
	v14 =	vsel vm13, s19, v14;
	s19 =	sshrl.u32 s14, $0x1F;
	s14 =	sshrl.u32 s29, $0x1F  }
0xa0: {  	v18 =	vsel vm1, s31, v18;
	s29 =	sshra.s32 s4, $0x12;
	s4 =	sshra.s32 s4, $0x1F;
	s31 =	sshrl.u32 s9, $0x1F;
	v14 =	vsel vm5, s24, v14;
	v19 =	vmov s19  }
0xa1: {  	v20 =	vmov s5;
	s24 =	sshrl.u32 s7, $0x1F;
	s7 =	sshra.s32 s7, $0x1F;
	v14 =	vsel vm14, s22, v14;
	s22 =	spop (v2sf);
	v19 =	vnsel vm3, $0x0, v19  }
0xa2: {  	v20 =	vsel vm0, s1, v20;
	s1 =	sshra.s32 s9, $0x1F;
	v14 =	vsel vm6, s30, v14;
	s19 =	spop (v2sf);
	v19 =	vsel vm0, s14, v19;
	s30 =	rddreg [dreg:$0x14]  }
0xa3: {  	v20 =	vsel vm1, s23, v20;
	s5 =	sshra.s32 s22, $0x1F;
	v14 =	vsel vm15, s13, v14;
	s13 =	spop (v2sf);
	v19 =	vsel vm1, s24, v19;
	s6 =	smulhi.u32 $0x431BDE83, s19  }
0xa4: {  	v18 =	vsel vm2, s26, v18;
	v20 =	vsel vm2, s25, v20;
	s26 =	sshra.s32 s30, $0x1F;
	s25 =	sshra.s32 s19, $0x1F;
	v19 =	vsel vm2, s28, v19;
	s28 =	smulhi.u32 $0x431BDE83, s22  }
0xa5: {  	v22 =	vsel vm1, s8, v22;
	s19 =	sshra.s32 s2, $0x1F;
	s14 =	spop (v2sf);
	v21 =	vmov s26;
	s8 =	smulhi.u32 $0x431BDE83, s13  }
0xa6: {  	v23 =	vmov s15;
	s26 =	sshra.s32 s9, $0x12;
	s24 =	spop (v2sf);
	v21 =	vsel vm3, s0, v21;
	s15 =	smulhi.u32 $0x431BDE83, s14  }
0xa7: {  	v14 =	vsel vm7, s12, v14;
	s22 =	sshrl.u32 s2, $0x1F;
	s12 =	spop (v2sf);
	v21 =	vsel vm9, s3, v21;
	s3 =	smul.u32 $0x431BDE83, s5  }
0xa8: {  	s13 =	sshra.s32 s13, $0x1F;
	v19 =	vsel vm4, s31, v19;
	v21 =	vsel vm0, s20, v21;
	s20 =	smul.u32 $0x431BDE83, s25;
	s25 =	sld [smem:$0x7FD]  }
0xa9: {  	(v2sf) =	vpush v11, $0x4;
	s31 =	sshrl.u32 s30, $0x1F;
	v19 =	vsel vm5, s22, v19;
	s22 =	rddreg [dreg:$0x12];
	s9 =	spop (v2sf)  }
0xaa: {  	v22 =	vsel vm2, s17, v22;
	(v2sf) =	vpush v11, $0x5;
	s23 =	sshrl.u32 s22, $0x1F;
	s17 =	sshra.s32 s22, $0x12;
	s5 =	spop (v2sf);
	v21 =	vsel vm10, s21, v21  }
0xab: {  	v19 =	vsel vm6, s23, v19;
	s21 =	smul.u32 $0x431BDE83, s13;
	s23 =	sshra.s32 s14, $0x1F;
	v21 =	vsel vm1, s18, v21;
	s18 =	sshra.s32 s2, $0x12;
	v23 =	vsel vm0, s25, v23  }
0xac: {  	v19 =	vsel vm7, s31, v19;
	s10 =	spop (v2sf);
	s31 =	smul.u32 $0x431BDE83, s23;
	v21 =	vsel vm11, s7, v21;
	v23 =	vsel vm1, s11, v23;
	s11 =	sshra.s32 s24, $0x1F  }
0xad: {  	(v2sf) =	vpush v11, $0x6;
	s2 =	sadd.s32 s3, s28;
	s7 =	spop (v2sf);
	v21 =	vsel vm2, s29, v21;
	s3 =	smul.u32 $0x431BDE83, s11  }
0xae: {  	(v2sf) =	vpush v11, $0x7;
	s23 =	sshrl.u32 s2, $0x1F;
	v21 =	vsel vm12, s4, v21;
	s4 =	sadd.s32 s31, s15;
	s31 =	smulhi.u32 $0x431BDE83, s5  }
0xaf: {  	v34 =	vand.u32 $0xFFFF, v10;
	v35 =	vshrl.u32 v10, $0x10;
	v10 =	vmul.u32 $0xC2B2AE3D, v10;
	s11 =	sadd.s32 s20, s6;
	s6 =	sadd.s32 s21, s8;
	s21 =	smulhi.u32 $0x431BDE83, s10  }
0xb0: {  	v36 =	vmul.u32 $0xAE3D, v34;
	v37 =	vmul.u32 $0xAE3D, v35;
	s2 =	sshra.s32 s2, $0x12;
	s5 =	sshra.s32 s5, $0x1F;
	v21 =	vsel vm4, s26, v21;
	s26 =	smulhi.u32 $0x431BDE83, s9  }
0xb1: {  	v41 =	vmul.u32 $0xC2B2, v34;
	v9 =	vxor.u32 v9, v10;
	v12 =	vcombine.low v16, v63;
	s0 =	spop (v2sf);
	s29 =	sshra.s32 s22, $0x1F;
	s20 =	smul.u32 $0x431BDE83, s5  }
0xb2: {  	v39 =	vshrl.u32 v36, $0x10;
	v52 =	vshrl.u32 v9, $0x10;
	s22 =	sshra.s32 s30, $0x12;
	s9 =	sshra.s32 s9, $0x1F;
	v21 =	vsel vm13, s1, v21;
	s1 =	smulhi.u32 $0x431BDE83, s24  }
0xb3: {  	v53 =	vand.u32 $0xFFFF, v9;
	v40 =	vadd.s32 v37, v39;
	v12 =	vperm.xlane v12, v0;
	s13 =	spop (v2sf);
	s25 =	sshrl.u32 s11, $0x1F;
	s30 =	smul.u32 $0x431BDE83, s9  }
0xb4: {  	v13 =	vperm.xlane v13, v1;
	v15 =	vcombine.low v17, v15;
	s28 =	sshrl.u32 s6, $0x1F;
	s24 =	smulhi.u32 $0x431BDE83, s12;
	s12 =	sshra.s32 s12, $0x1F;
	v28 =	vmov s25  }
0xb5: {  	v18 =	vcombine.low v20, v18;
	s11 =	sshra.s32 s11, $0x12;
	v27 =	vsel vm5, s18, v21;
	s12 =	smul.u32 $0x431BDE83, s12;
	v20 =	vsel vm0, s23, v28;
	s8 =	sadd.s32 s30, s26  }
0xb6: {  	v43 =	vand.u32 $0xFFFE, v40;
	v17 =	vsel vm14, s19, v27;
	v32 =	vsel vm1, s28, v20;
	s26 =	smulhi.u32 $0x431BDE83, s7;
	s28 =	sshra.s32 s7, $0x1F;
	s19 =	sshra.s32 s6, $0x12  }
0xb7: {  	v12 =	vsel vm8, v13, v12;
	v15 =	vperm.xlane v15, v0;
	v14 =	vperm.xlane v14, v1;
	s9 =	sadd.s32 s12, s24;
	s12 =	sadd.s32 s3, s1;
	s30 =	smul.u32 $0x431BDE83, s28  }
0xb8: {  	v18 =	vperm.xlane v18, v0;
	v26 =	vsel vm2, s16, v23;
	v17 =	vsel vm6, s17, v17;
	s24 =	sshrl.u32 s8, $0x1F;
	s3 =	sadd.s32 s20, s31;
	s31 =	smulhi.u32 $0x431BDE83, s0  }
0xb9: {  	v29 =	vsel vm8, v14, v15;
	v16 =	vcombine.low v26, v22;
	s0 =	sshra.s32 s0, $0x1F;
	s8 =	sshra.s32 s8, $0x12;
	v17 =	vsel vm15, s29, v17;
	s29 =	sshrl.u32 s4, $0x1F  }
0xba: {  	v12 =	vadd.s32 v12, v29;
	v19 =	vperm.xlane v19, v1;
	s18 =	sshrl.u32 s9, $0x1F;
	s23 =	sshrl.u32 s12, $0x1F;
	v17 =	vsel vm7, s22, v17;
	s7 =	spop (v2sf)  }
0xbb: {  	v12 =	vmul.u32 $0xF4240, v12;
	v16 =	vperm.xlane v16, v0;
	s4 =	sshra.s32 s4, $0x12;
	s22 =	sshra.s32 s10, $0x1F;
	v17 =	vperm.xlane v17, v1;
	s5 =	spop (v2sf)  }
0xbc: {  	v30 =	vsel vm8, v19, v18;
	v33 =	vmov s18;
	v15 =	vsel vm2, s29, v32;
	s29 =	sshrl.u32 s3, $0x1F;
	s10 =	sadd.s32 s30, s26;
	s1 =	spop (v2sf)  }
0xbd: {  	v44 =	vmov s11;
	s3 =	sshra.s32 s3, $0x12;
	s25 =	smul.u32 $0x431BDE83, s22;
	v31 =	vsel vm8, v17, v16;
	v16 =	vsel vm0, s23, v33;
	s17 =	spop (v2sf)  }
0xbe: {  	v18 =	vmul.u32 $0xC2B2, v35;
	v45 =	vsel vm0, s2, v44;
	s20 =	sshrl.u32 s10, $0x1F;
	v16 =	vsel vm1, s24, v16;
	s18 =	smulhi.u32 $0x431BDE83, s17;
	s16 =	sshra.s32 s17, $0x1F  }
0xbf: {  	v20 =	vmul.u32 $0xBDC, v52;
	v46 =	vsel vm1, s19, v45;
	s22 =	sshra.s32 s9, $0x12;
	s9 =	sshra.s32 s10, $0x12;
	v38 =	vsel vm2, s29, v16;
	s16 =	smul.u32 $0x431BDE83, s16  }
0xc0: {  	s14 =	sadd.s32 s25, s21;
	s21 =	smul.u32 $0x431BDE83, s0;
	s23 =	sshra.s32 s12, $0x12;
	v16 =	vadd.s32 v41, v43;
	v14 =	vcombine.low v38, v15;
	v15 =	vshrl.u32 v40, $0x10  }
0xc1: {  	v47 =	vmov s22;
	s12 =	smulhi.u32 $0x431BDE83, s7;
	s15 =	sshrl.u32 s14, $0x1F;
	v16 =	vshrl.u32 v16, $0x10;
	v15 =	vadd.s32 v18, v15;
	s0 =	sadd.s32 s16, s18  }
0xc2: {  	s25 =	sshra.s32 s13, $0x1F;
	v13 =	vadd.s32 v30, v31;
	s24 =	smulhi.u32 $0x431BDE83, s13;
	v42 =	vmov s15;
	v15 =	vadd.s32 v16, v15;
	s26 =	sshra.s32 s0, $0x1F  }
0xc3: {  	s7 =	sshra.s32 s7, $0x1F;
	s6 =	smul.u32 $0x431BDE83, s25;
	s28 =	sshra.s32 s14, $0x12;
	v17 =	vnsel vm3, $0x0, v42;
	v48 =	vmulhi.u32 $0x431BDE83, v15;
	v49 =	vmov s26  }
0xc4: {  	s30 =	sshra.s32 s14, $0x1F;
	s13 =	sshra.s32 s10, $0x1F;
	s29 =	sadd.s32 s21, s31;
	v17 =	vsel vm0, s20, v17;
	v18 =	vsel vm2, s4, v46;
	v51 =	vsel vm3, s28, v49  }
0xc5: {  	s7 =	smul.u32 $0x431BDE83, s7;
	s31 =	sshrl.u32 s29, $0x1F;
	s2 =	sadd.s32 s6, s24;
	v16 =	vsel vm0, s23, v47;
	v50 =	vshrl.u32 v48, $0xC;
	v19 =	vsel vm9, s30, v51  }
0xc6: {  	s20 =	sshra.s32 s2, $0x1F;
	s18 =	sshra.s32 s2, $0x12;
	v17 =	vsel vm1, s31, v17;
	s2 =	sshrl.u32 s2, $0x1F;
	v10 =	vmul.u32 $0x3D09, v50;
	v19 =	vsel vm0, s9, v19  }
0xc7: {  	s15 =	smulhi.u32 $0x431BDE83, s5;
	s5 =	sshra.s32 s5, $0x1F;
	s14 =	sshra.s32 s29, $0x12;
	v16 =	vsel vm1, s8, v16;
	v17 =	vsel vm2, s2, v17;
	v19 =	vsel vm10, s13, v19  }
0xc8: {  	s5 =	smul.u32 $0x431BDE83, s5;
	s16 =	sshra.s32 s29, $0x1F;
	v16 =	vsel vm2, s3, v16;
	v10 =	vsub.s32 v15, v10;
	v19 =	vsel vm1, s14, v19  }
0xc9: {  	s19 =	smulhi.u32 $0x431BDE83, s1;
	s17 =	sadd.s32 s7, s12;
	v15 =	vadd.s32 v53, v20;
	v10 =	vmul.u32 $0x375B, v10;
	v54 =	vsel vm11, s16, v19  }
0xca: {  	s1 =	sshra.s32 s1, $0x1F;
	s22 =	sshrl.u32 s17, $0x1F;
	s5 =	sadd.s32 s5, s15;
	v16 =	vcombine.low v16, v18;
	v20 =	vmulhi.u32 $0x10C6F7A1, v15;
	v18 =	vsel vm2, s18, v54  }
0xcb: {  	s1 =	smul.u32 $0x431BDE83, s1;
	s21 =	sshra.s32 s17, $0x12;
	s24 =	sshrl.u32 s5, $0x1F;
	v17 =	vsel vm4, s22, v17;
	v55 =	vmulhi.u32 $0x10C6F7A1, v10;
	v18 =	vsel vm12, s20, v18  }
0xcc: {  	s23 =	sshra.s32 s17, $0x1F;
	v14 =	vperm.xlane v14, v0;
	v17 =	vsel vm5, s24, v17;
	v18 =	vsel vm4, s21, v18  }
0xcd: {  	s1 =	sadd.s32 s1, s19;
	s25 =	sshra.s32 s5, $0x12;
	v20 =	vshrl.u32 v20, $0xA;
	v19 =	vshrl.u32 v55, $0xA;
	v18 =	vsel vm13, s23, v18  }
0xce: {  	s31 =	rddreg [dreg:$0x10];
	s26 =	sshrl.u32 s1, $0x1F;
	s28 =	sshra.s32 s5, $0x1F;
	v20 =	vmul.u32 $0x3D09, v20;
	v19 =	vmul.u32 $0x3D09, v19;
	v18 =	vsel vm5, s25, v18  }
0xcf: {  	v59 =	vor.u32 s31, v2;
	v17 =	vsel vm6, s26, v17;
	s30 =	sshra.s32 s1, $0x12;
	v18 =	vsel vm14, s28, v18  }
0xd0: {  	s29 =	sshrl.u32 s0, $0x1F;
	s1 =	sshra.s32 s1, $0x1F;
	v15 =	vsub.s32 v15, v20;
	v10 =	vsub.s32 v10, v19;
	v18 =	vsel vm6, s30, v18  }
0xd1: {  	s0 =	sshra.s32 s0, $0x12;
	v17 =	vsel vm7, s29, v17;
	v10 =	vadd.s32 v15, v10;
	v18 =	vsel vm15, s1, v18  }
0xd2: {  	v56 =	vperm.xlane v16, v0;
	v58 =	vadd.s32 $0xFFFFC2F7, v10;
	v57 =	vsel vm7, s0, v18  }
0xd3: {  	v17 =	vperm.xlane v17, v1;
	v10 =	vmin.u32 v10, v58;
	v16 =	vperm.xlane v57, v1  }
0xd4: {  	v61 =	vor.u32 s31, v4;
	v60 =	vand.u32 v3, v59;
	v9 =	vsub.s32 v9, v10  }
0xd5: {  	v14 =	vsel vm8, v17, v14;
	v9 =	vmul.u32 $0x39, v9;
	v15 =	vsel vm8, v16, v56  }
0xd6: {  	v13 =	vmul.u32 $0xF4240, v13;
	v62 =	vor.u32 s31, v5;
	v14 =	vadd.s32 v14, v15  }
0xd7: {  	v63 =	vor.u32 s31, v6;
	p0 =	sne.s32 s31, $0x9C0;
	v9 =	vand.u32 $0x3F, v9;
	v14 =	vmul.u32 $0xF4240, v14  }
.Ltmp0:
0xd8: {  	v7 =	vsub.s32 v7, v12;
	s4 =	simm.s32 $0x1400;
	v8 =	vsub.s32 v8, v13;
	v9 =	vmul.u32 $0x3D09, v9;
	(pc) =	sbr.rel @p0 .LBB2_3-.Ltmp0, $4  }
0xd9: {  	[tilespmem:v60+s4+$0x0] =	vst.idx.msk $0xffff, v7;
	v7 =	vadd.s32 $0xF4240, v8;
	v11 =	vsub.s32 v11, v14  }
0xda: {  	[tilespmem:v61+s4+$0x0] =	vst.idx.msk $0xffff, v7;
	v8 =	vadd.s32 v9, v10;
	v7 =	vadd.s32 $0x1E8480, v11  }
0xdb: {  	[tilespmem:v62+s4+$0x0] =	vst.idx.msk $0xffff, v7;
	v7 =	vadd.s32 $0x2DC6C0, v8  }
0xdc: {  	s0 =	sadd.s32 $0x40, s31;
	[tilespmem:v63+s4+$0x0] =	vst.idx.msk $0xffff, v7  }
0xdd: {  	s5 =	rddreg [dreg:$0xd]  }
0xde: {  	p0 =	seq.s32 s5, $0x0  }
0xdf: {  	s0 =	simm.s32 @!p0 $0x4  }
0xe0: {  	_ =	swait.ge @!p0 [sflag:s0], $0xA000  }
0xe1: {  	s1 =	rddreg [dreg:$0x8]  }
0xe2: {  	s6 =	rddreg [dreg:$0xe]  }
0xe3: {  	[sflag:s0] =	ssyncset.done @!p0 $0x0;
	s1 =	sadd.s32 @!p0 s6, s1  }
0xe4: {  	[sflag:s0] =	ssyncadd.s32 @!p0 $0xFFFF6000;
	s1 =	sshll.u32 @!p0 s1, $0x3  }
0xe5: {  	s0 =	sand.u32 @!p0 $0x1FFFFC00, s1;
	s1 =	rddreg [dreg:$0x1]  }
0xe6: {  	s2 =	simm.s32 @!p0 $0xC800;
	s0 =	sadd.s32 @!p0 s1, s0;
	s1 =	simm.s32 @!p0 $0x0  }
0xe7: {  	[hbm4b:s0+s1] =	stream.linear.scatter @!p0 [tilespmem:s2], [sflag:$0x6], $0xA000, $0x38;
	[tilespmem:$0x16800] =	vst v63  }
0xe8: {  	s0 =	simm.s32 @!p0 $0x5  }
0xe9: {  	_ =	swait.ge @!p0 [sflag:s0], $0xA000  }
0xea: {  	s17 =	simm.s32 $0x2800;
	[sflag:s0] =	ssyncset.done @!p0 $0x0  }
0xeb: {  	s1 =	simm.s32 $0x80;
	[sflag:s0] =	ssyncadd.s32 @!p0 $0xFFFF6000;
	s0 =	rddreg [dreg:$0x5]  }
0xec: {  	[tilespmem:s17], [sflag:$0x3] =	stream.indirect.gather [hbm4b:s0+s1], $0x10, s4, s1, $0xb8;
	[tilespmem:$0x16800] =	vst v63  }
0xed: {  	s18 =	simm.s32 $0x1480;
	s3 =	simm.s32 $0x3000  }
0xee: {  	[tilespmem:s3], [sflag:$0x3] =	stream.indirect.gather [hbm4b:s0+s1], $0x10, s18, s1, $0xb8;
	[tilespmem:$0x16800] =	vst v63  }
0xef: {  	s19 =	simm.s32 $0x1500;
	s20 =	simm.s32 $0x3800  }
0xf0: {  	[tilespmem:s20], [sflag:$0x3] =	stream.indirect.gather [hbm4b:s0+s1], $0x10, s19, s1, $0xb8;
	[tilespmem:$0x16800] =	vst v63  }
0xf1: {  	s21 =	simm.s32 $0x1580;
	s22 =	simm.s32 $0x4000  }
0xf2: {  	[tilespmem:s22], [sflag:$0x3] =	stream.indirect.gather [hbm4b:s0+s1], $0x10, s21, s1, $0xb8;
	[tilespmem:$0x16800] =	vst v63  }
0xf3: {  	s23 =	simm.s32 $0x1600;
	s24 =	simm.s32 $0x4800  }
0xf4: {  	[tilespmem:s24], [sflag:$0x3] =	stream.indirect.gather [hbm4b:s0+s1], $0x10, s23, s1, $0xb8;
	[tilespmem:$0x16800] =	vst v63  }
0xf5: {  	s25 =	simm.s32 $0x1680;
	s26 =	simm.s32 $0x5000  }
0xf6: {  	[tilespmem:s26], [sflag:$0x3] =	stream.indirect.gather [hbm4b:s0+s1], $0x10, s25, s1, $0xb8;
	[tilespmem:$0x16800] =	vst v63  }
0xf7: {  	s28 =	simm.s32 $0x1700;
	s29 =	simm.s32 $0x5800  }
0xf8: {  	[tilespmem:s29], [sflag:$0x3] =	stream.indirect.gather [hbm4b:s0+s1], $0x10, s28, s1, $0xb8;
	[tilespmem:$0x16800] =	vst v63  }
0xf9: {  	s30 =	simm.s32 $0x1780;
	s31 =	simm.s32 $0x6000  }
0xfa: {  	[tilespmem:s31], [sflag:$0x3] =	stream.indirect.gather [hbm4b:s0+s1], $0x10, s30, s1, $0xb8;
	[tilespmem:$0x16800] =	vst v63  }
0xfb: {  	s4 =	simm.s32 $0x6800;
	s3 =	simm.s32 $0x1800  }
0xfc: {  	[tilespmem:s4], [sflag:$0x3] =	stream.indirect.gather [hbm4b:s0+s1], $0x10, s3, s1, $0xb8;
	[tilespmem:$0x16800] =	vst v63  }
0xfd: {  	s7 =	simm.s32 $0x1880;
	s8 =	simm.s32 $0x7000  }
0xfe: {  	[tilespmem:s8], [sflag:$0x3] =	stream.indirect.gather [hbm4b:s0+s1], $0x10, s7, s1, $0xb8;
	[tilespmem:$0x16800] =	vst v63  }
0xff: {  	s9 =	simm.s32 $0x1900;
	s10 =	simm.s32 $0x7800  }
0x100: {  	[tilespmem:s10], [sflag:$0x3] =	stream.indirect.gather [hbm4b:s0+s1], $0x10, s9, s1, $0xb8;
	[tilespmem:$0x16800] =	vst v63  }
0x101: {  	s11 =	simm.s32 $0x1980;
	s12 =	simm.s32 $0x8000  }
0x102: {  	[tilespmem:s12], [sflag:$0x3] =	stream.indirect.gather [hbm4b:s0+s1], $0x10, s11, s1, $0xb8;
	[tilespmem:$0x16800] =	vst v63  }
0x103: {  	s13 =	simm.s32 $0x1A00;
	s14 =	simm.s32 $0x8800  }
0x104: {  	[tilespmem:s14], [sflag:$0x3] =	stream.indirect.gather [hbm4b:s0+s1], $0x10, s13, s1, $0xb8;
	[tilespmem:$0x16800] =	vst v63  }
0x105: {  	s15 =	simm.s32 $0x1A80;
	s16 =	simm.s32 $0x9000  }
0x106: {  	[tilespmem:s16], [sflag:$0x3] =	stream.indirect.gather [hbm4b:s0+s1], $0x10, s15, s1, $0xb8;
	[tilespmem:$0x16800] =	vst v63  }
0x107: {  	s17 =	simm.s32 $0x1B00;
	s18 =	simm.s32 $0x9800  }
0x108: {  	[tilespmem:s18], [sflag:$0x3] =	stream.indirect.gather [hbm4b:s0+s1], $0x10, s17, s1, $0xb8;
	[tilespmem:$0x16800] =	vst v63  }
0x109: {  	s19 =	simm.s32 $0x1B80;
	s20 =	simm.s32 $0xA000  }
0x10a: {  	[tilespmem:s20], [sflag:$0x3] =	stream.indirect.gather [hbm4b:s0+s1], $0x10, s19, s1, $0xb8;
	[tilespmem:$0x16800] =	vst v63  }
0x10b: {  	s21 =	simm.s32 $0x1C00;
	s22 =	simm.s32 $0xA800  }
0x10c: {  	[tilespmem:s22], [sflag:$0x3] =	stream.indirect.gather [hbm4b:s0+s1], $0x10, s21, s1, $0xb8;
	[tilespmem:$0x16800] =	vst v63  }
0x10d: {  	s23 =	simm.s32 $0x1C80;
	s24 =	simm.s32 $0xB000  }
0x10e: {  	[tilespmem:s24], [sflag:$0x3] =	stream.indirect.gather [hbm4b:s0+s1], $0x10, s23, s1, $0xb8;
	[tilespmem:$0x16800] =	vst v63  }
0x10f: {  	s25 =	simm.s32 $0x1D00;
	s26 =	simm.s32 $0xB800  }
0x110: {  	[tilespmem:s26], [sflag:$0x3] =	stream.indirect.gather [hbm4b:s0+s1], $0x10, s25, s1, $0xb8;
	[tilespmem:$0x16800] =	vst v63  }
0x111: {  	s28 =	simm.s32 $0x1D80;
	s29 =	simm.s32 $0xC000;
	s30 =	simm.s32 $0x2  }
0x112: {  	[tilespmem:s29], [sflag:$0x3] =	stream.indirect.gather [hbm4b:s0+s1], $0x10, s28, s1, $0xb8;
	[tilespmem:$0x16800] =	vst v63  }
0x113: {  	p1 =	seq.s32 s5, $0x4;
	_ =	swait.ge [sflag:s30], $0xA00  }
0x114: {  	s2 =	simm.s32 @!p1 $0x32000;
	s0 =	rddreg [dreg:$0x9]  }
0x115: {  	s3 =	simm.s32 @!p1 $0x0;
	s1 =	rddreg [dreg:$0x4];
	s0 =	sadd.s32 @!p1 s6, s0  }
0x116: {  	[sflag:s30] =	ssyncset.done $0x0;
	s31 =	rddreg [dreg:$0x3];
	s0 =	sshrl.u32 @!p1 s0, $0x3  }
0x117: {  	[sflag:s30] =	ssyncadd.s32 $0xFFFFF600;
	s0 =	sadd.s32 @!p1 s1, s0;
	s1 =	simm.s32 @!p1 $0x280  }
0x118: {  	[tilespmem:s3], [sflag:$0x1] =	stream.strided.gather @!p1 [hbm4b:s0+s1], $0xA00, s2, s1, $0x38;
	[tilespmem:$0x16800] =	vst v63  }
0x119: {  	s0 =	sadd.s32 s31, s6  }
0x11a: {  	[dreg:$0xf] =	wrdreg s0;
	s0 =	simm.s32 $0x0  }
.LBB2_5:
0x11b: {  	[dreg:$0x11] =	wrdreg s0  }
0x11c: {  	s0 =	rddreg [dreg:$0x11]  }
0x11d: {  	s0 =	sshra.s32 s0, $0x2  }
0x11e: {  	v8 =	vld [tilespmem:s0+$0xA00]  }
0x11f: {  	v11 =	vld [tilespmem:s0+$0xC80]  }
0x120: {  	v13 =	vld [tilespmem:s0+$0xF00]  }
0x121: {  	v12 =	vld [tilespmem:s0+$0x1180];
	_ =	sdelay $0x4  }
0x122: {  	v9 =	vxor.u32 v8, v11;
	v10 =	vxor.u32 v13, v12  }
0x123: {  	v7 =	vxor.u32 v9, v10  }
0x124: {  	(v2sf) =	vpush v7, $0xD;
	_ =	sdelay $0x1  }
0x125: {  	(v2sf) =	vpush v7, $0xC;
	_ =	sdelay $0x1  }
0x126: {  	(v2sf) =	vpush v7, $0xE;
	_ =	sdelay $0x1  }
0x127: {  	(v2sf) =	vpush v7, $0xF;
	_ =	sdelay $0x1  }
0x128: {  	(v2sf) =	vpush v7, $0x9;
	_ =	sdelay $0x1  }
0x129: {  	(v2sf) =	vpush v7, $0x8;
	_ =	sdelay $0x1  }
0x12a: {  	(v2sf) =	vpush v7, $0xA;
	_ =	sdelay $0x1  }
0x12b: {  	(v2sf) =	vpush v7, $0xB  }
0x12c: {  	s15 =	spop (v2sf)  }
0x12d: {  	(v2sf) =	vpush v7, $0x0;
	s1 =	smulhi.u32 $0x431BDE83, s15;
	s0 =	sshra.s32 s15, $0x1F  }
0x12e: {  	s16 =	spop (v2sf);
	s24 =	smul.u32 $0x431BDE83, s0  }
0x12f: {  	(v2sf) =	vpush v7, $0x1;
	s2 =	smulhi.u32 $0x431BDE83, s16;
	s0 =	sshra.s32 s16, $0x1F  }
0x130: {  	s17 =	spop (v2sf);
	s12 =	smul.u32 $0x431BDE83, s0  }
0x131: {  	(v2sf) =	vpush v7, $0x2;
	s8 =	smulhi.u32 $0x431BDE83, s17;
	s0 =	sshra.s32 s17, $0x1F  }
0x132: {  	s18 =	spop (v2sf);
	(v2sf) =	vpush v7, $0x3;
	s16 =	smul.u32 $0x431BDE83, s0  }
0x133: {  	s9 =	smulhi.u32 $0x431BDE83, s18;
	s0 =	sshra.s32 s18, $0x1F  }
0x134: {  	s19 =	spop (v2sf);
	(v2sf) =	vpush v7, $0x4;
	s5 =	smul.u32 $0x431BDE83, s0  }
0x135: {  	s10 =	smulhi.u32 $0x431BDE83, s19;
	s0 =	sshra.s32 s19, $0x1F  }
0x136: {  	s20 =	spop (v2sf);
	s6 =	smul.u32 $0x431BDE83, s0  }
0x137: {  	(v2sf) =	vpush v7, $0x5;
	s11 =	smulhi.u32 $0x431BDE83, s20;
	s0 =	sshra.s32 s20, $0x1F  }
0x138: {  	s21 =	spop (v2sf);
	(v2sf) =	vpush v7, $0x6;
	s25 =	smul.u32 $0x431BDE83, s0  }
0x139: {  	s13 =	smulhi.u32 $0x431BDE83, s21;
	s0 =	sshra.s32 s21, $0x1F  }
0x13a: {  	s22 =	spop (v2sf);
	(v2sf) =	vpush v7, $0x7;
	s20 =	smul.u32 $0x431BDE83, s0  }
0x13b: {  	s14 =	smulhi.u32 $0x431BDE83, s22;
	s0 =	sshra.s32 s22, $0x1F  }
0x13c: {  	s21 =	smul.u32 $0x431BDE83, s0;
	s23 =	spop (v2sf)  }
0x13d: {  	v8 =	vxor.u32 v8, v13;
	s31 =	smulhi.u32 $0x431BDE83, s23;
	s0 =	sshra.s32 s23, $0x1F  }
0x13e: {  	s1 =	sadd.s32 s24, s1;
	(v2sf) =	vpush v8, $0xD;
	s26 =	spop (v2sf);
	s17 =	smul.u32 $0x431BDE83, s0  }
0x13f: {  	[smem:$0x7DF] =	sst s1;
	s3 =	smulhi.u32 $0x431BDE83, s26;
	s0 =	sshra.s32 s26, $0x1F  }
0x140: {  	(v2sf) =	vpush v8, $0xC;
	s28 =	spop (v2sf);
	s18 =	smul.u32 $0x431BDE83, s0  }
0x141: {  	s29 =	smulhi.u32 $0x431BDE83, s28;
	s0 =	sshra.s32 s28, $0x1F;
	s30 =	spop (v2sf)  }
0x142: {  	(v2sf) =	vpush v8, $0xE;
	[smem:$0x7CE] =	sst s3;
	s26 =	smul.u32 $0x431BDE83, s0  }
0x143: {  	s4 =	smulhi.u32 $0x431BDE83, s30;
	s0 =	sshra.s32 s30, $0x1F;
	s7 =	spop (v2sf)  }
0x144: {  	(v2sf) =	vpush v8, $0xF;
	[smem:$0x7CF] =	sst s29;
	s15 =	smul.u32 $0x431BDE83, s0  }
0x145: {  	s17 =	sadd.s32 s17, s31;
	s19 =	smulhi.u32 $0x431BDE83, s7;
	s31 =	sld [smem:$0x7CE]  }
0x146: {  	s22 =	spop (v2sf);
	[smem:$0x7D0] =	sst s4  }
0x147: {  	s0 =	sshra.s32 s7, $0x1F;
	s23 =	smulhi.u32 $0x431BDE83, s22;
	s28 =	spop (v2sf)  }
0x148: {  	(v2sf) =	vpush v8, $0x9;
	[smem:$0x7D1] =	sst s19;
	s19 =	smul.u32 $0x431BDE83, s0  }
0x149: {  	s24 =	sadd.s32 s6, s10;
	(v2sf) =	vpush v8, $0x8;
	s4 =	smulhi.u32 $0x431BDE83, s28;
	s29 =	spop (v2sf)  }
0x14a: {  	s6 =	sld [smem:$0x7CF];
	s0 =	sshra.s32 s22, $0x1F;
	s7 =	smulhi.u32 $0x431BDE83, s29  }
0x14b: {  	s3 =	smul.u32 $0x431BDE83, s0;
	s0 =	sshra.s32 s28, $0x1F;
	[smem:$0x7D3] =	sst s4  }
0x14c: {  	s4 =	smul.u32 $0x431BDE83, s0;
	s0 =	sshra.s32 s29, $0x1F;
	[smem:$0x7D4] =	sst s7  }
0x14d: {  	(v2sf) =	vpush v8, $0xA;
	s7 =	smul.u32 $0x431BDE83, s0;
	s30 =	spop (v2sf)  }
0x14e: {  	[smem:$0x7D2] =	sst s23;
	s22 =	smulhi.u32 $0x431BDE83, s30;
	s0 =	sshra.s32 s30, $0x1F  }
0x14f: {  	(v2sf) =	vpush v8, $0xB;
	s23 =	spop (v2sf);
	s0 =	smul.u32 $0x431BDE83, s0  }
0x150: {  	s25 =	sadd.s32 s25, s11;
	s11 =	sld [smem:$0x7D1];
	s28 =	smulhi.u32 $0x431BDE83, s23  }
0x151: {  	s29 =	spop (v2sf);
	[smem:$0x7D5] =	sst s22  }
0x152: {  	s30 =	smulhi.u32 $0x431BDE83, s29;
	[smem:$0x7D6] =	sst s0  }
0x153: {  	(v2sf) =	vpush v8, $0x0;
	[smem:$0x7D7] =	sst s28;
	s0 =	sshra.s32 s23, $0x1F;
	s23 =	spop (v2sf)  }
0x154: {  	s26 =	sadd.s32 s26, s6;
	s6 =	sld [smem:$0x7D5];
	s0 =	smul.u32 $0x431BDE83, s0  }
0x155: {  	(v2sf) =	vpush v8, $0x1;
	[smem:$0x7D9] =	sst s30;
	s28 =	smulhi.u32 $0x431BDE83, s23  }
0x156: {  	[smem:$0x7D8] =	sst s0  }
0x157: {  	(v2sf) =	vpush v8, $0x2;
	s30 =	spop (v2sf);
	s0 =	sshra.s32 s29, $0x1F;
	[smem:$0x7DB] =	sst s28  }
0x158: {  	s29 =	sadd.s32 s12, s2;
	s28 =	sadd.s32 s5, s9;
	s9 =	spop (v2sf)  }
0x159: {  	s2 =	sadd.s32 s16, s8;
	s0 =	smul.u32 $0x431BDE83, s0;
	[smem:$0x7E0] =	sst s29  }
0x15a: {  	(v2sf) =	vpush v8, $0x3;
	[smem:$0x7E1] =	sst s2;
	s12 =	smulhi.u32 $0x431BDE83, s9  }
0x15b: {  	s18 =	sadd.s32 s18, s31;
	s8 =	smulhi.u32 $0x431BDE83, s30;
	[smem:$0x7DA] =	sst s0  }
0x15c: {  	s19 =	sadd.s32 s19, s11;
	s16 =	spop (v2sf);
	[smem:$0x7DE] =	sst s12  }
0x15d: {  	s29 =	smulhi.u32 $0x431BDE83, s16;
	s0 =	sshra.s32 s23, $0x1F;
	s12 =	sld [smem:$0x7D2]  }
0x15e: {  	s23 =	sadd.s32 s20, s13;
	s20 =	spop (v2sf);
	s0 =	smul.u32 $0x431BDE83, s0  }
0x15f: {  	s22 =	sadd.s32 s21, s14;
	[smem:$0x7DD] =	sst s8;
	s21 =	smulhi.u32 $0x431BDE83, s20  }
0x160: {  	[smem:$0x7DC] =	sst s0;
	s0 =	sshra.s32 s30, $0x1F;
	s12 =	sadd.s32 s3, s12  }
0x161: {  	s3 =	sld [smem:$0x7D3];
	s30 =	smul.u32 $0x431BDE83, s0;
	s0 =	sshra.s32 s9, $0x1F  }
0x162: {  	s2 =	smul.u32 $0x431BDE83, s0;
	s0 =	sshra.s32 s16, $0x1F;
	s5 =	spop (v2sf)  }
0x163: {  	s8 =	sld [smem:$0x7D0];
	s1 =	smul.u32 $0x431BDE83, s0;
	s31 =	sshra.s32 s5, $0x1F  }
0x164: {  	s9 =	spop (v2sf);
	s14 =	sadd.s32 s4, s3;
	s10 =	smul.u32 $0x431BDE83, s31  }
0x165: {  	s4 =	sld [smem:$0x7D4];
	s11 =	smulhi.u32 $0x431BDE83, s9;
	s31 =	sshra.s32 s9, $0x1F  }
0x166: {  	s13 =	spop (v2sf);
	s9 =	smul.u32 $0x431BDE83, s31  }
0x167: {  	s15 =	sadd.s32 s15, s8;
	s8 =	smulhi.u32 $0x431BDE83, s13;
	s31 =	sshra.s32 s13, $0x1F  }
0x168: {  	s13 =	sadd.s32 s7, s4;
	s7 =	smul.u32 $0x431BDE83, s31;
	s31 =	sld [smem:$0x7D6]  }
0x169: {  	(v2sf) =	vpush v8, $0x4;
	s0 =	sshra.s32 s20, $0x1F;
	s20 =	smulhi.u32 $0x431BDE83, s5;
	s5 =	spop (v2sf)  }
0x16a: {  	s16 =	smul.u32 $0x431BDE83, s0;
	s0 =	sshra.s32 s5, $0x1F  }
0x16b: {  	s3 =	sadd.s32 s31, s6;
	s6 =	smulhi.u32 $0x431BDE83, s5;
	s5 =	sld [smem:$0x7D7]  }
0x16c: {  	(v2sf) =	vpush v8, $0x5;
	s31 =	sld [smem:$0x7D8]  }
0x16d: {  	s4 =	sld [smem:$0x7D9]  }
0x16e: {  	(v2sf) =	vpush v8, $0x6;
	[smem:$0x7E2] =	sst s3  }
0x16f: {  	s3 =	sadd.s32 s31, s5;
	s31 =	sld [smem:$0x7DA];
	_ =	sdelay $0x1  }
0x170: {  	(v2sf) =	vpush v8, $0x7;
	[smem:$0x7E3] =	sst s3  }
0x171: {  	s3 =	sadd.s32 s31, s4;
	s31 =	sld [smem:$0x7DC]  }
0x172: {  	[smem:$0x7E4] =	sst s3  }
0x173: {  	s3 =	sld [smem:$0x7DB];
	_ =	sdelay $0x2  }
0x174: {  	s3 =	sadd.s32 s31, s3;
	s31 =	sld [smem:$0x7DD]  }
0x175: {  	s5 =	smul.u32 $0x431BDE83, s0;
	s0 =	spop (v2sf)  }
0x176: {  	s4 =	smulhi.u32 $0x431BDE83, s0;
	[dreg:$0x1e] =	wrdreg s3  }
0x177: {  	s0 =	sshra.s32 s0, $0x1F;
	s30 =	sadd.s32 s30, s31;
	s31 =	sld [smem:$0x7DE]  }
0x178: {  	s3 =	smul.u32 $0x431BDE83, s0;
	s0 =	spop (v2sf)  }
0x179: {  	[dreg:$0x1c] =	wrdreg s30;
	s30 =	smulhi.u32 $0x431BDE83, s0  }
0x17a: {  	s0 =	sshra.s32 s0, $0x1F;
	s2 =	sadd.s32 s2, s31;
	s31 =	spop (v2sf)  }
0x17b: {  	s1 =	sadd.s32 s1, s29;
	[dreg:$0x1a] =	wrdreg s2;
	s2 =	smul.u32 $0x431BDE83, s0  }
0x17c: {  	[dreg:$0x18] =	wrdreg s1;
	s1 =	smulhi.u32 $0x431BDE83, s31;
	s0 =	sshra.s32 s31, $0x1F  }
0x17d: {  	s16 =	sadd.s32 s16, s21;
	s29 =	spop (v2sf);
	s21 =	smul.u32 $0x431BDE83, s0  }
0x17e: {  	s10 =	sadd.s32 s10, s20;
	s31 =	smulhi.u32 $0x431BDE83, s29  }
0x17f: {  	v11 =	vxor.u32 v11, v12;
	s0 =	sshra.s32 s29, $0x1F;
	s29 =	sadd.s32 s9, s11;
	s11 =	sadd.s32 s7, s8  }
0x180: {  	(v2sf) =	vpush v11, $0xD;
	s9 =	sadd.s32 s5, s6;
	s7 =	sadd.s32 s3, s4;
	s6 =	sld [smem:$0x7E1]  }
0x181: {  	s0 =	smul.u32 $0x431BDE83, s0;
	s4 =	sadd.s32 s2, s30;
	s30 =	sld [smem:$0x7E0]  }
0x182: {  	s20 =	sshrl.u32 s28, $0x1F;
	s1 =	sadd.s32 s21, s1;
	s21 =	sld [smem:$0x7DF]  }
0x183: {  	[dreg:$0x13] =	wrdreg s1;
	s0 =	sadd.s32 s0, s31;
	s8 =	sshrl.u32 s6, $0x1F  }
0x184: {  	s5 =	sshra.s32 s6, $0x12;
	s1 =	sshrl.u32 s24, $0x1F;
	s6 =	sshrl.u32 s22, $0x1F  }
0x185: {  	[dreg:$0x15] =	wrdreg s0;
	s31 =	sshrl.u32 s30, $0x1F;
	s3 =	sshra.s32 s30, $0x12  }
0x186: {  	(v2sf) =	vpush v11, $0xC;
	s30 =	sshra.s32 s22, $0x12;
	s22 =	sshrl.u32 s26, $0x1F;
	s0 =	sshrl.u32 s21, $0x1F  }
0x187: {  	(v2sf) =	vpush v11, $0xE;
	s2 =	sshra.s32 s21, $0x12;
	v62 =	vmov s31;
	s31 =	sshra.s32 s28, $0x12;
	s21 =	sshra.s32 s24, $0x12  }
0x188: {  	(v2sf) =	vpush v11, $0xF;
	s24 =	sshrl.u32 s25, $0x1F;
	s25 =	sshra.s32 s25, $0x12;
	s28 =	sshrl.u32 s23, $0x1F  }
0x189: {  	(v2sf) =	vpush v11, $0x9;
	s23 =	sshra.s32 s23, $0x12;
	[smem:$0x7E5] =	sst s31;
	v13 =	vsel vm0, s0, v62;
	v22 =	vmov s24;
	s31 =	sshrl.u32 s17, $0x1F  }
0x18a: {  	s24 =	sshra.s32 s26, $0x1F;
	v17 =	vmov s25;
	v13 =	vsel vm1, s8, v13;
	s8 =	sshra.s32 s17, $0x12;
	s17 =	sshra.s32 s17, $0x1F;
	v14 =	vmov s31  }
0x18b: {  	s31 =	sshra.s32 s13, $0x1F;
	v17 =	vsel vm0, s21, v17;
	s21 =	sshra.s32 s10, $0x12;
	v63 =	vsel vm2, s20, v13;
	v13 =	vsel vm0, s1, v22;
	s1 =	sshrl.u32 s18, $0x1F  }
0x18c: {  	s20 =	sshra.s32 s18, $0x12;
	s18 =	sshra.s32 s18, $0x1F;
	v14 =	vnsel vm3, $0x0, v14;
	v15 =	vmov s31;
	s31 =	sshrl.u32 s19, $0x1F;
	v17 =	vsel vm1, s23, v17  }
0x18d: {  	s23 =	sshra.s32 s29, $0x12;
	v13 =	vsel vm1, s28, v13;
	s28 =	sshra.s32 s26, $0x12;
	v14 =	vsel vm0, s1, v14;
	s1 =	sshrl.u32 s15, $0x1F;
	v15 =	vsel vm3, s8, v15  }
0x18e: {  	v25 =	vmov s3;
	s26 =	sshra.s32 s15, $0x12;
	s15 =	sshra.s32 s15, $0x1F;
	s8 =	sld [smem:$0x7E4];
	v14 =	vsel vm1, s22, v14;
	v15 =	vsel vm9, s17, v15  }
0x18f: {  	v17 =	vsel vm2, s30, v17;
	s30 =	spop (v2sf);
	s22 =	sshra.s32 s19, $0x12;
	s19 =	sshra.s32 s19, $0x1F;
	v14 =	vsel vm2, s1, v14;
	v15 =	vsel vm0, s20, v15  }
0x190: {  	s17 =	sshra.s32 s12, $0x12;
	v16 =	vsel vm2, s6, v13;
	s6 =	sld [smem:$0x7E3];
	s1 =	sshrl.u32 s12, $0x1F;
	v14 =	vsel vm4, s31, v14;
	v15 =	vsel vm10, s18, v15  }
0x191: {  	s12 =	sshra.s32 s12, $0x1F;
	s31 =	sshrl.u32 s14, $0x1F;
	v14 =	vsel vm5, s1, v14;
	v24 =	vsel vm1, s28, v15;
	v15 =	vsel vm0, s2, v25;
	s2 =	rddreg [dreg:$0x1c]  }
0x192: {  	(v2sf) =	vpush v11, $0x8;
	s20 =	sshra.s32 s14, $0x12;
	s18 =	sshrl.u32 s13, $0x1F;
	v23 =	vsel vm6, s31, v14;
	s31 =	sld [smem:$0x7E2]  }
0x193: {  	(v2sf) =	vpush v11, $0xA;
	s3 =	sshrl.u32 s2, $0x1F;
	s0 =	sshra.s32 s2, $0x12;
	s2 =	sld [smem:$0x7E5]  }
0x194: {  	(v2sf) =	vpush v11, $0xB;
	s14 =	sshra.s32 s14, $0x1F;
	s1 =	sshra.s32 s13, $0x12;
	v13 =	vsel vm7, s18, v23;
	s18 =	rddreg [dreg:$0x1e]  }
0x195: {  	v14 =	vsel vm11, s24, v24;
	s24 =	sshrl.u32 s8, $0x1F;
	s8 =	sshra.s32 s8, $0x12;
	[smem:$0x7E6] =	sst s0  }
0x196: {  	(v2sf) =	vpush v11, $0x0;
	v14 =	vsel vm2, s26, v14;
	s0 =	sshrl.u32 s16, $0x1F;
	s16 =	sshra.s32 s16, $0x12;
	s26 =	sshrl.u32 s18, $0x1F  }
0x197: {  	(v2sf) =	vpush v11, $0x1;
	s18 =	sshra.s32 s18, $0x12;
	v14 =	vsel vm12, s15, v14;
	s15 =	rddreg [dreg:$0x1a];
	s13 =	sshrl.u32 s31, $0x1F  }
0x198: {  	(v2sf) =	vpush v11, $0x2;
	s28 =	sshra.s32 s31, $0x12;
	s31 =	sshrl.u32 s6, $0x1F;
	s6 =	sshra.s32 s6, $0x12  }
0x199: {  	(v2sf) =	vpush v11, $0x3;
	v15 =	vsel vm1, s5, v15;
	s5 =	sshrl.u32 s15, $0x1F;
	s15 =	sshra.s32 s15, $0x12;
	v14 =	vsel vm4, s22, v14;
	s22 =	rddreg [dreg:$0x18]  }
0x19a: {  	v15 =	vsel vm2, s2, v15;
	s2 =	sshrl.u32 s29, $0x1F;
	s29 =	sshra.s32 s29, $0x1F;
	s25 =	sshrl.u32 s22, $0x1F;
	v14 =	vsel vm13, s19, v14;
	v18 =	vmov s31  }
0x19b: {  	s22 =	sshra.s32 s22, $0x12;
	s19 =	sshrl.u32 s10, $0x1F;
	s10 =	sshra.s32 s10, $0x1F;
	v20 =	vmov s5;
	v14 =	vsel vm5, s17, v14;
	v18 =	vsel vm0, s13, v18  }
0x19c: {  	v19 =	vmov s19;
	s13 =	sshra.s32 s11, $0x12;
	s19 =	spop (v2sf);
	v20 =	vsel vm0, s3, v20;
	s3 =	sshra.s32 s7, $0x1F;
	v14 =	vsel vm14, s12, v14  }
0x19d: {  	s12 =	sshrl.u32 s11, $0x1F;
	s11 =	sshra.s32 s11, $0x1F;
	v18 =	vsel vm1, s24, v18;
	v19 =	vnsel vm3, $0x0, v19;
	s24 =	sshra.s32 s9, $0x12;
	v14 =	vsel vm6, s20, v14  }
0x19e: {  	v22 =	vmov s6;
	s6 =	smulhi.u32 $0x431BDE83, s19;
	s20 =	sshrl.u32 s9, $0x1F;
	v19 =	vsel vm0, s2, v19;
	v14 =	vsel vm15, s14, v14;
	s14 =	spop (v2sf)  }
0x19f: {  	s2 =	sshra.s32 s9, $0x1F;
	v19 =	vsel vm1, s12, v19;
	v14 =	vsel vm7, s1, v14;
	s17 =	spop (v2sf);
	s1 =	rddreg [dreg:$0x15]  }
0x1a0: {  	v22 =	vsel vm0, s28, v22;
	v18 =	vsel vm2, s26, v18;
	v19 =	vsel vm2, s20, v19;
	s20 =	smulhi.u32 $0x431BDE83, s30;
	s31 =	sshra.s32 s1, $0x1F;
	s26 =	spop (v2sf)  }
0x1a1: {  	v22 =	vsel vm1, s8, v22;
	s9 =	sshrl.u32 s7, $0x1F;
	s8 =	smulhi.u32 $0x431BDE83, s14;
	v21 =	vmov s31;
	s12 =	spop (v2sf)  }
0x1a2: {  	s14 =	sshra.s32 s14, $0x1F;
	v19 =	vsel vm4, s9, v19;
	s28 =	sshra.s32 s17, $0x1F;
	v21 =	vsel vm3, s21, v21;
	s9 =	spop (v2sf)  }
0x1a3: {  	s21 =	sshrl.u32 s4, $0x1F;
	v21 =	vsel vm9, s10, v21;
	s10 =	sshra.s32 s30, $0x1F;
	s5 =	spop (v2sf)  }
0x1a4: {  	s31 =	sshra.s32 s7, $0x12;
	v19 =	vsel vm5, s21, v19;
	s30 =	rddreg [dreg:$0x13];
	v21 =	vsel vm0, s23, v21;
	s21 =	smul.u32 $0x431BDE83, s10  }
0x1a5: {  	v20 =	vsel vm1, s25, v20;
	(v2sf) =	vpush v11, $0x4;
	s25 =	sshrl.u32 s30, $0x1F;
	s10 =	sshrl.u32 s1, $0x1F;
	v21 =	vsel vm10, s29, v21;
	s29 =	sshra.s32 s19, $0x1F  }
0x1a6: {  	v22 =	vsel vm2, s18, v22;
	s18 =	sshra.s32 s30, $0x12;
	v19 =	vsel vm6, s25, v19;
	s23 =	smul.u32 $0x431BDE83, s29;
	s29 =	sld [smem:$0x7E6]  }
0x1a7: {  	v23 =	vmov s15;
	s25 =	smov.u32 s1;
	s1 =	smulhi.u32 $0x431BDE83, s17;
	v19 =	vsel vm7, s10, v19;
	v21 =	vsel vm1, s13, v21;
	s10 =	spop (v2sf)  }
0x1a8: {  	v20 =	vsel vm2, s0, v20;
	(v2sf) =	vpush v11, $0x5;
	s30 =	sshra.s32 s30, $0x1F;
	s17 =	smul.u32 $0x431BDE83, s28;
	v21 =	vsel vm11, s11, v21;
	s7 =	spop (v2sf)  }
0x1a9: {  	(v2sf) =	vpush v11, $0x6;
	s19 =	sshra.s32 s4, $0x12;
	v21 =	vsel vm2, s24, v21;
	s24 =	smul.u32 $0x431BDE83, s14;
	s0 =	spop (v2sf);
	v23 =	vsel vm0, s29, v23  }
0x1aa: {  	v34 =	vand.u32 $0xFFFF, v10;
	(v2sf) =	vpush v11, $0x7;
	s11 =	sadd.s32 s23, s6;
	s23 =	sshra.s32 s12, $0x1F;
	v23 =	vsel vm1, s22, v23;
	s22 =	smulhi.u32 $0x431BDE83, s12  }
0x1ab: {  	v35 =	vshrl.u32 v10, $0x10;
	v10 =	vmul.u32 $0xC2B2AE3D, v10;
	v21 =	vsel vm12, s2, v21;
	s2 =	sadd.s32 s21, s20;
	s21 =	sshra.s32 s7, $0x1F;
	s12 =	smul.u32 $0x431BDE83, s23  }
0x1ac: {  	v36 =	vmul.u32 $0xAE3D, v34;
	v37 =	vmul.u32 $0xAE3D, v35;
	s4 =	sshra.s32 s4, $0x1F;
	s13 =	spop (v2sf);
	v21 =	vsel vm4, s31, v21;
	s23 =	smul.u32 $0x431BDE83, s21  }
0x1ad: {  	v41 =	vmul.u32 $0xC2B2, v34;
	v9 =	vxor.u32 v9, v10;
	s31 =	sshra.s32 s26, $0x1F;
	s20 =	sshrl.u32 s2, $0x1F;
	v21 =	vsel vm13, s3, v21;
	s3 =	smulhi.u32 $0x431BDE83, s26  }
0x1ae: {  	v39 =	vshrl.u32 v36, $0x10;
	v52 =	vshrl.u32 v9, $0x10;
	v53 =	vand.u32 $0xFFFF, v9;
	s6 =	sadd.s32 s24, s8;
	s24 =	sshrl.u32 s11, $0x1F;
	s31 =	smul.u32 $0x431BDE83, s31  }
0x1af: {  	v12 =	vcombine.low v16, v63;
	s11 =	sshra.s32 s11, $0x12;
	v28 =	vmov s24;
	v27 =	vsel vm5, s19, v21;
	s19 =	sshra.s32 s25, $0x12;
	s25 =	smulhi.u32 $0x431BDE83, s9  }
0x1b0: {  	v15 =	vcombine.low v17, v15;
	v18 =	vcombine.low v20, v18;
	s2 =	sshra.s32 s2, $0x12;
	s9 =	sshra.s32 s9, $0x1F;
	v20 =	vsel vm0, s20, v28;
	s20 =	smulhi.u32 $0x431BDE83, s7  }
0x1b1: {  	v12 =	vperm.xlane v12, v0;
	v13 =	vperm.xlane v13, v1;
	s26 =	sshrl.u32 s6, $0x1F;
	v17 =	vsel vm14, s4, v27;
	s4 =	sadd.s32 s17, s1;
	s29 =	smul.u32 $0x431BDE83, s9  }
0x1b2: {  	v40 =	vadd.s32 v37, v39;
	v15 =	vperm.xlane v15, v0;
	v14 =	vperm.xlane v14, v1;
	s9 =	sadd.s32 s12, s22;
	s12 =	sadd.s32 s31, s3;
	s28 =	sshrl.u32 s4, $0x1F  }
0x1b3: {  	v12 =	vsel vm8, v13, v12;
	v18 =	vperm.xlane v18, v0;
	v17 =	vsel vm6, s18, v17;
	s31 =	sshrl.u32 s9, $0x1F;
	s18 =	smulhi.u32 $0x431BDE83, s10;
	s10 =	sshra.s32 s10, $0x1F  }
0x1b4: {  	v29 =	vsel vm8, v14, v15;
	v26 =	vsel vm2, s16, v23;
	s7 =	spop (v2sf);
	v17 =	vsel vm15, s30, v17;
	s30 =	smulhi.u32 $0x431BDE83, s5;
	s5 =	sshra.s32 s5, $0x1F  }
0x1b5: {  	v12 =	vadd.s32 v12, v29;
	v19 =	vperm.xlane v19, v1;
	v16 =	vcombine.low v26, v22;
	s14 =	sadd.s32 s23, s20;
	s9 =	sshra.s32 s9, $0x12;
	s5 =	smul.u32 $0x431BDE83, s5  }
0x1b6: {  	v43 =	vand.u32 $0xFFFE, v40;
	v12 =	vmul.u32 $0xF4240, v12;
	s20 =	sshra.s32 s13, $0x1F;
	s8 =	sadd.s32 s29, s25;
	s10 =	smul.u32 $0x431BDE83, s10;
	v17 =	vsel vm7, s19, v17  }
0x1b7: {  	v30 =	vsel vm8, v19, v18;
	v16 =	vperm.xlane v16, v0;
	s25 =	smulhi.u32 $0x431BDE83, s0;
	v17 =	vperm.xlane v17, v1;
	s3 =	sadd.s32 s5, s30;
	s5 =	spop (v2sf)  }
0x1b8: {  	v18 =	vmul.u32 $0xC2B2, v35;
	v44 =	vmov s11;
	v33 =	vmov s31;
	s29 =	sshra.s32 s6, $0x12;
	s19 =	sshrl.u32 s12, $0x1F;
	s1 =	spop (v2sf)  }
0x1b9: {  	v32 =	vsel vm1, s26, v20;
	s6 =	smul.u32 $0x431BDE83, s20;
	s16 =	sshrl.u32 s8, $0x1F;
	v31 =	vsel vm8, v17, v16;
	v16 =	vsel vm0, s19, v33;
	s26 =	spop (v2sf)  }
0x1ba: {  	v45 =	vsel vm0, s2, v44;
	v15 =	vsel vm2, s28, v32;
	s22 =	sshrl.u32 s3, $0x1F;
	v16 =	vsel vm1, s16, v16;
	s28 =	smulhi.u32 $0x431BDE83, s26;
	s16 =	sshra.s32 s26, $0x1F  }
0x1bb: {  	v20 =	vmul.u32 $0xBDC, v52;
	s0 =	sshra.s32 s0, $0x1F;
	v46 =	vsel vm1, s29, v45;
	s10 =	sadd.s32 s10, s18;
	v38 =	vsel vm2, s22, v16;
	s16 =	smul.u32 $0x431BDE83, s16  }
0x1bc: {  	s4 =	sshra.s32 s4, $0x12;
	s31 =	smul.u32 $0x431BDE83, s0;
	s24 =	sshrl.u32 s10, $0x1F;
	v16 =	vadd.s32 v41, v43;
	v14 =	vcombine.low v38, v15;
	v15 =	vshrl.u32 v40, $0x10  }
0x1bd: {  	s8 =	sshra.s32 s8, $0x12;
	s29 =	sshra.s32 s14, $0x1F;
	v42 =	vmov s24;
	v16 =	vshrl.u32 v16, $0x10;
	v15 =	vadd.s32 v18, v15;
	s0 =	sadd.s32 s16, s28  }
0x1be: {  	v47 =	vmov s9;
	s30 =	sshrl.u32 s14, $0x1F;
	s23 =	sadd.s32 s31, s25;
	v17 =	vnsel vm3, $0x0, v42;
	v15 =	vadd.s32 v16, v15;
	s21 =	sshra.s32 s0, $0x1F  }
0x1bf: {  	s19 =	smulhi.u32 $0x431BDE83, s13;
	s25 =	sshrl.u32 s23, $0x1F;
	v17 =	vsel vm0, s30, v17;
	s22 =	sshra.s32 s10, $0x12;
	v48 =	vmulhi.u32 $0x431BDE83, v15;
	v49 =	vmov s21  }
0x1c0: {  	s18 =	sshra.s32 s12, $0x12;
	s24 =	sshra.s32 s10, $0x1F;
	s3 =	sshra.s32 s3, $0x12;
	v13 =	vadd.s32 v30, v31;
	v17 =	vsel vm1, s25, v17;
	v51 =	vsel vm3, s22, v49  }
0x1c1: {  	s31 =	smulhi.u32 $0x431BDE83, s5;
	s2 =	sadd.s32 s6, s19;
	s26 =	sshra.s32 s14, $0x12;
	v18 =	vsel vm2, s4, v46;
	v50 =	vshrl.u32 v48, $0xC;
	v19 =	vsel vm9, s24, v51  }
0x1c2: {  	s12 =	sshra.s32 s2, $0x12;
	s14 =	sshra.s32 s2, $0x1F;
	s2 =	sshrl.u32 s2, $0x1F;
	v16 =	vsel vm0, s18, v47;
	v10 =	vmul.u32 $0x3D09, v50;
	v19 =	vsel vm0, s26, v19  }
0x1c3: {  	s30 =	sshra.s32 s23, $0x12;
	v17 =	vsel vm2, s2, v17;
	s28 =	smulhi.u32 $0x431BDE83, s7;
	s7 =	sshra.s32 s7, $0x1F;
	v16 =	vsel vm1, s8, v16;
	v19 =	vsel vm10, s29, v19  }
0x1c4: {  	s5 =	sshra.s32 s5, $0x1F;
	s6 =	sshra.s32 s23, $0x1F;
	s7 =	smul.u32 $0x431BDE83, s7;
	v16 =	vsel vm2, s3, v16;
	v10 =	vsub.s32 v15, v10;
	v19 =	vsel vm1, s30, v19  }
0x1c5: {  	s5 =	smul.u32 $0x431BDE83, s5;
	v15 =	vadd.s32 v53, v20;
	v10 =	vmul.u32 $0x375B, v10;
	v54 =	vsel vm11, s6, v19  }
0x1c6: {  	s13 =	smulhi.u32 $0x431BDE83, s1;
	s1 =	sshra.s32 s1, $0x1F;
	s11 =	sadd.s32 s7, s28;
	v16 =	vcombine.low v16, v18;
	v20 =	vmulhi.u32 $0x10C6F7A1, v15;
	v18 =	vsel vm2, s12, v54  }
0x1c7: {  	s1 =	smul.u32 $0x431BDE83, s1;
	v14 =	vperm.xlane v14, v0;
	s15 =	sshra.s32 s11, $0x12;
	s16 =	sshrl.u32 s11, $0x1F;
	v55 =	vmulhi.u32 $0x10C6F7A1, v10;
	v18 =	vsel vm12, s14, v18  }
0x1c8: {  	s5 =	sadd.s32 s5, s31;
	s17 =	sshra.s32 s11, $0x1F;
	v17 =	vsel vm4, s16, v17;
	v56 =	vperm.xlane v16, v0;
	v18 =	vsel vm4, s15, v18  }
0x1c9: {  	s1 =	sadd.s32 s1, s13;
	s19 =	sshra.s32 s5, $0x12;
	v20 =	vshrl.u32 v20, $0xA;
	v19 =	vshrl.u32 v55, $0xA;
	v18 =	vsel vm13, s17, v18  }
0x1ca: {  	s18 =	sshrl.u32 s5, $0x1F;
	s21 =	sshra.s32 s5, $0x1F;
	s24 =	rddreg [dreg:$0x11];
	v20 =	vmul.u32 $0x3D09, v20;
	v19 =	vmul.u32 $0x3D09, v19;
	v18 =	vsel vm5, s19, v18  }
0x1cb: {  	s23 =	sshra.s32 s1, $0x12;
	v59 =	vor.u32 s24, v2;
	v17 =	vsel vm5, s18, v17;
	v18 =	vsel vm14, s21, v18  }
0x1cc: {  	s20 =	sshrl.u32 s1, $0x1F;
	s1 =	sshra.s32 s1, $0x1F;
	v15 =	vsub.s32 v15, v20;
	v10 =	vsub.s32 v10, v19;
	v18 =	vsel vm6, s23, v18  }
0x1cd: {  	s22 =	sshrl.u32 s0, $0x1F;
	s0 =	sshra.s32 s0, $0x12;
	v17 =	vsel vm6, s20, v17;
	v10 =	vadd.s32 v15, v10;
	v18 =	vsel vm15, s1, v18  }
0x1ce: {  	v17 =	vsel vm7, s22, v17;
	v58 =	vadd.s32 $0xFFFFC2F7, v10;
	v57 =	vsel vm7, s0, v18  }
0x1cf: {  	s25 =	rddreg [dreg:$0x11];
	v17 =	vperm.xlane v17, v1;
	v10 =	vmin.u32 v10, v58;
	v16 =	vperm.xlane v57, v1  }
0x1d0: {  	v61 =	vor.u32 s25, v4;
	s28 =	rddreg [dreg:$0x11];
	v60 =	vand.u32 v3, v59;
	v9 =	vsub.s32 v9, v10  }
0x1d1: {  	s26 =	rddreg [dreg:$0x11];
	v14 =	vsel vm8, v17, v14;
	v9 =	vmul.u32 $0x39, v9;
	v15 =	vsel vm8, v16, v56  }
0x1d2: {  	v13 =	vmul.u32 $0xF4240, v13;
	v62 =	vor.u32 s26, v5;
	s30 =	rddreg [dreg:$0x11];
	v14 =	vadd.s32 v14, v15  }
0x1d3: {  	v63 =	vor.u32 s28, v6;
	p1 =	sne.s32 s30, $0x9C0;
	v9 =	vand.u32 $0x3F, v9;
	v14 =	vmul.u32 $0xF4240, v14  }
.Ltmp1:
0x1d4: {  	v7 =	vsub.s32 v7, v12;
	v8 =	vsub.s32 v8, v13;
	s29 =	simm.s32 $0x1E00;
	v9 =	vmul.u32 $0x3D09, v9;
	(pc) =	sbr.rel @p1 .LBB2_5-.Ltmp1, $4  }
0x1d5: {  	[tilespmem:v60+s29+$0x0] =	vst.idx.msk $0xffff, v7;
	v7 =	vadd.s32 $0xF4240, v8;
	v11 =	vsub.s32 v11, v14  }
0x1d6: {  	[tilespmem:v61+s29+$0x0] =	vst.idx.msk $0xffff, v7;
	v8 =	vadd.s32 v9, v10;
	v7 =	vadd.s32 $0x1E8480, v11  }
0x1d7: {  	s31 =	rddreg [dreg:$0x11];
	[tilespmem:v62+s29+$0x0] =	vst.idx.msk $0xffff, v7;
	v7 =	vadd.s32 $0x2DC6C0, v8  }
0x1d8: {  	s3 =	simm.s32 $0x1E00;
	s0 =	sadd.s32 $0x40, s31;
	[tilespmem:v63+s29+$0x0] =	vst.idx.msk $0xffff, v7  }
0x1d9: {  	s1 =	simm.s32 $0x3  }
0x1da: {  	_ =	swait.ge [sflag:s1], $0xA000  }
0x1db: {  	[sflag:s1] =	ssyncset.done $0x0  }
0x1dc: {  	s0 =	rddreg [dreg:$0xf];
	[sflag:s1] =	ssyncadd.s32 $0xFFFF6000  }
0x1dd: {  	s0 =	sshll.u32 s0, $0x3;
	s1 =	rddreg [dreg:$0x1]  }
0x1de: {  	s5 =	simm.s32 $0x0;
	s18 =	simm.s32 $0x2800;
	s0 =	sadd.s32 s1, s0  }
0x1df: {  	[hbm4b:s0+s5] =	stream.linear.scatter [tilespmem:s18], [sflag:$0x5], $0xA000, $0x38;
	[tilespmem:$0x16800] =	vst v63  }
0x1e0: {  	s0 =	simm.s32 @!p0 $0x6  }
0x1e1: {  	_ =	swait.ge @!p0 [sflag:s0], $0xA000  }
0x1e2: {  	s2 =	simm.s32 $0xC800;
	[sflag:s0] =	ssyncset.done @!p0 $0x0  }
0x1e3: {  	s1 =	simm.s32 $0x80;
	[sflag:s0] =	ssyncadd.s32 @!p0 $0xFFFF6000;
	s0 =	rddreg [dreg:$0x5]  }
0x1e4: {  	[tilespmem:s2], [sflag:$0x4] =	stream.indirect.gather [hbm4b:s0+s1], $0x10, s3, s1, $0xb8;
	[tilespmem:$0x16800] =	vst v63  }
0x1e5: {  	s19 =	simm.s32 $0x1E80;
	s20 =	simm.s32 $0xD000  }
0x1e6: {  	[tilespmem:s20], [sflag:$0x4] =	stream.indirect.gather [hbm4b:s0+s1], $0x10, s19, s1, $0xb8;
	[tilespmem:$0x16800] =	vst v63  }
0x1e7: {  	s21 =	simm.s32 $0x1F00;
	s22 =	simm.s32 $0xD800  }
0x1e8: {  	[tilespmem:s22], [sflag:$0x4] =	stream.indirect.gather [hbm4b:s0+s1], $0x10, s21, s1, $0xb8;
	[tilespmem:$0x16800] =	vst v63  }
0x1e9: {  	s23 =	simm.s32 $0x1F80;
	s24 =	simm.s32 $0xE000  }
0x1ea: {  	[tilespmem:s24], [sflag:$0x4] =	stream.indirect.gather [hbm4b:s0+s1], $0x10, s23, s1, $0xb8;
	[tilespmem:$0x16800] =	vst v63  }
0x1eb: {  	s25 =	simm.s32 $0x2000;
	s26 =	simm.s32 $0xE800  }
0x1ec: {  	[tilespmem:s26], [sflag:$0x4] =	stream.indirect.gather [hbm4b:s0+s1], $0x10, s25, s1, $0xb8;
	[tilespmem:$0x16800] =	vst v63  }
0x1ed: {  	s28 =	simm.s32 $0x2080;
	s29 =	simm.s32 $0xF000  }
0x1ee: {  	[tilespmem:s29], [sflag:$0x4] =	stream.indirect.gather [hbm4b:s0+s1], $0x10, s28, s1, $0xb8;
	[tilespmem:$0x16800] =	vst v63  }
0x1ef: {  	s30 =	simm.s32 $0x2100;
	s31 =	simm.s32 $0xF800  }
0x1f0: {  	[tilespmem:s31], [sflag:$0x4] =	stream.indirect.gather [hbm4b:s0+s1], $0x10, s30, s1, $0xb8;
	[tilespmem:$0x16800] =	vst v63  }
0x1f1: {  	s4 =	simm.s32 $0x10000;
	s3 =	simm.s32 $0x2180  }
0x1f2: {  	[tilespmem:s4], [sflag:$0x4] =	stream.indirect.gather [hbm4b:s0+s1], $0x10, s3, s1, $0xb8;
	[tilespmem:$0x16800] =	vst v63  }
0x1f3: {  	s6 =	simm.s32 $0x2200;
	s7 =	simm.s32 $0x10800  }
0x1f4: {  	[tilespmem:s7], [sflag:$0x4] =	stream.indirect.gather [hbm4b:s0+s1], $0x10, s6, s1, $0xb8;
	[tilespmem:$0x16800] =	vst v63  }
0x1f5: {  	s8 =	simm.s32 $0x2280;
	s9 =	simm.s32 $0x11000  }
0x1f6: {  	[tilespmem:s9], [sflag:$0x4] =	stream.indirect.gather [hbm4b:s0+s1], $0x10, s8, s1, $0xb8;
	[tilespmem:$0x16800] =	vst v63  }
0x1f7: {  	s10 =	simm.s32 $0x2300;
	s11 =	simm.s32 $0x11800  }
0x1f8: {  	[tilespmem:s11], [sflag:$0x4] =	stream.indirect.gather [hbm4b:s0+s1], $0x10, s10, s1, $0xb8;
	[tilespmem:$0x16800] =	vst v63  }
0x1f9: {  	s12 =	simm.s32 $0x2380;
	s13 =	simm.s32 $0x12000  }
0x1fa: {  	[tilespmem:s13], [sflag:$0x4] =	stream.indirect.gather [hbm4b:s0+s1], $0x10, s12, s1, $0xb8;
	[tilespmem:$0x16800] =	vst v63  }
0x1fb: {  	s14 =	simm.s32 $0x2400;
	s15 =	simm.s32 $0x12800  }
0x1fc: {  	[tilespmem:s15], [sflag:$0x4] =	stream.indirect.gather [hbm4b:s0+s1], $0x10, s14, s1, $0xb8;
	[tilespmem:$0x16800] =	vst v63  }
0x1fd: {  	s16 =	simm.s32 $0x2480;
	s17 =	simm.s32 $0x13000  }
0x1fe: {  	[tilespmem:s17], [sflag:$0x4] =	stream.indirect.gather [hbm4b:s0+s1], $0x10, s16, s1, $0xb8;
	[tilespmem:$0x16800] =	vst v63  }
0x1ff: {  	s18 =	simm.s32 $0x2500;
	s19 =	simm.s32 $0x13800  }
0x200: {  	[tilespmem:s19], [sflag:$0x4] =	stream.indirect.gather [hbm4b:s0+s1], $0x10, s18, s1, $0xb8;
	[tilespmem:$0x16800] =	vst v63  }
0x201: {  	s20 =	simm.s32 $0x2580;
	s21 =	simm.s32 $0x14000  }
0x202: {  	[tilespmem:s21], [sflag:$0x4] =	stream.indirect.gather [hbm4b:s0+s1], $0x10, s20, s1, $0xb8;
	[tilespmem:$0x16800] =	vst v63  }
0x203: {  	s22 =	simm.s32 $0x2600;
	s23 =	simm.s32 $0x14800  }
0x204: {  	[tilespmem:s23], [sflag:$0x4] =	stream.indirect.gather [hbm4b:s0+s1], $0x10, s22, s1, $0xb8;
	[tilespmem:$0x16800] =	vst v63  }
0x205: {  	s24 =	simm.s32 $0x2680;
	s25 =	simm.s32 $0x15000  }
0x206: {  	[tilespmem:s25], [sflag:$0x4] =	stream.indirect.gather [hbm4b:s0+s1], $0x10, s24, s1, $0xb8;
	[tilespmem:$0x16800] =	vst v63  }
0x207: {  	s26 =	simm.s32 $0x2700;
	s28 =	simm.s32 $0x15800  }
0x208: {  	[tilespmem:s28], [sflag:$0x4] =	stream.indirect.gather [hbm4b:s0+s1], $0x10, s26, s1, $0xb8;
	[tilespmem:$0x16800] =	vst v63  }
0x209: {  	s29 =	simm.s32 $0x2780;
	s30 =	simm.s32 $0x16000;
	s31 =	rddreg [dreg:$0xd]  }
0x20a: {  	[tilespmem:s30], [sflag:$0x4] =	stream.indirect.gather [hbm4b:s0+s1], $0x10, s29, s1, $0xb8;
	[tilespmem:$0x16800] =	vst v63  }
0x20b: {  	s0 =	sadd.s32 $0x1, s31  }
0x20c: {  	p0 =	sne.s32 s0, $0x5  }
.Ltmp2:
0x20d: {  	_ = 	snop;
	(pc) =	sbr.rel @p0 .LBB2_2-.Ltmp2, $1  }
0x20e: {  	_ =	sdelay $0x3  }
0x20f: {  	s0 =	simm.s32 $0x4  }
0x210: {  	_ =	swait.ge [sflag:s0], $0xA000  }
0x211: {  	s1 =	simm.s32 $0xC800;
	[sflag:s0] =	ssyncset.done $0x0  }
0x212: {  	s29 =	simm.s32 $0x5;
	s28 =	rddreg [dreg:$0xa];
	[sflag:s0] =	ssyncadd.s32 $0xFFFF6000  }
0x213: {  	[hbm4b:s28+s5] =	stream.linear.scatter [tilespmem:s1], [sflag:$0x6], $0xA000, $0x38;
	[tilespmem:$0x16800] =	vst v63  }
0x214: {  	_ =	swait.ge [sflag:s29], $0xA000  }
0x215: {  	[sflag:s29] =	ssyncset.done $0x0  }
0x216: {  	s30 =	simm.s32 $0x6;
	[sflag:s29] =	ssyncadd.s32 $0xFFFF6000  }
0x217: {  	_ =	swait.ge [sflag:s30], $0xA000  }
0x218: {  	s2 =	rddreg [dreg:$0xc]  }
0x219: {  	s31 =	rddreg [dreg:$0xb];
	s2 =	sadd.s32 $0x1, s2  }
0x21a: {  	p0 =	sne.s32 s2, s31  }
.Ltmp3:
0x21b: {  	_ = 	snop;
	(pc) =	sbr.rel @p0 .LBB2_1-.Ltmp3, $3  }
0x21c: {  	_ =	sdelay $0x1  }
0x21d: {  	[sflag:s30] =	ssyncset.done $0x0  }
0x21e: {  	[sflag:s30] =	ssyncadd.s32 $0xFFFF6000  }
0x21f: {  	_ =	sfence.sel $0x180000  }
0x220: {  	[bflag:$0x0] =	sbarrier.arrive $0xFFFF  }
0x221: {  	_ =	strace $0x9000004A  }
0x222: {  	s0 =	stileid.u32;
	[bflag:$0x2] =	sbarrier.arrive $0xFFFF  }
0x223: {  	p0 =	sne.s32 s0, $0x0;
	s0 =	rddreg [dreg:$0x2]  }
0x224: {  	s0 =	sadd.s32 @!p0 $0x100000, s0  }
0x225: {  	[sflag:s0] =	ssyncadd.tile.s32 @!p0 $0x1;
	_ =	shalt  }
.Lfunc_end2:
_tile_overlayer_lowered:
.L_overlay_start_2:
0x226: {  	(tag) =	ssettag $0x2  }
0x227: {  	s0 =	rddreg [dreg:$0x0];
	s2 =	stileid.u32  }
0x228: {  	s1 =	rddreg [dreg:$0x1];
	p0 =	sne.s32 s2, $0x0  }
0x229: {  	s3 =	rddreg [dreg:$0x2];
	[bflag:$0x3] =	sbarrier.arrive $0xFFFF;
	s2 =	simm.s32 @!p0 $0x1C07  }
0x22a: {  	[timem:s3], [sflag:s2] =	dma.local @!p0 [hbm:s0], s1  }
0x22b: {  	s0 =	simm.s32 @!p0 $0x7  }
0x22c: {  	_ =	swait.ge @!p0 [sflag:s0], s1  }
0x22d: {  	s1 =	ssub.s32 @!p0 $0x0, s1;
	[sflag:s0] =	ssyncset.done @!p0 $0x0  }
0x22e: {  	[sflag:s0] =	ssyncadd.s32 @!p0 s1  }
0x22f: {  	[bflag:$0x3] =	sbarrier.arrive $0xFFFF  }
0x230: {  	_ =	shalt  }

// kernel: sparse-core-data-format-call.cloned.1.call-start
scs
called_computation_lowered:
.L_overlay_start_0:
0x0: {  	s2 =	sld [smem:$0x3FD9]  }
0x1: {  	s3 =	sld [smem:$0x3FFE];
	_ =	sdelay $0x1  }
0x2: {  	s1 =	srdreg.scid  }
0x3: {  	s0 =	sand.u32 $0x1, s1  }
0x4: {  	s18 =	sshll.u32 s0, $0xA;
	s2 =	sadd.s32 s3, s2  }
0x5: {  	s2 =	sadd.s32 s2, s18  }
0x6: {  	[smem:$0x3FC6] =	sst s2  }
0x7: {  	_ = 	snop  }
0x8: {  	s2 =	sld [smem:$0x3FD0];
	(tm) =	ssettm $0x1  }
0x9: {  	s19 =	sld [smem:$0x3FFB];
	_ =	sdelay $0x3  }
0xa: {  	_ =	strace s19  }
0xb: {  	s3 =	sld [smem:$0x3FFC];
	_ =	sdelay $0x3  }
0xc: {  	_ =	strace s3  }
0xd: {  	s3 =	sld [smem:$0x3FFD];
	_ =	sdelay $0x3  }
0xe: {  	_ =	strace s3  }
0xf: {  	_ =	strace $0x8FFFFFFF  }
0x10: {  	s20 =	sld [smem:$0x3FDB];
	_ =	sdelay $0x1  }
0x11: {  	s4 =	simm.s32 $_scs_section_size  }
0x12: {  	s5 =	simm.s32 $_size__tile_overlayer_lowered;
	s6 =	simm.s32 $_tile_overlayer_lowered  }
0x13: {  	s23 =	simm.s32 $0x1BFF;
	s22 =	sshll.u32 s6, $0x1;
	s3 =	sadd.s32 s4, s20  }
0x14: {  	s7 =	simm.s32 $0x0;
	s21 =	sshll.u32 s5, $0x1;
	s5 =	sadd.s32 s22, s3  }
0x15: {  	[timem:s7], [sflag:s23] =	dma.local [hbm:s5], s21  }
0x16: {  	_ =	swait.ge [sflag:s23], s21  }
0x17: {  	s4 =	ssub.s32 $0x0, s21;
	[sflag:s23] =	ssyncset.done $0x0  }
0x18: {  	[sflag:s23] =	ssyncadd.s32 s4;
	_ =	sdelay $0x1  }
0x19: {  	s24 =	simm.s32 $0x1B8B  }
0x1a: {  	_ =	swait.ge [sflag:s24], $0x1  }
0x1b: {  	[sflag:s24] =	ssyncset.done $0x0  }
0x1c: {  	s26 =	simm.s32 $0x1B8E;
	s25 =	sld [smem:$0x3FFE];
	[sflag:s24] =	ssyncadd.s32 $0xFFFFFFFF  }
0x1d: {  	s27 =	simm.s32 $execute0_lowered;
	[smem:$0x3FD2] =	sst s26  }
0x1e: {  	s5 =	sshll.u32 s27, $0x1;
	_ =	strace $0x8000004C;
	[dreg:$0x1] =	wrdreg $0xFFFFFFFF  }
0x1f: {  	s28 =	simm.s32 $_size_execute0_lowered;
	s3 =	sadd.s32 s3, s5;
	[dreg:$0x0] =	wrdreg $0x0  }
0x20: {  	s5 =	sshll.u32 s28, $0x1;
	[dreg:$0x2] =	wrdreg s3  }
0x21: {  	[dreg:$0x3] =	wrdreg s5  }
0x22: {  	[dreg:$0x4] =	wrdreg $0xC0  }
0x23: {  	_ =	task [dreg:s7], $0x5FFFF  }
0x24: {  	[dreg:$0x1] =	wrdreg $0xFFFFFFFF  }
0x25: {  	[dreg:$0x0] =	wrdreg $0x60  }
0x26: {  	[dreg:$0x2] =	wrdreg s25  }
0x27: {  	[dreg:$0x3] =	wrdreg s2  }
0x28: {  	[dreg:$0x4] =	wrdreg $0x9  }
0x29: {  	_ =	task.clear_ibuf [dreg:s7], $0x5FFFF;
	_ =	strace $0x9000004C  }
0x2a: {  	s29 =	simm.s32 $0x9;
	_ =	strace $0x8000004E  }
0x2b: {  	_ =	swait.ge [sflag:s29], $0x1  }
0x2c: {  	[sflag:s29] =	ssyncadd.s32 $0xFFFFFFFF  }
0x2d: {  	_ =	strace $0x9000004E  }
0x2e: {  	_ =	sfence  }
0x2f: {  	s30 =	sld [smem:$0x0];
	_ =	sdelay $0x2  }
0x30: {  	s31 =	sshll.u32 s1, $0xD;
	s1 =	sshrl.u32 s1, $0x2  }
0x31: {  	s3 =	sand.u32 $0x4000, s31;
	s1 =	sadd.s32 s1, s30  }
0x32: {  	s0 =	sor.u32 s3, s0;
	s1 =	sshll.u32 s1, $0x11  }
0x33: {  	s0 =	sor.u32 s1, s0  }
0x34: {  	s0 =	sadd.s32 $0x8F2B, s0  }
0x35: {  	[sflag:s0] =	ssyncadd.remote.s32 $0x1  }
0x36: {  	_ =	sfence.sel $0xFFFF  }
0x37: {  	[dreg:$0x0] =	wrdreg $0xFFFFFFFF;
	(pc) =	sbr.abs _section_cstart, $3  }
0x38: {  	[dreg:$0x1] =	wrdreg $0xFFFFFFFF  }
0x39: {  	_ =	task.clear_ibuf [dreg:s7], $0x2FFFF;
	_ =	strace $0x9FFFFFFF  }
0x3a: {  	(tm) =	ssettm $0x7FFFFFFF  }
0x3b: {  	_ =	shalt  }
tec
execute0_lowered:
.L_overlay_start_1:
0x0: {  	(tag) =	ssettag $0x1  }
0x1: {  	s0 =	srdreg.scid  }
0x2: {  	s1 =	sshll.u32 s0, $0x4  }
0x3: {  	s0 =	stileid.u32;
	s1 =	sand.u32 $0x10, s1  }
0x4: {  	s1 =	sor.u32 s0, s1  }
0x5: {  	s6 =	rddreg [dreg:$0x0];
	s4 =	simm.s32 $0x1;
	s2 =	sshll.u32 s1, $0x7  }
0x6: {  	s7 =	simm.s32 $0x2;
	s12 =	simm.s32 $0x0;
	s1 =	ssub.s32 $0x1000, s2  }
0x7: {  	s8 =	simm.s32 $0x8000;
	s13 =	simm.s32 $0x0;
	s3 =	sand.u32 $0xF80, s1  }
0x8: {  	s9 =	simm.s32 $0x0;
	s5 =	sshrl.u32 s1, $0xC;
	p0 =	sne.s32 s3, $0x0  }
.Ltmp0:
0x9: {  	s1 =	rddreg [dreg:$0x2];
	s4 =	simm.s32 @!p0 $0x0;
	(pc) =	sbr.rel .LBB1_1-.Ltmp0, $4  }
0xa: {  	s11 =	simm.s32 $0x0;
	s3 =	rddreg [dreg:$0x1];
	s5 =	sadd.s32 s4, s5  }
0xb: {  	_ =	strace $0x8000004D;
	s4 =	simm.s32 $0x1;
	s5 =	smul.u32 $0x32, s5  }
0xc: {  	s6 =	sadd.s32 $0xC00, s6;
	s10 =	smov.u32 s2;
	[sflag:s4] =	ssyncpa.u1 $0x0  }
0xd: {  	p0 =	por $0x0, $0x0;
	[sflag:s7] =	ssyncpa.u1 $0x0;
	s7 =	sor.u32 $0x1, s5  }
.LBB1_4:
0xe: {  	s16 =	sshll.u32 s13, $0x3;
	s17 =	sand.u32 $0x78, s13  }
0xf: {  	s30 =	sand.u32 $0x7E00, s13;
	s12 =	sshll.u32 s12, $0xF;
	s16 =	sand.u32 $0xC00, s16  }
0x10: {  	[tilespmem:s15+$0x810 ss:$0x81] =	vst.msk $0xffff, v2;
	s31 =	sand.u32 $0x7, s13;
	s16 =	sor.u32 s17, s16;
	s17 =	sadd.s32 s3, s30  }
0x11: {  	[tilespmem:s15+$0x1020 ss:$0x81] =	vst.msk $0xffff, v0;
	s13 =	sshll.u32 s31, $0x12;
	s12 =	sadd.s32 s12, s17;
	s16 =	sshrl.u32 s16, $0x3  }
0x12: {  	[tilespmem:s15+$0x0 ss:$0x81] =	vst.msk $0xffff, v1;
	s13 =	sor.u32 $0x400, s13;
	s12 =	sadd.s32 s16, s12  }
0x13: {  	[hbm4b:s12+s13] =	stream.strided.scatter [tilespmem:s14], [sflag:$0x2], $0x2000, s8, s13, $0x20;
	[tilespmem:$0x8080] =	vst v63  }
.LBB1_5:
0x14: {  	s14 =	sadd.s32 $0x1, s9  }
0x15: {  	s12 =	sadd.s32 $0x1000, s10;
	s16 =	smov.u32 s10;
	p2 =	sgt.s32 s14, $0x31  }
0x16: {  	s16 =	smov.u32 @p2 s12  }
0x17: {  	s14 =	simm.s32 @p2 $0x0;
	p2 =	sgt.s32 s16, $0xFFF  }
0x18: {  	s16 =	smov.u32 @p2 s2;
	p2 =	sne.s32 s11, s7  }
.Ltmp1:
0x19: {  	p1 =	slt.u32 s11, $0x2;
	(pc) =	sbr.rel @!p2 .LBB1_6-.Ltmp1, $4  }
0x1a: {  	s15 =	simm.s32 @!p1 $0x2  }
0x1b: {  	s13 =	smov.u32 s10;
	p0 =	por !p0, !p0;
	_ =	swait.ge @!p1 [sflag:s15], $0x2000  }
0x1c: {  	s12 =	smov.u32 s9;
	[sflag:s15] =	ssyncset.done @!p1 $0x0;
	s9 =	smov.u32 s14  }
0x1d: {  	s11 =	sadd.s32 $0x1, s11;
	[sflag:s15] =	ssyncadd.s32 @!p1 $0xFFFFE000;
	s10 =	smov.u32 s16  }
.LBB1_1:
0x1e: {  	p1 =	sge.u32 s11, s5  }
0x1f: {  	s14 =	sand.u32 @!p1 $0x1FFFFFF, s9  }
0x20: {  	s15 =	smulhi.u32 @!p1 $0x4924925, s14;
	_ =	sdelay $0x1  }
0x21: {  	s15 =	smul.u32 @!p1 $0x38, s15  }
0x22: {  	s16 =	sxor.u32 @!p1 $0xFFFFFFFF, s11;
	s17 =	smul.u32 @!p1 $0x380, s10  }
0x23: {  	s31 =	sadd.s32 $0xFFFFFFFF, s11;
	s16 =	sshll.u32 @!p1 s16, $0xD;
	s14 =	ssub.s32 @!p1 s14, s15  }
0x24: {  	s15 =	sand.u32 @!p1 $0x2000, s16;
	s16 =	sadd.s32 @!p1 s6, s17;
	s14 =	sshll.u32 @!p1 s14, $0x4  }
0x25: {  	s17 =	simm.s32 @!p1 $0x1C00;
	s14 =	sadd.s32 @!p1 s14, s16;
	s16 =	simm.s32 @!p1 $0x40  }
0x26: {  	[tilespmem:s15], [sflag:$0x1] =	stream.strided.gather @!p1 [hbm4b:s14+s16], $0x2000, s17, s16, $0x38;
	[tilespmem:$0x8080] =	vst v63  }
0x27: {  	p1 =	sge.u32 s31, s5  }
.Ltmp2:
0x28: {  	_ = 	snop;
	(pc) =	sbr.rel @p1 .LBB1_5-.Ltmp2, $1  }
0x29: {  	_ =	sdelay $0x3  }
0x2a: {  	s14 =	simm.s32 $0x1  }
0x2b: {  	_ =	swait.ge [sflag:s4], $0x2000;
	s14 =	simm.s32 @!p0 $0x0  }
0x2c: {  	[sflag:s4] =	ssyncset.done $0x0;
	s15 =	sshll.u32 s14, $0xD  }
0x2d: {  	[sflag:s4] =	ssyncadd.s32 $0xFFFFE000;
	s18 =	sor.u32 $0x20, s15  }
0x2e: {  	s14 =	smul.u32 $0x8100, s14;
	v3 =	vld [tilespmem:s18+$0x10]  }
0x2f: {  	s30 =	sand.u32 $0x1, s11;
	v2 =	vld [tilespmem:s18+$0xFFFFFFF0]  }
0x30: {  	s15 =	smul.u32 $0x8100, s30;
	s14 =	sshrl.u32 s14, $0x2;
	v0 =	vld [tilespmem:s18+$0x0]  }
0x31: {  	v1 =	vld [tilespmem:s18+$0xFFFFFFE0];
	s16 =	sor.u32 $0x4000, s14  }
0x32: {  	s31 =	sshrl.u32 s15, $0x2;
	s15 =	sadd.s32 $0x0, s16  }
0x33: {  	s17 =	simm.s32 $0x4;
	s18 =	sadd.s32 $0x40, s18;
	s14 =	sor.u32 $0x4000, s31;
	[tilespmem:s15+$0x1830 ss:$0x81] =	vst.msk $0xffff, v3  }
.LBB1_3:
0x34: {  	v3 =	vld [tilespmem:s18+$0x10];
	p1 =	sne.s32 s17, $0x1FC;
	[tilespmem:s15+$0x810 ss:$0x81] =	vst.msk $0xffff, v2;
	s19 =	smov.u32 s17;
	s17 =	sadd.s32 $0x4, s17  }
.Ltmp3:
0x35: {  	v2 =	vld [tilespmem:s18+$0xFFFFFFF0];
	[tilespmem:s15+$0x1020 ss:$0x81] =	vst.msk $0xffff, v0;
	(pc) =	sbr.rel @p1 .LBB1_3-.Ltmp3, $4  }
0x36: {  	v0 =	vld [tilespmem:s18+$0x0];
	[tilespmem:s15+$0x0 ss:$0x81] =	vst.msk $0xffff, v1  }
0x37: {  	s15 =	sshra.s32 s19, $0x2;
	v1 =	vld [tilespmem:s18+$0xFFFFFFE0]  }
0x38: {  	s15 =	sadd.s32 s15, s16  }
0x39: {  	s18 =	sadd.s32 $0x40, s18;
	[tilespmem:s15+$0x1830 ss:$0x81] =	vst.msk $0xffff, v3  }
.Ltmp4:
0x3a: {  	_ = 	snop;
	(pc) =	sbr.rel .LBB1_4-.Ltmp4, $1  }
0x3b: {  	_ =	sdelay $0x3  }
.LBB1_6:
0x3c: {  	_ =	sfence.sel $0x180000  }
0x3d: {  	s2 =	simm.s32 $0x1;
	[bflag:$0x0] =	sbarrier.arrive $0xFFFF  }
0x3e: {  	s31 =	simm.s32 $0x2;
	[sflag:s2] =	ssyncpa.u1 $0x1  }
0x3f: {  	[sflag:s31] =	ssyncpa.u1 $0x1  }
0x40: {  	p0 =	sne.s32 s0, $0x0;
	_ =	strace $0x9000004D  }
0x41: {  	s0 =	sadd.s32 @!p0 $0x100000, s1;
	[bflag:$0x2] =	sbarrier.arrive $0xFFFF  }
0x42: {  	[sflag:s0] =	ssyncadd.tile.s32 @!p0 $0x1;
	_ =	shalt  }
.Lfunc_end1:
_tile_overlayer_lowered:
.L_overlay_start_2:
0x43: {  	(tag) =	ssettag $0x2  }
0x44: {  	s0 =	rddreg [dreg:$0x0];
	s2 =	stileid.u32  }
0x45: {  	s1 =	rddreg [dreg:$0x1];
	p0 =	sne.s32 s2, $0x0  }
0x46: {  	s3 =	rddreg [dreg:$0x2];
	[bflag:$0x3] =	sbarrier.arrive $0xFFFF;
	s2 =	simm.s32 @!p0 $0x1C01  }
0x47: {  	[timem:s3], [sflag:s2] =	dma.local @!p0 [hbm:s0], s1  }
0x48: {  	s0 =	simm.s32 @!p0 $0x1  }
0x49: {  	_ =	swait.ge @!p0 [sflag:s0], s1  }
0x4a: {  	s1 =	ssub.s32 @!p0 $0x0, s1;
	[sflag:s0] =	ssyncset.done @!p0 $0x0  }
0x4b: {  	[sflag:s0] =	ssyncadd.s32 @!p0 s1  }
0x4c: {  	[bflag:$0x3] =	sbarrier.arrive $0xFFFF  }
0x4d: {  	_ =	shalt  }

</sc_bundles>
